<compile_context>
chip_gen: v7x
topology: tpu7x:2x2x1
jax: 0.10.2.dev20260603
libtpu: 0.0.44.dev20260713+nightly
codegen_flags: <defaults>
</compile_context>

<pallas_src>
import functools

import jax
import jax.numpy as jnp
from jax import lax
from jax.experimental import pallas as pl
from jax.experimental.pallas import tpu as pltpu
from jax.experimental.pallas import tpu_sc as plsc

D = 768
PAD_IDX = 1
EPS = 1e-5

NC = 2
NS = 16
NW = NC * NS
CHUNK = 32
NBUF = 4
DEPTH = 3
NSLAB = 4


def _sc_gather(ids2d, table):
    n_chunks = ids2d.shape[0]
    ch_per_w = n_chunks // NW
    n_rows = n_chunks * CHUNK
    mesh = plsc.VectorSubcoreMesh(core_axis_name="c", subcore_axis_name="s")

    @functools.partial(
        pl.kernel,
        mesh=mesh,
        out_type=jax.ShapeDtypeStruct((n_rows, D), jnp.float32),
        scratch_types=[
            pltpu.VMEM((ch_per_w, CHUNK), jnp.int32),
            pltpu.VMEM((CHUNK, D), jnp.float32),
            pltpu.VMEM((CHUNK, D), jnp.float32),
            pltpu.VMEM((CHUNK, D), jnp.float32),
            pltpu.VMEM((CHUNK, D), jnp.float32),
            pltpu.SemaphoreType.DMA,
            pltpu.SemaphoreType.DMA,
            pltpu.SemaphoreType.DMA,
            pltpu.SemaphoreType.DMA,
            pltpu.SemaphoreType.DMA,
            pltpu.SemaphoreType.DMA,
            pltpu.SemaphoreType.DMA,
            pltpu.SemaphoreType.DMA,
        ],
    )
    def k(ids_hbm, tab_hbm, out_hbm, idx_v, b0, b1, b2, b3,
          g0, g1, g2, g3, o0, o1, o2, o3):
        wid = lax.axis_index("s") * NC + lax.axis_index("c")
        base = wid * ch_per_w
        pltpu.sync_copy(ids_hbm.at[pl.ds(base, ch_per_w)], idx_v)
        bufs = (b0, b1, b2, b3)
        gsem = (g0, g1, g2, g3)
        osem = (o0, o1, o2, o3)
        depth = min(DEPTH, ch_per_w)
        gcopy = {}
        ocopy = {}
        out_waited = set()
        for j in range(depth):
            gcopy[j] = pltpu.async_copy(
                tab_hbm.at[idx_v.at[j]], bufs[j % NBUF], gsem[j % NBUF])
        for c in range(ch_per_w):
            cur = c % NBUF
            gcopy[c].wait()
            ocopy[c] = pltpu.async_copy(
                bufs[cur], out_hbm.at[pl.ds((base + c) * CHUNK, CHUNK)],
                osem[cur])
            nc_ = c + depth
            if nc_ < ch_per_w:
                nb = nc_ % NBUF
                prev_out = nc_ - NBUF
                if prev_out >= 0:
                    ocopy[prev_out].wait()
                    out_waited.add(prev_out)
                gcopy[nc_] = pltpu.async_copy(
                    tab_hbm.at[idx_v.at[nc_]], bufs[nb], gsem[nb])
        for c in range(ch_per_w):
            if c not in out_waited:
                ocopy[c].wait()

    return k(ids2d, table)


def _ln_body(g_ref, p_ref, t_ref, ga_ref, be_ref, *rest):
    o_ref = rest[-1]
    x = g_ref[...] + p_ref[...] + t_ref[...]
    mean = jnp.mean(x, axis=-1, keepdims=True)
    xc = x - mean
    var = jnp.mean(xc * xc, axis=-1, keepdims=True)
    o_ref[...] = xc * lax.rsqrt(var + EPS) * ga_ref[...] + be_ref[...]


def _tc_ln_slab(g_k, pos_k, type0, gamma, beta, out_prev, k, n_b, s_total):
    blk = 2048
    sbk = pos_k.shape[0] // blk
    sb_total = s_total // blk
    n_rows = n_b * s_total

    base_specs = [
        pl.BlockSpec((blk, D), lambda s, b: (b * sbk + s, 0)),
        pl.BlockSpec((blk, D), lambda s, b: (s, 0)),
        pl.BlockSpec((1, D), lambda s, b: (0, 0)),
        pl.BlockSpec((1, D), lambda s, b: (0, 0)),
        pl.BlockSpec((1, D), lambda s, b: (0, 0)),
    ]
    out_spec = pl.BlockSpec(
        (blk, D), lambda s, b: (b * sb_total + k * sbk + s, 0))
    out_shape = jax.ShapeDtypeStruct((n_rows, D), jnp.float32)
    args = [g_k, pos_k, type0, gamma, beta]
    if out_prev is None:
        return pl.pallas_call(
            _ln_body, grid=(sbk, n_b), in_specs=base_specs,
            out_specs=out_spec, out_shape=out_shape,
        )(*args)
    return pl.pallas_call(
        _ln_body, grid=(sbk, n_b),
        in_specs=base_specs + [pl.BlockSpec(memory_space=pl.ANY)],
        out_specs=out_spec, out_shape=out_shape,
        input_output_aliases={5: 0},
    )(*args, out_prev)


def kernel(input_ids, word_embeddings, position_embeddings,
           token_type_embeddings, ln_gamma, ln_beta):
    b_sz, s_len = input_ids.shape
    slab_s = s_len // NSLAB
    ids32 = input_ids.astype(jnp.int32)
    pos_sl = position_embeddings[PAD_IDX + 1:PAD_IDX + 1 + s_len]
    type0 = token_type_embeddings[:1]
    gamma = ln_gamma.reshape(1, D)
    beta = ln_beta.reshape(1, D)
    gs = []
    for k in range(NSLAB):
        ids_k = ids32[:, k * slab_s:(k + 1) * slab_s].reshape(-1, CHUNK)
        gs.append(_sc_gather(ids_k, word_embeddings))
    out = None
    for k in range(NSLAB):
        out = _tc_ln_slab(
            gs[k], pos_sl[k * slab_s:(k + 1) * slab_s], type0, gamma, beta,
            out, k, b_sz, s_len)
    return out.reshape(b_sz, s_len, D)

# --- scband reference (transcript-rebuilt; emitter-appended) ---
"""Pipeline reference for scband-xlmroberta-embeddings-52037823758554 (READ-ONLY COPY).

The authoritative reference and input builder live on the scoring server;
editing this copy changes nothing except your own understanding.
"""

import jax, jax.numpy as jnp
import numpy as np

VOCAB = 46166
D = 768
MAXPOS = 8194
TYPE_VOCAB = 1
PAD_IDX = 1
B = 4
S = 8192
EPS = 1e-5


def setup_inputs(seed: int = 0) -> dict:
    key = jax.random.key(seed)
    k1, k2, k3, k4 = jax.random.split(key, 4)
    input_ids = jax.random.randint(k1, (B, S), 0, VOCAB, dtype=jnp.int32).astype(jnp.int64)
    word_embeddings = jax.random.normal(k2, (VOCAB, D), dtype=jnp.float32) * 0.02
    position_embeddings = jax.random.normal(k3, (MAXPOS, D), dtype=jnp.float32) * 0.02
    token_type_embeddings = jax.random.normal(k4, (TYPE_VOCAB, D), dtype=jnp.float32) * 0.02
    ln_gamma = jnp.ones((D,), dtype=jnp.float32)
    ln_beta = jnp.zeros((D,), dtype=jnp.float32)
    return {
        "input_ids": input_ids,
        "word_embeddings": word_embeddings,
        "position_embeddings": position_embeddings,
        "token_type_embeddings": token_type_embeddings,
        "ln_gamma": ln_gamma,
        "ln_beta": ln_beta,
    }


def reference(input_ids, word_embeddings, position_embeddings, token_type_embeddings, ln_gamma, ln_beta):
    seq_length = input_ids.shape[1]
    # position_ids = arange(padding_idx+1, seq_len+padding_idx+1)[None, :]
    position_ids = jnp.arange(PAD_IDX + 1, seq_length + PAD_IDX + 1)[None, :]
    token_type_ids = jnp.zeros(input_ids.shape, dtype=jnp.int32)

    inputs_embeds = jnp.take(word_embeddings, input_ids, axis=0)
    token_type_embeds = jnp.take(token_type_embeddings, token_type_ids, axis=0)
    embeddings = inputs_embeds + token_type_embeds
    pos_embeds = jnp.take(position_embeddings, position_ids, axis=0)
    embeddings = embeddings + pos_embeds

    # LayerNorm over last dim
    mean = jnp.mean(embeddings, axis=-1, keepdims=True)
    var = jnp.mean(jnp.square(embeddings - mean), axis=-1, keepdims=True)
    normed = (embeddings - mean) / jnp.sqrt(var + EPS)
    out = normed * ln_gamma + ln_beta
    # dropout is identity in eval mode
    return out

if __name__ == "__main__":
    import jax
    _d = setup_inputs()
    print(jax.jit(kernel)(*tuple(_d.values())))

</pallas_src>

<mosaic_0001>
#map = affine_map<(d0, d1) -> (0, 0)>
module attributes {stable_mosaic.version = 14 : i64} {
  func.func @k(%arg0: i32, %arg1: i32, %arg2: memref<256x32xi32, #tpu.memory_space<hbm>>, %arg3: memref<46166x768xf32, #tpu.memory_space<hbm>>, %arg4: memref<8192x768xf32, #tpu.memory_space<hbm>>, %arg5: memref<8x32xi32, #tpu.memory_space<vmem>>, %arg6: memref<32x768xf32, #tpu.memory_space<vmem>>, %arg7: memref<32x768xf32, #tpu.memory_space<vmem>>, %arg8: memref<32x768xf32, #tpu.memory_space<vmem>>, %arg9: memref<32x768xf32, #tpu.memory_space<vmem>>, %arg10: memref<!tpu.dma_semaphore, #tpu.memory_space<semaphore_mem>>, %arg11: memref<!tpu.dma_semaphore, #tpu.memory_space<semaphore_mem>>, %arg12: memref<!tpu.dma_semaphore, #tpu.memory_space<semaphore_mem>>, %arg13: memref<!tpu.dma_semaphore, #tpu.memory_space<semaphore_mem>>, %arg14: memref<!tpu.dma_semaphore, #tpu.memory_space<semaphore_mem>>, %arg15: memref<!tpu.dma_semaphore, #tpu.memory_space<semaphore_mem>>, %arg16: memref<!tpu.dma_semaphore, #tpu.memory_space<semaphore_mem>>, %arg17: memref<!tpu.dma_semaphore, #tpu.memory_space<semaphore_mem>>) attributes {dimension_semantics = [#tpu.dimension_semantics<core_parallel>, #tpu.dimension_semantics<subcore_parallel>], iteration_bounds = array<i64: 2, 16>, scalar_prefetch = 0 : i64, scratch_operands = 13 : i64, tpu.core_type = #tpu.core_type<sc_vector_subcore>, window_params = [{transform_indices = #map}, {transform_indices = #map}, {transform_indices = #map}]} {
    %mul3A = arith.constant 2 : i32
    %mul3A_0 = arith.muli %arg1, %mul3A : i32
    %add3A = arith.addi %mul3A_0, %arg0 : i32
    %mul3A_1 = arith.constant 8 : i32
    %mul3A_2 = arith.muli %add3A, %mul3A_1 : i32
    "tpu.region"() ({
      %run_scoped3A = tpu.sem_alloc : memref<!tpu.dma_semaphore, #tpu.memory_space<semaphore_mem>>
      %dma_start3A_209 = arith.constant 0 : i32
      %dma_start3A_210 = tpu.memref_slice %arg2[%mul3A_2, %dma_start3A_209] : memref<256x32xi32, #tpu.memory_space<hbm>> -> memref<8x32xi32, #tpu.memory_space<hbm>>
      %dma_start3A_211 = arith.constant 0 : i32
      %dma_start3A_212 = tpu.memref_slice %arg2[%mul3A_2, %dma_start3A_211] : memref<256x32xi32, #tpu.memory_space<hbm>> -> memref<8x32xi32, #tpu.memory_space<hbm>>
      tpu.enqueue_dma source(%dma_start3A_212 : memref<8x32xi32, #tpu.memory_space<hbm>>) target(%arg5 : memref<8x32xi32, #tpu.memory_space<vmem>>) target_semaphore(%run_scoped3A : memref<!tpu.dma_semaphore, #tpu.memory_space<semaphore_mem>>)
      %dma_wait3A_213 = arith.constant 0 : i32
      %dma_wait3A_214 = tpu.memref_slice %arg2[%mul3A_2, %dma_wait3A_213] : memref<256x32xi32, #tpu.memory_space<hbm>> -> memref<8x32xi32, #tpu.memory_space<hbm>>
      %dma_wait3A_215 = arith.constant 0 : i32
      %dma_wait3A_216 = tpu.memref_slice %arg2[%mul3A_2, %dma_wait3A_215] : memref<256x32xi32, #tpu.memory_space<hbm>> -> memref<8x32xi32, #tpu.memory_space<hbm>>
      tpu.wait_dma2 semaphore(%run_scoped3A : memref<!tpu.dma_semaphore, #tpu.memory_space<semaphore_mem>>) src(%dma_wait3A_216 : memref<8x32xi32, #tpu.memory_space<hbm>>) dst(%arg5 : memref<8x32xi32, #tpu.memory_space<vmem>>)
      tpu.yield
    }) : () -> ()
    %dma_start3A = arith.constant 0 : i32
    %dma_start3A_3 = arith.constant 0 : i32
    %dma_start3A_4 = tpu.memref_slice %arg5[%dma_start3A, %dma_start3A_3] : memref<8x32xi32, #tpu.memory_space<vmem>> -> memref<1x32xi32, #tpu.memory_space<vmem>>
    %dma_start3A_5 = tpu.memref_squeeze %dma_start3A_4 : memref<1x32xi32, #tpu.memory_space<vmem>> -> memref<32xi32, #tpu.memory_space<vmem>>
    %dma_start3A_6 = arith.constant 0 : i32
    %dma_start3A_7 = arith.constant 0 : i32
    %dma_start3A_8 = tpu.memref_slice %arg3[%dma_start3A_6, %dma_start3A_7] : memref<46166x768xf32, #tpu.memory_space<hbm>> -> memref<46166x768xf32, #tpu.memory_space<hbm>>
    tpu.enqueue_indirect_dma source(%dma_start3A_8 : memref<46166x768xf32, #tpu.memory_space<hbm>>) target(%arg6 : memref<32x768xf32, #tpu.memory_space<vmem>>) offsets(%dma_start3A_5 : memref<32xi32, #tpu.memory_space<vmem>>) semaphore(%arg10 : memref<!tpu.dma_semaphore, #tpu.memory_space<semaphore_mem>>)
    %dma_start3A_9 = arith.constant 1 : i32
    %dma_start3A_10 = arith.constant 0 : i32
    %dma_start3A_11 = tpu.memref_slice %arg5[%dma_start3A_9, %dma_start3A_10] : memref<8x32xi32, #tpu.memory_space<vmem>> -> memref<1x32xi32, #tpu.memory_space<vmem>>
    %dma_start3A_12 = tpu.memref_squeeze %dma_start3A_11 : memref<1x32xi32, #tpu.memory_space<vmem>> -> memref<32xi32, #tpu.memory_space<vmem>>
    %dma_start3A_13 = arith.constant 0 : i32
    %dma_start3A_14 = arith.constant 0 : i32
    %dma_start3A_15 = tpu.memref_slice %arg3[%dma_start3A_13, %dma_start3A_14] : memref<46166x768xf32, #tpu.memory_space<hbm>> -> memref<46166x768xf32, #tpu.memory_space<hbm>>
    tpu.enqueue_indirect_dma source(%dma_start3A_15 : memref<46166x768xf32, #tpu.memory_space<hbm>>) target(%arg7 : memref<32x768xf32, #tpu.memory_space<vmem>>) offsets(%dma_start3A_12 : memref<32xi32, #tpu.memory_space<vmem>>) semaphore(%arg11 : memref<!tpu.dma_semaphore, #tpu.memory_space<semaphore_mem>>)
    %dma_start3A_16 = arith.constant 2 : i32
    %dma_start3A_17 = arith.constant 0 : i32
    %dma_start3A_18 = tpu.memref_slice %arg5[%dma_start3A_16, %dma_start3A_17] : memref<8x32xi32, #tpu.memory_space<vmem>> -> memref<1x32xi32, #tpu.memory_space<vmem>>
    %dma_start3A_19 = tpu.memref_squeeze %dma_start3A_18 : memref<1x32xi32, #tpu.memory_space<vmem>> -> memref<32xi32, #tpu.memory_space<vmem>>
    %dma_start3A_20 = arith.constant 0 : i32
    %dma_start3A_21 = arith.constant 0 : i32
    %dma_start3A_22 = tpu.memref_slice %arg3[%dma_start3A_20, %dma_start3A_21] : memref<46166x768xf32, #tpu.memory_space<hbm>> -> memref<46166x768xf32, #tpu.memory_space<hbm>>
    tpu.enqueue_indirect_dma source(%dma_start3A_22 : memref<46166x768xf32, #tpu.memory_space<hbm>>) target(%arg8 : memref<32x768xf32, #tpu.memory_space<vmem>>) offsets(%dma_start3A_19 : memref<32xi32, #tpu.memory_space<vmem>>) semaphore(%arg12 : memref<!tpu.dma_semaphore, #tpu.memory_space<semaphore_mem>>)
    %dma_wait3A = arith.constant 0 : i32
    %dma_wait3A_23 = arith.constant 0 : i32
    %dma_wait3A_24 = tpu.memref_slice %arg5[%dma_wait3A, %dma_wait3A_23] : memref<8x32xi32, #tpu.memory_space<vmem>> -> memref<1x32xi32, #tpu.memory_space<vmem>>
    %dma_wait3A_25 = tpu.memref_squeeze %dma_wait3A_24 : memref<1x32xi32, #tpu.memory_space<vmem>> -> memref<32xi32, #tpu.memory_space<vmem>>
    %dma_wait3A_26 = arith.constant 0 : i32
    %dma_wait3A_27 = arith.constant 0 : i32
    %dma_wait3A_28 = tpu.memref_slice %arg3[%dma_wait3A_26, %dma_wait3A_27] : memref<46166x768xf32, #tpu.memory_space<hbm>> -> memref<46166x768xf32, #tpu.memory_space<hbm>>
    tpu.wait_indirect_dma semaphore(%arg10 : memref<!tpu.dma_semaphore, #tpu.memory_space<semaphore_mem>>) src(%dma_wait3A_28 : memref<46166x768xf32, #tpu.memory_space<hbm>>) dst(%arg6 : memref<32x768xf32, #tpu.memory_space<vmem>>)
    %add3A_29 = arith.constant 0 : i32
    %add3A_30 = arith.addi %mul3A_2, %add3A_29 : i32
    %mul3A_31 = arith.constant 32 : i32
    %mul3A_32 = arith.muli %add3A_30, %mul3A_31 : i32
    %dma_start3A_33 = arith.constant 0 : i32
    %dma_start3A_34 = tpu.memref_slice %arg4[%mul3A_32, %dma_start3A_33] : memref<8192x768xf32, #tpu.memory_space<hbm>> -> memref<32x768xf32, #tpu.memory_space<hbm>>
    %dma_start3A_35 = arith.constant 0 : i32
    %dma_start3A_36 = tpu.memref_slice %arg4[%mul3A_32, %dma_start3A_35] : memref<8192x768xf32, #tpu.memory_space<hbm>> -> memref<32x768xf32, #tpu.memory_space<hbm>>
    tpu.enqueue_dma source(%arg6 : memref<32x768xf32, #tpu.memory_space<vmem>>) target(%dma_start3A_36 : memref<32x768xf32, #tpu.memory_space<hbm>>) target_semaphore(%arg14 : memref<!tpu.dma_semaphore, #tpu.memory_space<semaphore_mem>>)
    %dma_start3A_37 = arith.constant 3 : i32
    %dma_start3A_38 = arith.constant 0 : i32
    %dma_start3A_39 = tpu.memref_slice %arg5[%dma_start3A_37, %dma_start3A_38] : memref<8x32xi32, #tpu.memory_space<vmem>> -> memref<1x32xi32, #tpu.memory_space<vmem>>
    %dma_start3A_40 = tpu.memref_squeeze %dma_start3A_39 : memref<1x32xi32, #tpu.memory_space<vmem>> -> memref<32xi32, #tpu.memory_space<vmem>>
    %dma_start3A_41 = arith.constant 0 : i32
    %dma_start3A_42 = arith.constant 0 : i32
    %dma_start3A_43 = tpu.memref_slice %arg3[%dma_start3A_41, %dma_start3A_42] : memref<46166x768xf32, #tpu.memory_space<hbm>> -> memref<46166x768xf32, #tpu.memory_space<hbm>>
    tpu.enqueue_indirect_dma source(%dma_start3A_43 : memref<46166x768xf32, #tpu.memory_space<hbm>>) target(%arg9 : memref<32x768xf32, #tpu.memory_space<vmem>>) offsets(%dma_start3A_40 : memref<32xi32, #tpu.memory_space<vmem>>) semaphore(%arg13 : memref<!tpu.dma_semaphore, #tpu.memory_space<semaphore_mem>>)
    %dma_wait3A_44 = arith.constant 1 : i32
    %dma_wait3A_45 = arith.constant 0 : i32
    %dma_wait3A_46 = tpu.memref_slice %arg5[%dma_wait3A_44, %dma_wait3A_45] : memref<8x32xi32, #tpu.memory_space<vmem>> -> memref<1x32xi32, #tpu.memory_space<vmem>>
    %dma_wait3A_47 = tpu.memref_squeeze %dma_wait3A_46 : memref<1x32xi32, #tpu.memory_space<vmem>> -> memref<32xi32, #tpu.memory_space<vmem>>
    %dma_wait3A_48 = arith.constant 0 : i32
    %dma_wait3A_49 = arith.constant 0 : i32
    %dma_wait3A_50 = tpu.memref_slice %arg3[%dma_wait3A_48, %dma_wait3A_49] : memref<46166x768xf32, #tpu.memory_space<hbm>> -> memref<46166x768xf32, #tpu.memory_space<hbm>>
    tpu.wait_indirect_dma semaphore(%arg11 : memref<!tpu.dma_semaphore, #tpu.memory_space<semaphore_mem>>) src(%dma_wait3A_50 : memref<46166x768xf32, #tpu.memory_space<hbm>>) dst(%arg7 : memref<32x768xf32, #tpu.memory_space<vmem>>)
    %add3A_51 = arith.constant 1 : i32
    %add3A_52 = arith.addi %mul3A_2, %add3A_51 : i32
    %mul3A_53 = arith.constant 32 : i32
    %mul3A_54 = arith.muli %add3A_52, %mul3A_53 : i32
    %dma_start3A_55 = arith.constant 0 : i32
    %dma_start3A_56 = tpu.memref_slice %arg4[%mul3A_54, %dma_start3A_55] : memref<8192x768xf32, #tpu.memory_space<hbm>> -> memref<32x768xf32, #tpu.memory_space<hbm>>
    %dma_start3A_57 = arith.constant 0 : i32
    %dma_start3A_58 = tpu.memref_slice %arg4[%mul3A_54, %dma_start3A_57] : memref<8192x768xf32, #tpu.memory_space<hbm>> -> memref<32x768xf32, #tpu.memory_space<hbm>>
    tpu.enqueue_dma source(%arg7 : memref<32x768xf32, #tpu.memory_space<vmem>>) target(%dma_start3A_58 : memref<32x768xf32, #tpu.memory_space<hbm>>) target_semaphore(%arg15 : memref<!tpu.dma_semaphore, #tpu.memory_space<semaphore_mem>>)
    %dma_wait3A_59 = arith.constant 0 : i32
    %dma_wait3A_60 = tpu.memref_slice %arg4[%mul3A_32, %dma_wait3A_59] : memref<8192x768xf32, #tpu.memory_space<hbm>> -> memref<32x768xf32, #tpu.memory_space<hbm>>
    %dma_wait3A_61 = arith.constant 0 : i32
    %dma_wait3A_62 = tpu.memref_slice %arg4[%mul3A_32, %dma_wait3A_61] : memref<8192x768xf32, #tpu.memory_space<hbm>> -> memref<32x768xf32, #tpu.memory_space<hbm>>
    tpu.wait_dma2 semaphore(%arg14 : memref<!tpu.dma_semaphore, #tpu.memory_space<semaphore_mem>>) src(%arg6 : memref<32x768xf32, #tpu.memory_space<vmem>>) dst(%dma_wait3A_62 : memref<32x768xf32, #tpu.memory_space<hbm>>)
    %dma_start3A_63 = arith.constant 4 : i32
    %dma_start3A_64 = arith.constant 0 : i32
    %dma_start3A_65 = tpu.memref_slice %arg5[%dma_start3A_63, %dma_start3A_64] : memref<8x32xi32, #tpu.memory_space<vmem>> -> memref<1x32xi32, #tpu.memory_space<vmem>>
    %dma_start3A_66 = tpu.memref_squeeze %dma_start3A_65 : memref<1x32xi32, #tpu.memory_space<vmem>> -> memref<32xi32, #tpu.memory_space<vmem>>
    %dma_start3A_67 = arith.constant 0 : i32
    %dma_start3A_68 = arith.constant 0 : i32
    %dma_start3A_69 = tpu.memref_slice %arg3[%dma_start3A_67, %dma_start3A_68] : memref<46166x768xf32, #tpu.memory_space<hbm>> -> memref<46166x768xf32, #tpu.memory_space<hbm>>
    tpu.enqueue_indirect_dma source(%dma_start3A_69 : memref<46166x768xf32, #tpu.memory_space<hbm>>) target(%arg6 : memref<32x768xf32, #tpu.memory_space<vmem>>) offsets(%dma_start3A_66 : memref<32xi32, #tpu.memory_space<vmem>>) semaphore(%arg10 : memref<!tpu.dma_semaphore, #tpu.memory_space<semaphore_mem>>)
    %dma_wait3A_70 = arith.constant 2 : i32
    %dma_wait3A_71 = arith.constant 0 : i32
    %dma_wait3A_72 = tpu.memref_slice %arg5[%dma_wait3A_70, %dma_wait3A_71] : memref<8x32xi32, #tpu.memory_space<vmem>> -> memref<1x32xi32, #tpu.memory_space<vmem>>
    %dma_wait3A_73 = tpu.memref_squeeze %dma_wait3A_72 : memref<1x32xi32, #tpu.memory_space<vmem>> -> memref<32xi32, #tpu.memory_space<vmem>>
    %dma_wait3A_74 = arith.constant 0 : i32
    %dma_wait3A_75 = arith.constant 0 : i32
    %dma_wait3A_76 = tpu.memref_slice %arg3[%dma_wait3A_74, %dma_wait3A_75] : memref<46166x768xf32, #tpu.memory_space<hbm>> -> memref<46166x768xf32, #tpu.memory_space<hbm>>
    tpu.wait_indirect_dma semaphore(%arg12 : memref<!tpu.dma_semaphore, #tpu.memory_space<semaphore_mem>>) src(%dma_wait3A_76 : memref<46166x768xf32, #tpu.memory_space<hbm>>) dst(%arg8 : memref<32x768xf32, #tpu.memory_space<vmem>>)
    %add3A_77 = arith.constant 2 : i32
    %add3A_78 = arith.addi %mul3A_2, %add3A_77 : i32
    %mul3A_79 = arith.constant 32 : i32
    %mul3A_80 = arith.muli %add3A_78, %mul3A_79 : i32
    %dma_start3A_81 = arith.constant 0 : i32
    %dma_start3A_82 = tpu.memref_slice %arg4[%mul3A_80, %dma_start3A_81] : memref<8192x768xf32, #tpu.memory_space<hbm>> -> memref<32x768xf32, #tpu.memory_space<hbm>>
    %dma_start3A_83 = arith.constant 0 : i32
    %dma_start3A_84 = tpu.memref_slice %arg4[%mul3A_80, %dma_start3A_83] : memref<8192x768xf32, #tpu.memory_space<hbm>> -> memref<32x768xf32, #tpu.memory_space<hbm>>
    tpu.enqueue_dma source(%arg8 : memref<32x768xf32, #tpu.memory_space<vmem>>) target(%dma_start3A_84 : memref<32x768xf32, #tpu.memory_space<hbm>>) target_semaphore(%arg16 : memref<!tpu.dma_semaphore, #tpu.memory_space<semaphore_mem>>)
    %dma_wait3A_85 = arith.constant 0 : i32
    %dma_wait3A_86 = tpu.memref_slice %arg4[%mul3A_54, %dma_wait3A_85] : memref<8192x768xf32, #tpu.memory_space<hbm>> -> memref<32x768xf32, #tpu.memory_space<hbm>>
    %dma_wait3A_87 = arith.constant 0 : i32
    %dma_wait3A_88 = tpu.memref_slice %arg4[%mul3A_54, %dma_wait3A_87] : memref<8192x768xf32, #tpu.memory_space<hbm>> -> memref<32x768xf32, #tpu.memory_space<hbm>>
    tpu.wait_dma2 semaphore(%arg15 : memref<!tpu.dma_semaphore, #tpu.memory_space<semaphore_mem>>) src(%arg7 : memref<32x768xf32, #tpu.memory_space<vmem>>) dst(%dma_wait3A_88 : memref<32x768xf32, #tpu.memory_space<hbm>>)
    %dma_start3A_89 = arith.constant 5 : i32
    %dma_start3A_90 = arith.constant 0 : i32
    %dma_start3A_91 = tpu.memref_slice %arg5[%dma_start3A_89, %dma_start3A_90] : memref<8x32xi32, #tpu.memory_space<vmem>> -> memref<1x32xi32, #tpu.memory_space<vmem>>
    %dma_start3A_92 = tpu.memref_squeeze %dma_start3A_91 : memref<1x32xi32, #tpu.memory_space<vmem>> -> memref<32xi32, #tpu.memory_space<vmem>>
    %dma_start3A_93 = arith.constant 0 : i32
    %dma_start3A_94 = arith.constant 0 : i32
    %dma_start3A_95 = tpu.memref_slice %arg3[%dma_start3A_93, %dma_start3A_94] : memref<46166x768xf32, #tpu.memory_space<hbm>> -> memref<46166x768xf32, #tpu.memory_space<hbm>>
    tpu.enqueue_indirect_dma source(%dma_start3A_95 : memref<46166x768xf32, #tpu.memory_space<hbm>>) target(%arg7 : memref<32x768xf32, #tpu.memory_space<vmem>>) offsets(%dma_start3A_92 : memref<32xi32, #tpu.memory_space<vmem>>) semaphore(%arg11 : memref<!tpu.dma_semaphore, #tpu.memory_space<semaphore_mem>>)
    %dma_wait3A_96 = arith.constant 3 : i32
    %dma_wait3A_97 = arith.constant 0 : i32
    %dma_wait3A_98 = tpu.memref_slice %arg5[%dma_wait3A_96, %dma_wait3A_97] : memref<8x32xi32, #tpu.memory_space<vmem>> -> memref<1x32xi32, #tpu.memory_space<vmem>>
    %dma_wait3A_99 = tpu.memref_squeeze %dma_wait3A_98 : memref<1x32xi32, #tpu.memory_space<vmem>> -> memref<32xi32, #tpu.memory_space<vmem>>
    %dma_wait3A_100 = arith.constant 0 : i32
    %dma_wait3A_101 = arith.constant 0 : i32
    %dma_wait3A_102 = tpu.memref_slice %arg3[%dma_wait3A_100, %dma_wait3A_101] : memref<46166x768xf32, #tpu.memory_space<hbm>> -> memref<46166x768xf32, #tpu.memory_space<hbm>>
    tpu.wait_indirect_dma semaphore(%arg13 : memref<!tpu.dma_semaphore, #tpu.memory_space<semaphore_mem>>) src(%dma_wait3A_102 : memref<46166x768xf32, #tpu.memory_space<hbm>>) dst(%arg9 : memref<32x768xf32, #tpu.memory_space<vmem>>)
    %add3A_103 = arith.constant 3 : i32
    %add3A_104 = arith.addi %mul3A_2, %add3A_103 : i32
    %mul3A_105 = arith.constant 32 : i32
    %mul3A_106 = arith.muli %add3A_104, %mul3A_105 : i32
    %dma_start3A_107 = arith.constant 0 : i32
    %dma_start3A_108 = tpu.memref_slice %arg4[%mul3A_106, %dma_start3A_107] : memref<8192x768xf32, #tpu.memory_space<hbm>> -> memref<32x768xf32, #tpu.memory_space<hbm>>
    %dma_start3A_109 = arith.constant 0 : i32
    %dma_start3A_110 = tpu.memref_slice %arg4[%mul3A_106, %dma_start3A_109] : memref<8192x768xf32, #tpu.memory_space<hbm>> -> memref<32x768xf32, #tpu.memory_space<hbm>>
    tpu.enqueue_dma source(%arg9 : memref<32x768xf32, #tpu.memory_space<vmem>>) target(%dma_start3A_110 : memref<32x768xf32, #tpu.memory_space<hbm>>) target_semaphore(%arg17 : memref<!tpu.dma_semaphore, #tpu.memory_space<semaphore_mem>>)
    %dma_wait3A_111 = arith.constant 0 : i32
    %dma_wait3A_112 = tpu.memref_slice %arg4[%mul3A_80, %dma_wait3A_111] : memref<8192x768xf32, #tpu.memory_space<hbm>> -> memref<32x768xf32, #tpu.memory_space<hbm>>
    %dma_wait3A_113 = arith.constant 0 : i32
    %dma_wait3A_114 = tpu.memref_slice %arg4[%mul3A_80, %dma_wait3A_113] : memref<8192x768xf32, #tpu.memory_space<hbm>> -> memref<32x768xf32, #tpu.memory_space<hbm>>
    tpu.wait_dma2 semaphore(%arg16 : memref<!tpu.dma_semaphore, #tpu.memory_space<semaphore_mem>>) src(%arg8 : memref<32x768xf32, #tpu.memory_space<vmem>>) dst(%dma_wait3A_114 : memref<32x768xf32, #tpu.memory_space<hbm>>)
    %dma_start3A_115 = arith.constant 6 : i32
    %dma_start3A_116 = arith.constant 0 : i32
    %dma_start3A_117 = tpu.memref_slice %arg5[%dma_start3A_115, %dma_start3A_116] : memref<8x32xi32, #tpu.memory_space<vmem>> -> memref<1x32xi32, #tpu.memory_space<vmem>>
    %dma_start3A_118 = tpu.memref_squeeze %dma_start3A_117 : memref<1x32xi32, #tpu.memory_space<vmem>> -> memref<32xi32, #tpu.memory_space<vmem>>
    %dma_start3A_119 = arith.constant 0 : i32
    %dma_start3A_120 = arith.constant 0 : i32
    %dma_start3A_121 = tpu.memref_slice %arg3[%dma_start3A_119, %dma_start3A_120] : memref<46166x768xf32, #tpu.memory_space<hbm>> -> memref<46166x768xf32, #tpu.memory_space<hbm>>
    tpu.enqueue_indirect_dma source(%dma_start3A_121 : memref<46166x768xf32, #tpu.memory_space<hbm>>) target(%arg8 : memref<32x768xf32, #tpu.memory_space<vmem>>) offsets(%dma_start3A_118 : memref<32xi32, #tpu.memory_space<vmem>>) semaphore(%arg12 : memref<!tpu.dma_semaphore, #tpu.memory_space<semaphore_mem>>)
    %dma_wait3A_122 = arith.constant 4 : i32
    %dma_wait3A_123 = arith.constant 0 : i32
    %dma_wait3A_124 = tpu.memref_slice %arg5[%dma_wait3A_122, %dma_wait3A_123] : memref<8x32xi32, #tpu.memory_space<vmem>> -> memref<1x32xi32, #tpu.memory_space<vmem>>
    %dma_wait3A_125 = tpu.memref_squeeze %dma_wait3A_124 : memref<1x32xi32, #tpu.memory_space<vmem>> -> memref<32xi32, #tpu.memory_space<vmem>>
    %dma_wait3A_126 = arith.constant 0 : i32
    %dma_wait3A_127 = arith.constant 0 : i32
    %dma_wait3A_128 = tpu.memref_slice %arg3[%dma_wait3A_126, %dma_wait3A_127] : memref<46166x768xf32, #tpu.memory_space<hbm>> -> memref<46166x768xf32, #tpu.memory_space<hbm>>
    tpu.wait_indirect_dma semaphore(%arg10 : memref<!tpu.dma_semaphore, #tpu.memory_space<semaphore_mem>>) src(%dma_wait3A_128 : memref<46166x768xf32, #tpu.memory_space<hbm>>) dst(%arg6 : memref<32x768xf32, #tpu.memory_space<vmem>>)
    %add3A_129 = arith.constant 4 : i32
    %add3A_130 = arith.addi %mul3A_2, %add3A_129 : i32
    %mul3A_131 = arith.constant 32 : i32
    %mul3A_132 = arith.muli %add3A_130, %mul3A_131 : i32
    %dma_start3A_133 = arith.constant 0 : i32
    %dma_start3A_134 = tpu.memref_slice %arg4[%mul3A_132, %dma_start3A_133] : memref<8192x768xf32, #tpu.memory_space<hbm>> -> memref<32x768xf32, #tpu.memory_space<hbm>>
    %dma_start3A_135 = arith.constant 0 : i32
    %dma_start3A_136 = tpu.memref_slice %arg4[%mul3A_132, %dma_start3A_135] : memref<8192x768xf32, #tpu.memory_space<hbm>> -> memref<32x768xf32, #tpu.memory_space<hbm>>
    tpu.enqueue_dma source(%arg6 : memref<32x768xf32, #tpu.memory_space<vmem>>) target(%dma_start3A_136 : memref<32x768xf32, #tpu.memory_space<hbm>>) target_semaphore(%arg14 : memref<!tpu.dma_semaphore, #tpu.memory_space<semaphore_mem>>)
    %dma_wait3A_137 = arith.constant 0 : i32
    %dma_wait3A_138 = tpu.memref_slice %arg4[%mul3A_106, %dma_wait3A_137] : memref<8192x768xf32, #tpu.memory_space<hbm>> -> memref<32x768xf32, #tpu.memory_space<hbm>>
    %dma_wait3A_139 = arith.constant 0 : i32
    %dma_wait3A_140 = tpu.memref_slice %arg4[%mul3A_106, %dma_wait3A_139] : memref<8192x768xf32, #tpu.memory_space<hbm>> -> memref<32x768xf32, #tpu.memory_space<hbm>>
    tpu.wait_dma2 semaphore(%arg17 : memref<!tpu.dma_semaphore, #tpu.memory_space<semaphore_mem>>) src(%arg9 : memref<32x768xf32, #tpu.memory_space<vmem>>) dst(%dma_wait3A_140 : memref<32x768xf32, #tpu.memory_space<hbm>>)
    %dma_start3A_141 = arith.constant 7 : i32
    %dma_start3A_142 = arith.constant 0 : i32
    %dma_start3A_143 = tpu.memref_slice %arg5[%dma_start3A_141, %dma_start3A_142] : memref<8x32xi32, #tpu.memory_space<vmem>> -> memref<1x32xi32, #tpu.memory_space<vmem>>
    %dma_start3A_144 = tpu.memref_squeeze %dma_start3A_143 : memref<1x32xi32, #tpu.memory_space<vmem>> -> memref<32xi32, #tpu.memory_space<vmem>>
    %dma_start3A_145 = arith.constant 0 : i32
    %dma_start3A_146 = arith.constant 0 : i32
    %dma_start3A_147 = tpu.memref_slice %arg3[%dma_start3A_145, %dma_start3A_146] : memref<46166x768xf32, #tpu.memory_space<hbm>> -> memref<46166x768xf32, #tpu.memory_space<hbm>>
    tpu.enqueue_indirect_dma source(%dma_start3A_147 : memref<46166x768xf32, #tpu.memory_space<hbm>>) target(%arg9 : memref<32x768xf32, #tpu.memory_space<vmem>>) offsets(%dma_start3A_144 : memref<32xi32, #tpu.memory_space<vmem>>) semaphore(%arg13 : memref<!tpu.dma_semaphore, #tpu.memory_space<semaphore_mem>>)
    %dma_wait3A_148 = arith.constant 5 : i32
    %dma_wait3A_149 = arith.constant 0 : i32
    %dma_wait3A_150 = tpu.memref_slice %arg5[%dma_wait3A_148, %dma_wait3A_149] : memref<8x32xi32, #tpu.memory_space<vmem>> -> memref<1x32xi32, #tpu.memory_space<vmem>>
    %dma_wait3A_151 = tpu.memref_squeeze %dma_wait3A_150 : memref<1x32xi32, #tpu.memory_space<vmem>> -> memref<32xi32, #tpu.memory_space<vmem>>
    %dma_wait3A_152 = arith.constant 0 : i32
    %dma_wait3A_153 = arith.constant 0 : i32
    %dma_wait3A_154 = tpu.memref_slice %arg3[%dma_wait3A_152, %dma_wait3A_153] : memref<46166x768xf32, #tpu.memory_space<hbm>> -> memref<46166x768xf32, #tpu.memory_space<hbm>>
    tpu.wait_indirect_dma semaphore(%arg11 : memref<!tpu.dma_semaphore, #tpu.memory_space<semaphore_mem>>) src(%dma_wait3A_154 : memref<46166x768xf32, #tpu.memory_space<hbm>>) dst(%arg7 : memref<32x768xf32, #tpu.memory_space<vmem>>)
    %add3A_155 = arith.constant 5 : i32
    %add3A_156 = arith.addi %mul3A_2, %add3A_155 : i32
    %mul3A_157 = arith.constant 32 : i32
    %mul3A_158 = arith.muli %add3A_156, %mul3A_157 : i32
    %dma_start3A_159 = arith.constant 0 : i32
    %dma_start3A_160 = tpu.memref_slice %arg4[%mul3A_158, %dma_start3A_159] : memref<8192x768xf32, #tpu.memory_space<hbm>> -> memref<32x768xf32, #tpu.memory_space<hbm>>
    %dma_start3A_161 = arith.constant 0 : i32
    %dma_start3A_162 = tpu.memref_slice %arg4[%mul3A_158, %dma_start3A_161] : memref<8192x768xf32, #tpu.memory_space<hbm>> -> memref<32x768xf32, #tpu.memory_space<hbm>>
    tpu.enqueue_dma source(%arg7 : memref<32x768xf32, #tpu.memory_space<vmem>>) target(%dma_start3A_162 : memref<32x768xf32, #tpu.memory_space<hbm>>) target_semaphore(%arg15 : memref<!tpu.dma_semaphore, #tpu.memory_space<semaphore_mem>>)
    %dma_wait3A_163 = arith.constant 6 : i32
    %dma_wait3A_164 = arith.constant 0 : i32
    %dma_wait3A_165 = tpu.memref_slice %arg5[%dma_wait3A_163, %dma_wait3A_164] : memref<8x32xi32, #tpu.memory_space<vmem>> -> memref<1x32xi32, #tpu.memory_space<vmem>>
    %dma_wait3A_166 = tpu.memref_squeeze %dma_wait3A_165 : memref<1x32xi32, #tpu.memory_space<vmem>> -> memref<32xi32, #tpu.memory_space<vmem>>
    %dma_wait3A_167 = arith.constant 0 : i32
    %dma_wait3A_168 = arith.constant 0 : i32
    %dma_wait3A_169 = tpu.memref_slice %arg3[%dma_wait3A_167, %dma_wait3A_168] : memref<46166x768xf32, #tpu.memory_space<hbm>> -> memref<46166x768xf32, #tpu.memory_space<hbm>>
    tpu.wait_indirect_dma semaphore(%arg12 : memref<!tpu.dma_semaphore, #tpu.memory_space<semaphore_mem>>) src(%dma_wait3A_169 : memref<46166x768xf32, #tpu.memory_space<hbm>>) dst(%arg8 : memref<32x768xf32, #tpu.memory_space<vmem>>)
    %add3A_170 = arith.constant 6 : i32
    %add3A_171 = arith.addi %mul3A_2, %add3A_170 : i32
    %mul3A_172 = arith.constant 32 : i32
    %mul3A_173 = arith.muli %add3A_171, %mul3A_172 : i32
    %dma_start3A_174 = arith.constant 0 : i32
    %dma_start3A_175 = tpu.memref_slice %arg4[%mul3A_173, %dma_start3A_174] : memref<8192x768xf32, #tpu.memory_space<hbm>> -> memref<32x768xf32, #tpu.memory_space<hbm>>
    %dma_start3A_176 = arith.constant 0 : i32
    %dma_start3A_177 = tpu.memref_slice %arg4[%mul3A_173, %dma_start3A_176] : memref<8192x768xf32, #tpu.memory_space<hbm>> -> memref<32x768xf32, #tpu.memory_space<hbm>>
    tpu.enqueue_dma source(%arg8 : memref<32x768xf32, #tpu.memory_space<vmem>>) target(%dma_start3A_177 : memref<32x768xf32, #tpu.memory_space<hbm>>) target_semaphore(%arg16 : memref<!tpu.dma_semaphore, #tpu.memory_space<semaphore_mem>>)
    %dma_wait3A_178 = arith.constant 7 : i32
    %dma_wait3A_179 = arith.constant 0 : i32
    %dma_wait3A_180 = tpu.memref_slice %arg5[%dma_wait3A_178, %dma_wait3A_179] : memref<8x32xi32, #tpu.memory_space<vmem>> -> memref<1x32xi32, #tpu.memory_space<vmem>>
    %dma_wait3A_181 = tpu.memref_squeeze %dma_wait3A_180 : memref<1x32xi32, #tpu.memory_space<vmem>> -> memref<32xi32, #tpu.memory_space<vmem>>
    %dma_wait3A_182 = arith.constant 0 : i32
    %dma_wait3A_183 = arith.constant 0 : i32
    %dma_wait3A_184 = tpu.memref_slice %arg3[%dma_wait3A_182, %dma_wait3A_183] : memref<46166x768xf32, #tpu.memory_space<hbm>> -> memref<46166x768xf32, #tpu.memory_space<hbm>>
    tpu.wait_indirect_dma semaphore(%arg13 : memref<!tpu.dma_semaphore, #tpu.memory_space<semaphore_mem>>) src(%dma_wait3A_184 : memref<46166x768xf32, #tpu.memory_space<hbm>>) dst(%arg9 : memref<32x768xf32, #tpu.memory_space<vmem>>)
    %add3A_185 = arith.constant 7 : i32
    %add3A_186 = arith.addi %mul3A_2, %add3A_185 : i32
    %mul3A_187 = arith.constant 32 : i32
    %mul3A_188 = arith.muli %add3A_186, %mul3A_187 : i32
    %dma_start3A_189 = arith.constant 0 : i32
    %dma_start3A_190 = tpu.memref_slice %arg4[%mul3A_188, %dma_start3A_189] : memref<8192x768xf32, #tpu.memory_space<hbm>> -> memref<32x768xf32, #tpu.memory_space<hbm>>
    %dma_start3A_191 = arith.constant 0 : i32
    %dma_start3A_192 = tpu.memref_slice %arg4[%mul3A_188, %dma_start3A_191] : memref<8192x768xf32, #tpu.memory_space<hbm>> -> memref<32x768xf32, #tpu.memory_space<hbm>>
    tpu.enqueue_dma source(%arg9 : memref<32x768xf32, #tpu.memory_space<vmem>>) target(%dma_start3A_192 : memref<32x768xf32, #tpu.memory_space<hbm>>) target_semaphore(%arg17 : memref<!tpu.dma_semaphore, #tpu.memory_space<semaphore_mem>>)
    %dma_wait3A_193 = arith.constant 0 : i32
    %dma_wait3A_194 = tpu.memref_slice %arg4[%mul3A_132, %dma_wait3A_193] : memref<8192x768xf32, #tpu.memory_space<hbm>> -> memref<32x768xf32, #tpu.memory_space<hbm>>
    %dma_wait3A_195 = arith.constant 0 : i32
    %dma_wait3A_196 = tpu.memref_slice %arg4[%mul3A_132, %dma_wait3A_195] : memref<8192x768xf32, #tpu.memory_space<hbm>> -> memref<32x768xf32, #tpu.memory_space<hbm>>
    tpu.wait_dma2 semaphore(%arg14 : memref<!tpu.dma_semaphore, #tpu.memory_space<semaphore_mem>>) src(%arg6 : memref<32x768xf32, #tpu.memory_space<vmem>>) dst(%dma_wait3A_196 : memref<32x768xf32, #tpu.memory_space<hbm>>)
    %dma_wait3A_197 = arith.constant 0 : i32
    %dma_wait3A_198 = tpu.memref_slice %arg4[%mul3A_158, %dma_wait3A_197] : memref<8192x768xf32, #tpu.memory_space<hbm>> -> memref<32x768xf32, #tpu.memory_space<hbm>>
    %dma_wait3A_199 = arith.constant 0 : i32
    %dma_wait3A_200 = tpu.memref_slice %arg4[%mul3A_158, %dma_wait3A_199] : memref<8192x768xf32, #tpu.memory_space<hbm>> -> memref<32x768xf32, #tpu.memory_space<hbm>>
    tpu.wait_dma2 semaphore(%arg15 : memref<!tpu.dma_semaphore, #tpu.memory_space<semaphore_mem>>) src(%arg7 : memref<32x768xf32, #tpu.memory_space<vmem>>) dst(%dma_wait3A_200 : memref<32x768xf32, #tpu.memory_space<hbm>>)
    %dma_wait3A_201 = arith.constant 0 : i32
    %dma_wait3A_202 = tpu.memref_slice %arg4[%mul3A_173, %dma_wait3A_201] : memref<8192x768xf32, #tpu.memory_space<hbm>> -> memref<32x768xf32, #tpu.memory_space<hbm>>
    %dma_wait3A_203 = arith.constant 0 : i32
    %dma_wait3A_204 = tpu.memref_slice %arg4[%mul3A_173, %dma_wait3A_203] : memref<8192x768xf32, #tpu.memory_space<hbm>> -> memref<32x768xf32, #tpu.memory_space<hbm>>
    tpu.wait_dma2 semaphore(%arg16 : memref<!tpu.dma_semaphore, #tpu.memory_space<semaphore_mem>>) src(%arg8 : memref<32x768xf32, #tpu.memory_space<vmem>>) dst(%dma_wait3A_204 : memref<32x768xf32, #tpu.memory_space<hbm>>)
    %dma_wait3A_205 = arith.constant 0 : i32
    %dma_wait3A_206 = tpu.memref_slice %arg4[%mul3A_188, %dma_wait3A_205] : memref<8192x768xf32, #tpu.memory_space<hbm>> -> memref<32x768xf32, #tpu.memory_space<hbm>>
    %dma_wait3A_207 = arith.constant 0 : i32
    %dma_wait3A_208 = tpu.memref_slice %arg4[%mul3A_188, %dma_wait3A_207] : memref<8192x768xf32, #tpu.memory_space<hbm>> -> memref<32x768xf32, #tpu.memory_space<hbm>>
    tpu.wait_dma2 semaphore(%arg17 : memref<!tpu.dma_semaphore, #tpu.memory_space<semaphore_mem>>) src(%arg9 : memref<32x768xf32, #tpu.memory_space<vmem>>) dst(%dma_wait3A_208 : memref<32x768xf32, #tpu.memory_space<hbm>>)
    return
  }
}

#map = affine_map<(d0, d1) -> (0, 0)>
module attributes {stable_mosaic.version = 14 : i64} {
  func.func @k(%arg0: i32, %arg1: i32, %arg2: memref<256x32xi32, #tpu.memory_space<hbm>>, %arg3: memref<46166x768xf32, #tpu.memory_space<hbm>>, %arg4: memref<8192x768xf32, #tpu.memory_space<hbm>>, %arg5: memref<8x32xi32, #tpu.memory_space<vmem>>, %arg6: memref<32x768xf32, #tpu.memory_space<vmem>>, %arg7: memref<32x768xf32, #tpu.memory_space<vmem>>, %arg8: memref<32x768xf32, #tpu.memory_space<vmem>>, %arg9: memref<32x768xf32, #tpu.memory_space<vmem>>, %arg10: memref<!tpu.dma_semaphore, #tpu.memory_space<semaphore_mem>>, %arg11: memref<!tpu.dma_semaphore, #tpu.memory_space<semaphore_mem>>, %arg12: memref<!tpu.dma_semaphore, #tpu.memory_space<semaphore_mem>>, %arg13: memref<!tpu.dma_semaphore, #tpu.memory_space<semaphore_mem>>, %arg14: memref<!tpu.dma_semaphore, #tpu.memory_space<semaphore_mem>>, %arg15: memref<!tpu.dma_semaphore, #tpu.memory_space<semaphore_mem>>, %arg16: memref<!tpu.dma_semaphore, #tpu.memory_space<semaphore_mem>>, %arg17: memref<!tpu.dma_semaphore, #tpu.memory_space<semaphore_mem>>) attributes {dimension_semantics = [#tpu.dimension_semantics<core_parallel>, #tpu.dimension_semantics<subcore_parallel>], iteration_bounds = array<i64: 2, 16>, scalar_prefetch = 0 : i64, scratch_operands = 13 : i64, tpu.core_type = #tpu.core_type<sc_vector_subcore>, window_params = [{transform_indices = #map}, {transform_indices = #map}, {transform_indices = #map}]} {
    %mul3A = arith.constant 2 : i32
    %mul3A_0 = arith.muli %arg1, %mul3A : i32
    %add3A = arith.addi %mul3A_0, %arg0 : i32
    %mul3A_1 = arith.constant 8 : i32
    %mul3A_2 = arith.muli %add3A, %mul3A_1 : i32
    "tpu.region"() ({
      %run_scoped3A = tpu.sem_alloc : memref<!tpu.dma_semaphore, #tpu.memory_space<semaphore_mem>>
      %dma_start3A_209 = arith.constant 0 : i32
      %dma_start3A_210 = tpu.memref_slice %arg2[%mul3A_2, %dma_start3A_209] : memref<256x32xi32, #tpu.memory_space<hbm>> -> memref<8x32xi32, #tpu.memory_space<hbm>>
      %dma_start3A_211 = arith.constant 0 : i32
      %dma_start3A_212 = tpu.memref_slice %arg2[%mul3A_2, %dma_start3A_211] : memref<256x32xi32, #tpu.memory_space<hbm>> -> memref<8x32xi32, #tpu.memory_space<hbm>>
      tpu.enqueue_dma source(%dma_start3A_212 : memref<8x32xi32, #tpu.memory_space<hbm>>) target(%arg5 : memref<8x32xi32, #tpu.memory_space<vmem>>) target_semaphore(%run_scoped3A : memref<!tpu.dma_semaphore, #tpu.memory_space<semaphore_mem>>)
      %dma_wait3A_213 = arith.constant 0 : i32
      %dma_wait3A_214 = tpu.memref_slice %arg2[%mul3A_2, %dma_wait3A_213] : memref<256x32xi32, #tpu.memory_space<hbm>> -> memref<8x32xi32, #tpu.memory_space<hbm>>
      %dma_wait3A_215 = arith.constant 0 : i32
      %dma_wait3A_216 = tpu.memref_slice %arg2[%mul3A_2, %dma_wait3A_215] : memref<256x32xi32, #tpu.memory_space<hbm>> -> memref<8x32xi32, #tpu.memory_space<hbm>>
      tpu.wait_dma2 semaphore(%run_scoped3A : memref<!tpu.dma_semaphore, #tpu.memory_space<semaphore_mem>>) src(%dma_wait3A_216 : memref<8x32xi32, #tpu.memory_space<hbm>>) dst(%arg5 : memref<8x32xi32, #tpu.memory_space<vmem>>)
      tpu.yield
    }) : () -> ()
    %dma_start3A = arith.constant 0 : i32
    %dma_start3A_3 = arith.constant 0 : i32
    %dma_start3A_4 = tpu.memref_slice %arg5[%dma_start3A, %dma_start3A_3] : memref<8x32xi32, #tpu.memory_space<vmem>> -> memref<1x32xi32, #tpu.memory_space<vmem>>
    %dma_start3A_5 = tpu.memref_squeeze %dma_start3A_4 : memref<1x32xi32, #tpu.memory_space<vmem>> -> memref<32xi32, #tpu.memory_space<vmem>>
    %dma_start3A_6 = arith.constant 0 : i32
    %dma_start3A_7 = arith.constant 0 : i32
    %dma_start3A_8 = tpu.memref_slice %arg3[%dma_start3A_6, %dma_start3A_7] : memref<46166x768xf32, #tpu.memory_space<hbm>> -> memref<46166x768xf32, #tpu.memory_space<hbm>>
    tpu.enqueue_indirect_dma source(%dma_start3A_8 : memref<46166x768xf32, #tpu.memory_space<hbm>>) target(%arg6 : memref<32x768xf32, #tpu.memory_space<vmem>>) offsets(%dma_start3A_5 : memref<32xi32, #tpu.memory_space<vmem>>) semaphore(%arg10 : memref<!tpu.dma_semaphore, #tpu.memory_space<semaphore_mem>>)
    %dma_start3A_9 = arith.constant 1 : i32
    %dma_start3A_10 = arith.constant 0 : i32
    %dma_start3A_11 = tpu.memref_slice %arg5[%dma_start3A_9, %dma_start3A_10] : memref<8x32xi32, #tpu.memory_space<vmem>> -> memref<1x32xi32, #tpu.memory_space<vmem>>
    %dma_start3A_12 = tpu.memref_squeeze %dma_start3A_11 : memref<1x32xi32, #tpu.memory_space<vmem>> -> memref<32xi32, #tpu.memory_space<vmem>>
    %dma_start3A_13 = arith.constant 0 : i32
    %dma_start3A_14 = arith.constant 0 : i32
    %dma_start3A_15 = tpu.memref_slice %arg3[%dma_start3A_13, %dma_start3A_14] : memref<46166x768xf32, #tpu.memory_space<hbm>> -> memref<46166x768xf32, #tpu.memory_space<hbm>>
    tpu.enqueue_indirect_dma source(%dma_start3A_15 : memref<46166x768xf32, #tpu.memory_space<hbm>>) target(%arg7 : memref<32x768xf32, #tpu.memory_space<vmem>>) offsets(%dma_start3A_12 : memref<32xi32, #tpu.memory_space<vmem>>) semaphore(%arg11 : memref<!tpu.dma_semaphore, #tpu.memory_space<semaphore_mem>>)
    %dma_start3A_16 = arith.constant 2 : i32
    %dma_start3A_17 = arith.constant 0 : i32
    %dma_start3A_18 = tpu.memref_slice %arg5[%dma_start3A_16, %dma_start3A_17] : memref<8x32xi32, #tpu.memory_space<vmem>> -> memref<1x32xi32, #tpu.memory_space<vmem>>
    %dma_start3A_19 = tpu.memref_squeeze %dma_start3A_18 : memref<1x32xi32, #tpu.memory_space<vmem>> -> memref<32xi32, #tpu.memory_space<vmem>>
    %dma_start3A_20 = arith.constant 0 : i32
    %dma_start3A_21 = arith.constant 0 : i32
    %dma_start3A_22 = tpu.memref_slice %arg3[%dma_start3A_20, %dma_start3A_21] : memref<46166x768xf32, #tpu.memory_space<hbm>> -> memref<46166x768xf32, #tpu.memory_space<hbm>>
    tpu.enqueue_indirect_dma source(%dma_start3A_22 : memref<46166x768xf32, #tpu.memory_space<hbm>>) target(%arg8 : memref<32x768xf32, #tpu.memory_space<vmem>>) offsets(%dma_start3A_19 : memref<32xi32, #tpu.memory_space<vmem>>) semaphore(%arg12 : memref<!tpu.dma_semaphore, #tpu.memory_space<semaphore_mem>>)
    %dma_wait3A = arith.constant 0 : i32
    %dma_wait3A_23 = arith.constant 0 : i32
    %dma_wait3A_24 = tpu.memref_slice %arg5[%dma_wait3A, %dma_wait3A_23] : memref<8x32xi32, #tpu.memory_space<vmem>> -> memref<1x32xi32, #tpu.memory_space<vmem>>
    %dma_wait3A_25 = tpu.memref_squeeze %dma_wait3A_24 : memref<1x32xi32, #tpu.memory_space<vmem>> -> memref<32xi32, #tpu.memory_space<vmem>>
    %dma_wait3A_26 = arith.constant 0 : i32
    %dma_wait3A_27 = arith.constant 0 : i32
    %dma_wait3A_28 = tpu.memref_slice %arg3[%dma_wait3A_26, %dma_wait3A_27] : memref<46166x768xf32, #tpu.memory_space<hbm>> -> memref<46166x768xf32, #tpu.memory_space<hbm>>
    tpu.wait_indirect_dma semaphore(%arg10 : memref<!tpu.dma_semaphore, #tpu.memory_space<semaphore_mem>>) src(%dma_wait3A_28 : memref<46166x768xf32, #tpu.memory_space<hbm>>) dst(%arg6 : memref<32x768xf32, #tpu.memory_space<vmem>>)
    %add3A_29 = arith.constant 0 : i32
    %add3A_30 = arith.addi %mul3A_2, %add3A_29 : i32
    %mul3A_31 = arith.constant 32 : i32
    %mul3A_32 = arith.muli %add3A_30, %mul3A_31 : i32
    %dma_start3A_33 = arith.constant 0 : i32
    %dma_start3A_34 = tpu.memref_slice %arg4[%mul3A_32, %dma_start3A_33] : memref<8192x768xf32, #tpu.memory_space<hbm>> -> memref<32x768xf32, #tpu.memory_space<hbm>>
    %dma_start3A_35 = arith.constant 0 : i32
    %dma_start3A_36 = tpu.memref_slice %arg4[%mul3A_32, %dma_start3A_35] : memref<8192x768xf32, #tpu.memory_space<hbm>> -> memref<32x768xf32, #tpu.memory_space<hbm>>
    tpu.enqueue_dma source(%arg6 : memref<32x768xf32, #tpu.memory_space<vmem>>) target(%dma_start3A_36 : memref<32x768xf32, #tpu.memory_space<hbm>>) target_semaphore(%arg14 : memref<!tpu.dma_semaphore, #tpu.memory_space<semaphore_mem>>)
    %dma_start3A_37 = arith.constant 3 : i32
    %dma_start3A_38 = arith.constant 0 : i32
    %dma_start3A_39 = tpu.memref_slice %arg5[%dma_start3A_37, %dma_start3A_38] : memref<8x32xi32, #tpu.memory_space<vmem>> -> memref<1x32xi32, #tpu.memory_space<vmem>>
    %dma_start3A_40 = tpu.memref_squeeze %dma_start3A_39 : memref<1x32xi32, #tpu.memory_space<vmem>> -> memref<32xi32, #tpu.memory_space<vmem>>
    %dma_start3A_41 = arith.constant 0 : i32
    %dma_start3A_42 = arith.constant 0 : i32
    %dma_start3A_43 = tpu.memref_slice %arg3[%dma_start3A_41, %dma_start3A_42] : memref<46166x768xf32, #tpu.memory_space<hbm>> -> memref<46166x768xf32, #tpu.memory_space<hbm>>
    tpu.enqueue_indirect_dma source(%dma_start3A_43 : memref<46166x768xf32, #tpu.memory_space<hbm>>) target(%arg9 : memref<32x768xf32, #tpu.memory_space<vmem>>) offsets(%dma_start3A_40 : memref<32xi32, #tpu.memory_space<vmem>>) semaphore(%arg13 : memref<!tpu.dma_semaphore, #tpu.memory_space<semaphore_mem>>)
    %dma_wait3A_44 = arith.constant 1 : i32
    %dma_wait3A_45 = arith.constant 0 : i32
    %dma_wait3A_46 = tpu.memref_slice %arg5[%dma_wait3A_44, %dma_wait3A_45] : memref<8x32xi32, #tpu.memory_space<vmem>> -> memref<1x32xi32, #tpu.memory_space<vmem>>
    %dma_wait3A_47 = tpu.memref_squeeze %dma_wait3A_46 : memref<1x32xi32, #tpu.memory_space<vmem>> -> memref<32xi32, #tpu.memory_space<vmem>>
    %dma_wait3A_48 = arith.constant 0 : i32
    %dma_wait3A_49 = arith.constant 0 : i32
    %dma_wait3A_50 = tpu.memref_slice %arg3[%dma_wait3A_48, %dma_wait3A_49] : memref<46166x768xf32, #tpu.memory_space<hbm>> -> memref<46166x768xf32, #tpu.memory_space<hbm>>
    tpu.wait_indirect_dma semaphore(%arg11 : memref<!tpu.dma_semaphore, #tpu.memory_space<semaphore_mem>>) src(%dma_wait3A_50 : memref<46166x768xf32, #tpu.memory_space<hbm>>) dst(%arg7 : memref<32x768xf32, #tpu.memory_space<vmem>>)
    %add3A_51 = arith.constant 1 : i32
    %add3A_52 = arith.addi %mul3A_2, %add3A_51 : i32
    %mul3A_53 = arith.constant 32 : i32
    %mul3A_54 = arith.muli %add3A_52, %mul3A_53 : i32
    %dma_start3A_55 = arith.constant 0 : i32
    %dma_start3A_56 = tpu.memref_slice %arg4[%mul3A_54, %dma_start3A_55] : memref<8192x768xf32, #tpu.memory_space<hbm>> -> memref<32x768xf32, #tpu.memory_space<hbm>>
    %dma_start3A_57 = arith.constant 0 : i32
    %dma_start3A_58 = tpu.memref_slice %arg4[%mul3A_54, %dma_start3A_57] : memref<8192x768xf32, #tpu.memory_space<hbm>> -> memref<32x768xf32, #tpu.memory_space<hbm>>
    tpu.enqueue_dma source(%arg7 : memref<32x768xf32, #tpu.memory_space<vmem>>) target(%dma_start3A_58 : memref<32x768xf32, #tpu.memory_space<hbm>>) target_semaphore(%arg15 : memref<!tpu.dma_semaphore, #tpu.memory_space<semaphore_mem>>)
    %dma_wait3A_59 = arith.constant 0 : i32
    %dma_wait3A_60 = tpu.memref_slice %arg4[%mul3A_32, %dma_wait3A_59] : memref<8192x768xf32, #tpu.memory_space<hbm>> -> memref<32x768xf32, #tpu.memory_space<hbm>>
    %dma_wait3A_61 = arith.constant 0 : i32
    %dma_wait3A_62 = tpu.memref_slice %arg4[%mul3A_32, %dma_wait3A_61] : memref<8192x768xf32, #tpu.memory_space<hbm>> -> memref<32x768xf32, #tpu.memory_space<hbm>>
    tpu.wait_dma2 semaphore(%arg14 : memref<!tpu.dma_semaphore, #tpu.memory_space<semaphore_mem>>) src(%arg6 : memref<32x768xf32, #tpu.memory_space<vmem>>) dst(%dma_wait3A_62 : memref<32x768xf32, #tpu.memory_space<hbm>>)
    %dma_start3A_63 = arith.constant 4 : i32
    %dma_start3A_64 = arith.constant 0 : i32
    %dma_start3A_65 = tpu.memref_slice %arg5[%dma_start3A_63, %dma_start3A_64] : memref<8x32xi32, #tpu.memory_space<vmem>> -> memref<1x32xi32, #tpu.memory_space<vmem>>
    %dma_start3A_66 = tpu.memref_squeeze %dma_start3A_65 : memref<1x32xi32, #tpu.memory_space<vmem>> -> memref<32xi32, #tpu.memory_space<vmem>>
    %dma_start3A_67 = arith.constant 0 : i32
    %dma_start3A_68 = arith.constant 0 : i32
    %dma_start3A_69 = tpu.memref_slice %arg3[%dma_start3A_67, %dma_start3A_68] : memref<46166x768xf32, #tpu.memory_space<hbm>> -> memref<46166x768xf32, #tpu.memory_space<hbm>>
    tpu.enqueue_indirect_dma source(%dma_start3A_69 : memref<46166x768xf32, #tpu.memory_space<hbm>>) target(%arg6 : memref<32x768xf32, #tpu.memory_space<vmem>>) offsets(%dma_start3A_66 : memref<32xi32, #tpu.memory_space<vmem>>) semaphore(%arg10 : memref<!tpu.dma_semaphore, #tpu.memory_space<semaphore_mem>>)
    %dma_wait3A_70 = arith.constant 2 : i32
    %dma_wait3A_71 = arith.constant 0 : i32
    %dma_wait3A_72 = tpu.memref_slice %arg5[%dma_wait3A_70, %dma_wait3A_71] : memref<8x32xi32, #tpu.memory_space<vmem>> -> memref<1x32xi32, #tpu.memory_space<vmem>>
    %dma_wait3A_73 = tpu.memref_squeeze %dma_wait3A_72 : memref<1x32xi32, #tpu.memory_space<vmem>> -> memref<32xi32, #tpu.memory_space<vmem>>
    %dma_wait3A_74 = arith.constant 0 : i32
    %dma_wait3A_75 = arith.constant 0 : i32
    %dma_wait3A_76 = tpu.memref_slice %arg3[%dma_wait3A_74, %dma_wait3A_75] : memref<46166x768xf32, #tpu.memory_space<hbm>> -> memref<46166x768xf32, #tpu.memory_space<hbm>>
    tpu.wait_indirect_dma semaphore(%arg12 : memref<!tpu.dma_semaphore, #tpu.memory_space<semaphore_mem>>) src(%dma_wait3A_76 : memref<46166x768xf32, #tpu.memory_space<hbm>>) dst(%arg8 : memref<32x768xf32, #tpu.memory_space<vmem>>)
    %add3A_77 = arith.constant 2 : i32
    %add3A_78 = arith.addi %mul3A_2, %add3A_77 : i32
    %mul3A_79 = arith.constant 32 : i32
    %mul3A_80 = arith.muli %add3A_78, %mul3A_79 : i32
    %dma_start3A_81 = arith.constant 0 : i32
    %dma_start3A_82 = tpu.memref_slice %arg4[%mul3A_80, %dma_start3A_81] : memref<8192x768xf32, #tpu.memory_space<hbm>> -> memref<32x768xf32, #tpu.memory_space<hbm>>
    %dma_start3A_83 = arith.constant 0 : i32
    %dma_start3A_84 = tpu.memref_slice %arg4[%mul3A_80, %dma_start3A_83] : memref<8192x768xf32, #tpu.memory_space<hbm>> -> memref<32x768xf32, #tpu.memory_space<hbm>>
    tpu.enqueue_dma source(%arg8 : memref<32x768xf32, #tpu.memory_space<vmem>>) target(%dma_start3A_84 : memref<32x768xf32, #tpu.memory_space<hbm>>) target_semaphore(%arg16 : memref<!tpu.dma_semaphore, #tpu.memory_space<semaphore_mem>>)
    %dma_wait3A_85 = arith.constant 0 : i32
    %dma_wait3A_86 = tpu.memref_slice %arg4[%mul3A_54, %dma_wait3A_85] : memref<8192x768xf32, #tpu.memory_space<hbm>> -> memref<32x768xf32, #tpu.memory_space<hbm>>
    %dma_wait3A_87 = arith.constant 0 : i32
    %dma_wait3A_88 = tpu.memref_slice %arg4[%mul3A_54, %dma_wait3A_87] : memref<8192x768xf32, #tpu.memory_space<hbm>> -> memref<32x768xf32, #tpu.memory_space<hbm>>
    tpu.wait_dma2 semaphore(%arg15 : memref<!tpu.dma_semaphore, #tpu.memory_space<semaphore_mem>>) src(%arg7 : memref<32x768xf32, #tpu.memory_space<vmem>>) dst(%dma_wait3A_88 : memref<32x768xf32, #tpu.memory_space<hbm>>)
    %dma_start3A_89 = arith.constant 5 : i32
    %dma_start3A_90 = arith.constant 0 : i32
    %dma_start3A_91 = tpu.memref_slice %arg5[%dma_start3A_89, %dma_start3A_90] : memref<8x32xi32, #tpu.memory_space<vmem>> -> memref<1x32xi32, #tpu.memory_space<vmem>>
    %dma_start3A_92 = tpu.memref_squeeze %dma_start3A_91 : memref<1x32xi32, #tpu.memory_space<vmem>> -> memref<32xi32, #tpu.memory_space<vmem>>
    %dma_start3A_93 = arith.constant 0 : i32
    %dma_start3A_94 = arith.constant 0 : i32
    %dma_start3A_95 = tpu.memref_slice %arg3[%dma_start3A_93, %dma_start3A_94] : memref<46166x768xf32, #tpu.memory_space<hbm>> -> memref<46166x768xf32, #tpu.memory_space<hbm>>
    tpu.enqueue_indirect_dma source(%dma_start3A_95 : memref<46166x768xf32, #tpu.memory_space<hbm>>) target(%arg7 : memref<32x768xf32, #tpu.memory_space<vmem>>) offsets(%dma_start3A_92 : memref<32xi32, #tpu.memory_space<vmem>>) semaphore(%arg11 : memref<!tpu.dma_semaphore, #tpu.memory_space<semaphore_mem>>)
    %dma_wait3A_96 = arith.constant 3 : i32
    %dma_wait3A_97 = arith.constant 0 : i32
    %dma_wait3A_98 = tpu.memref_slice %arg5[%dma_wait3A_96, %dma_wait3A_97] : memref<8x32xi32, #tpu.memory_space<vmem>> -> memref<1x32xi32, #tpu.memory_space<vmem>>
    %dma_wait3A_99 = tpu.memref_squeeze %dma_wait3A_98 : memref<1x32xi32, #tpu.memory_space<vmem>> -> memref<32xi32, #tpu.memory_space<vmem>>
    %dma_wait3A_100 = arith.constant 0 : i32
    %dma_wait3A_101 = arith.constant 0 : i32
    %dma_wait3A_102 = tpu.memref_slice %arg3[%dma_wait3A_100, %dma_wait3A_101] : memref<46166x768xf32, #tpu.memory_space<hbm>> -> memref<46166x768xf32, #tpu.memory_space<hbm>>
    tpu.wait_indirect_dma semaphore(%arg13 : memref<!tpu.dma_semaphore, #tpu.memory_space<semaphore_mem>>) src(%dma_wait3A_102 : memref<46166x768xf32, #tpu.memory_space<hbm>>) dst(%arg9 : memref<32x768xf32, #tpu.memory_space<vmem>>)
    %add3A_103 = arith.constant 3 : i32
    %add3A_104 = arith.addi %mul3A_2, %add3A_103 : i32
    %mul3A_105 = arith.constant 32 : i32
    %mul3A_106 = arith.muli %add3A_104, %mul3A_105 : i32
    %dma_start3A_107 = arith.constant 0 : i32
    %dma_start3A_108 = tpu.memref_slice %arg4[%mul3A_106, %dma_start3A_107] : memref<8192x768xf32, #tpu.memory_space<hbm>> -> memref<32x768xf32, #tpu.memory_space<hbm>>
    %dma_start3A_109 = arith.constant 0 : i32
    %dma_start3A_110 = tpu.memref_slice %arg4[%mul3A_106, %dma_start3A_109] : memref<8192x768xf32, #tpu.memory_space<hbm>> -> memref<32x768xf32, #tpu.memory_space<hbm>>
    tpu.enqueue_dma source(%arg9 : memref<32x768xf32, #tpu.memory_space<vmem>>) target(%dma_start3A_110 : memref<32x768xf32, #tpu.memory_space<hbm>>) target_semaphore(%arg17 : memref<!tpu.dma_semaphore, #tpu.memory_space<semaphore_mem>>)
    %dma_wait3A_111 = arith.constant 0 : i32
    %dma_wait3A_112 = tpu.memref_slice %arg4[%mul3A_80, %dma_wait3A_111] : memref<8192x768xf32, #tpu.memory_space<hbm>> -> memref<32x768xf32, #tpu.memory_space<hbm>>
    %dma_wait3A_113 = arith.constant 0 : i32
    %dma_wait3A_114 = tpu.memref_slice %arg4[%mul3A_80, %dma_wait3A_113] : memref<8192x768xf32, #tpu.memory_space<hbm>> -> memref<32x768xf32, #tpu.memory_space<hbm>>
    tpu.wait_dma2 semaphore(%arg16 : memref<!tpu.dma_semaphore, #tpu.memory_space<semaphore_mem>>) src(%arg8 : memref<32x768xf32, #tpu.memory_space<vmem>>) dst(%dma_wait3A_114 : memref<32x768xf32, #tpu.memory_space<hbm>>)
    %dma_start3A_115 = arith.constant 6 : i32
    %dma_start3A_116 = arith.constant 0 : i32
    %dma_start3A_117 = tpu.memref_slice %arg5[%dma_start3A_115, %dma_start3A_116] : memref<8x32xi32, #tpu.memory_space<vmem>> -> memref<1x32xi32, #tpu.memory_space<vmem>>
    %dma_start3A_118 = tpu.memref_squeeze %dma_start3A_117 : memref<1x32xi32, #tpu.memory_space<vmem>> -> memref<32xi32, #tpu.memory_space<vmem>>
    %dma_start3A_119 = arith.constant 0 : i32
    %dma_start3A_120 = arith.constant 0 : i32
    %dma_start3A_121 = tpu.memref_slice %arg3[%dma_start3A_119, %dma_start3A_120] : memref<46166x768xf32, #tpu.memory_space<hbm>> -> memref<46166x768xf32, #tpu.memory_space<hbm>>
    tpu.enqueue_indirect_dma source(%dma_start3A_121 : memref<46166x768xf32, #tpu.memory_space<hbm>>) target(%arg8 : memref<32x768xf32, #tpu.memory_space<vmem>>) offsets(%dma_start3A_118 : memref<32xi32, #tpu.memory_space<vmem>>) semaphore(%arg12 : memref<!tpu.dma_semaphore, #tpu.memory_space<semaphore_mem>>)
    %dma_wait3A_122 = arith.constant 4 : i32
    %dma_wait3A_123 = arith.constant 0 : i32
    %dma_wait3A_124 = tpu.memref_slice %arg5[%dma_wait3A_122, %dma_wait3A_123] : memref<8x32xi32, #tpu.memory_space<vmem>> -> memref<1x32xi32, #tpu.memory_space<vmem>>
    %dma_wait3A_125 = tpu.memref_squeeze %dma_wait3A_124 : memref<1x32xi32, #tpu.memory_space<vmem>> -> memref<32xi32, #tpu.memory_space<vmem>>
    %dma_wait3A_126 = arith.constant 0 : i32
    %dma_wait3A_127 = arith.constant 0 : i32
    %dma_wait3A_128 = tpu.memref_slice %arg3[%dma_wait3A_126, %dma_wait3A_127] : memref<46166x768xf32, #tpu.memory_space<hbm>> -> memref<46166x768xf32, #tpu.memory_space<hbm>>
    tpu.wait_indirect_dma semaphore(%arg10 : memref<!tpu.dma_semaphore, #tpu.memory_space<semaphore_mem>>) src(%dma_wait3A_128 : memref<46166x768xf32, #tpu.memory_space<hbm>>) dst(%arg6 : memref<32x768xf32, #tpu.memory_space<vmem>>)
    %add3A_129 = arith.constant 4 : i32
    %add3A_130 = arith.addi %mul3A_2, %add3A_129 : i32
    %mul3A_131 = arith.constant 32 : i32
    %mul3A_132 = arith.muli %add3A_130, %mul3A_131 : i32
    %dma_start3A_133 = arith.constant 0 : i32
    %dma_start3A_134 = tpu.memref_slice %arg4[%mul3A_132, %dma_start3A_133] : memref<8192x768xf32, #tpu.memory_space<hbm>> -> memref<32x768xf32, #tpu.memory_space<hbm>>
    %dma_start3A_135 = arith.constant 0 : i32
    %dma_start3A_136 = tpu.memref_slice %arg4[%mul3A_132, %dma_start3A_135] : memref<8192x768xf32, #tpu.memory_space<hbm>> -> memref<32x768xf32, #tpu.memory_space<hbm>>
    tpu.enqueue_dma source(%arg6 : memref<32x768xf32, #tpu.memory_space<vmem>>) target(%dma_start3A_136 : memref<32x768xf32, #tpu.memory_space<hbm>>) target_semaphore(%arg14 : memref<!tpu.dma_semaphore, #tpu.memory_space<semaphore_mem>>)
    %dma_wait3A_137 = arith.constant 0 : i32
    %dma_wait3A_138 = tpu.memref_slice %arg4[%mul3A_106, %dma_wait3A_137] : memref<8192x768xf32, #tpu.memory_space<hbm>> -> memref<32x768xf32, #tpu.memory_space<hbm>>
    %dma_wait3A_139 = arith.constant 0 : i32
    %dma_wait3A_140 = tpu.memref_slice %arg4[%mul3A_106, %dma_wait3A_139] : memref<8192x768xf32, #tpu.memory_space<hbm>> -> memref<32x768xf32, #tpu.memory_space<hbm>>
    tpu.wait_dma2 semaphore(%arg17 : memref<!tpu.dma_semaphore, #tpu.memory_space<semaphore_mem>>) src(%arg9 : memref<32x768xf32, #tpu.memory_space<vmem>>) dst(%dma_wait3A_140 : memref<32x768xf32, #tpu.memory_space<hbm>>)
    %dma_start3A_141 = arith.constant 7 : i32
    %dma_start3A_142 = arith.constant 0 : i32
    %dma_start3A_143 = tpu.memref_slice %arg5[%dma_start3A_141, %dma_start3A_142] : memref<8x32xi32, #tpu.memory_space<vmem>> -> memref<1x32xi32, #tpu.memory_space<vmem>>
    %dma_start3A_144 = tpu.memref_squeeze %dma_start3A_143 : memref<1x32xi32, #tpu.memory_space<vmem>> -> memref<32xi32, #tpu.memory_space<vmem>>
    %dma_start3A_145 = arith.constant 0 : i32
    %dma_start3A_146 = arith.constant 0 : i32
    %dma_start3A_147 = tpu.memref_slice %arg3[%dma_start3A_145, %dma_start3A_146] : memref<46166x768xf32, #tpu.memory_space<hbm>> -> memref<46166x768xf32, #tpu.memory_space<hbm>>
    tpu.enqueue_indirect_dma source(%dma_start3A_147 : memref<46166x768xf32, #tpu.memory_space<hbm>>) target(%arg9 : memref<32x768xf32, #tpu.memory_space<vmem>>) offsets(%dma_start3A_144 : memref<32xi32, #tpu.memory_space<vmem>>) semaphore(%arg13 : memref<!tpu.dma_semaphore, #tpu.memory_space<semaphore_mem>>)
    %dma_wait3A_148 = arith.constant 5 : i32
    %dma_wait3A_149 = arith.constant 0 : i32
    %dma_wait3A_150 = tpu.memref_slice %arg5[%dma_wait3A_148, %dma_wait3A_149] : memref<8x32xi32, #tpu.memory_space<vmem>> -> memref<1x32xi32, #tpu.memory_space<vmem>>
    %dma_wait3A_151 = tpu.memref_squeeze %dma_wait3A_150 : memref<1x32xi32, #tpu.memory_space<vmem>> -> memref<32xi32, #tpu.memory_space<vmem>>
    %dma_wait3A_152 = arith.constant 0 : i32
    %dma_wait3A_153 = arith.constant 0 : i32
    %dma_wait3A_154 = tpu.memref_slice %arg3[%dma_wait3A_152, %dma_wait3A_153] : memref<46166x768xf32, #tpu.memory_space<hbm>> -> memref<46166x768xf32, #tpu.memory_space<hbm>>
    tpu.wait_indirect_dma semaphore(%arg11 : memref<!tpu.dma_semaphore, #tpu.memory_space<semaphore_mem>>) src(%dma_wait3A_154 : memref<46166x768xf32, #tpu.memory_space<hbm>>) dst(%arg7 : memref<32x768xf32, #tpu.memory_space<vmem>>)
    %add3A_155 = arith.constant 5 : i32
    %add3A_156 = arith.addi %mul3A_2, %add3A_155 : i32
    %mul3A_157 = arith.constant 32 : i32
    %mul3A_158 = arith.muli %add3A_156, %mul3A_157 : i32
    %dma_start3A_159 = arith.constant 0 : i32
    %dma_start3A_160 = tpu.memref_slice %arg4[%mul3A_158, %dma_start3A_159] : memref<8192x768xf32, #tpu.memory_space<hbm>> -> memref<32x768xf32, #tpu.memory_space<hbm>>
    %dma_start3A_161 = arith.constant 0 : i32
    %dma_start3A_162 = tpu.memref_slice %arg4[%mul3A_158, %dma_start3A_161] : memref<8192x768xf32, #tpu.memory_space<hbm>> -> memref<32x768xf32, #tpu.memory_space<hbm>>
    tpu.enqueue_dma source(%arg7 : memref<32x768xf32, #tpu.memory_space<vmem>>) target(%dma_start3A_162 : memref<32x768xf32, #tpu.memory_space<hbm>>) target_semaphore(%arg15 : memref<!tpu.dma_semaphore, #tpu.memory_space<semaphore_mem>>)
    %dma_wait3A_163 = arith.constant 6 : i32
    %dma_wait3A_164 = arith.constant 0 : i32
    %dma_wait3A_165 = tpu.memref_slice %arg5[%dma_wait3A_163, %dma_wait3A_164] : memref<8x32xi32, #tpu.memory_space<vmem>> -> memref<1x32xi32, #tpu.memory_space<vmem>>
    %dma_wait3A_166 = tpu.memref_squeeze %dma_wait3A_165 : memref<1x32xi32, #tpu.memory_space<vmem>> -> memref<32xi32, #tpu.memory_space<vmem>>
    %dma_wait3A_167 = arith.constant 0 : i32
    %dma_wait3A_168 = arith.constant 0 : i32
    %dma_wait3A_169 = tpu.memref_slice %arg3[%dma_wait3A_167, %dma_wait3A_168] : memref<46166x768xf32, #tpu.memory_space<hbm>> -> memref<46166x768xf32, #tpu.memory_space<hbm>>
    tpu.wait_indirect_dma semaphore(%arg12 : memref<!tpu.dma_semaphore, #tpu.memory_space<semaphore_mem>>) src(%dma_wait3A_169 : memref<46166x768xf32, #tpu.memory_space<hbm>>) dst(%arg8 : memref<32x768xf32, #tpu.memory_space<vmem>>)
    %add3A_170 = arith.constant 6 : i32
    %add3A_171 = arith.addi %mul3A_2, %add3A_170 : i32
    %mul3A_172 = arith.constant 32 : i32
    %mul3A_173 = arith.muli %add3A_171, %mul3A_172 : i32
    %dma_start3A_174 = arith.constant 0 : i32
    %dma_start3A_175 = tpu.memref_slice %arg4[%mul3A_173, %dma_start3A_174] : memref<8192x768xf32, #tpu.memory_space<hbm>> -> memref<32x768xf32, #tpu.memory_space<hbm>>
    %dma_start3A_176 = arith.constant 0 : i32
    %dma_start3A_177 = tpu.memref_slice %arg4[%mul3A_173, %dma_start3A_176] : memref<8192x768xf32, #tpu.memory_space<hbm>> -> memref<32x768xf32, #tpu.memory_space<hbm>>
    tpu.enqueue_dma source(%arg8 : memref<32x768xf32, #tpu.memory_space<vmem>>) target(%dma_start3A_177 : memref<32x768xf32, #tpu.memory_space<hbm>>) target_semaphore(%arg16 : memref<!tpu.dma_semaphore, #tpu.memory_space<semaphore_mem>>)
    %dma_wait3A_178 = arith.constant 7 : i32
    %dma_wait3A_179 = arith.constant 0 : i32
    %dma_wait3A_180 = tpu.memref_slice %arg5[%dma_wait3A_178, %dma_wait3A_179] : memref<8x32xi32, #tpu.memory_space<vmem>> -> memref<1x32xi32, #tpu.memory_space<vmem>>
    %dma_wait3A_181 = tpu.memref_squeeze %dma_wait3A_180 : memref<1x32xi32, #tpu.memory_space<vmem>> -> memref<32xi32, #tpu.memory_space<vmem>>
    %dma_wait3A_182 = arith.constant 0 : i32
    %dma_wait3A_183 = arith.constant 0 : i32
    %dma_wait3A_184 = tpu.memref_slice %arg3[%dma_wait3A_182, %dma_wait3A_183] : memref<46166x768xf32, #tpu.memory_space<hbm>> -> memref<46166x768xf32, #tpu.memory_space<hbm>>
    tpu.wait_indirect_dma semaphore(%arg13 : memref<!tpu.dma_semaphore, #tpu.memory_space<semaphore_mem>>) src(%dma_wait3A_184 : memref<46166x768xf32, #tpu.memory_space<hbm>>) dst(%arg9 : memref<32x768xf32, #tpu.memory_space<vmem>>)
    %add3A_185 = arith.constant 7 : i32
    %add3A_186 = arith.addi %mul3A_2, %add3A_185 : i32
    %mul3A_187 = arith.constant 32 : i32
    %mul3A_188 = arith.muli %add3A_186, %mul3A_187 : i32
    %dma_start3A_189 = arith.constant 0 : i32
    %dma_start3A_190 = tpu.memref_slice %arg4[%mul3A_188, %dma_start3A_189] : memref<8192x768xf32, #tpu.memory_space<hbm>> -> memref<32x768xf32, #tpu.memory_space<hbm>>
    %dma_start3A_191 = arith.constant 0 : i32
    %dma_start3A_192 = tpu.memref_slice %arg4[%mul3A_188, %dma_start3A_191] : memref<8192x768xf32, #tpu.memory_space<hbm>> -> memref<32x768xf32, #tpu.memory_space<hbm>>
    tpu.enqueue_dma source(%arg9 : memref<32x768xf32, #tpu.memory_space<vmem>>) target(%dma_start3A_192 : memref<32x768xf32, #tpu.memory_space<hbm>>) target_semaphore(%arg17 : memref<!tpu.dma_semaphore, #tpu.memory_space<semaphore_mem>>)
    %dma_wait3A_193 = arith.constant 0 : i32
    %dma_wait3A_194 = tpu.memref_slice %arg4[%mul3A_132, %dma_wait3A_193] : memref<8192x768xf32, #tpu.memory_space<hbm>> -> memref<32x768xf32, #tpu.memory_space<hbm>>
    %dma_wait3A_195 = arith.constant 0 : i32
    %dma_wait3A_196 = tpu.memref_slice %arg4[%mul3A_132, %dma_wait3A_195] : memref<8192x768xf32, #tpu.memory_space<hbm>> -> memref<32x768xf32, #tpu.memory_space<hbm>>
    tpu.wait_dma2 semaphore(%arg14 : memref<!tpu.dma_semaphore, #tpu.memory_space<semaphore_mem>>) src(%arg6 : memref<32x768xf32, #tpu.memory_space<vmem>>) dst(%dma_wait3A_196 : memref<32x768xf32, #tpu.memory_space<hbm>>)
    %dma_wait3A_197 = arith.constant 0 : i32
    %dma_wait3A_198 = tpu.memref_slice %arg4[%mul3A_158, %dma_wait3A_197] : memref<8192x768xf32, #tpu.memory_space<hbm>> -> memref<32x768xf32, #tpu.memory_space<hbm>>
    %dma_wait3A_199 = arith.constant 0 : i32
    %dma_wait3A_200 = tpu.memref_slice %arg4[%mul3A_158, %dma_wait3A_199] : memref<8192x768xf32, #tpu.memory_space<hbm>> -> memref<32x768xf32, #tpu.memory_space<hbm>>
    tpu.wait_dma2 semaphore(%arg15 : memref<!tpu.dma_semaphore, #tpu.memory_space<semaphore_mem>>) src(%arg7 : memref<32x768xf32, #tpu.memory_space<vmem>>) dst(%dma_wait3A_200 : memref<32x768xf32, #tpu.memory_space<hbm>>)
    %dma_wait3A_201 = arith.constant 0 : i32
    %dma_wait3A_202 = tpu.memref_slice %arg4[%mul3A_173, %dma_wait3A_201] : memref<8192x768xf32, #tpu.memory_space<hbm>> -> memref<32x768xf32, #tpu.memory_space<hbm>>
    %dma_wait3A_203 = arith.constant 0 : i32
    %dma_wait3A_204 = tpu.memref_slice %arg4[%mul3A_173, %dma_wait3A_203] : memref<8192x768xf32, #tpu.memory_space<hbm>> -> memref<32x768xf32, #tpu.memory_space<hbm>>
    tpu.wait_dma2 semaphore(%arg16 : memref<!tpu.dma_semaphore, #tpu.memory_space<semaphore_mem>>) src(%arg8 : memref<32x768xf32, #tpu.memory_space<vmem>>) dst(%dma_wait3A_204 : memref<32x768xf32, #tpu.memory_space<hbm>>)
    %dma_wait3A_205 = arith.constant 0 : i32
    %dma_wait3A_206 = tpu.memref_slice %arg4[%mul3A_188, %dma_wait3A_205] : memref<8192x768xf32, #tpu.memory_space<hbm>> -> memref<32x768xf32, #tpu.memory_space<hbm>>
    %dma_wait3A_207 = arith.constant 0 : i32
    %dma_wait3A_208 = tpu.memref_slice %arg4[%mul3A_188, %dma_wait3A_207] : memref<8192x768xf32, #tpu.memory_space<hbm>> -> memref<32x768xf32, #tpu.memory_space<hbm>>
    tpu.wait_dma2 semaphore(%arg17 : memref<!tpu.dma_semaphore, #tpu.memory_space<semaphore_mem>>) src(%arg9 : memref<32x768xf32, #tpu.memory_space<vmem>>) dst(%dma_wait3A_208 : memref<32x768xf32, #tpu.memory_space<hbm>>)
    return
  }
}

#map = affine_map<(d0, d1) -> (0, 0)>
module attributes {stable_mosaic.version = 14 : i64} {
  func.func @k(%arg0: i32, %arg1: i32, %arg2: memref<256x32xi32, #tpu.memory_space<hbm>>, %arg3: memref<46166x768xf32, #tpu.memory_space<hbm>>, %arg4: memref<8192x768xf32, #tpu.memory_space<hbm>>, %arg5: memref<8x32xi32, #tpu.memory_space<vmem>>, %arg6: memref<32x768xf32, #tpu.memory_space<vmem>>, %arg7: memref<32x768xf32, #tpu.memory_space<vmem>>, %arg8: memref<32x768xf32, #tpu.memory_space<vmem>>, %arg9: memref<32x768xf32, #tpu.memory_space<vmem>>, %arg10: memref<!tpu.dma_semaphore, #tpu.memory_space<semaphore_mem>>, %arg11: memref<!tpu.dma_semaphore, #tpu.memory_space<semaphore_mem>>, %arg12: memref<!tpu.dma_semaphore, #tpu.memory_space<semaphore_mem>>, %arg13: memref<!tpu.dma_semaphore, #tpu.memory_space<semaphore_mem>>, %arg14: memref<!tpu.dma_semaphore, #tpu.memory_space<semaphore_mem>>, %arg15: memref<!tpu.dma_semaphore, #tpu.memory_space<semaphore_mem>>, %arg16: memref<!tpu.dma_semaphore, #tpu.memory_space<semaphore_mem>>, %arg17: memref<!tpu.dma_semaphore, #tpu.memory_space<semaphore_mem>>) attributes {dimension_semantics = [#tpu.dimension_semantics<core_parallel>, #tpu.dimension_semantics<subcore_parallel>], iteration_bounds = array<i64: 2, 16>, scalar_prefetch = 0 : i64, scratch_operands = 13 : i64, tpu.core_type = #tpu.core_type<sc_vector_subcore>, window_params = [{transform_indices = #map}, {transform_indices = #map}, {transform_indices = #map}]} {
    %mul3A = arith.constant 2 : i32
    %mul3A_0 = arith.muli %arg1, %mul3A : i32
    %add3A = arith.addi %mul3A_0, %arg0 : i32
    %mul3A_1 = arith.constant 8 : i32
    %mul3A_2 = arith.muli %add3A, %mul3A_1 : i32
    "tpu.region"() ({
      %run_scoped3A = tpu.sem_alloc : memref<!tpu.dma_semaphore, #tpu.memory_space<semaphore_mem>>
      %dma_start3A_209 = arith.constant 0 : i32
      %dma_start3A_210 = tpu.memref_slice %arg2[%mul3A_2, %dma_start3A_209] : memref<256x32xi32, #tpu.memory_space<hbm>> -> memref<8x32xi32, #tpu.memory_space<hbm>>
      %dma_start3A_211 = arith.constant 0 : i32
      %dma_start3A_212 = tpu.memref_slice %arg2[%mul3A_2, %dma_start3A_211] : memref<256x32xi32, #tpu.memory_space<hbm>> -> memref<8x32xi32, #tpu.memory_space<hbm>>
      tpu.enqueue_dma source(%dma_start3A_212 : memref<8x32xi32, #tpu.memory_space<hbm>>) target(%arg5 : memref<8x32xi32, #tpu.memory_space<vmem>>) target_semaphore(%run_scoped3A : memref<!tpu.dma_semaphore, #tpu.memory_space<semaphore_mem>>)
      %dma_wait3A_213 = arith.constant 0 : i32
      %dma_wait3A_214 = tpu.memref_slice %arg2[%mul3A_2, %dma_wait3A_213] : memref<256x32xi32, #tpu.memory_space<hbm>> -> memref<8x32xi32, #tpu.memory_space<hbm>>
      %dma_wait3A_215 = arith.constant 0 : i32
      %dma_wait3A_216 = tpu.memref_slice %arg2[%mul3A_2, %dma_wait3A_215] : memref<256x32xi32, #tpu.memory_space<hbm>> -> memref<8x32xi32, #tpu.memory_space<hbm>>
      tpu.wait_dma2 semaphore(%run_scoped3A : memref<!tpu.dma_semaphore, #tpu.memory_space<semaphore_mem>>) src(%dma_wait3A_216 : memref<8x32xi32, #tpu.memory_space<hbm>>) dst(%arg5 : memref<8x32xi32, #tpu.memory_space<vmem>>)
      tpu.yield
    }) : () -> ()
    %dma_start3A = arith.constant 0 : i32
    %dma_start3A_3 = arith.constant 0 : i32
    %dma_start3A_4 = tpu.memref_slice %arg5[%dma_start3A, %dma_start3A_3] : memref<8x32xi32, #tpu.memory_space<vmem>> -> memref<1x32xi32, #tpu.memory_space<vmem>>
    %dma_start3A_5 = tpu.memref_squeeze %dma_start3A_4 : memref<1x32xi32, #tpu.memory_space<vmem>> -> memref<32xi32, #tpu.memory_space<vmem>>
    %dma_start3A_6 = arith.constant 0 : i32
    %dma_start3A_7 = arith.constant 0 : i32
    %dma_start3A_8 = tpu.memref_slice %arg3[%dma_start3A_6, %dma_start3A_7] : memref<46166x768xf32, #tpu.memory_space<hbm>> -> memref<46166x768xf32, #tpu.memory_space<hbm>>
    tpu.enqueue_indirect_dma source(%dma_start3A_8 : memref<46166x768xf32, #tpu.memory_space<hbm>>) target(%arg6 : memref<32x768xf32, #tpu.memory_space<vmem>>) offsets(%dma_start3A_5 : memref<32xi32, #tpu.memory_space<vmem>>) semaphore(%arg10 : memref<!tpu.dma_semaphore, #tpu.memory_space<semaphore_mem>>)
    %dma_start3A_9 = arith.constant 1 : i32
    %dma_start3A_10 = arith.constant 0 : i32
    %dma_start3A_11 = tpu.memref_slice %arg5[%dma_start3A_9, %dma_start3A_10] : memref<8x32xi32, #tpu.memory_space<vmem>> -> memref<1x32xi32, #tpu.memory_space<vmem>>
    %dma_start3A_12 = tpu.memref_squeeze %dma_start3A_11 : memref<1x32xi32, #tpu.memory_space<vmem>> -> memref<32xi32, #tpu.memory_space<vmem>>
    %dma_start3A_13 = arith.constant 0 : i32
    %dma_start3A_14 = arith.constant 0 : i32
    %dma_start3A_15 = tpu.memref_slice %arg3[%dma_start3A_13, %dma_start3A_14] : memref<46166x768xf32, #tpu.memory_space<hbm>> -> memref<46166x768xf32, #tpu.memory_space<hbm>>
    tpu.enqueue_indirect_dma source(%dma_start3A_15 : memref<46166x768xf32, #tpu.memory_space<hbm>>) target(%arg7 : memref<32x768xf32, #tpu.memory_space<vmem>>) offsets(%dma_start3A_12 : memref<32xi32, #tpu.memory_space<vmem>>) semaphore(%arg11 : memref<!tpu.dma_semaphore, #tpu.memory_space<semaphore_mem>>)
    %dma_start3A_16 = arith.constant 2 : i32
    %dma_start3A_17 = arith.constant 0 : i32
    %dma_start3A_18 = tpu.memref_slice %arg5[%dma_start3A_16, %dma_start3A_17] : memref<8x32xi32, #tpu.memory_space<vmem>> -> memref<1x32xi32, #tpu.memory_space<vmem>>
    %dma_start3A_19 = tpu.memref_squeeze %dma_start3A_18 : memref<1x32xi32, #tpu.memory_space<vmem>> -> memref<32xi32, #tpu.memory_space<vmem>>
    %dma_start3A_20 = arith.constant 0 : i32
    %dma_start3A_21 = arith.constant 0 : i32
    %dma_start3A_22 = tpu.memref_slice %arg3[%dma_start3A_20, %dma_start3A_21] : memref<46166x768xf32, #tpu.memory_space<hbm>> -> memref<46166x768xf32, #tpu.memory_space<hbm>>
    tpu.enqueue_indirect_dma source(%dma_start3A_22 : memref<46166x768xf32, #tpu.memory_space<hbm>>) target(%arg8 : memref<32x768xf32, #tpu.memory_space<vmem>>) offsets(%dma_start3A_19 : memref<32xi32, #tpu.memory_space<vmem>>) semaphore(%arg12 : memref<!tpu.dma_semaphore, #tpu.memory_space<semaphore_mem>>)
    %dma_wait3A = arith.constant 0 : i32
    %dma_wait3A_23 = arith.constant 0 : i32
    %dma_wait3A_24 = tpu.memref_slice %arg5[%dma_wait3A, %dma_wait3A_23] : memref<8x32xi32, #tpu.memory_space<vmem>> -> memref<1x32xi32, #tpu.memory_space<vmem>>
    %dma_wait3A_25 = tpu.memref_squeeze %dma_wait3A_24 : memref<1x32xi32, #tpu.memory_space<vmem>> -> memref<32xi32, #tpu.memory_space<vmem>>
    %dma_wait3A_26 = arith.constant 0 : i32
    %dma_wait3A_27 = arith.constant 0 : i32
    %dma_wait3A_28 = tpu.memref_slice %arg3[%dma_wait3A_26, %dma_wait3A_27] : memref<46166x768xf32, #tpu.memory_space<hbm>> -> memref<46166x768xf32, #tpu.memory_space<hbm>>
    tpu.wait_indirect_dma semaphore(%arg10 : memref<!tpu.dma_semaphore, #tpu.memory_space<semaphore_mem>>) src(%dma_wait3A_28 : memref<46166x768xf32, #tpu.memory_space<hbm>>) dst(%arg6 : memref<32x768xf32, #tpu.memory_space<vmem>>)
    %add3A_29 = arith.constant 0 : i32
    %add3A_30 = arith.addi %mul3A_2, %add3A_29 : i32
    %mul3A_31 = arith.constant 32 : i32
    %mul3A_32 = arith.muli %add3A_30, %mul3A_31 : i32
    %dma_start3A_33 = arith.constant 0 : i32
    %dma_start3A_34 = tpu.memref_slice %arg4[%mul3A_32, %dma_start3A_33] : memref<8192x768xf32, #tpu.memory_space<hbm>> -> memref<32x768xf32, #tpu.memory_space<hbm>>
    %dma_start3A_35 = arith.constant 0 : i32
    %dma_start3A_36 = tpu.memref_slice %arg4[%mul3A_32, %dma_start3A_35] : memref<8192x768xf32, #tpu.memory_space<hbm>> -> memref<32x768xf32, #tpu.memory_space<hbm>>
    tpu.enqueue_dma source(%arg6 : memref<32x768xf32, #tpu.memory_space<vmem>>) target(%dma_start3A_36 : memref<32x768xf32, #tpu.memory_space<hbm>>) target_semaphore(%arg14 : memref<!tpu.dma_semaphore, #tpu.memory_space<semaphore_mem>>)
    %dma_start3A_37 = arith.constant 3 : i32
    %dma_start3A_38 = arith.constant 0 : i32
    %dma_start3A_39 = tpu.memref_slice %arg5[%dma_start3A_37, %dma_start3A_38] : memref<8x32xi32, #tpu.memory_space<vmem>> -> memref<1x32xi32, #tpu.memory_space<vmem>>
    %dma_start3A_40 = tpu.memref_squeeze %dma_start3A_39 : memref<1x32xi32, #tpu.memory_space<vmem>> -> memref<32xi32, #tpu.memory_space<vmem>>
    %dma_start3A_41 = arith.constant 0 : i32
    %dma_start3A_42 = arith.constant 0 : i32
    %dma_start3A_43 = tpu.memref_slice %arg3[%dma_start3A_41, %dma_start3A_42] : memref<46166x768xf32, #tpu.memory_space<hbm>> -> memref<46166x768xf32, #tpu.memory_space<hbm>>
    tpu.enqueue_indirect_dma source(%dma_start3A_43 : memref<46166x768xf32, #tpu.memory_space<hbm>>) target(%arg9 : memref<32x768xf32, #tpu.memory_space<vmem>>) offsets(%dma_start3A_40 : memref<32xi32, #tpu.memory_space<vmem>>) semaphore(%arg13 : memref<!tpu.dma_semaphore, #tpu.memory_space<semaphore_mem>>)
    %dma_wait3A_44 = arith.constant 1 : i32
    %dma_wait3A_45 = arith.constant 0 : i32
    %dma_wait3A_46 = tpu.memref_slice %arg5[%dma_wait3A_44, %dma_wait3A_45] : memref<8x32xi32, #tpu.memory_space<vmem>> -> memref<1x32xi32, #tpu.memory_space<vmem>>
    %dma_wait3A_47 = tpu.memref_squeeze %dma_wait3A_46 : memref<1x32xi32, #tpu.memory_space<vmem>> -> memref<32xi32, #tpu.memory_space<vmem>>
    %dma_wait3A_48 = arith.constant 0 : i32
    %dma_wait3A_49 = arith.constant 0 : i32
    %dma_wait3A_50 = tpu.memref_slice %arg3[%dma_wait3A_48, %dma_wait3A_49] : memref<46166x768xf32, #tpu.memory_space<hbm>> -> memref<46166x768xf32, #tpu.memory_space<hbm>>
    tpu.wait_indirect_dma semaphore(%arg11 : memref<!tpu.dma_semaphore, #tpu.memory_space<semaphore_mem>>) src(%dma_wait3A_50 : memref<46166x768xf32, #tpu.memory_space<hbm>>) dst(%arg7 : memref<32x768xf32, #tpu.memory_space<vmem>>)
    %add3A_51 = arith.constant 1 : i32
    %add3A_52 = arith.addi %mul3A_2, %add3A_51 : i32
    %mul3A_53 = arith.constant 32 : i32
    %mul3A_54 = arith.muli %add3A_52, %mul3A_53 : i32
    %dma_start3A_55 = arith.constant 0 : i32
    %dma_start3A_56 = tpu.memref_slice %arg4[%mul3A_54, %dma_start3A_55] : memref<8192x768xf32, #tpu.memory_space<hbm>> -> memref<32x768xf32, #tpu.memory_space<hbm>>
    %dma_start3A_57 = arith.constant 0 : i32
    %dma_start3A_58 = tpu.memref_slice %arg4[%mul3A_54, %dma_start3A_57] : memref<8192x768xf32, #tpu.memory_space<hbm>> -> memref<32x768xf32, #tpu.memory_space<hbm>>
    tpu.enqueue_dma source(%arg7 : memref<32x768xf32, #tpu.memory_space<vmem>>) target(%dma_start3A_58 : memref<32x768xf32, #tpu.memory_space<hbm>>) target_semaphore(%arg15 : memref<!tpu.dma_semaphore, #tpu.memory_space<semaphore_mem>>)
    %dma_wait3A_59 = arith.constant 0 : i32
    %dma_wait3A_60 = tpu.memref_slice %arg4[%mul3A_32, %dma_wait3A_59] : memref<8192x768xf32, #tpu.memory_space<hbm>> -> memref<32x768xf32, #tpu.memory_space<hbm>>
    %dma_wait3A_61 = arith.constant 0 : i32
    %dma_wait3A_62 = tpu.memref_slice %arg4[%mul3A_32, %dma_wait3A_61] : memref<8192x768xf32, #tpu.memory_space<hbm>> -> memref<32x768xf32, #tpu.memory_space<hbm>>
    tpu.wait_dma2 semaphore(%arg14 : memref<!tpu.dma_semaphore, #tpu.memory_space<semaphore_mem>>) src(%arg6 : memref<32x768xf32, #tpu.memory_space<vmem>>) dst(%dma_wait3A_62 : memref<32x768xf32, #tpu.memory_space<hbm>>)
    %dma_start3A_63 = arith.constant 4 : i32
    %dma_start3A_64 = arith.constant 0 : i32
    %dma_start3A_65 = tpu.memref_slice %arg5[%dma_start3A_63, %dma_start3A_64] : memref<8x32xi32, #tpu.memory_space<vmem>> -> memref<1x32xi32, #tpu.memory_space<vmem>>
    %dma_start3A_66 = tpu.memref_squeeze %dma_start3A_65 : memref<1x32xi32, #tpu.memory_space<vmem>> -> memref<32xi32, #tpu.memory_space<vmem>>
    %dma_start3A_67 = arith.constant 0 : i32
    %dma_start3A_68 = arith.constant 0 : i32
    %dma_start3A_69 = tpu.memref_slice %arg3[%dma_start3A_67, %dma_start3A_68] : memref<46166x768xf32, #tpu.memory_space<hbm>> -> memref<46166x768xf32, #tpu.memory_space<hbm>>
    tpu.enqueue_indirect_dma source(%dma_start3A_69 : memref<46166x768xf32, #tpu.memory_space<hbm>>) target(%arg6 : memref<32x768xf32, #tpu.memory_space<vmem>>) offsets(%dma_start3A_66 : memref<32xi32, #tpu.memory_space<vmem>>) semaphore(%arg10 : memref<!tpu.dma_semaphore, #tpu.memory_space<semaphore_mem>>)
    %dma_wait3A_70 = arith.constant 2 : i32
    %dma_wait3A_71 = arith.constant 0 : i32
    %dma_wait3A_72 = tpu.memref_slice %arg5[%dma_wait3A_70, %dma_wait3A_71] : memref<8x32xi32, #tpu.memory_space<vmem>> -> memref<1x32xi32, #tpu.memory_space<vmem>>
    %dma_wait3A_73 = tpu.memref_squeeze %dma_wait3A_72 : memref<1x32xi32, #tpu.memory_space<vmem>> -> memref<32xi32, #tpu.memory_space<vmem>>
    %dma_wait3A_74 = arith.constant 0 : i32
    %dma_wait3A_75 = arith.constant 0 : i32
    %dma_wait3A_76 = tpu.memref_slice %arg3[%dma_wait3A_74, %dma_wait3A_75] : memref<46166x768xf32, #tpu.memory_space<hbm>> -> memref<46166x768xf32, #tpu.memory_space<hbm>>
    tpu.wait_indirect_dma semaphore(%arg12 : memref<!tpu.dma_semaphore, #tpu.memory_space<semaphore_mem>>) src(%dma_wait3A_76 : memref<46166x768xf32, #tpu.memory_space<hbm>>) dst(%arg8 : memref<32x768xf32, #tpu.memory_space<vmem>>)
    %add3A_77 = arith.constant 2 : i32
    %add3A_78 = arith.addi %mul3A_2, %add3A_77 : i32
    %mul3A_79 = arith.constant 32 : i32
    %mul3A_80 = arith.muli %add3A_78, %mul3A_79 : i32
    %dma_start3A_81 = arith.constant 0 : i32
    %dma_start3A_82 = tpu.memref_slice %arg4[%mul3A_80, %dma_start3A_81] : memref<8192x768xf32, #tpu.memory_space<hbm>> -> memref<32x768xf32, #tpu.memory_space<hbm>>
    %dma_start3A_83 = arith.constant 0 : i32
    %dma_start3A_84 = tpu.memref_slice %arg4[%mul3A_80, %dma_start3A_83] : memref<8192x768xf32, #tpu.memory_space<hbm>> -> memref<32x768xf32, #tpu.memory_space<hbm>>
    tpu.enqueue_dma source(%arg8 : memref<32x768xf32, #tpu.memory_space<vmem>>) target(%dma_start3A_84 : memref<32x768xf32, #tpu.memory_space<hbm>>) target_semaphore(%arg16 : memref<!tpu.dma_semaphore, #tpu.memory_space<semaphore_mem>>)
    %dma_wait3A_85 = arith.constant 0 : i32
    %dma_wait3A_86 = tpu.memref_slice %arg4[%mul3A_54, %dma_wait3A_85] : memref<8192x768xf32, #tpu.memory_space<hbm>> -> memref<32x768xf32, #tpu.memory_space<hbm>>
    %dma_wait3A_87 = arith.constant 0 : i32
    %dma_wait3A_88 = tpu.memref_slice %arg4[%mul3A_54, %dma_wait3A_87] : memref<8192x768xf32, #tpu.memory_space<hbm>> -> memref<32x768xf32, #tpu.memory_space<hbm>>
    tpu.wait_dma2 semaphore(%arg15 : memref<!tpu.dma_semaphore, #tpu.memory_space<semaphore_mem>>) src(%arg7 : memref<32x768xf32, #tpu.memory_space<vmem>>) dst(%dma_wait3A_88 : memref<32x768xf32, #tpu.memory_space<hbm>>)
    %dma_start3A_89 = arith.constant 5 : i32
    %dma_start3A_90 = arith.constant 0 : i32
    %dma_start3A_91 = tpu.memref_slice %arg5[%dma_start3A_89, %dma_start3A_90] : memref<8x32xi32, #tpu.memory_space<vmem>> -> memref<1x32xi32, #tpu.memory_space<vmem>>
    %dma_start3A_92 = tpu.memref_squeeze %dma_start3A_91 : memref<1x32xi32, #tpu.memory_space<vmem>> -> memref<32xi32, #tpu.memory_space<vmem>>
    %dma_start3A_93 = arith.constant 0 : i32
    %dma_start3A_94 = arith.constant 0 : i32
    %dma_start3A_95 = tpu.memref_slice %arg3[%dma_start3A_93, %dma_start3A_94] : memref<46166x768xf32, #tpu.memory_space<hbm>> -> memref<46166x768xf32, #tpu.memory_space<hbm>>
    tpu.enqueue_indirect_dma source(%dma_start3A_95 : memref<46166x768xf32, #tpu.memory_space<hbm>>) target(%arg7 : memref<32x768xf32, #tpu.memory_space<vmem>>) offsets(%dma_start3A_92 : memref<32xi32, #tpu.memory_space<vmem>>) semaphore(%arg11 : memref<!tpu.dma_semaphore, #tpu.memory_space<semaphore_mem>>)
    %dma_wait3A_96 = arith.constant 3 : i32
    %dma_wait3A_97 = arith.constant 0 : i32
    %dma_wait3A_98 = tpu.memref_slice %arg5[%dma_wait3A_96, %dma_wait3A_97] : memref<8x32xi32, #tpu.memory_space<vmem>> -> memref<1x32xi32, #tpu.memory_space<vmem>>
    %dma_wait3A_99 = tpu.memref_squeeze %dma_wait3A_98 : memref<1x32xi32, #tpu.memory_space<vmem>> -> memref<32xi32, #tpu.memory_space<vmem>>
    %dma_wait3A_100 = arith.constant 0 : i32
    %dma_wait3A_101 = arith.constant 0 : i32
    %dma_wait3A_102 = tpu.memref_slice %arg3[%dma_wait3A_100, %dma_wait3A_101] : memref<46166x768xf32, #tpu.memory_space<hbm>> -> memref<46166x768xf32, #tpu.memory_space<hbm>>
    tpu.wait_indirect_dma semaphore(%arg13 : memref<!tpu.dma_semaphore, #tpu.memory_space<semaphore_mem>>) src(%dma_wait3A_102 : memref<46166x768xf32, #tpu.memory_space<hbm>>) dst(%arg9 : memref<32x768xf32, #tpu.memory_space<vmem>>)
    %add3A_103 = arith.constant 3 : i32
    %add3A_104 = arith.addi %mul3A_2, %add3A_103 : i32
    %mul3A_105 = arith.constant 32 : i32
    %mul3A_106 = arith.muli %add3A_104, %mul3A_105 : i32
    %dma_start3A_107 = arith.constant 0 : i32
    %dma_start3A_108 = tpu.memref_slice %arg4[%mul3A_106, %dma_start3A_107] : memref<8192x768xf32, #tpu.memory_space<hbm>> -> memref<32x768xf32, #tpu.memory_space<hbm>>
    %dma_start3A_109 = arith.constant 0 : i32
    %dma_start3A_110 = tpu.memref_slice %arg4[%mul3A_106, %dma_start3A_109] : memref<8192x768xf32, #tpu.memory_space<hbm>> -> memref<32x768xf32, #tpu.memory_space<hbm>>
    tpu.enqueue_dma source(%arg9 : memref<32x768xf32, #tpu.memory_space<vmem>>) target(%dma_start3A_110 : memref<32x768xf32, #tpu.memory_space<hbm>>) target_semaphore(%arg17 : memref<!tpu.dma_semaphore, #tpu.memory_space<semaphore_mem>>)
    %dma_wait3A_111 = arith.constant 0 : i32
    %dma_wait3A_112 = tpu.memref_slice %arg4[%mul3A_80, %dma_wait3A_111] : memref<8192x768xf32, #tpu.memory_space<hbm>> -> memref<32x768xf32, #tpu.memory_space<hbm>>
    %dma_wait3A_113 = arith.constant 0 : i32
    %dma_wait3A_114 = tpu.memref_slice %arg4[%mul3A_80, %dma_wait3A_113] : memref<8192x768xf32, #tpu.memory_space<hbm>> -> memref<32x768xf32, #tpu.memory_space<hbm>>
    tpu.wait_dma2 semaphore(%arg16 : memref<!tpu.dma_semaphore, #tpu.memory_space<semaphore_mem>>) src(%arg8 : memref<32x768xf32, #tpu.memory_space<vmem>>) dst(%dma_wait3A_114 : memref<32x768xf32, #tpu.memory_space<hbm>>)
    %dma_start3A_115 = arith.constant 6 : i32
    %dma_start3A_116 = arith.constant 0 : i32
    %dma_start3A_117 = tpu.memref_slice %arg5[%dma_start3A_115, %dma_start3A_116] : memref<8x32xi32, #tpu.memory_space<vmem>> -> memref<1x32xi32, #tpu.memory_space<vmem>>
    %dma_start3A_118 = tpu.memref_squeeze %dma_start3A_117 : memref<1x32xi32, #tpu.memory_space<vmem>> -> memref<32xi32, #tpu.memory_space<vmem>>
    %dma_start3A_119 = arith.constant 0 : i32
    %dma_start3A_120 = arith.constant 0 : i32
    %dma_start3A_121 = tpu.memref_slice %arg3[%dma_start3A_119, %dma_start3A_120] : memref<46166x768xf32, #tpu.memory_space<hbm>> -> memref<46166x768xf32, #tpu.memory_space<hbm>>
    tpu.enqueue_indirect_dma source(%dma_start3A_121 : memref<46166x768xf32, #tpu.memory_space<hbm>>) target(%arg8 : memref<32x768xf32, #tpu.memory_space<vmem>>) offsets(%dma_start3A_118 : memref<32xi32, #tpu.memory_space<vmem>>) semaphore(%arg12 : memref<!tpu.dma_semaphore, #tpu.memory_space<semaphore_mem>>)
    %dma_wait3A_122 = arith.constant 4 : i32
    %dma_wait3A_123 = arith.constant 0 : i32
    %dma_wait3A_124 = tpu.memref_slice %arg5[%dma_wait3A_122, %dma_wait3A_123] : memref<8x32xi32, #tpu.memory_space<vmem>> -> memref<1x32xi32, #tpu.memory_space<vmem>>
    %dma_wait3A_125 = tpu.memref_squeeze %dma_wait3A_124 : memref<1x32xi32, #tpu.memory_space<vmem>> -> memref<32xi32, #tpu.memory_space<vmem>>
    %dma_wait3A_126 = arith.constant 0 : i32
    %dma_wait3A_127 = arith.constant 0 : i32
    %dma_wait3A_128 = tpu.memref_slice %arg3[%dma_wait3A_126, %dma_wait3A_127] : memref<46166x768xf32, #tpu.memory_space<hbm>> -> memref<46166x768xf32, #tpu.memory_space<hbm>>
    tpu.wait_indirect_dma semaphore(%arg10 : memref<!tpu.dma_semaphore, #tpu.memory_space<semaphore_mem>>) src(%dma_wait3A_128 : memref<46166x768xf32, #tpu.memory_space<hbm>>) dst(%arg6 : memref<32x768xf32, #tpu.memory_space<vmem>>)
    %add3A_129 = arith.constant 4 : i32
    %add3A_130 = arith.addi %mul3A_2, %add3A_129 : i32
    %mul3A_131 = arith.constant 32 : i32
    %mul3A_132 = arith.muli %add3A_130, %mul3A_131 : i32
    %dma_start3A_133 = arith.constant 0 : i32
    %dma_start3A_134 = tpu.memref_slice %arg4[%mul3A_132, %dma_start3A_133] : memref<8192x768xf32, #tpu.memory_space<hbm>> -> memref<32x768xf32, #tpu.memory_space<hbm>>
    %dma_start3A_135 = arith.constant 0 : i32
    %dma_start3A_136 = tpu.memref_slice %arg4[%mul3A_132, %dma_start3A_135] : memref<8192x768xf32, #tpu.memory_space<hbm>> -> memref<32x768xf32, #tpu.memory_space<hbm>>
    tpu.enqueue_dma source(%arg6 : memref<32x768xf32, #tpu.memory_space<vmem>>) target(%dma_start3A_136 : memref<32x768xf32, #tpu.memory_space<hbm>>) target_semaphore(%arg14 : memref<!tpu.dma_semaphore, #tpu.memory_space<semaphore_mem>>)
    %dma_wait3A_137 = arith.constant 0 : i32
    %dma_wait3A_138 = tpu.memref_slice %arg4[%mul3A_106, %dma_wait3A_137] : memref<8192x768xf32, #tpu.memory_space<hbm>> -> memref<32x768xf32, #tpu.memory_space<hbm>>
    %dma_wait3A_139 = arith.constant 0 : i32
    %dma_wait3A_140 = tpu.memref_slice %arg4[%mul3A_106, %dma_wait3A_139] : memref<8192x768xf32, #tpu.memory_space<hbm>> -> memref<32x768xf32, #tpu.memory_space<hbm>>
    tpu.wait_dma2 semaphore(%arg17 : memref<!tpu.dma_semaphore, #tpu.memory_space<semaphore_mem>>) src(%arg9 : memref<32x768xf32, #tpu.memory_space<vmem>>) dst(%dma_wait3A_140 : memref<32x768xf32, #tpu.memory_space<hbm>>)
    %dma_start3A_141 = arith.constant 7 : i32
    %dma_start3A_142 = arith.constant 0 : i32
    %dma_start3A_143 = tpu.memref_slice %arg5[%dma_start3A_141, %dma_start3A_142] : memref<8x32xi32, #tpu.memory_space<vmem>> -> memref<1x32xi32, #tpu.memory_space<vmem>>
    %dma_start3A_144 = tpu.memref_squeeze %dma_start3A_143 : memref<1x32xi32, #tpu.memory_space<vmem>> -> memref<32xi32, #tpu.memory_space<vmem>>
    %dma_start3A_145 = arith.constant 0 : i32
    %dma_start3A_146 = arith.constant 0 : i32
    %dma_start3A_147 = tpu.memref_slice %arg3[%dma_start3A_145, %dma_start3A_146] : memref<46166x768xf32, #tpu.memory_space<hbm>> -> memref<46166x768xf32, #tpu.memory_space<hbm>>
    tpu.enqueue_indirect_dma source(%dma_start3A_147 : memref<46166x768xf32, #tpu.memory_space<hbm>>) target(%arg9 : memref<32x768xf32, #tpu.memory_space<vmem>>) offsets(%dma_start3A_144 : memref<32xi32, #tpu.memory_space<vmem>>) semaphore(%arg13 : memref<!tpu.dma_semaphore, #tpu.memory_space<semaphore_mem>>)
    %dma_wait3A_148 = arith.constant 5 : i32
    %dma_wait3A_149 = arith.constant 0 : i32
    %dma_wait3A_150 = tpu.memref_slice %arg5[%dma_wait3A_148, %dma_wait3A_149] : memref<8x32xi32, #tpu.memory_space<vmem>> -> memref<1x32xi32, #tpu.memory_space<vmem>>
    %dma_wait3A_151 = tpu.memref_squeeze %dma_wait3A_150 : memref<1x32xi32, #tpu.memory_space<vmem>> -> memref<32xi32, #tpu.memory_space<vmem>>
    %dma_wait3A_152 = arith.constant 0 : i32
    %dma_wait3A_153 = arith.constant 0 : i32
    %dma_wait3A_154 = tpu.memref_slice %arg3[%dma_wait3A_152, %dma_wait3A_153] : memref<46166x768xf32, #tpu.memory_space<hbm>> -> memref<46166x768xf32, #tpu.memory_space<hbm>>
    tpu.wait_indirect_dma semaphore(%arg11 : memref<!tpu.dma_semaphore, #tpu.memory_space<semaphore_mem>>) src(%dma_wait3A_154 : memref<46166x768xf32, #tpu.memory_space<hbm>>) dst(%arg7 : memref<32x768xf32, #tpu.memory_space<vmem>>)
    %add3A_155 = arith.constant 5 : i32
    %add3A_156 = arith.addi %mul3A_2, %add3A_155 : i32
    %mul3A_157 = arith.constant 32 : i32
    %mul3A_158 = arith.muli %add3A_156, %mul3A_157 : i32
    %dma_start3A_159 = arith.constant 0 : i32
    %dma_start3A_160 = tpu.memref_slice %arg4[%mul3A_158, %dma_start3A_159] : memref<8192x768xf32, #tpu.memory_space<hbm>> -> memref<32x768xf32, #tpu.memory_space<hbm>>
    %dma_start3A_161 = arith.constant 0 : i32
    %dma_start3A_162 = tpu.memref_slice %arg4[%mul3A_158, %dma_start3A_161] : memref<8192x768xf32, #tpu.memory_space<hbm>> -> memref<32x768xf32, #tpu.memory_space<hbm>>
    tpu.enqueue_dma source(%arg7 : memref<32x768xf32, #tpu.memory_space<vmem>>) target(%dma_start3A_162 : memref<32x768xf32, #tpu.memory_space<hbm>>) target_semaphore(%arg15 : memref<!tpu.dma_semaphore, #tpu.memory_space<semaphore_mem>>)
    %dma_wait3A_163 = arith.constant 6 : i32
    %dma_wait3A_164 = arith.constant 0 : i32
    %dma_wait3A_165 = tpu.memref_slice %arg5[%dma_wait3A_163, %dma_wait3A_164] : memref<8x32xi32, #tpu.memory_space<vmem>> -> memref<1x32xi32, #tpu.memory_space<vmem>>
    %dma_wait3A_166 = tpu.memref_squeeze %dma_wait3A_165 : memref<1x32xi32, #tpu.memory_space<vmem>> -> memref<32xi32, #tpu.memory_space<vmem>>
    %dma_wait3A_167 = arith.constant 0 : i32
    %dma_wait3A_168 = arith.constant 0 : i32
    %dma_wait3A_169 = tpu.memref_slice %arg3[%dma_wait3A_167, %dma_wait3A_168] : memref<46166x768xf32, #tpu.memory_space<hbm>> -> memref<46166x768xf32, #tpu.memory_space<hbm>>
    tpu.wait_indirect_dma semaphore(%arg12 : memref<!tpu.dma_semaphore, #tpu.memory_space<semaphore_mem>>) src(%dma_wait3A_169 : memref<46166x768xf32, #tpu.memory_space<hbm>>) dst(%arg8 : memref<32x768xf32, #tpu.memory_space<vmem>>)
    %add3A_170 = arith.constant 6 : i32
    %add3A_171 = arith.addi %mul3A_2, %add3A_170 : i32
    %mul3A_172 = arith.constant 32 : i32
    %mul3A_173 = arith.muli %add3A_171, %mul3A_172 : i32
    %dma_start3A_174 = arith.constant 0 : i32
    %dma_start3A_175 = tpu.memref_slice %arg4[%mul3A_173, %dma_start3A_174] : memref<8192x768xf32, #tpu.memory_space<hbm>> -> memref<32x768xf32, #tpu.memory_space<hbm>>
    %dma_start3A_176 = arith.constant 0 : i32
    %dma_start3A_177 = tpu.memref_slice %arg4[%mul3A_173, %dma_start3A_176] : memref<8192x768xf32, #tpu.memory_space<hbm>> -> memref<32x768xf32, #tpu.memory_space<hbm>>
    tpu.enqueue_dma source(%arg8 : memref<32x768xf32, #tpu.memory_space<vmem>>) target(%dma_start3A_177 : memref<32x768xf32, #tpu.memory_space<hbm>>) target_semaphore(%arg16 : memref<!tpu.dma_semaphore, #tpu.memory_space<semaphore_mem>>)
    %dma_wait3A_178 = arith.constant 7 : i32
    %dma_wait3A_179 = arith.constant 0 : i32
    %dma_wait3A_180 = tpu.memref_slice %arg5[%dma_wait3A_178, %dma_wait3A_179] : memref<8x32xi32, #tpu.memory_space<vmem>> -> memref<1x32xi32, #tpu.memory_space<vmem>>
    %dma_wait3A_181 = tpu.memref_squeeze %dma_wait3A_180 : memref<1x32xi32, #tpu.memory_space<vmem>> -> memref<32xi32, #tpu.memory_space<vmem>>
    %dma_wait3A_182 = arith.constant 0 : i32
    %dma_wait3A_183 = arith.constant 0 : i32
    %dma_wait3A_184 = tpu.memref_slice %arg3[%dma_wait3A_182, %dma_wait3A_183] : memref<46166x768xf32, #tpu.memory_space<hbm>> -> memref<46166x768xf32, #tpu.memory_space<hbm>>
    tpu.wait_indirect_dma semaphore(%arg13 : memref<!tpu.dma_semaphore, #tpu.memory_space<semaphore_mem>>) src(%dma_wait3A_184 : memref<46166x768xf32, #tpu.memory_space<hbm>>) dst(%arg9 : memref<32x768xf32, #tpu.memory_space<vmem>>)
    %add3A_185 = arith.constant 7 : i32
    %add3A_186 = arith.addi %mul3A_2, %add3A_185 : i32
    %mul3A_187 = arith.constant 32 : i32
    %mul3A_188 = arith.muli %add3A_186, %mul3A_187 : i32
    %dma_start3A_189 = arith.constant 0 : i32
    %dma_start3A_190 = tpu.memref_slice %arg4[%mul3A_188, %dma_start3A_189] : memref<8192x768xf32, #tpu.memory_space<hbm>> -> memref<32x768xf32, #tpu.memory_space<hbm>>
    %dma_start3A_191 = arith.constant 0 : i32
    %dma_start3A_192 = tpu.memref_slice %arg4[%mul3A_188, %dma_start3A_191] : memref<8192x768xf32, #tpu.memory_space<hbm>> -> memref<32x768xf32, #tpu.memory_space<hbm>>
    tpu.enqueue_dma source(%arg9 : memref<32x768xf32, #tpu.memory_space<vmem>>) target(%dma_start3A_192 : memref<32x768xf32, #tpu.memory_space<hbm>>) target_semaphore(%arg17 : memref<!tpu.dma_semaphore, #tpu.memory_space<semaphore_mem>>)
    %dma_wait3A_193 = arith.constant 0 : i32
    %dma_wait3A_194 = tpu.memref_slice %arg4[%mul3A_132, %dma_wait3A_193] : memref<8192x768xf32, #tpu.memory_space<hbm>> -> memref<32x768xf32, #tpu.memory_space<hbm>>
    %dma_wait3A_195 = arith.constant 0 : i32
    %dma_wait3A_196 = tpu.memref_slice %arg4[%mul3A_132, %dma_wait3A_195] : memref<8192x768xf32, #tpu.memory_space<hbm>> -> memref<32x768xf32, #tpu.memory_space<hbm>>
    tpu.wait_dma2 semaphore(%arg14 : memref<!tpu.dma_semaphore, #tpu.memory_space<semaphore_mem>>) src(%arg6 : memref<32x768xf32, #tpu.memory_space<vmem>>) dst(%dma_wait3A_196 : memref<32x768xf32, #tpu.memory_space<hbm>>)
    %dma_wait3A_197 = arith.constant 0 : i32
    %dma_wait3A_198 = tpu.memref_slice %arg4[%mul3A_158, %dma_wait3A_197] : memref<8192x768xf32, #tpu.memory_space<hbm>> -> memref<32x768xf32, #tpu.memory_space<hbm>>
    %dma_wait3A_199 = arith.constant 0 : i32
    %dma_wait3A_200 = tpu.memref_slice %arg4[%mul3A_158, %dma_wait3A_199] : memref<8192x768xf32, #tpu.memory_space<hbm>> -> memref<32x768xf32, #tpu.memory_space<hbm>>
    tpu.wait_dma2 semaphore(%arg15 : memref<!tpu.dma_semaphore, #tpu.memory_space<semaphore_mem>>) src(%arg7 : memref<32x768xf32, #tpu.memory_space<vmem>>) dst(%dma_wait3A_200 : memref<32x768xf32, #tpu.memory_space<hbm>>)
    %dma_wait3A_201 = arith.constant 0 : i32
    %dma_wait3A_202 = tpu.memref_slice %arg4[%mul3A_173, %dma_wait3A_201] : memref<8192x768xf32, #tpu.memory_space<hbm>> -> memref<32x768xf32, #tpu.memory_space<hbm>>
    %dma_wait3A_203 = arith.constant 0 : i32
    %dma_wait3A_204 = tpu.memref_slice %arg4[%mul3A_173, %dma_wait3A_203] : memref<8192x768xf32, #tpu.memory_space<hbm>> -> memref<32x768xf32, #tpu.memory_space<hbm>>
    tpu.wait_dma2 semaphore(%arg16 : memref<!tpu.dma_semaphore, #tpu.memory_space<semaphore_mem>>) src(%arg8 : memref<32x768xf32, #tpu.memory_space<vmem>>) dst(%dma_wait3A_204 : memref<32x768xf32, #tpu.memory_space<hbm>>)
    %dma_wait3A_205 = arith.constant 0 : i32
    %dma_wait3A_206 = tpu.memref_slice %arg4[%mul3A_188, %dma_wait3A_205] : memref<8192x768xf32, #tpu.memory_space<hbm>> -> memref<32x768xf32, #tpu.memory_space<hbm>>
    %dma_wait3A_207 = arith.constant 0 : i32
    %dma_wait3A_208 = tpu.memref_slice %arg4[%mul3A_188, %dma_wait3A_207] : memref<8192x768xf32, #tpu.memory_space<hbm>> -> memref<32x768xf32, #tpu.memory_space<hbm>>
    tpu.wait_dma2 semaphore(%arg17 : memref<!tpu.dma_semaphore, #tpu.memory_space<semaphore_mem>>) src(%arg9 : memref<32x768xf32, #tpu.memory_space<vmem>>) dst(%dma_wait3A_208 : memref<32x768xf32, #tpu.memory_space<hbm>>)
    return
  }
}

#map = affine_map<(d0, d1) -> (0, 0)>
module attributes {stable_mosaic.version = 14 : i64} {
  func.func @k(%arg0: i32, %arg1: i32, %arg2: memref<256x32xi32, #tpu.memory_space<hbm>>, %arg3: memref<46166x768xf32, #tpu.memory_space<hbm>>, %arg4: memref<8192x768xf32, #tpu.memory_space<hbm>>, %arg5: memref<8x32xi32, #tpu.memory_space<vmem>>, %arg6: memref<32x768xf32, #tpu.memory_space<vmem>>, %arg7: memref<32x768xf32, #tpu.memory_space<vmem>>, %arg8: memref<32x768xf32, #tpu.memory_space<vmem>>, %arg9: memref<32x768xf32, #tpu.memory_space<vmem>>, %arg10: memref<!tpu.dma_semaphore, #tpu.memory_space<semaphore_mem>>, %arg11: memref<!tpu.dma_semaphore, #tpu.memory_space<semaphore_mem>>, %arg12: memref<!tpu.dma_semaphore, #tpu.memory_space<semaphore_mem>>, %arg13: memref<!tpu.dma_semaphore, #tpu.memory_space<semaphore_mem>>, %arg14: memref<!tpu.dma_semaphore, #tpu.memory_space<semaphore_mem>>, %arg15: memref<!tpu.dma_semaphore, #tpu.memory_space<semaphore_mem>>, %arg16: memref<!tpu.dma_semaphore, #tpu.memory_space<semaphore_mem>>, %arg17: memref<!tpu.dma_semaphore, #tpu.memory_space<semaphore_mem>>) attributes {dimension_semantics = [#tpu.dimension_semantics<core_parallel>, #tpu.dimension_semantics<subcore_parallel>], iteration_bounds = array<i64: 2, 16>, scalar_prefetch = 0 : i64, scratch_operands = 13 : i64, tpu.core_type = #tpu.core_type<sc_vector_subcore>, window_params = [{transform_indices = #map}, {transform_indices = #map}, {transform_indices = #map}]} {
    %mul3A = arith.constant 2 : i32
    %mul3A_0 = arith.muli %arg1, %mul3A : i32
    %add3A = arith.addi %mul3A_0, %arg0 : i32
    %mul3A_1 = arith.constant 8 : i32
    %mul3A_2 = arith.muli %add3A, %mul3A_1 : i32
    "tpu.region"() ({
      %run_scoped3A = tpu.sem_alloc : memref<!tpu.dma_semaphore, #tpu.memory_space<semaphore_mem>>
      %dma_start3A_209 = arith.constant 0 : i32
      %dma_start3A_210 = tpu.memref_slice %arg2[%mul3A_2, %dma_start3A_209] : memref<256x32xi32, #tpu.memory_space<hbm>> -> memref<8x32xi32, #tpu.memory_space<hbm>>
      %dma_start3A_211 = arith.constant 0 : i32
      %dma_start3A_212 = tpu.memref_slice %arg2[%mul3A_2, %dma_start3A_211] : memref<256x32xi32, #tpu.memory_space<hbm>> -> memref<8x32xi32, #tpu.memory_space<hbm>>
      tpu.enqueue_dma source(%dma_start3A_212 : memref<8x32xi32, #tpu.memory_space<hbm>>) target(%arg5 : memref<8x32xi32, #tpu.memory_space<vmem>>) target_semaphore(%run_scoped3A : memref<!tpu.dma_semaphore, #tpu.memory_space<semaphore_mem>>)
      %dma_wait3A_213 = arith.constant 0 : i32
      %dma_wait3A_214 = tpu.memref_slice %arg2[%mul3A_2, %dma_wait3A_213] : memref<256x32xi32, #tpu.memory_space<hbm>> -> memref<8x32xi32, #tpu.memory_space<hbm>>
      %dma_wait3A_215 = arith.constant 0 : i32
      %dma_wait3A_216 = tpu.memref_slice %arg2[%mul3A_2, %dma_wait3A_215] : memref<256x32xi32, #tpu.memory_space<hbm>> -> memref<8x32xi32, #tpu.memory_space<hbm>>
      tpu.wait_dma2 semaphore(%run_scoped3A : memref<!tpu.dma_semaphore, #tpu.memory_space<semaphore_mem>>) src(%dma_wait3A_216 : memref<8x32xi32, #tpu.memory_space<hbm>>) dst(%arg5 : memref<8x32xi32, #tpu.memory_space<vmem>>)
      tpu.yield
    }) : () -> ()
    %dma_start3A = arith.constant 0 : i32
    %dma_start3A_3 = arith.constant 0 : i32
    %dma_start3A_4 = tpu.memref_slice %arg5[%dma_start3A, %dma_start3A_3] : memref<8x32xi32, #tpu.memory_space<vmem>> -> memref<1x32xi32, #tpu.memory_space<vmem>>
    %dma_start3A_5 = tpu.memref_squeeze %dma_start3A_4 : memref<1x32xi32, #tpu.memory_space<vmem>> -> memref<32xi32, #tpu.memory_space<vmem>>
    %dma_start3A_6 = arith.constant 0 : i32
    %dma_start3A_7 = arith.constant 0 : i32
    %dma_start3A_8 = tpu.memref_slice %arg3[%dma_start3A_6, %dma_start3A_7] : memref<46166x768xf32, #tpu.memory_space<hbm>> -> memref<46166x768xf32, #tpu.memory_space<hbm>>
    tpu.enqueue_indirect_dma source(%dma_start3A_8 : memref<46166x768xf32, #tpu.memory_space<hbm>>) target(%arg6 : memref<32x768xf32, #tpu.memory_space<vmem>>) offsets(%dma_start3A_5 : memref<32xi32, #tpu.memory_space<vmem>>) semaphore(%arg10 : memref<!tpu.dma_semaphore, #tpu.memory_space<semaphore_mem>>)
    %dma_start3A_9 = arith.constant 1 : i32
    %dma_start3A_10 = arith.constant 0 : i32
    %dma_start3A_11 = tpu.memref_slice %arg5[%dma_start3A_9, %dma_start3A_10] : memref<8x32xi32, #tpu.memory_space<vmem>> -> memref<1x32xi32, #tpu.memory_space<vmem>>
    %dma_start3A_12 = tpu.memref_squeeze %dma_start3A_11 : memref<1x32xi32, #tpu.memory_space<vmem>> -> memref<32xi32, #tpu.memory_space<vmem>>
    %dma_start3A_13 = arith.constant 0 : i32
    %dma_start3A_14 = arith.constant 0 : i32
    %dma_start3A_15 = tpu.memref_slice %arg3[%dma_start3A_13, %dma_start3A_14] : memref<46166x768xf32, #tpu.memory_space<hbm>> -> memref<46166x768xf32, #tpu.memory_space<hbm>>
    tpu.enqueue_indirect_dma source(%dma_start3A_15 : memref<46166x768xf32, #tpu.memory_space<hbm>>) target(%arg7 : memref<32x768xf32, #tpu.memory_space<vmem>>) offsets(%dma_start3A_12 : memref<32xi32, #tpu.memory_space<vmem>>) semaphore(%arg11 : memref<!tpu.dma_semaphore, #tpu.memory_space<semaphore_mem>>)
    %dma_start3A_16 = arith.constant 2 : i32
    %dma_start3A_17 = arith.constant 0 : i32
    %dma_start3A_18 = tpu.memref_slice %arg5[%dma_start3A_16, %dma_start3A_17] : memref<8x32xi32, #tpu.memory_space<vmem>> -> memref<1x32xi32, #tpu.memory_space<vmem>>
    %dma_start3A_19 = tpu.memref_squeeze %dma_start3A_18 : memref<1x32xi32, #tpu.memory_space<vmem>> -> memref<32xi32, #tpu.memory_space<vmem>>
    %dma_start3A_20 = arith.constant 0 : i32
    %dma_start3A_21 = arith.constant 0 : i32
    %dma_start3A_22 = tpu.memref_slice %arg3[%dma_start3A_20, %dma_start3A_21] : memref<46166x768xf32, #tpu.memory_space<hbm>> -> memref<46166x768xf32, #tpu.memory_space<hbm>>
    tpu.enqueue_indirect_dma source(%dma_start3A_22 : memref<46166x768xf32, #tpu.memory_space<hbm>>) target(%arg8 : memref<32x768xf32, #tpu.memory_space<vmem>>) offsets(%dma_start3A_19 : memref<32xi32, #tpu.memory_space<vmem>>) semaphore(%arg12 : memref<!tpu.dma_semaphore, #tpu.memory_space<semaphore_mem>>)
    %dma_wait3A = arith.constant 0 : i32
    %dma_wait3A_23 = arith.constant 0 : i32
    %dma_wait3A_24 = tpu.memref_slice %arg5[%dma_wait3A, %dma_wait3A_23] : memref<8x32xi32, #tpu.memory_space<vmem>> -> memref<1x32xi32, #tpu.memory_space<vmem>>
    %dma_wait3A_25 = tpu.memref_squeeze %dma_wait3A_24 : memref<1x32xi32, #tpu.memory_space<vmem>> -> memref<32xi32, #tpu.memory_space<vmem>>
    %dma_wait3A_26 = arith.constant 0 : i32
    %dma_wait3A_27 = arith.constant 0 : i32
    %dma_wait3A_28 = tpu.memref_slice %arg3[%dma_wait3A_26, %dma_wait3A_27] : memref<46166x768xf32, #tpu.memory_space<hbm>> -> memref<46166x768xf32, #tpu.memory_space<hbm>>
    tpu.wait_indirect_dma semaphore(%arg10 : memref<!tpu.dma_semaphore, #tpu.memory_space<semaphore_mem>>) src(%dma_wait3A_28 : memref<46166x768xf32, #tpu.memory_space<hbm>>) dst(%arg6 : memref<32x768xf32, #tpu.memory_space<vmem>>)
    %add3A_29 = arith.constant 0 : i32
    %add3A_30 = arith.addi %mul3A_2, %add3A_29 : i32
    %mul3A_31 = arith.constant 32 : i32
    %mul3A_32 = arith.muli %add3A_30, %mul3A_31 : i32
    %dma_start3A_33 = arith.constant 0 : i32
    %dma_start3A_34 = tpu.memref_slice %arg4[%mul3A_32, %dma_start3A_33] : memref<8192x768xf32, #tpu.memory_space<hbm>> -> memref<32x768xf32, #tpu.memory_space<hbm>>
    %dma_start3A_35 = arith.constant 0 : i32
    %dma_start3A_36 = tpu.memref_slice %arg4[%mul3A_32, %dma_start3A_35] : memref<8192x768xf32, #tpu.memory_space<hbm>> -> memref<32x768xf32, #tpu.memory_space<hbm>>
    tpu.enqueue_dma source(%arg6 : memref<32x768xf32, #tpu.memory_space<vmem>>) target(%dma_start3A_36 : memref<32x768xf32, #tpu.memory_space<hbm>>) target_semaphore(%arg14 : memref<!tpu.dma_semaphore, #tpu.memory_space<semaphore_mem>>)
    %dma_start3A_37 = arith.constant 3 : i32
    %dma_start3A_38 = arith.constant 0 : i32
    %dma_start3A_39 = tpu.memref_slice %arg5[%dma_start3A_37, %dma_start3A_38] : memref<8x32xi32, #tpu.memory_space<vmem>> -> memref<1x32xi32, #tpu.memory_space<vmem>>
    %dma_start3A_40 = tpu.memref_squeeze %dma_start3A_39 : memref<1x32xi32, #tpu.memory_space<vmem>> -> memref<32xi32, #tpu.memory_space<vmem>>
    %dma_start3A_41 = arith.constant 0 : i32
    %dma_start3A_42 = arith.constant 0 : i32
    %dma_start3A_43 = tpu.memref_slice %arg3[%dma_start3A_41, %dma_start3A_42] : memref<46166x768xf32, #tpu.memory_space<hbm>> -> memref<46166x768xf32, #tpu.memory_space<hbm>>
    tpu.enqueue_indirect_dma source(%dma_start3A_43 : memref<46166x768xf32, #tpu.memory_space<hbm>>) target(%arg9 : memref<32x768xf32, #tpu.memory_space<vmem>>) offsets(%dma_start3A_40 : memref<32xi32, #tpu.memory_space<vmem>>) semaphore(%arg13 : memref<!tpu.dma_semaphore, #tpu.memory_space<semaphore_mem>>)
    %dma_wait3A_44 = arith.constant 1 : i32
    %dma_wait3A_45 = arith.constant 0 : i32
    %dma_wait3A_46 = tpu.memref_slice %arg5[%dma_wait3A_44, %dma_wait3A_45] : memref<8x32xi32, #tpu.memory_space<vmem>> -> memref<1x32xi32, #tpu.memory_space<vmem>>
    %dma_wait3A_47 = tpu.memref_squeeze %dma_wait3A_46 : memref<1x32xi32, #tpu.memory_space<vmem>> -> memref<32xi32, #tpu.memory_space<vmem>>
    %dma_wait3A_48 = arith.constant 0 : i32
    %dma_wait3A_49 = arith.constant 0 : i32
    %dma_wait3A_50 = tpu.memref_slice %arg3[%dma_wait3A_48, %dma_wait3A_49] : memref<46166x768xf32, #tpu.memory_space<hbm>> -> memref<46166x768xf32, #tpu.memory_space<hbm>>
    tpu.wait_indirect_dma semaphore(%arg11 : memref<!tpu.dma_semaphore, #tpu.memory_space<semaphore_mem>>) src(%dma_wait3A_50 : memref<46166x768xf32, #tpu.memory_space<hbm>>) dst(%arg7 : memref<32x768xf32, #tpu.memory_space<vmem>>)
    %add3A_51 = arith.constant 1 : i32
    %add3A_52 = arith.addi %mul3A_2, %add3A_51 : i32
    %mul3A_53 = arith.constant 32 : i32
    %mul3A_54 = arith.muli %add3A_52, %mul3A_53 : i32
    %dma_start3A_55 = arith.constant 0 : i32
    %dma_start3A_56 = tpu.memref_slice %arg4[%mul3A_54, %dma_start3A_55] : memref<8192x768xf32, #tpu.memory_space<hbm>> -> memref<32x768xf32, #tpu.memory_space<hbm>>
    %dma_start3A_57 = arith.constant 0 : i32
    %dma_start3A_58 = tpu.memref_slice %arg4[%mul3A_54, %dma_start3A_57] : memref<8192x768xf32, #tpu.memory_space<hbm>> -> memref<32x768xf32, #tpu.memory_space<hbm>>
    tpu.enqueue_dma source(%arg7 : memref<32x768xf32, #tpu.memory_space<vmem>>) target(%dma_start3A_58 : memref<32x768xf32, #tpu.memory_space<hbm>>) target_semaphore(%arg15 : memref<!tpu.dma_semaphore, #tpu.memory_space<semaphore_mem>>)
    %dma_wait3A_59 = arith.constant 0 : i32
    %dma_wait3A_60 = tpu.memref_slice %arg4[%mul3A_32, %dma_wait3A_59] : memref<8192x768xf32, #tpu.memory_space<hbm>> -> memref<32x768xf32, #tpu.memory_space<hbm>>
    %dma_wait3A_61 = arith.constant 0 : i32
    %dma_wait3A_62 = tpu.memref_slice %arg4[%mul3A_32, %dma_wait3A_61] : memref<8192x768xf32, #tpu.memory_space<hbm>> -> memref<32x768xf32, #tpu.memory_space<hbm>>
    tpu.wait_dma2 semaphore(%arg14 : memref<!tpu.dma_semaphore, #tpu.memory_space<semaphore_mem>>) src(%arg6 : memref<32x768xf32, #tpu.memory_space<vmem>>) dst(%dma_wait3A_62 : memref<32x768xf32, #tpu.memory_space<hbm>>)
    %dma_start3A_63 = arith.constant 4 : i32
    %dma_start3A_64 = arith.constant 0 : i32
    %dma_start3A_65 = tpu.memref_slice %arg5[%dma_start3A_63, %dma_start3A_64] : memref<8x32xi32, #tpu.memory_space<vmem>> -> memref<1x32xi32, #tpu.memory_space<vmem>>
    %dma_start3A_66 = tpu.memref_squeeze %dma_start3A_65 : memref<1x32xi32, #tpu.memory_space<vmem>> -> memref<32xi32, #tpu.memory_space<vmem>>
    %dma_start3A_67 = arith.constant 0 : i32
    %dma_start3A_68 = arith.constant 0 : i32
    %dma_start3A_69 = tpu.memref_slice %arg3[%dma_start3A_67, %dma_start3A_68] : memref<46166x768xf32, #tpu.memory_space<hbm>> -> memref<46166x768xf32, #tpu.memory_space<hbm>>
    tpu.enqueue_indirect_dma source(%dma_start3A_69 : memref<46166x768xf32, #tpu.memory_space<hbm>>) target(%arg6 : memref<32x768xf32, #tpu.memory_space<vmem>>) offsets(%dma_start3A_66 : memref<32xi32, #tpu.memory_space<vmem>>) semaphore(%arg10 : memref<!tpu.dma_semaphore, #tpu.memory_space<semaphore_mem>>)
    %dma_wait3A_70 = arith.constant 2 : i32
    %dma_wait3A_71 = arith.constant 0 : i32
    %dma_wait3A_72 = tpu.memref_slice %arg5[%dma_wait3A_70, %dma_wait3A_71] : memref<8x32xi32, #tpu.memory_space<vmem>> -> memref<1x32xi32, #tpu.memory_space<vmem>>
    %dma_wait3A_73 = tpu.memref_squeeze %dma_wait3A_72 : memref<1x32xi32, #tpu.memory_space<vmem>> -> memref<32xi32, #tpu.memory_space<vmem>>
    %dma_wait3A_74 = arith.constant 0 : i32
    %dma_wait3A_75 = arith.constant 0 : i32
    %dma_wait3A_76 = tpu.memref_slice %arg3[%dma_wait3A_74, %dma_wait3A_75] : memref<46166x768xf32, #tpu.memory_space<hbm>> -> memref<46166x768xf32, #tpu.memory_space<hbm>>
    tpu.wait_indirect_dma semaphore(%arg12 : memref<!tpu.dma_semaphore, #tpu.memory_space<semaphore_mem>>) src(%dma_wait3A_76 : memref<46166x768xf32, #tpu.memory_space<hbm>>) dst(%arg8 : memref<32x768xf32, #tpu.memory_space<vmem>>)
    %add3A_77 = arith.constant 2 : i32
    %add3A_78 = arith.addi %mul3A_2, %add3A_77 : i32
    %mul3A_79 = arith.constant 32 : i32
    %mul3A_80 = arith.muli %add3A_78, %mul3A_79 : i32
    %dma_start3A_81 = arith.constant 0 : i32
    %dma_start3A_82 = tpu.memref_slice %arg4[%mul3A_80, %dma_start3A_81] : memref<8192x768xf32, #tpu.memory_space<hbm>> -> memref<32x768xf32, #tpu.memory_space<hbm>>
    %dma_start3A_83 = arith.constant 0 : i32
    %dma_start3A_84 = tpu.memref_slice %arg4[%mul3A_80, %dma_start3A_83] : memref<8192x768xf32, #tpu.memory_space<hbm>> -> memref<32x768xf32, #tpu.memory_space<hbm>>
    tpu.enqueue_dma source(%arg8 : memref<32x768xf32, #tpu.memory_space<vmem>>) target(%dma_start3A_84 : memref<32x768xf32, #tpu.memory_space<hbm>>) target_semaphore(%arg16 : memref<!tpu.dma_semaphore, #tpu.memory_space<semaphore_mem>>)
    %dma_wait3A_85 = arith.constant 0 : i32
    %dma_wait3A_86 = tpu.memref_slice %arg4[%mul3A_54, %dma_wait3A_85] : memref<8192x768xf32, #tpu.memory_space<hbm>> -> memref<32x768xf32, #tpu.memory_space<hbm>>
    %dma_wait3A_87 = arith.constant 0 : i32
    %dma_wait3A_88 = tpu.memref_slice %arg4[%mul3A_54, %dma_wait3A_87] : memref<8192x768xf32, #tpu.memory_space<hbm>> -> memref<32x768xf32, #tpu.memory_space<hbm>>
    tpu.wait_dma2 semaphore(%arg15 : memref<!tpu.dma_semaphore, #tpu.memory_space<semaphore_mem>>) src(%arg7 : memref<32x768xf32, #tpu.memory_space<vmem>>) dst(%dma_wait3A_88 : memref<32x768xf32, #tpu.memory_space<hbm>>)
    %dma_start3A_89 = arith.constant 5 : i32
    %dma_start3A_90 = arith.constant 0 : i32
    %dma_start3A_91 = tpu.memref_slice %arg5[%dma_start3A_89, %dma_start3A_90] : memref<8x32xi32, #tpu.memory_space<vmem>> -> memref<1x32xi32, #tpu.memory_space<vmem>>
    %dma_start3A_92 = tpu.memref_squeeze %dma_start3A_91 : memref<1x32xi32, #tpu.memory_space<vmem>> -> memref<32xi32, #tpu.memory_space<vmem>>
    %dma_start3A_93 = arith.constant 0 : i32
    %dma_start3A_94 = arith.constant 0 : i32
    %dma_start3A_95 = tpu.memref_slice %arg3[%dma_start3A_93, %dma_start3A_94] : memref<46166x768xf32, #tpu.memory_space<hbm>> -> memref<46166x768xf32, #tpu.memory_space<hbm>>
    tpu.enqueue_indirect_dma source(%dma_start3A_95 : memref<46166x768xf32, #tpu.memory_space<hbm>>) target(%arg7 : memref<32x768xf32, #tpu.memory_space<vmem>>) offsets(%dma_start3A_92 : memref<32xi32, #tpu.memory_space<vmem>>) semaphore(%arg11 : memref<!tpu.dma_semaphore, #tpu.memory_space<semaphore_mem>>)
    %dma_wait3A_96 = arith.constant 3 : i32
    %dma_wait3A_97 = arith.constant 0 : i32
    %dma_wait3A_98 = tpu.memref_slice %arg5[%dma_wait3A_96, %dma_wait3A_97] : memref<8x32xi32, #tpu.memory_space<vmem>> -> memref<1x32xi32, #tpu.memory_space<vmem>>
    %dma_wait3A_99 = tpu.memref_squeeze %dma_wait3A_98 : memref<1x32xi32, #tpu.memory_space<vmem>> -> memref<32xi32, #tpu.memory_space<vmem>>
    %dma_wait3A_100 = arith.constant 0 : i32
    %dma_wait3A_101 = arith.constant 0 : i32
    %dma_wait3A_102 = tpu.memref_slice %arg3[%dma_wait3A_100, %dma_wait3A_101] : memref<46166x768xf32, #tpu.memory_space<hbm>> -> memref<46166x768xf32, #tpu.memory_space<hbm>>
    tpu.wait_indirect_dma semaphore(%arg13 : memref<!tpu.dma_semaphore, #tpu.memory_space<semaphore_mem>>) src(%dma_wait3A_102 : memref<46166x768xf32, #tpu.memory_space<hbm>>) dst(%arg9 : memref<32x768xf32, #tpu.memory_space<vmem>>)
    %add3A_103 = arith.constant 3 : i32
    %add3A_104 = arith.addi %mul3A_2, %add3A_103 : i32
    %mul3A_105 = arith.constant 32 : i32
    %mul3A_106 = arith.muli %add3A_104, %mul3A_105 : i32
    %dma_start3A_107 = arith.constant 0 : i32
    %dma_start3A_108 = tpu.memref_slice %arg4[%mul3A_106, %dma_start3A_107] : memref<8192x768xf32, #tpu.memory_space<hbm>> -> memref<32x768xf32, #tpu.memory_space<hbm>>
    %dma_start3A_109 = arith.constant 0 : i32
    %dma_start3A_110 = tpu.memref_slice %arg4[%mul3A_106, %dma_start3A_109] : memref<8192x768xf32, #tpu.memory_space<hbm>> -> memref<32x768xf32, #tpu.memory_space<hbm>>
    tpu.enqueue_dma source(%arg9 : memref<32x768xf32, #tpu.memory_space<vmem>>) target(%dma_start3A_110 : memref<32x768xf32, #tpu.memory_space<hbm>>) target_semaphore(%arg17 : memref<!tpu.dma_semaphore, #tpu.memory_space<semaphore_mem>>)
    %dma_wait3A_111 = arith.constant 0 : i32
    %dma_wait3A_112 = tpu.memref_slice %arg4[%mul3A_80, %dma_wait3A_111] : memref<8192x768xf32, #tpu.memory_space<hbm>> -> memref<32x768xf32, #tpu.memory_space<hbm>>
    %dma_wait3A_113 = arith.constant 0 : i32
    %dma_wait3A_114 = tpu.memref_slice %arg4[%mul3A_80, %dma_wait3A_113] : memref<8192x768xf32, #tpu.memory_space<hbm>> -> memref<32x768xf32, #tpu.memory_space<hbm>>
    tpu.wait_dma2 semaphore(%arg16 : memref<!tpu.dma_semaphore, #tpu.memory_space<semaphore_mem>>) src(%arg8 : memref<32x768xf32, #tpu.memory_space<vmem>>) dst(%dma_wait3A_114 : memref<32x768xf32, #tpu.memory_space<hbm>>)
    %dma_start3A_115 = arith.constant 6 : i32
    %dma_start3A_116 = arith.constant 0 : i32
    %dma_start3A_117 = tpu.memref_slice %arg5[%dma_start3A_115, %dma_start3A_116] : memref<8x32xi32, #tpu.memory_space<vmem>> -> memref<1x32xi32, #tpu.memory_space<vmem>>
    %dma_start3A_118 = tpu.memref_squeeze %dma_start3A_117 : memref<1x32xi32, #tpu.memory_space<vmem>> -> memref<32xi32, #tpu.memory_space<vmem>>
    %dma_start3A_119 = arith.constant 0 : i32
    %dma_start3A_120 = arith.constant 0 : i32
    %dma_start3A_121 = tpu.memref_slice %arg3[%dma_start3A_119, %dma_start3A_120] : memref<46166x768xf32, #tpu.memory_space<hbm>> -> memref<46166x768xf32, #tpu.memory_space<hbm>>
    tpu.enqueue_indirect_dma source(%dma_start3A_121 : memref<46166x768xf32, #tpu.memory_space<hbm>>) target(%arg8 : memref<32x768xf32, #tpu.memory_space<vmem>>) offsets(%dma_start3A_118 : memref<32xi32, #tpu.memory_space<vmem>>) semaphore(%arg12 : memref<!tpu.dma_semaphore, #tpu.memory_space<semaphore_mem>>)
    %dma_wait3A_122 = arith.constant 4 : i32
    %dma_wait3A_123 = arith.constant 0 : i32
    %dma_wait3A_124 = tpu.memref_slice %arg5[%dma_wait3A_122, %dma_wait3A_123] : memref<8x32xi32, #tpu.memory_space<vmem>> -> memref<1x32xi32, #tpu.memory_space<vmem>>
    %dma_wait3A_125 = tpu.memref_squeeze %dma_wait3A_124 : memref<1x32xi32, #tpu.memory_space<vmem>> -> memref<32xi32, #tpu.memory_space<vmem>>
    %dma_wait3A_126 = arith.constant 0 : i32
    %dma_wait3A_127 = arith.constant 0 : i32
    %dma_wait3A_128 = tpu.memref_slice %arg3[%dma_wait3A_126, %dma_wait3A_127] : memref<46166x768xf32, #tpu.memory_space<hbm>> -> memref<46166x768xf32, #tpu.memory_space<hbm>>
    tpu.wait_indirect_dma semaphore(%arg10 : memref<!tpu.dma_semaphore, #tpu.memory_space<semaphore_mem>>) src(%dma_wait3A_128 : memref<46166x768xf32, #tpu.memory_space<hbm>>) dst(%arg6 : memref<32x768xf32, #tpu.memory_space<vmem>>)
    %add3A_129 = arith.constant 4 : i32
    %add3A_130 = arith.addi %mul3A_2, %add3A_129 : i32
    %mul3A_131 = arith.constant 32 : i32
    %mul3A_132 = arith.muli %add3A_130, %mul3A_131 : i32
    %dma_start3A_133 = arith.constant 0 : i32
    %dma_start3A_134 = tpu.memref_slice %arg4[%mul3A_132, %dma_start3A_133] : memref<8192x768xf32, #tpu.memory_space<hbm>> -> memref<32x768xf32, #tpu.memory_space<hbm>>
    %dma_start3A_135 = arith.constant 0 : i32
    %dma_start3A_136 = tpu.memref_slice %arg4[%mul3A_132, %dma_start3A_135] : memref<8192x768xf32, #tpu.memory_space<hbm>> -> memref<32x768xf32, #tpu.memory_space<hbm>>
    tpu.enqueue_dma source(%arg6 : memref<32x768xf32, #tpu.memory_space<vmem>>) target(%dma_start3A_136 : memref<32x768xf32, #tpu.memory_space<hbm>>) target_semaphore(%arg14 : memref<!tpu.dma_semaphore, #tpu.memory_space<semaphore_mem>>)
    %dma_wait3A_137 = arith.constant 0 : i32
    %dma_wait3A_138 = tpu.memref_slice %arg4[%mul3A_106, %dma_wait3A_137] : memref<8192x768xf32, #tpu.memory_space<hbm>> -> memref<32x768xf32, #tpu.memory_space<hbm>>
    %dma_wait3A_139 = arith.constant 0 : i32
    %dma_wait3A_140 = tpu.memref_slice %arg4[%mul3A_106, %dma_wait3A_139] : memref<8192x768xf32, #tpu.memory_space<hbm>> -> memref<32x768xf32, #tpu.memory_space<hbm>>
    tpu.wait_dma2 semaphore(%arg17 : memref<!tpu.dma_semaphore, #tpu.memory_space<semaphore_mem>>) src(%arg9 : memref<32x768xf32, #tpu.memory_space<vmem>>) dst(%dma_wait3A_140 : memref<32x768xf32, #tpu.memory_space<hbm>>)
    %dma_start3A_141 = arith.constant 7 : i32
    %dma_start3A_142 = arith.constant 0 : i32
    %dma_start3A_143 = tpu.memref_slice %arg5[%dma_start3A_141, %dma_start3A_142] : memref<8x32xi32, #tpu.memory_space<vmem>> -> memref<1x32xi32, #tpu.memory_space<vmem>>
    %dma_start3A_144 = tpu.memref_squeeze %dma_start3A_143 : memref<1x32xi32, #tpu.memory_space<vmem>> -> memref<32xi32, #tpu.memory_space<vmem>>
    %dma_start3A_145 = arith.constant 0 : i32
    %dma_start3A_146 = arith.constant 0 : i32
    %dma_start3A_147 = tpu.memref_slice %arg3[%dma_start3A_145, %dma_start3A_146] : memref<46166x768xf32, #tpu.memory_space<hbm>> -> memref<46166x768xf32, #tpu.memory_space<hbm>>
    tpu.enqueue_indirect_dma source(%dma_start3A_147 : memref<46166x768xf32, #tpu.memory_space<hbm>>) target(%arg9 : memref<32x768xf32, #tpu.memory_space<vmem>>) offsets(%dma_start3A_144 : memref<32xi32, #tpu.memory_space<vmem>>) semaphore(%arg13 : memref<!tpu.dma_semaphore, #tpu.memory_space<semaphore_mem>>)
    %dma_wait3A_148 = arith.constant 5 : i32
    %dma_wait3A_149 = arith.constant 0 : i32
    %dma_wait3A_150 = tpu.memref_slice %arg5[%dma_wait3A_148, %dma_wait3A_149] : memref<8x32xi32, #tpu.memory_space<vmem>> -> memref<1x32xi32, #tpu.memory_space<vmem>>
    %dma_wait3A_151 = tpu.memref_squeeze %dma_wait3A_150 : memref<1x32xi32, #tpu.memory_space<vmem>> -> memref<32xi32, #tpu.memory_space<vmem>>
    %dma_wait3A_152 = arith.constant 0 : i32
    %dma_wait3A_153 = arith.constant 0 : i32
    %dma_wait3A_154 = tpu.memref_slice %arg3[%dma_wait3A_152, %dma_wait3A_153] : memref<46166x768xf32, #tpu.memory_space<hbm>> -> memref<46166x768xf32, #tpu.memory_space<hbm>>
    tpu.wait_indirect_dma semaphore(%arg11 : memref<!tpu.dma_semaphore, #tpu.memory_space<semaphore_mem>>) src(%dma_wait3A_154 : memref<46166x768xf32, #tpu.memory_space<hbm>>) dst(%arg7 : memref<32x768xf32, #tpu.memory_space<vmem>>)
    %add3A_155 = arith.constant 5 : i32
    %add3A_156 = arith.addi %mul3A_2, %add3A_155 : i32
    %mul3A_157 = arith.constant 32 : i32
    %mul3A_158 = arith.muli %add3A_156, %mul3A_157 : i32
    %dma_start3A_159 = arith.constant 0 : i32
    %dma_start3A_160 = tpu.memref_slice %arg4[%mul3A_158, %dma_start3A_159] : memref<8192x768xf32, #tpu.memory_space<hbm>> -> memref<32x768xf32, #tpu.memory_space<hbm>>
    %dma_start3A_161 = arith.constant 0 : i32
    %dma_start3A_162 = tpu.memref_slice %arg4[%mul3A_158, %dma_start3A_161] : memref<8192x768xf32, #tpu.memory_space<hbm>> -> memref<32x768xf32, #tpu.memory_space<hbm>>
    tpu.enqueue_dma source(%arg7 : memref<32x768xf32, #tpu.memory_space<vmem>>) target(%dma_start3A_162 : memref<32x768xf32, #tpu.memory_space<hbm>>) target_semaphore(%arg15 : memref<!tpu.dma_semaphore, #tpu.memory_space<semaphore_mem>>)
    %dma_wait3A_163 = arith.constant 6 : i32
    %dma_wait3A_164 = arith.constant 0 : i32
    %dma_wait3A_165 = tpu.memref_slice %arg5[%dma_wait3A_163, %dma_wait3A_164] : memref<8x32xi32, #tpu.memory_space<vmem>> -> memref<1x32xi32, #tpu.memory_space<vmem>>
    %dma_wait3A_166 = tpu.memref_squeeze %dma_wait3A_165 : memref<1x32xi32, #tpu.memory_space<vmem>> -> memref<32xi32, #tpu.memory_space<vmem>>
    %dma_wait3A_167 = arith.constant 0 : i32
    %dma_wait3A_168 = arith.constant 0 : i32
    %dma_wait3A_169 = tpu.memref_slice %arg3[%dma_wait3A_167, %dma_wait3A_168] : memref<46166x768xf32, #tpu.memory_space<hbm>> -> memref<46166x768xf32, #tpu.memory_space<hbm>>
    tpu.wait_indirect_dma semaphore(%arg12 : memref<!tpu.dma_semaphore, #tpu.memory_space<semaphore_mem>>) src(%dma_wait3A_169 : memref<46166x768xf32, #tpu.memory_space<hbm>>) dst(%arg8 : memref<32x768xf32, #tpu.memory_space<vmem>>)
    %add3A_170 = arith.constant 6 : i32
    %add3A_171 = arith.addi %mul3A_2, %add3A_170 : i32
    %mul3A_172 = arith.constant 32 : i32
    %mul3A_173 = arith.muli %add3A_171, %mul3A_172 : i32
    %dma_start3A_174 = arith.constant 0 : i32
    %dma_start3A_175 = tpu.memref_slice %arg4[%mul3A_173, %dma_start3A_174] : memref<8192x768xf32, #tpu.memory_space<hbm>> -> memref<32x768xf32, #tpu.memory_space<hbm>>
    %dma_start3A_176 = arith.constant 0 : i32
    %dma_start3A_177 = tpu.memref_slice %arg4[%mul3A_173, %dma_start3A_176] : memref<8192x768xf32, #tpu.memory_space<hbm>> -> memref<32x768xf32, #tpu.memory_space<hbm>>
    tpu.enqueue_dma source(%arg8 : memref<32x768xf32, #tpu.memory_space<vmem>>) target(%dma_start3A_177 : memref<32x768xf32, #tpu.memory_space<hbm>>) target_semaphore(%arg16 : memref<!tpu.dma_semaphore, #tpu.memory_space<semaphore_mem>>)
    %dma_wait3A_178 = arith.constant 7 : i32
    %dma_wait3A_179 = arith.constant 0 : i32
    %dma_wait3A_180 = tpu.memref_slice %arg5[%dma_wait3A_178, %dma_wait3A_179] : memref<8x32xi32, #tpu.memory_space<vmem>> -> memref<1x32xi32, #tpu.memory_space<vmem>>
    %dma_wait3A_181 = tpu.memref_squeeze %dma_wait3A_180 : memref<1x32xi32, #tpu.memory_space<vmem>> -> memref<32xi32, #tpu.memory_space<vmem>>
    %dma_wait3A_182 = arith.constant 0 : i32
    %dma_wait3A_183 = arith.constant 0 : i32
    %dma_wait3A_184 = tpu.memref_slice %arg3[%dma_wait3A_182, %dma_wait3A_183] : memref<46166x768xf32, #tpu.memory_space<hbm>> -> memref<46166x768xf32, #tpu.memory_space<hbm>>
    tpu.wait_indirect_dma semaphore(%arg13 : memref<!tpu.dma_semaphore, #tpu.memory_space<semaphore_mem>>) src(%dma_wait3A_184 : memref<46166x768xf32, #tpu.memory_space<hbm>>) dst(%arg9 : memref<32x768xf32, #tpu.memory_space<vmem>>)
    %add3A_185 = arith.constant 7 : i32
    %add3A_186 = arith.addi %mul3A_2, %add3A_185 : i32
    %mul3A_187 = arith.constant 32 : i32
    %mul3A_188 = arith.muli %add3A_186, %mul3A_187 : i32
    %dma_start3A_189 = arith.constant 0 : i32
    %dma_start3A_190 = tpu.memref_slice %arg4[%mul3A_188, %dma_start3A_189] : memref<8192x768xf32, #tpu.memory_space<hbm>> -> memref<32x768xf32, #tpu.memory_space<hbm>>
    %dma_start3A_191 = arith.constant 0 : i32
    %dma_start3A_192 = tpu.memref_slice %arg4[%mul3A_188, %dma_start3A_191] : memref<8192x768xf32, #tpu.memory_space<hbm>> -> memref<32x768xf32, #tpu.memory_space<hbm>>
    tpu.enqueue_dma source(%arg9 : memref<32x768xf32, #tpu.memory_space<vmem>>) target(%dma_start3A_192 : memref<32x768xf32, #tpu.memory_space<hbm>>) target_semaphore(%arg17 : memref<!tpu.dma_semaphore, #tpu.memory_space<semaphore_mem>>)
    %dma_wait3A_193 = arith.constant 0 : i32
    %dma_wait3A_194 = tpu.memref_slice %arg4[%mul3A_132, %dma_wait3A_193] : memref<8192x768xf32, #tpu.memory_space<hbm>> -> memref<32x768xf32, #tpu.memory_space<hbm>>
    %dma_wait3A_195 = arith.constant 0 : i32
    %dma_wait3A_196 = tpu.memref_slice %arg4[%mul3A_132, %dma_wait3A_195] : memref<8192x768xf32, #tpu.memory_space<hbm>> -> memref<32x768xf32, #tpu.memory_space<hbm>>
    tpu.wait_dma2 semaphore(%arg14 : memref<!tpu.dma_semaphore, #tpu.memory_space<semaphore_mem>>) src(%arg6 : memref<32x768xf32, #tpu.memory_space<vmem>>) dst(%dma_wait3A_196 : memref<32x768xf32, #tpu.memory_space<hbm>>)
    %dma_wait3A_197 = arith.constant 0 : i32
    %dma_wait3A_198 = tpu.memref_slice %arg4[%mul3A_158, %dma_wait3A_197] : memref<8192x768xf32, #tpu.memory_space<hbm>> -> memref<32x768xf32, #tpu.memory_space<hbm>>
    %dma_wait3A_199 = arith.constant 0 : i32
    %dma_wait3A_200 = tpu.memref_slice %arg4[%mul3A_158, %dma_wait3A_199] : memref<8192x768xf32, #tpu.memory_space<hbm>> -> memref<32x768xf32, #tpu.memory_space<hbm>>
    tpu.wait_dma2 semaphore(%arg15 : memref<!tpu.dma_semaphore, #tpu.memory_space<semaphore_mem>>) src(%arg7 : memref<32x768xf32, #tpu.memory_space<vmem>>) dst(%dma_wait3A_200 : memref<32x768xf32, #tpu.memory_space<hbm>>)
    %dma_wait3A_201 = arith.constant 0 : i32
    %dma_wait3A_202 = tpu.memref_slice %arg4[%mul3A_173, %dma_wait3A_201] : memref<8192x768xf32, #tpu.memory_space<hbm>> -> memref<32x768xf32, #tpu.memory_space<hbm>>
    %dma_wait3A_203 = arith.constant 0 : i32
    %dma_wait3A_204 = tpu.memref_slice %arg4[%mul3A_173, %dma_wait3A_203] : memref<8192x768xf32, #tpu.memory_space<hbm>> -> memref<32x768xf32, #tpu.memory_space<hbm>>
    tpu.wait_dma2 semaphore(%arg16 : memref<!tpu.dma_semaphore, #tpu.memory_space<semaphore_mem>>) src(%arg8 : memref<32x768xf32, #tpu.memory_space<vmem>>) dst(%dma_wait3A_204 : memref<32x768xf32, #tpu.memory_space<hbm>>)
    %dma_wait3A_205 = arith.constant 0 : i32
    %dma_wait3A_206 = tpu.memref_slice %arg4[%mul3A_188, %dma_wait3A_205] : memref<8192x768xf32, #tpu.memory_space<hbm>> -> memref<32x768xf32, #tpu.memory_space<hbm>>
    %dma_wait3A_207 = arith.constant 0 : i32
    %dma_wait3A_208 = tpu.memref_slice %arg4[%mul3A_188, %dma_wait3A_207] : memref<8192x768xf32, #tpu.memory_space<hbm>> -> memref<32x768xf32, #tpu.memory_space<hbm>>
    tpu.wait_dma2 semaphore(%arg17 : memref<!tpu.dma_semaphore, #tpu.memory_space<semaphore_mem>>) src(%arg9 : memref<32x768xf32, #tpu.memory_space<vmem>>) dst(%dma_wait3A_208 : memref<32x768xf32, #tpu.memory_space<hbm>>)
    return
  }
}

module attributes {stable_mosaic.version = 14 : i64} {
  func.func @_ln_body(%arg0: i32, %arg1: i32, %arg2: memref<2048x768xf32, #tpu.memory_space<vmem>>, %arg3: memref<2048x768xf32, #tpu.memory_space<vmem>>, %arg4: memref<1x768xf32, #tpu.memory_space<vmem>>, %arg5: memref<1x768xf32, #tpu.memory_space<vmem>>, %arg6: memref<1x768xf32, #tpu.memory_space<vmem>>, %arg7: memref<2048x768xf32, #tpu.memory_space<vmem>>) attributes {dimension_semantics = [#tpu.dimension_semantics<arbitrary>, #tpu.dimension_semantics<arbitrary>], iteration_bounds = array<i64: 1, 4>, scalar_prefetch = 0 : i64, scratch_operands = 0 : i64, tpu.core_type = #tpu.core_type<tc>, window_params = [{transform_indices = @transform_0, window_bounds = array<i64: 2048, 768>}, {transform_indices = @transform_1, window_bounds = array<i64: 2048, 768>}, {pipeline_mode = #tpu.pipeline_mode<synchronous>, transform_indices = @transform_2, window_bounds = array<i64: 1, 768>}, {pipeline_mode = #tpu.pipeline_mode<synchronous>, transform_indices = @transform_3, window_bounds = array<i64: 1, 768>}, {pipeline_mode = #tpu.pipeline_mode<synchronous>, transform_indices = @transform_4, window_bounds = array<i64: 1, 768>}, {transform_indices = @transform_5, window_bounds = array<i64: 2048, 768>}]} {
    %get3A = arith.constant 0 : index
    %get3A_0 = arith.constant 0 : index
    %get3A_1 = vector.load %arg2[%get3A, %get3A_0] : memref<2048x768xf32, #tpu.memory_space<vmem>>, vector<2048x768xf32>
    %get3A_2 = arith.constant 0 : index
    %get3A_3 = arith.constant 0 : index
    %get3A_4 = vector.load %arg3[%get3A_2, %get3A_3] : memref<2048x768xf32, #tpu.memory_space<vmem>>, vector<2048x768xf32>
    %add3A = arith.addf %get3A_1, %get3A_4 : vector<2048x768xf32>
    %get3A_5 = arith.constant 0 : index
    %get3A_6 = arith.constant 0 : index
    %get3A_7 = vector.load %arg4[%get3A_5, %get3A_6] : memref<1x768xf32, #tpu.memory_space<vmem>>, vector<1x768xf32>
    %add3A_8 = vector.broadcast %get3A_7 : vector<1x768xf32> to vector<2048x768xf32>
    %add3A_9 = arith.addf %add3A, %add3A_8 : vector<2048x768xf32>
    %reduce_sum3A = arith.constant dense<0.000000e+00> : vector<2048xf32>
    %reduce_sum3A_10 = vector.multi_reduction <add>, %add3A_9, %reduce_sum3A [1] : vector<2048x768xf32> to vector<2048xf32>
    %broadcast_in_dim3A = vector.shape_cast %reduce_sum3A_10 : vector<2048xf32> to vector<2048x1xf32>
    %div3A = arith.constant 7.680000e+02 : f32
    %div3A_11 = vector.broadcast %div3A : f32 to vector<2048x1xf32>
    %div3A_12 = arith.divf %broadcast_in_dim3A, %div3A_11 : vector<2048x1xf32>
    %sub3A = vector.broadcast %div3A_12 : vector<2048x1xf32> to vector<2048x768xf32>
    %sub3A_13 = arith.subf %add3A_9, %sub3A : vector<2048x768xf32>
    %mul3A = arith.mulf %sub3A_13, %sub3A_13 : vector<2048x768xf32>
    %reduce_sum3A_14 = arith.constant dense<0.000000e+00> : vector<2048xf32>
    %reduce_sum3A_15 = vector.multi_reduction <add>, %mul3A, %reduce_sum3A_14 [1] : vector<2048x768xf32> to vector<2048xf32>
    %broadcast_in_dim3A_16 = vector.shape_cast %reduce_sum3A_15 : vector<2048xf32> to vector<2048x1xf32>
    %div3A_17 = arith.constant 7.680000e+02 : f32
    %div3A_18 = vector.broadcast %div3A_17 : f32 to vector<2048x1xf32>
    %div3A_19 = arith.divf %broadcast_in_dim3A_16, %div3A_18 : vector<2048x1xf32>
    %add3A_20 = arith.constant 9.99999974E-6 : f32
    %add3A_21 = vector.broadcast %add3A_20 : f32 to vector<2048x1xf32>
    %add3A_22 = arith.addf %div3A_19, %add3A_21 : vector<2048x1xf32>
    %rsqrt3A = math.rsqrt %add3A_22 : vector<2048x1xf32>
    %mul3A_23 = vector.broadcast %rsqrt3A : vector<2048x1xf32> to vector<2048x768xf32>
    %mul3A_24 = arith.mulf %sub3A_13, %mul3A_23 : vector<2048x768xf32>
    %get3A_25 = arith.constant 0 : index
    %get3A_26 = arith.constant 0 : index
    %get3A_27 = vector.load %arg5[%get3A_25, %get3A_26] : memref<1x768xf32, #tpu.memory_space<vmem>>, vector<1x768xf32>
    %mul3A_28 = vector.broadcast %get3A_27 : vector<1x768xf32> to vector<2048x768xf32>
    %mul3A_29 = arith.mulf %mul3A_24, %mul3A_28 : vector<2048x768xf32>
    %get3A_30 = arith.constant 0 : index
    %get3A_31 = arith.constant 0 : index
    %get3A_32 = vector.load %arg6[%get3A_30, %get3A_31] : memref<1x768xf32, #tpu.memory_space<vmem>>, vector<1x768xf32>
    %add3A_33 = vector.broadcast %get3A_32 : vector<1x768xf32> to vector<2048x768xf32>
    %add3A_34 = arith.addf %mul3A_29, %add3A_33 : vector<2048x768xf32>
    %swap3A = arith.constant 0 : index
    %swap3A_35 = arith.constant 0 : index
    %swap3A_36 = vector.load %arg7[%swap3A, %swap3A_35] : memref<2048x768xf32, #tpu.memory_space<vmem>>, vector<2048x768xf32>
    tpu.vector_store %arg7[%swap3A, %swap3A_35], %add3A_34 {strides = array<i32>} : memref<2048x768xf32, #tpu.memory_space<vmem>>, vector<2048x768xf32>,
    return
  }
  func.func @transform_0(%arg0: i32, %arg1: i32) -> (i32, i32) {
    %mul3A = arith.constant 1 : i32
    %mul3A_0 = arith.muli %arg1, %mul3A : i32
    %add3A = arith.addi %mul3A_0, %arg0 : i32
    %c0_i32 = arith.constant 0 : i32
    %c0_i32_1 = arith.constant 0 : i32
    return %add3A, %c0_i32 : i32, i32
  }
  func.func @transform_1(%arg0: i32, %arg1: i32) -> (i32, i32) {
    %c0_i32 = arith.constant 0 : i32
    %c0_i32_0 = arith.constant 0 : i32
    return %arg0, %c0_i32 : i32, i32
  }
  func.func @transform_2(%arg0: i32, %arg1: i32) -> (i32, i32) {
    %c0_i32 = arith.constant 0 : i32
    %c0_i32_0 = arith.constant 0 : i32
    %c0_i32_1 = arith.constant 0 : i32
    return %c0_i32, %c0_i32_0 : i32, i32
  }
  func.func @transform_3(%arg0: i32, %arg1: i32) -> (i32, i32) {
    %c0_i32 = arith.constant 0 : i32
    %c0_i32_0 = arith.constant 0 : i32
    %c0_i32_1 = arith.constant 0 : i32
    return %c0_i32, %c0_i32_0 : i32, i32
  }
  func.func @transform_4(%arg0: i32, %arg1: i32) -> (i32, i32) {
    %c0_i32 = arith.constant 0 : i32
    %c0_i32_0 = arith.constant 0 : i32
    %c0_i32_1 = arith.constant 0 : i32
    return %c0_i32, %c0_i32_0 : i32, i32
  }
  func.func @transform_5(%arg0: i32, %arg1: i32) -> (i32, i32) {
    %mul3A = arith.constant 4 : i32
    %mul3A_0 = arith.muli %arg1, %mul3A : i32
    %add3A = arith.constant 0 : i32
    %add3A_1 = arith.addi %mul3A_0, %add3A : i32
    %add3A_2 = arith.addi %add3A_1, %arg0 : i32
    %c0_i32 = arith.constant 0 : i32
    %c0_i32_3 = arith.constant 0 : i32
    return %add3A_2, %c0_i32 : i32, i32
  }
}

module attributes {stable_mosaic.version = 14 : i64} {
  func.func @_ln_body(%arg0: i32, %arg1: i32, %arg2: memref<2048x768xf32, #tpu.memory_space<vmem>>, %arg3: memref<2048x768xf32, #tpu.memory_space<vmem>>, %arg4: memref<1x768xf32, #tpu.memory_space<vmem>>, %arg5: memref<1x768xf32, #tpu.memory_space<vmem>>, %arg6: memref<1x768xf32, #tpu.memory_space<vmem>>, %arg7: memref<32768x768xf32, #tpu.memory_space<any>>, %arg8: memref<2048x768xf32, #tpu.memory_space<vmem>>) attributes {dimension_semantics = [#tpu.dimension_semantics<arbitrary>, #tpu.dimension_semantics<arbitrary>], iteration_bounds = array<i64: 1, 4>, scalar_prefetch = 0 : i64, scratch_operands = 0 : i64, tpu.core_type = #tpu.core_type<tc>, window_params = [{transform_indices = @transform_0, window_bounds = array<i64: 2048, 768>}, {transform_indices = @transform_1, window_bounds = array<i64: 2048, 768>}, {pipeline_mode = #tpu.pipeline_mode<synchronous>, transform_indices = @transform_2, window_bounds = array<i64: 1, 768>}, {pipeline_mode = #tpu.pipeline_mode<synchronous>, transform_indices = @transform_3, window_bounds = array<i64: 1, 768>}, {pipeline_mode = #tpu.pipeline_mode<synchronous>, transform_indices = @transform_4, window_bounds = array<i64: 1, 768>}, {}, {transform_indices = @transform_6, window_bounds = array<i64: 2048, 768>}]} {
    %get3A = arith.constant 0 : index
    %get3A_0 = arith.constant 0 : index
    %get3A_1 = vector.load %arg2[%get3A, %get3A_0] : memref<2048x768xf32, #tpu.memory_space<vmem>>, vector<2048x768xf32>
    %get3A_2 = arith.constant 0 : index
    %get3A_3 = arith.constant 0 : index
    %get3A_4 = vector.load %arg3[%get3A_2, %get3A_3] : memref<2048x768xf32, #tpu.memory_space<vmem>>, vector<2048x768xf32>
    %add3A = arith.addf %get3A_1, %get3A_4 : vector<2048x768xf32>
    %get3A_5 = arith.constant 0 : index
    %get3A_6 = arith.constant 0 : index
    %get3A_7 = vector.load %arg4[%get3A_5, %get3A_6] : memref<1x768xf32, #tpu.memory_space<vmem>>, vector<1x768xf32>
    %add3A_8 = vector.broadcast %get3A_7 : vector<1x768xf32> to vector<2048x768xf32>
    %add3A_9 = arith.addf %add3A, %add3A_8 : vector<2048x768xf32>
    %reduce_sum3A = arith.constant dense<0.000000e+00> : vector<2048xf32>
    %reduce_sum3A_10 = vector.multi_reduction <add>, %add3A_9, %reduce_sum3A [1] : vector<2048x768xf32> to vector<2048xf32>
    %broadcast_in_dim3A = vector.shape_cast %reduce_sum3A_10 : vector<2048xf32> to vector<2048x1xf32>
    %div3A = arith.constant 7.680000e+02 : f32
    %div3A_11 = vector.broadcast %div3A : f32 to vector<2048x1xf32>
    %div3A_12 = arith.divf %broadcast_in_dim3A, %div3A_11 : vector<2048x1xf32>
    %sub3A = vector.broadcast %div3A_12 : vector<2048x1xf32> to vector<2048x768xf32>
    %sub3A_13 = arith.subf %add3A_9, %sub3A : vector<2048x768xf32>
    %mul3A = arith.mulf %sub3A_13, %sub3A_13 : vector<2048x768xf32>
    %reduce_sum3A_14 = arith.constant dense<0.000000e+00> : vector<2048xf32>
    %reduce_sum3A_15 = vector.multi_reduction <add>, %mul3A, %reduce_sum3A_14 [1] : vector<2048x768xf32> to vector<2048xf32>
    %broadcast_in_dim3A_16 = vector.shape_cast %reduce_sum3A_15 : vector<2048xf32> to vector<2048x1xf32>
    %div3A_17 = arith.constant 7.680000e+02 : f32
    %div3A_18 = vector.broadcast %div3A_17 : f32 to vector<2048x1xf32>
    %div3A_19 = arith.divf %broadcast_in_dim3A_16, %div3A_18 : vector<2048x1xf32>
    %add3A_20 = arith.constant 9.99999974E-6 : f32
    %add3A_21 = vector.broadcast %add3A_20 : f32 to vector<2048x1xf32>
    %add3A_22 = arith.addf %div3A_19, %add3A_21 : vector<2048x1xf32>
    %rsqrt3A = math.rsqrt %add3A_22 : vector<2048x1xf32>
    %mul3A_23 = vector.broadcast %rsqrt3A : vector<2048x1xf32> to vector<2048x768xf32>
    %mul3A_24 = arith.mulf %sub3A_13, %mul3A_23 : vector<2048x768xf32>
    %get3A_25 = arith.constant 0 : index
    %get3A_26 = arith.constant 0 : index
    %get3A_27 = vector.load %arg5[%get3A_25, %get3A_26] : memref<1x768xf32, #tpu.memory_space<vmem>>, vector<1x768xf32>
    %mul3A_28 = vector.broadcast %get3A_27 : vector<1x768xf32> to vector<2048x768xf32>
    %mul3A_29 = arith.mulf %mul3A_24, %mul3A_28 : vector<2048x768xf32>
    %get3A_30 = arith.constant 0 : index
    %get3A_31 = arith.constant 0 : index
    %get3A_32 = vector.load %arg6[%get3A_30, %get3A_31] : memref<1x768xf32, #tpu.memory_space<vmem>>, vector<1x768xf32>
    %add3A_33 = vector.broadcast %get3A_32 : vector<1x768xf32> to vector<2048x768xf32>
    %add3A_34 = arith.addf %mul3A_29, %add3A_33 : vector<2048x768xf32>
    %swap3A = arith.constant 0 : index
    %swap3A_35 = arith.constant 0 : index
    %swap3A_36 = vector.load %arg8[%swap3A, %swap3A_35] : memref<2048x768xf32, #tpu.memory_space<vmem>>, vector<2048x768xf32>
    tpu.vector_store %arg8[%swap3A, %swap3A_35], %add3A_34 {strides = array<i32>} : memref<2048x768xf32, #tpu.memory_space<vmem>>, vector<2048x768xf32>,
    return
  }
  func.func @transform_0(%arg0: i32, %arg1: i32) -> (i32, i32) {
    %mul3A = arith.constant 1 : i32
    %mul3A_0 = arith.muli %arg1, %mul3A : i32
    %add3A = arith.addi %mul3A_0, %arg0 : i32
    %c0_i32 = arith.constant 0 : i32
    %c0_i32_1 = arith.constant 0 : i32
    return %add3A, %c0_i32 : i32, i32
  }
  func.func @transform_1(%arg0: i32, %arg1: i32) -> (i32, i32) {
    %c0_i32 = arith.constant 0 : i32
    %c0_i32_0 = arith.constant 0 : i32
    return %arg0, %c0_i32 : i32, i32
  }
  func.func @transform_2(%arg0: i32, %arg1: i32) -> (i32, i32) {
    %c0_i32 = arith.constant 0 : i32
    %c0_i32_0 = arith.constant 0 : i32
    %c0_i32_1 = arith.constant 0 : i32
    return %c0_i32, %c0_i32_0 : i32, i32
  }
  func.func @transform_3(%arg0: i32, %arg1: i32) -> (i32, i32) {
    %c0_i32 = arith.constant 0 : i32
    %c0_i32_0 = arith.constant 0 : i32
    %c0_i32_1 = arith.constant 0 : i32
    return %c0_i32, %c0_i32_0 : i32, i32
  }
  func.func @transform_4(%arg0: i32, %arg1: i32) -> (i32, i32) {
    %c0_i32 = arith.constant 0 : i32
    %c0_i32_0 = arith.constant 0 : i32
    %c0_i32_1 = arith.constant 0 : i32
    return %c0_i32, %c0_i32_0 : i32, i32
  }
  func.func @transform_6(%arg0: i32, %arg1: i32) -> (i32, i32) {
    %mul3A = arith.constant 4 : i32
    %mul3A_0 = arith.muli %arg1, %mul3A : i32
    %add3A = arith.constant 1 : i32
    %add3A_1 = arith.addi %mul3A_0, %add3A : i32
    %add3A_2 = arith.addi %add3A_1, %arg0 : i32
    %c0_i32 = arith.constant 0 : i32
    %c0_i32_3 = arith.constant 0 : i32
    return %add3A_2, %c0_i32 : i32, i32
  }
}

module attributes {stable_mosaic.version = 14 : i64} {
  func.func @_ln_body(%arg0: i32, %arg1: i32, %arg2: memref<2048x768xf32, #tpu.memory_space<vmem>>, %arg3: memref<2048x768xf32, #tpu.memory_space<vmem>>, %arg4: memref<1x768xf32, #tpu.memory_space<vmem>>, %arg5: memref<1x768xf32, #tpu.memory_space<vmem>>, %arg6: memref<1x768xf32, #tpu.memory_space<vmem>>, %arg7: memref<32768x768xf32, #tpu.memory_space<any>>, %arg8: memref<2048x768xf32, #tpu.memory_space<vmem>>) attributes {dimension_semantics = [#tpu.dimension_semantics<arbitrary>, #tpu.dimension_semantics<arbitrary>], iteration_bounds = array<i64: 1, 4>, scalar_prefetch = 0 : i64, scratch_operands = 0 : i64, tpu.core_type = #tpu.core_type<tc>, window_params = [{transform_indices = @transform_0, window_bounds = array<i64: 2048, 768>}, {transform_indices = @transform_1, window_bounds = array<i64: 2048, 768>}, {pipeline_mode = #tpu.pipeline_mode<synchronous>, transform_indices = @transform_2, window_bounds = array<i64: 1, 768>}, {pipeline_mode = #tpu.pipeline_mode<synchronous>, transform_indices = @transform_3, window_bounds = array<i64: 1, 768>}, {pipeline_mode = #tpu.pipeline_mode<synchronous>, transform_indices = @transform_4, window_bounds = array<i64: 1, 768>}, {}, {transform_indices = @transform_6, window_bounds = array<i64: 2048, 768>}]} {
    %get3A = arith.constant 0 : index
    %get3A_0 = arith.constant 0 : index
    %get3A_1 = vector.load %arg2[%get3A, %get3A_0] : memref<2048x768xf32, #tpu.memory_space<vmem>>, vector<2048x768xf32>
    %get3A_2 = arith.constant 0 : index
    %get3A_3 = arith.constant 0 : index
    %get3A_4 = vector.load %arg3[%get3A_2, %get3A_3] : memref<2048x768xf32, #tpu.memory_space<vmem>>, vector<2048x768xf32>
    %add3A = arith.addf %get3A_1, %get3A_4 : vector<2048x768xf32>
    %get3A_5 = arith.constant 0 : index
    %get3A_6 = arith.constant 0 : index
    %get3A_7 = vector.load %arg4[%get3A_5, %get3A_6] : memref<1x768xf32, #tpu.memory_space<vmem>>, vector<1x768xf32>
    %add3A_8 = vector.broadcast %get3A_7 : vector<1x768xf32> to vector<2048x768xf32>
    %add3A_9 = arith.addf %add3A, %add3A_8 : vector<2048x768xf32>
    %reduce_sum3A = arith.constant dense<0.000000e+00> : vector<2048xf32>
    %reduce_sum3A_10 = vector.multi_reduction <add>, %add3A_9, %reduce_sum3A [1] : vector<2048x768xf32> to vector<2048xf32>
    %broadcast_in_dim3A = vector.shape_cast %reduce_sum3A_10 : vector<2048xf32> to vector<2048x1xf32>
    %div3A = arith.constant 7.680000e+02 : f32
    %div3A_11 = vector.broadcast %div3A : f32 to vector<2048x1xf32>
    %div3A_12 = arith.divf %broadcast_in_dim3A, %div3A_11 : vector<2048x1xf32>
    %sub3A = vector.broadcast %div3A_12 : vector<2048x1xf32> to vector<2048x768xf32>
    %sub3A_13 = arith.subf %add3A_9, %sub3A : vector<2048x768xf32>
    %mul3A = arith.mulf %sub3A_13, %sub3A_13 : vector<2048x768xf32>
    %reduce_sum3A_14 = arith.constant dense<0.000000e+00> : vector<2048xf32>
    %reduce_sum3A_15 = vector.multi_reduction <add>, %mul3A, %reduce_sum3A_14 [1] : vector<2048x768xf32> to vector<2048xf32>
    %broadcast_in_dim3A_16 = vector.shape_cast %reduce_sum3A_15 : vector<2048xf32> to vector<2048x1xf32>
    %div3A_17 = arith.constant 7.680000e+02 : f32
    %div3A_18 = vector.broadcast %div3A_17 : f32 to vector<2048x1xf32>
    %div3A_19 = arith.divf %broadcast_in_dim3A_16, %div3A_18 : vector<2048x1xf32>
    %add3A_20 = arith.constant 9.99999974E-6 : f32
    %add3A_21 = vector.broadcast %add3A_20 : f32 to vector<2048x1xf32>
    %add3A_22 = arith.addf %div3A_19, %add3A_21 : vector<2048x1xf32>
    %rsqrt3A = math.rsqrt %add3A_22 : vector<2048x1xf32>
    %mul3A_23 = vector.broadcast %rsqrt3A : vector<2048x1xf32> to vector<2048x768xf32>
    %mul3A_24 = arith.mulf %sub3A_13, %mul3A_23 : vector<2048x768xf32>
    %get3A_25 = arith.constant 0 : index
    %get3A_26 = arith.constant 0 : index
    %get3A_27 = vector.load %arg5[%get3A_25, %get3A_26] : memref<1x768xf32, #tpu.memory_space<vmem>>, vector<1x768xf32>
    %mul3A_28 = vector.broadcast %get3A_27 : vector<1x768xf32> to vector<2048x768xf32>
    %mul3A_29 = arith.mulf %mul3A_24, %mul3A_28 : vector<2048x768xf32>
    %get3A_30 = arith.constant 0 : index
    %get3A_31 = arith.constant 0 : index
    %get3A_32 = vector.load %arg6[%get3A_30, %get3A_31] : memref<1x768xf32, #tpu.memory_space<vmem>>, vector<1x768xf32>
    %add3A_33 = vector.broadcast %get3A_32 : vector<1x768xf32> to vector<2048x768xf32>
    %add3A_34 = arith.addf %mul3A_29, %add3A_33 : vector<2048x768xf32>
    %swap3A = arith.constant 0 : index
    %swap3A_35 = arith.constant 0 : index
    %swap3A_36 = vector.load %arg8[%swap3A, %swap3A_35] : memref<2048x768xf32, #tpu.memory_space<vmem>>, vector<2048x768xf32>
    tpu.vector_store %arg8[%swap3A, %swap3A_35], %add3A_34 {strides = array<i32>} : memref<2048x768xf32, #tpu.memory_space<vmem>>, vector<2048x768xf32>,
    return
  }
  func.func @transform_0(%arg0: i32, %arg1: i32) -> (i32, i32) {
    %mul3A = arith.constant 1 : i32
    %mul3A_0 = arith.muli %arg1, %mul3A : i32
    %add3A = arith.addi %mul3A_0, %arg0 : i32
    %c0_i32 = arith.constant 0 : i32
    %c0_i32_1 = arith.constant 0 : i32
    return %add3A, %c0_i32 : i32, i32
  }
  func.func @transform_1(%arg0: i32, %arg1: i32) -> (i32, i32) {
    %c0_i32 = arith.constant 0 : i32
    %c0_i32_0 = arith.constant 0 : i32
    return %arg0, %c0_i32 : i32, i32
  }
  func.func @transform_2(%arg0: i32, %arg1: i32) -> (i32, i32) {
    %c0_i32 = arith.constant 0 : i32
    %c0_i32_0 = arith.constant 0 : i32
    %c0_i32_1 = arith.constant 0 : i32
    return %c0_i32, %c0_i32_0 : i32, i32
  }
  func.func @transform_3(%arg0: i32, %arg1: i32) -> (i32, i32) {
    %c0_i32 = arith.constant 0 : i32
    %c0_i32_0 = arith.constant 0 : i32
    %c0_i32_1 = arith.constant 0 : i32
    return %c0_i32, %c0_i32_0 : i32, i32
  }
  func.func @transform_4(%arg0: i32, %arg1: i32) -> (i32, i32) {
    %c0_i32 = arith.constant 0 : i32
    %c0_i32_0 = arith.constant 0 : i32
    %c0_i32_1 = arith.constant 0 : i32
    return %c0_i32, %c0_i32_0 : i32, i32
  }
  func.func @transform_6(%arg0: i32, %arg1: i32) -> (i32, i32) {
    %mul3A = arith.constant 4 : i32
    %mul3A_0 = arith.muli %arg1, %mul3A : i32
    %add3A = arith.constant 2 : i32
    %add3A_1 = arith.addi %mul3A_0, %add3A : i32
    %add3A_2 = arith.addi %add3A_1, %arg0 : i32
    %c0_i32 = arith.constant 0 : i32
    %c0_i32_3 = arith.constant 0 : i32
    return %add3A_2, %c0_i32 : i32, i32
  }
}

module attributes {stable_mosaic.version = 14 : i64} {
  func.func @_ln_body(%arg0: i32, %arg1: i32, %arg2: memref<2048x768xf32, #tpu.memory_space<vmem>>, %arg3: memref<2048x768xf32, #tpu.memory_space<vmem>>, %arg4: memref<1x768xf32, #tpu.memory_space<vmem>>, %arg5: memref<1x768xf32, #tpu.memory_space<vmem>>, %arg6: memref<1x768xf32, #tpu.memory_space<vmem>>, %arg7: memref<32768x768xf32, #tpu.memory_space<any>>, %arg8: memref<2048x768xf32, #tpu.memory_space<vmem>>) attributes {dimension_semantics = [#tpu.dimension_semantics<arbitrary>, #tpu.dimension_semantics<arbitrary>], iteration_bounds = array<i64: 1, 4>, scalar_prefetch = 0 : i64, scratch_operands = 0 : i64, tpu.core_type = #tpu.core_type<tc>, window_params = [{transform_indices = @transform_0, window_bounds = array<i64: 2048, 768>}, {transform_indices = @transform_1, window_bounds = array<i64: 2048, 768>}, {pipeline_mode = #tpu.pipeline_mode<synchronous>, transform_indices = @transform_2, window_bounds = array<i64: 1, 768>}, {pipeline_mode = #tpu.pipeline_mode<synchronous>, transform_indices = @transform_3, window_bounds = array<i64: 1, 768>}, {pipeline_mode = #tpu.pipeline_mode<synchronous>, transform_indices = @transform_4, window_bounds = array<i64: 1, 768>}, {}, {transform_indices = @transform_6, window_bounds = array<i64: 2048, 768>}]} {
    %get3A = arith.constant 0 : index
    %get3A_0 = arith.constant 0 : index
    %get3A_1 = vector.load %arg2[%get3A, %get3A_0] : memref<2048x768xf32, #tpu.memory_space<vmem>>, vector<2048x768xf32>
    %get3A_2 = arith.constant 0 : index
    %get3A_3 = arith.constant 0 : index
    %get3A_4 = vector.load %arg3[%get3A_2, %get3A_3] : memref<2048x768xf32, #tpu.memory_space<vmem>>, vector<2048x768xf32>
    %add3A = arith.addf %get3A_1, %get3A_4 : vector<2048x768xf32>
    %get3A_5 = arith.constant 0 : index
    %get3A_6 = arith.constant 0 : index
    %get3A_7 = vector.load %arg4[%get3A_5, %get3A_6] : memref<1x768xf32, #tpu.memory_space<vmem>>, vector<1x768xf32>
    %add3A_8 = vector.broadcast %get3A_7 : vector<1x768xf32> to vector<2048x768xf32>
    %add3A_9 = arith.addf %add3A, %add3A_8 : vector<2048x768xf32>
    %reduce_sum3A = arith.constant dense<0.000000e+00> : vector<2048xf32>
    %reduce_sum3A_10 = vector.multi_reduction <add>, %add3A_9, %reduce_sum3A [1] : vector<2048x768xf32> to vector<2048xf32>
    %broadcast_in_dim3A = vector.shape_cast %reduce_sum3A_10 : vector<2048xf32> to vector<2048x1xf32>
    %div3A = arith.constant 7.680000e+02 : f32
    %div3A_11 = vector.broadcast %div3A : f32 to vector<2048x1xf32>
    %div3A_12 = arith.divf %broadcast_in_dim3A, %div3A_11 : vector<2048x1xf32>
    %sub3A = vector.broadcast %div3A_12 : vector<2048x1xf32> to vector<2048x768xf32>
    %sub3A_13 = arith.subf %add3A_9, %sub3A : vector<2048x768xf32>
    %mul3A = arith.mulf %sub3A_13, %sub3A_13 : vector<2048x768xf32>
    %reduce_sum3A_14 = arith.constant dense<0.000000e+00> : vector<2048xf32>
    %reduce_sum3A_15 = vector.multi_reduction <add>, %mul3A, %reduce_sum3A_14 [1] : vector<2048x768xf32> to vector<2048xf32>
    %broadcast_in_dim3A_16 = vector.shape_cast %reduce_sum3A_15 : vector<2048xf32> to vector<2048x1xf32>
    %div3A_17 = arith.constant 7.680000e+02 : f32
    %div3A_18 = vector.broadcast %div3A_17 : f32 to vector<2048x1xf32>
    %div3A_19 = arith.divf %broadcast_in_dim3A_16, %div3A_18 : vector<2048x1xf32>
    %add3A_20 = arith.constant 9.99999974E-6 : f32
    %add3A_21 = vector.broadcast %add3A_20 : f32 to vector<2048x1xf32>
    %add3A_22 = arith.addf %div3A_19, %add3A_21 : vector<2048x1xf32>
    %rsqrt3A = math.rsqrt %add3A_22 : vector<2048x1xf32>
    %mul3A_23 = vector.broadcast %rsqrt3A : vector<2048x1xf32> to vector<2048x768xf32>
    %mul3A_24 = arith.mulf %sub3A_13, %mul3A_23 : vector<2048x768xf32>
    %get3A_25 = arith.constant 0 : index
    %get3A_26 = arith.constant 0 : index
    %get3A_27 = vector.load %arg5[%get3A_25, %get3A_26] : memref<1x768xf32, #tpu.memory_space<vmem>>, vector<1x768xf32>
    %mul3A_28 = vector.broadcast %get3A_27 : vector<1x768xf32> to vector<2048x768xf32>
    %mul3A_29 = arith.mulf %mul3A_24, %mul3A_28 : vector<2048x768xf32>
    %get3A_30 = arith.constant 0 : index
    %get3A_31 = arith.constant 0 : index
    %get3A_32 = vector.load %arg6[%get3A_30, %get3A_31] : memref<1x768xf32, #tpu.memory_space<vmem>>, vector<1x768xf32>
    %add3A_33 = vector.broadcast %get3A_32 : vector<1x768xf32> to vector<2048x768xf32>
    %add3A_34 = arith.addf %mul3A_29, %add3A_33 : vector<2048x768xf32>
    %swap3A = arith.constant 0 : index
    %swap3A_35 = arith.constant 0 : index
    %swap3A_36 = vector.load %arg8[%swap3A, %swap3A_35] : memref<2048x768xf32, #tpu.memory_space<vmem>>, vector<2048x768xf32>
    tpu.vector_store %arg8[%swap3A, %swap3A_35], %add3A_34 {strides = array<i32>} : memref<2048x768xf32, #tpu.memory_space<vmem>>, vector<2048x768xf32>,
    return
  }
  func.func @transform_0(%arg0: i32, %arg1: i32) -> (i32, i32) {
    %mul3A = arith.constant 1 : i32
    %mul3A_0 = arith.muli %arg1, %mul3A : i32
    %add3A = arith.addi %mul3A_0, %arg0 : i32
    %c0_i32 = arith.constant 0 : i32
    %c0_i32_1 = arith.constant 0 : i32
    return %add3A, %c0_i32 : i32, i32
  }
  func.func @transform_1(%arg0: i32, %arg1: i32) -> (i32, i32) {
    %c0_i32 = arith.constant 0 : i32
    %c0_i32_0 = arith.constant 0 : i32
    return %arg0, %c0_i32 : i32, i32
  }
  func.func @transform_2(%arg0: i32, %arg1: i32) -> (i32, i32) {
    %c0_i32 = arith.constant 0 : i32
    %c0_i32_0 = arith.constant 0 : i32
    %c0_i32_1 = arith.constant 0 : i32
    return %c0_i32, %c0_i32_0 : i32, i32
  }
  func.func @transform_3(%arg0: i32, %arg1: i32) -> (i32, i32) {
    %c0_i32 = arith.constant 0 : i32
    %c0_i32_0 = arith.constant 0 : i32
    %c0_i32_1 = arith.constant 0 : i32
    return %c0_i32, %c0_i32_0 : i32, i32
  }
  func.func @transform_4(%arg0: i32, %arg1: i32) -> (i32, i32) {
    %c0_i32 = arith.constant 0 : i32
    %c0_i32_0 = arith.constant 0 : i32
    %c0_i32_1 = arith.constant 0 : i32
    return %c0_i32, %c0_i32_0 : i32, i32
  }
  func.func @transform_6(%arg0: i32, %arg1: i32) -> (i32, i32) {
    %mul3A = arith.constant 4 : i32
    %mul3A_0 = arith.muli %arg1, %mul3A : i32
    %add3A = arith.constant 3 : i32
    %add3A_1 = arith.addi %mul3A_0, %add3A : i32
    %add3A_2 = arith.addi %add3A_1, %arg0 : i32
    %c0_i32 = arith.constant 0 : i32
    %c0_i32_3 = arith.constant 0 : i32
    return %add3A_2, %c0_i32 : i32, i32
  }
}

</mosaic_0001>

<sc_bundles>
// kernel: kernel.10.cloned.1.call-start
scs
__scs_entry_jumppad:
0x0: {  	(pc) =	sbr.rel $0x88, $3  }
0x1: {  	(tag) =	ssettag $0x0;
	lr =	simm.s32 $0x1  }
0x2: {  	[smem:$0x3F9B] =	sst lr;
	_ =	strace $0xD0000000  }
0x3: {  	_ = 	snop  }
0x4: {  	_ = 	snop  }
0x5: {  	_ = 	snop  }
0x6: {  	_ = 	snop  }
0x7: {  	_ = 	snop  }
__scs_overlays_trampoline_lowered:
0x8: {  	[smem:$0x3FAA] =	sst s0  }
0x9: {  	[smem:$0x3FAB] =	sst s1  }
0xa: {  	[smem:$0x3FAC] =	sst s2  }
0xb: {  	[smem:$0x3FAD] =	sst s3  }
0xc: {  	[smem:$0x3FAE] =	sst s4  }
0xd: {  	[smem:$0x3FAF] =	sst s5  }
0xe: {  	[smem:$0x3FB0] =	sst s6  }
0xf: {  	[smem:$0x3FB1] =	sst s7  }
0x10: {  	[smem:$0x3FB2] =	sst s8  }
0x11: {  	[smem:$0x3FB3] =	sst s9;
	s0 =	simm.s32 @!p0 $0x0  }
0x12: {  	s1 =	sld [smem:$0x3F99];
	s0 =	simm.s32 @p0 $0x1  }
0x13: {  	[smem:$0x3FB4] =	sst s0;
	s0 =	simm.s32 @!p1 $0x0  }
0x14: {  	s2 =	sld [smem:$0x3F98];
	s0 =	simm.s32 @p1 $0x1  }
0x15: {  	[smem:$0x3FB5] =	sst s0;
	s0 =	simm.s32 @!p2 $0x0  }
0x16: {  	s3 =	sld [smem:$0x3FDB];
	s0 =	simm.s32 @p2 $0x1  }
0x17: {  	s4 =	simm.s32 $0x1BF5;
	[smem:$0x3FB7] =	sst s0  }
0x18: {  	s0 =	sld [smem:$0x3F9A];
	_ =	swait.ge [sflag:s4], $0x0  }
0x19: {  	s7 =	sld [smem:$0x3F9B]  }
0x1a: {  	s8 =	sadd.s32 $0xFFFFE003, lr  }
0x1b: {  	s9 =	sadd.s32 $0xFFFFFEF7, lr;
	s5 =	simm.s32 $0xFFFFFFFF;
	p2 =	slt.u32 s8, $0xFFFFF086  }
0x1c: {  	p1 =	slt.u32 s9, $0xF7A;
	s5 =	simm.s32 @!p2 $0x0  }
0x1d: {  	s5 =	simm.s32 @p1 $0x1;
	p0 =	seq.s32 s7, s2  }
0x1e: {  	s7 =	smul.u32 @!p0 $0xF7A, s2;
	p2 =	seq.s32 @!p0 s5, $0x0  }
0x1f: {  	s9 =	smul.u32 $0xF7A, s1;
	s8 =	simm.s32 @!p0 $0x1BF5;
	p2 =	por !p2, p0  }
0x20: {  	[sflag:s8] =	ssyncset.s32 @!p0 $0xFFFFF086;
	s6 =	sadd.s32 @!p0 s3, s7;
	s7 =	simm.s32 @!p0 $0x108  }
0x21: {  	s3 =	sadd.s32 s3, s9;
	s6 =	sadd.s32 @!p0 $0x88, s6;
	s7 =	simm.s32 @p2 $0x1082  }
0x22: {  	[simem:s7], [sflag:s8] =	dma.local @!p0 [hbm:s6], $0xF7A  }
0x23: {  	s9 =	sor.u32 $0xD0000000, s2;
	s6 =	simm.s32 $0x108;
	_ =	swait.ge @!p0 [sflag:s8], $0x0  }
0x24: {  	s3 =	sadd.s32 $0x88, s3;
	s6 =	simm.s32 @!p1 $0x1082;
	[sflag:s4] =	ssyncset.s32 $0xFFFFF086  }
0x25: {  	[simem:s6], [sflag:s4] =	dma.local [hbm:s3], $0xF7A  }
0x26: {  	[smem:$0x3F9B] =	sst s1;
	(tag) =	ssettag s2;
	_ =	strace s9  }
0x27: {  	s1 =	sld [smem:$0x3FAB]  }
0x28: {  	s2 =	sld [smem:$0x3FAC]  }
0x29: {  	s4 =	sld [smem:$0x3FAE]  }
0x2a: {  	p0 =	seq.s32 s5, $0x0;
	s5 =	sld [smem:$0x3FAF]  }
0x2b: {  	s6 =	sld [smem:$0x3FB0]  }
0x2c: {  	s7 =	sld [smem:$0x3FB1]  }
0x2d: {  	s3 =	simm.s32 $0x108;
	s8 =	sld [smem:$0x3FB2]  }
0x2e: {  	s3 =	simm.s32 @!p0 $0x1082;
	s9 =	sld [smem:$0x3FB3]  }
0x2f: {  	lr =	sadd.s32 s0, s3;
	s0 =	sld [smem:$0x3FAA]  }
0x30: {  	s3 =	sld [smem:$0x3FAD]  }
0x31: {  	[smem:$0x3FB6] =	sst s10  }
0x32: {  	s10 =	sld [smem:$0x3FB4];
	_ =	sdelay $0x3  }
0x33: {  	p0 =	seq.s32 s10, $0x1;
	s10 =	sld [smem:$0x3FB6];
	_ =	sdelay $0x3  }
0x34: {  	[smem:$0x3FB6] =	sst s10  }
0x35: {  	s10 =	sld [smem:$0x3FB5];
	_ =	sdelay $0x3  }
0x36: {  	p1 =	seq.s32 s10, $0x1;
	s10 =	sld [smem:$0x3FB6];
	_ =	sdelay $0x3  }
0x37: {  	[smem:$0x3FB6] =	sst s10  }
0x38: {  	s10 =	sld [smem:$0x3FB7]  }
0x39: {  	_ = 	snop;
	(pc) =	sbr.ind lr, $3  }
0x3a: {  	_ = 	snop  }
0x3b: {  	_ = 	snop  }
0x3c: {  	p2 =	seq.s32 s10, $0x1;
	s10 =	sld [smem:$0x3FB6]  }
0x3d: {  	_ =	shalt  }
0x3e: {  	_ =	shalt  }
0x3f: {  	_ =	shalt  }
0x40: {  	_ =	shalt  }
0x41: {  	_ =	shalt  }
0x42: {  	_ =	shalt  }
0x43: {  	_ =	shalt  }
0x44: {  	_ =	shalt  }
0x45: {  	_ =	shalt  }
0x46: {  	_ =	shalt  }
0x47: {  	_ =	shalt  }
0x48: {  	_ =	shalt  }
0x49: {  	_ =	shalt  }
0x4a: {  	_ =	shalt  }
0x4b: {  	_ =	shalt  }
0x4c: {  	_ =	shalt  }
0x4d: {  	_ =	shalt  }
0x4e: {  	_ =	shalt  }
0x4f: {  	_ =	shalt  }
0x50: {  	_ =	shalt  }
0x51: {  	_ =	shalt  }
0x52: {  	_ =	shalt  }
0x53: {  	_ =	shalt  }
0x54: {  	_ =	shalt  }
0x55: {  	_ =	shalt  }
0x56: {  	_ =	shalt  }
0x57: {  	_ =	shalt  }
0x58: {  	_ =	shalt  }
0x59: {  	_ =	shalt  }
0x5a: {  	_ =	shalt  }
0x5b: {  	_ =	shalt  }
0x5c: {  	_ =	shalt  }
0x5d: {  	_ =	shalt  }
0x5e: {  	_ =	shalt  }
0x5f: {  	_ =	shalt  }
0x60: {  	_ =	shalt  }
0x61: {  	_ =	shalt  }
0x62: {  	_ =	shalt  }
0x63: {  	_ =	shalt  }
0x64: {  	_ =	shalt  }
0x65: {  	_ =	shalt  }
0x66: {  	_ =	shalt  }
0x67: {  	_ =	shalt  }
0x68: {  	_ =	shalt  }
0x69: {  	_ =	shalt  }
0x6a: {  	_ =	shalt  }
0x6b: {  	_ =	shalt  }
0x6c: {  	_ =	shalt  }
0x6d: {  	_ =	shalt  }
0x6e: {  	_ =	shalt  }
0x6f: {  	_ =	shalt  }
0x70: {  	_ =	shalt  }
0x71: {  	_ =	shalt  }
0x72: {  	_ =	shalt  }
0x73: {  	_ =	shalt  }
0x74: {  	_ =	shalt  }
0x75: {  	_ =	shalt  }
0x76: {  	_ =	shalt  }
0x77: {  	_ =	shalt  }
0x78: {  	_ =	shalt  }
0x79: {  	_ =	shalt  }
0x7a: {  	_ =	shalt  }
0x7b: {  	_ =	shalt  }
0x7c: {  	_ =	shalt  }
0x7d: {  	_ =	shalt  }
0x7e: {  	_ =	shalt  }
0x7f: {  	_ =	shalt  }
0x80: {  	_ =	shalt  }
0x81: {  	_ =	shalt  }
0x82: {  	_ =	shalt  }
0x83: {  	_ =	shalt  }
0x84: {  	_ =	shalt  }
0x85: {  	_ =	shalt  }
0x86: {  	_ =	shalt  }
0x87: {  	_ =	shalt  }
.Lfunc_end0:
.L_simem_size_0:
called_computation_lowered:
.L_overlay_start_0:
0x88: {  	s2 =	sld [smem:$0x3FD9]  }
0x89: {  	s3 =	sld [smem:$0x3FFE];
	_ =	sdelay $0x1  }
0x8a: {  	s1 =	srdreg.scid  }
0x8b: {  	s0 =	sand.u32 $0x1, s1  }
0x8c: {  	s17 =	sshll.u32 s0, $0xA;
	s2 =	sadd.s32 s3, s2  }
0x8d: {  	s2 =	sadd.s32 s2, s17  }
0x8e: {  	[smem:$0x3FC2] =	sst s2  }
0x8f: {  	_ = 	snop  }
0x90: {  	s2 =	sld [smem:$0x3FC8]  }
0x91: {  	s18 =	sld [smem:$0x3FD0];
	(tm) =	ssettm $0x1  }
0x92: {  	s4 =	sld [smem:$0x3FFB];
	_ =	sdelay $0x3  }
0x93: {  	_ =	strace s4  }
0x94: {  	s4 =	sld [smem:$0x3FFC];
	_ =	sdelay $0x3  }
0x95: {  	_ =	strace s4  }
0x96: {  	s4 =	sld [smem:$0x3FFD];
	_ =	sdelay $0x3  }
0x97: {  	_ =	strace s4  }
0x98: {  	_ =	strace $0x8FFFFFFF  }
0x99: {  	s19 =	sld [smem:$0x3FDB];
	_ =	sdelay $0x1  }
0x9a: {  	s5 =	simm.s32 $_scs_section_size  }
0x9b: {  	s6 =	simm.s32 $_size__tile_overlayer_lowered;
	s7 =	simm.s32 $_tile_overlayer_lowered  }
0x9c: {  	s22 =	simm.s32 $0x1BFF;
	s21 =	sshll.u32 s7, $0x1;
	s4 =	sadd.s32 s5, s19  }
0x9d: {  	s8 =	simm.s32 $0x0;
	s20 =	sshll.u32 s6, $0x1;
	s6 =	sadd.s32 s21, s4  }
0x9e: {  	[timem:s8], [sflag:s22] =	dma.local [hbm:s6], s20  }
0x9f: {  	_ =	swait.ge [sflag:s22], s20  }
0xa0: {  	s5 =	ssub.s32 $0x0, s20;
	[sflag:s22] =	ssyncset.done $0x0  }
0xa1: {  	[sflag:s22] =	ssyncadd.s32 s5;
	_ =	sdelay $0x1  }
0xa2: {  	s23 =	simm.s32 $0x1B8B  }
0xa3: {  	_ =	swait.ge [sflag:s23], $0x1  }
0xa4: {  	[sflag:s23] =	ssyncset.done $0x0  }
0xa5: {  	s25 =	simm.s32 $0x1B8E;
	s24 =	sld [smem:$0x3FFE];
	[sflag:s23] =	ssyncadd.s32 $0xFFFFFFFF  }
0xa6: {  	s26 =	simm.s32 $execute0_lowered;
	[smem:$0x3FD2] =	sst s25  }
0xa7: {  	s6 =	sshll.u32 s26, $0x1;
	_ =	strace $0x80000046;
	[dreg:$0x1] =	wrdreg $0xFFFFFFFF  }
0xa8: {  	s28 =	simm.s32 $_size_execute0_lowered;
	s4 =	sadd.s32 s4, s6;
	[dreg:$0x0] =	wrdreg $0x0  }
0xa9: {  	s6 =	sshll.u32 s28, $0x1;
	[dreg:$0x2] =	wrdreg s4  }
0xaa: {  	[dreg:$0x3] =	wrdreg s6  }
0xab: {  	[dreg:$0x4] =	wrdreg $0xC0  }
0xac: {  	_ =	task [dreg:s8], $0x5FFFF  }
0xad: {  	[dreg:$0x1] =	wrdreg $0xFFFFFFFF  }
0xae: {  	[dreg:$0x0] =	wrdreg $0x60  }
0xaf: {  	[dreg:$0x2] =	wrdreg s18  }
0xb0: {  	[dreg:$0x3] =	wrdreg s2  }
0xb1: {  	[dreg:$0x4] =	wrdreg s24  }
0xb2: {  	[dreg:$0x5] =	wrdreg $0x9  }
0xb3: {  	_ =	task.clear_ibuf [dreg:s8], $0x6FFFF;
	_ =	strace $0x90000046  }
0xb4: {  	s29 =	simm.s32 $0x9;
	_ =	strace $0x80000048  }
0xb5: {  	_ =	swait.ge [sflag:s29], $0x1  }
0xb6: {  	[sflag:s29] =	ssyncadd.s32 $0xFFFFFFFF  }
0xb7: {  	_ =	strace $0x90000048  }
0xb8: {  	_ =	sfence  }
0xb9: {  	s30 =	sld [smem:$0x0];
	_ =	sdelay $0x2  }
0xba: {  	s31 =	sshll.u32 s1, $0xD;
	s1 =	sshrl.u32 s1, $0x2  }
0xbb: {  	s3 =	sand.u32 $0x4000, s31;
	s1 =	sadd.s32 s1, s30  }
0xbc: {  	s0 =	sor.u32 s3, s0;
	s1 =	sshll.u32 s1, $0x11  }
0xbd: {  	s0 =	sor.u32 s1, s0  }
0xbe: {  	s0 =	sadd.s32 $0x8F2B, s0  }
0xbf: {  	[sflag:s0] =	ssyncadd.remote.s32 $0x1  }
0xc0: {  	_ =	sfence.sel $0xFFFF  }
0xc1: {  	[dreg:$0x0] =	wrdreg $0xFFFFFFFF;
	(pc) =	sbr.abs _section_cstart, $3  }
0xc2: {  	[dreg:$0x1] =	wrdreg $0xFFFFFFFF  }
0xc3: {  	_ =	task.clear_ibuf [dreg:s8], $0x2FFFF;
	_ =	strace $0x9FFFFFFF  }
0xc4: {  	(tm) =	ssettm $0x7FFFFFFF  }
0xc5: {  	_ =	shalt  }
tec
execute0_lowered:
.L_overlay_start_1:
0x0: {  	(tag) =	ssettag $0x1  }
0x1: {  	s0 =	rddreg [dreg:$0x0]  }
0x2: {  	s2 =	rddreg [dreg:$0x1];
	s1 =	srdreg.scid  }
0x3: {  	s3 =	stileid.u32;
	s4 =	rddreg [dreg:$0x2]  }
0x4: {  	s28 =	simm.s32 $0x2C00;
	s29 =	simm.s32 $0x3400;
	s30 =	simm.s32 $0x3C00  }
0x5: {  	s31 =	simm.s32 $0x4400;
	s12 =	simm.s32 $0x6400;
	s15 =	simm.s32 $0xAC00  }
0x6: {  	s16 =	simm.s32 $0xB400;
	s17 =	simm.s32 $0xBC00;
	s18 =	simm.s32 $0xC400  }
0x7: {  	s8 =	simm.s32 $0x12400;
	s1 =	sand.u32 $0x1, s1;
	s5 =	sshll.u32 s3, $0x1  }
0x8: {  	s3 =	simm.s32 $0x0;
	s4 =	sadd.s32 $0x2E00, s4;
	s5 =	sor.u32 s1, s5  }
0x9: {  	[smem:$0x7FF] =	sst s3;
	s1 =	ssub.s32 $0x2, s1;
	s6 =	smul.u32 $0x6000, s5  }
0xa: {  	s7 =	sshll.u32 s5, $0x7;
	s5 =	smul.u32 $0x30000, s5;
	s23 =	sshrl.u32 s1, $0x1  }
0xb: {  	_ =	strace $0x80000047;
	s0 =	sadd.s32 s0, s7;
	s1 =	ssub.s32 s1, s23  }
0xc: {  	s23 =	simm.s32 $0x8400;
	s6 =	sadd.s32 s4, s6;
	[dreg:$0x4] =	wrdreg s0  }
0xd: {  	s5 =	sshrl.u32 s5, $0x3;
	s19 =	sadd.s32 $0xC00, s6;
	[dreg:$0xc] =	wrdreg s6  }
0xe: {  	s20 =	sadd.s32 $0x1800, s6;
	s4 =	sadd.s32 s4, s5;
	[dreg:$0x5] =	wrdreg s19  }
0xf: {  	s7 =	smax.u32 s1, $0x1;
	[dreg:$0x6] =	wrdreg s20;
	s21 =	sadd.s32 $0x2400, s4  }
0x10: {  	s5 =	sadd.s32 $0x100, s2;
	s22 =	sadd.s32 $0x3000, s4;
	[dreg:$0x7] =	wrdreg s21  }
0x11: {  	s6 =	sadd.s32 $0x200, s2;
	s24 =	sadd.s32 $0x3C00, s4;
	[dreg:$0x8] =	wrdreg s22  }
0x12: {  	s25 =	sadd.s32 $0x4800, s4;
	s26 =	sadd.s32 $0x5400, s4;
	[dreg:$0x9] =	wrdreg s24  }
0x13: {  	v2 =	vlaneseq.u32;
	s20 =	simm.s32 $0xC00;
	s4 =	simm.s32 $0x5;
	[dreg:$0xa] =	wrdreg s25  }
0x14: {  	vm0 =	vmmov $0xffff;
	v1 =	vshrl.u32 v2, $0x3;
	[dreg:$0xb] =	wrdreg s26;
	s21 =	simm.s32 $0x400;
	s24 =	simm.s32 $0x1400  }
0x15: {  	v0 =	vand.u32 $0x7, v2;
	v2 =	vor.u32 $0x8, v2;
	v1 =	vmul.u32 $0x8, v1;
	s25 =	simm.s32 $0x1C00;
	s26 =	simm.s32 $0x2400;
	s22 =	simm.s32 $0x8C00  }
.LBB2_1:
0x16: {  	s19 =	rddreg [dreg:$0x4];
	s0 =	simm.s32 $0x9  }
0x17: {  	[tilespmem:s3], [sflag:$0x9] =	stream.linear.gather [hbm4b:s19+s3], $0x400, $0x38;
	[tilespmem:$0x18400] =	vst v63  }
0x18: {  	_ =	swait.ge [sflag:s0], $0x400  }
0x19: {  	[sflag:s0] =	ssyncset.done $0x0  }
0x1a: {  	[sflag:s0] =	ssyncadd.s32 $0xFFFFFC00  }
0x1b: {  	v3 =	vld [tilespmem:$0x0];
	_ =	sdelay $0x4  }
0x1c: {  	v4 =	vshrl.u32 v3, $0x3  }
0x1d: {  	v4 =	vmul.u32 $0x30, v4  }
0x1e: {  	v3 =	vand.u32 $0x7, v3  }
0x1f: {  	v3 =	vor.u32 v3, v4  }
0x20: {  	v4 =	vperm.xlane v3, v0;
	_ =	sdelay $0x1  }
0x21: {  	v4 =	vadd.s32 v1, v4;
	_ =	sdelay $0x3  }
0x22: {  	v3 =	vperm.xlane v3, v2  }
0x23: {  	[tilespmem:s21], [sflag:$0x1] =	stream.indirect_vreg.gather [hbm4b:s2+s3], $0x80, v4, vm0, $0xb8;
	[tilespmem:$0x18400] =	vst v63  }
0x24: {  	v3 =	vadd.s32 v1, v3  }
0x25: {  	[tilespmem:s20], [sflag:$0x1] =	stream.indirect_vreg.gather [hbm4b:s5+s3], $0x80, v4, vm0, $0xb8;
	[tilespmem:$0x18400] =	vst v63  }
0x26: {  	_ = 	snop  }
0x27: {  	[tilespmem:s24], [sflag:$0x1] =	stream.indirect_vreg.gather [hbm4b:s6+s3], $0x80, v4, vm0, $0xb8;
	[tilespmem:$0x18400] =	vst v63  }
0x28: {  	_ = 	snop  }
0x29: {  	[tilespmem:s25], [sflag:$0x1] =	stream.indirect_vreg.gather [hbm4b:s2+s3], $0x80, v3, vm0, $0xb8;
	[tilespmem:$0x18400] =	vst v63  }
0x2a: {  	_ = 	snop  }
0x2b: {  	[tilespmem:s26], [sflag:$0x1] =	stream.indirect_vreg.gather [hbm4b:s5+s3], $0x80, v3, vm0, $0xb8;
	[tilespmem:$0x18400] =	vst v63  }
0x2c: {  	_ = 	snop  }
0x2d: {  	[tilespmem:s28], [sflag:$0x1] =	stream.indirect_vreg.gather [hbm4b:s6+s3], $0x80, v3, vm0, $0xb8;
	[tilespmem:$0x18400] =	vst v63  }
0x2e: {  	v3 =	vld [tilespmem:$0x10];
	_ =	sdelay $0x4  }
0x2f: {  	v49 =	vshrl.u32 v3, $0x3  }
0x30: {  	v4 =	vmul.u32 $0x30, v49  }
0x31: {  	v3 =	vand.u32 $0x7, v3  }
0x32: {  	v3 =	vor.u32 v3, v4  }
0x33: {  	v4 =	vperm.xlane v3, v0;
	_ =	sdelay $0x1  }
0x34: {  	v4 =	vadd.s32 v1, v4;
	_ =	sdelay $0x3  }
0x35: {  	v3 =	vperm.xlane v3, v2  }
0x36: {  	[tilespmem:s29], [sflag:$0x1] =	stream.indirect_vreg.gather [hbm4b:s2+s3], $0x80, v4, vm0, $0xb8;
	[tilespmem:$0x18400] =	vst v63  }
0x37: {  	v3 =	vadd.s32 v1, v3  }
0x38: {  	[tilespmem:s30], [sflag:$0x1] =	stream.indirect_vreg.gather [hbm4b:s5+s3], $0x80, v4, vm0, $0xb8;
	[tilespmem:$0x18400] =	vst v63  }
0x39: {  	_ = 	snop  }
0x3a: {  	[tilespmem:s31], [sflag:$0x1] =	stream.indirect_vreg.gather [hbm4b:s6+s3], $0x80, v4, vm0, $0xb8;
	[tilespmem:$0x18400] =	vst v63  }
0x3b: {  	s10 =	simm.s32 $0x4C00  }
0x3c: {  	[tilespmem:s10], [sflag:$0x1] =	stream.indirect_vreg.gather [hbm4b:s2+s3], $0x80, v3, vm0, $0xb8;
	[tilespmem:$0x18400] =	vst v63  }
0x3d: {  	s9 =	simm.s32 $0x5400  }
0x3e: {  	[tilespmem:s9], [sflag:$0x1] =	stream.indirect_vreg.gather [hbm4b:s5+s3], $0x80, v3, vm0, $0xb8;
	[tilespmem:$0x18400] =	vst v63  }
0x3f: {  	s11 =	simm.s32 $0x5C00  }
0x40: {  	[tilespmem:s11], [sflag:$0x1] =	stream.indirect_vreg.gather [hbm4b:s6+s3], $0x80, v3, vm0, $0xb8;
	[tilespmem:$0x18400] =	vst v63  }
0x41: {  	v3 =	vld [tilespmem:$0x80];
	_ =	sdelay $0x4  }
0x42: {  	v50 =	vshrl.u32 v3, $0x3  }
0x43: {  	v4 =	vmul.u32 $0x30, v50  }
0x44: {  	v3 =	vand.u32 $0x7, v3  }
0x45: {  	v3 =	vor.u32 v3, v4  }
0x46: {  	v4 =	vperm.xlane v3, v0;
	_ =	sdelay $0x1  }
0x47: {  	v4 =	vadd.s32 v1, v4;
	_ =	sdelay $0x3  }
0x48: {  	v3 =	vperm.xlane v3, v2  }
0x49: {  	[tilespmem:s12], [sflag:$0x2] =	stream.indirect_vreg.gather [hbm4b:s2+s3], $0x80, v4, vm0, $0xb8;
	[tilespmem:$0x18400] =	vst v63  }
0x4a: {  	s13 =	simm.s32 $0x6C00;
	v3 =	vadd.s32 v1, v3  }
0x4b: {  	[tilespmem:s13], [sflag:$0x2] =	stream.indirect_vreg.gather [hbm4b:s5+s3], $0x80, v4, vm0, $0xb8;
	[tilespmem:$0x18400] =	vst v63  }
0x4c: {  	s14 =	simm.s32 $0x7400  }
0x4d: {  	[tilespmem:s14], [sflag:$0x2] =	stream.indirect_vreg.gather [hbm4b:s6+s3], $0x80, v4, vm0, $0xb8;
	[tilespmem:$0x18400] =	vst v63  }
0x4e: {  	s19 =	simm.s32 $0x7C00  }
0x4f: {  	[tilespmem:s19], [sflag:$0x2] =	stream.indirect_vreg.gather [hbm4b:s2+s3], $0x80, v3, vm0, $0xb8;
	[tilespmem:$0x18400] =	vst v63  }
0x50: {  	_ = 	snop  }
0x51: {  	[tilespmem:s23], [sflag:$0x2] =	stream.indirect_vreg.gather [hbm4b:s5+s3], $0x80, v3, vm0, $0xb8;
	[tilespmem:$0x18400] =	vst v63  }
0x52: {  	_ = 	snop  }
0x53: {  	[tilespmem:s22], [sflag:$0x2] =	stream.indirect_vreg.gather [hbm4b:s6+s3], $0x80, v3, vm0, $0xb8;
	[tilespmem:$0x18400] =	vst v63  }
0x54: {  	v3 =	vld [tilespmem:$0x90];
	_ =	sdelay $0x4  }
0x55: {  	v51 =	vshrl.u32 v3, $0x3  }
0x56: {  	v4 =	vmul.u32 $0x30, v51  }
0x57: {  	v3 =	vand.u32 $0x7, v3  }
0x58: {  	v3 =	vor.u32 v3, v4  }
0x59: {  	v4 =	vperm.xlane v3, v0;
	_ =	sdelay $0x1  }
0x5a: {  	v4 =	vadd.s32 v1, v4;
	_ =	sdelay $0x3  }
0x5b: {  	s13 =	simm.s32 $0x9400;
	v3 =	vperm.xlane v3, v2  }
0x5c: {  	[tilespmem:s13], [sflag:$0x2] =	stream.indirect_vreg.gather [hbm4b:s2+s3], $0x80, v4, vm0, $0xb8;
	[tilespmem:$0x18400] =	vst v63  }
0x5d: {  	s14 =	simm.s32 $0x9C00;
	v3 =	vadd.s32 v1, v3  }
0x5e: {  	[tilespmem:s14], [sflag:$0x2] =	stream.indirect_vreg.gather [hbm4b:s5+s3], $0x80, v4, vm0, $0xb8;
	[tilespmem:$0x18400] =	vst v63  }
0x5f: {  	s1 =	simm.s32 $0xA400  }
0x60: {  	[tilespmem:s1], [sflag:$0x2] =	stream.indirect_vreg.gather [hbm4b:s6+s3], $0x80, v4, vm0, $0xb8;
	[tilespmem:$0x18400] =	vst v63  }
0x61: {  	_ = 	snop  }
0x62: {  	[tilespmem:s15], [sflag:$0x2] =	stream.indirect_vreg.gather [hbm4b:s2+s3], $0x80, v3, vm0, $0xb8;
	[tilespmem:$0x18400] =	vst v63  }
0x63: {  	_ = 	snop  }
0x64: {  	[tilespmem:s16], [sflag:$0x2] =	stream.indirect_vreg.gather [hbm4b:s5+s3], $0x80, v3, vm0, $0xb8;
	[tilespmem:$0x18400] =	vst v63  }
0x65: {  	_ = 	snop  }
0x66: {  	[tilespmem:s17], [sflag:$0x2] =	stream.indirect_vreg.gather [hbm4b:s6+s3], $0x80, v3, vm0, $0xb8;
	[tilespmem:$0x18400] =	vst v63  }
0x67: {  	v3 =	vld [tilespmem:$0x100];
	_ =	sdelay $0x4  }
0x68: {  	v52 =	vshrl.u32 v3, $0x3  }
0x69: {  	v4 =	vmul.u32 $0x30, v52  }
0x6a: {  	v3 =	vand.u32 $0x7, v3  }
0x6b: {  	v3 =	vor.u32 v3, v4  }
0x6c: {  	v4 =	vperm.xlane v3, v0;
	_ =	sdelay $0x1  }
0x6d: {  	v4 =	vadd.s32 v1, v4;
	_ =	sdelay $0x3  }
0x6e: {  	v3 =	vperm.xlane v3, v2  }
0x6f: {  	[tilespmem:s18], [sflag:$0x3] =	stream.indirect_vreg.gather [hbm4b:s2+s3], $0x80, v4, vm0, $0xb8;
	[tilespmem:$0x18400] =	vst v63  }
0x70: {  	s19 =	simm.s32 $0xCC00;
	v3 =	vadd.s32 v1, v3  }
0x71: {  	[tilespmem:s19], [sflag:$0x3] =	stream.indirect_vreg.gather [hbm4b:s5+s3], $0x80, v4, vm0, $0xb8;
	[tilespmem:$0x18400] =	vst v63  }
0x72: {  	s1 =	simm.s32 $0xD400  }
0x73: {  	[tilespmem:s1], [sflag:$0x3] =	stream.indirect_vreg.gather [hbm4b:s6+s3], $0x80, v4, vm0, $0xb8;
	[tilespmem:$0x18400] =	vst v63  }
0x74: {  	s19 =	simm.s32 $0xDC00  }
0x75: {  	[tilespmem:s19], [sflag:$0x3] =	stream.indirect_vreg.gather [hbm4b:s2+s3], $0x80, v3, vm0, $0xb8;
	[tilespmem:$0x18400] =	vst v63  }
0x76: {  	s1 =	simm.s32 $0xE400  }
0x77: {  	[tilespmem:s1], [sflag:$0x3] =	stream.indirect_vreg.gather [hbm4b:s5+s3], $0x80, v3, vm0, $0xb8;
	[tilespmem:$0x18400] =	vst v63  }
0x78: {  	s19 =	simm.s32 $0xEC00  }
0x79: {  	[tilespmem:s19], [sflag:$0x3] =	stream.indirect_vreg.gather [hbm4b:s6+s3], $0x80, v3, vm0, $0xb8;
	[tilespmem:$0x18400] =	vst v63  }
0x7a: {  	v3 =	vld [tilespmem:$0x110];
	_ =	sdelay $0x4  }
0x7b: {  	v53 =	vshrl.u32 v3, $0x3  }
0x7c: {  	v4 =	vmul.u32 $0x30, v53  }
0x7d: {  	v3 =	vand.u32 $0x7, v3  }
0x7e: {  	v3 =	vor.u32 v3, v4  }
0x7f: {  	v4 =	vperm.xlane v3, v0;
	_ =	sdelay $0x1  }
0x80: {  	v4 =	vadd.s32 v1, v4;
	_ =	sdelay $0x3  }
0x81: {  	s1 =	simm.s32 $0xF400;
	v3 =	vperm.xlane v3, v2  }
0x82: {  	[tilespmem:s1], [sflag:$0x3] =	stream.indirect_vreg.gather [hbm4b:s2+s3], $0x80, v4, vm0, $0xb8;
	[tilespmem:$0x18400] =	vst v63  }
0x83: {  	s19 =	simm.s32 $0xFC00;
	v3 =	vadd.s32 v1, v3  }
0x84: {  	[tilespmem:s19], [sflag:$0x3] =	stream.indirect_vreg.gather [hbm4b:s5+s3], $0x80, v4, vm0, $0xb8;
	[tilespmem:$0x18400] =	vst v63  }
0x85: {  	s1 =	simm.s32 $0x10400  }
0x86: {  	[tilespmem:s1], [sflag:$0x3] =	stream.indirect_vreg.gather [hbm4b:s6+s3], $0x80, v4, vm0, $0xb8;
	[tilespmem:$0x18400] =	vst v63  }
0x87: {  	s19 =	simm.s32 $0x10C00  }
0x88: {  	[tilespmem:s19], [sflag:$0x3] =	stream.indirect_vreg.gather [hbm4b:s2+s3], $0x80, v3, vm0, $0xb8;
	[tilespmem:$0x18400] =	vst v63  }
0x89: {  	s1 =	simm.s32 $0x11400  }
0x8a: {  	[tilespmem:s1], [sflag:$0x3] =	stream.indirect_vreg.gather [hbm4b:s5+s3], $0x80, v3, vm0, $0xb8;
	[tilespmem:$0x18400] =	vst v63  }
0x8b: {  	s0 =	simm.s32 $0x1;
	s19 =	simm.s32 $0x11C00  }
0x8c: {  	[tilespmem:s19], [sflag:$0x3] =	stream.indirect_vreg.gather [hbm4b:s6+s3], $0x80, v3, vm0, $0xb8;
	[tilespmem:$0x18400] =	vst v63  }
0x8d: {  	_ =	swait.ge [sflag:s0], $0x6000  }
0x8e: {  	[sflag:s0] =	ssyncset.done $0x0  }
0x8f: {  	s1 =	rddreg [dreg:$0xc];
	[sflag:s0] =	ssyncadd.s32 $0xFFFFA000  }
0x90: {  	[hbm4b:s1+s3] =	stream.linear.scatter [tilespmem:s21], [sflag:$0x5], $0x6000, $0x38;
	[tilespmem:$0x18400] =	vst v63  }
0x91: {  	v3 =	vld [tilespmem:$0x180];
	_ =	sdelay $0x4  }
0x92: {  	v54 =	vshrl.u32 v3, $0x3  }
0x93: {  	v4 =	vmul.u32 $0x30, v54  }
0x94: {  	v3 =	vand.u32 $0x7, v3  }
0x95: {  	v3 =	vor.u32 v3, v4  }
0x96: {  	v4 =	vperm.xlane v3, v0;
	_ =	sdelay $0x1  }
0x97: {  	v4 =	vadd.s32 v1, v4;
	_ =	sdelay $0x3  }
0x98: {  	v3 =	vperm.xlane v3, v2  }
0x99: {  	[tilespmem:s8], [sflag:$0x4] =	stream.indirect_vreg.gather [hbm4b:s2+s3], $0x80, v4, vm0, $0xb8;
	[tilespmem:$0x18400] =	vst v63  }
0x9a: {  	s1 =	simm.s32 $0x12C00;
	v3 =	vadd.s32 v1, v3  }
0x9b: {  	[tilespmem:s1], [sflag:$0x4] =	stream.indirect_vreg.gather [hbm4b:s5+s3], $0x80, v4, vm0, $0xb8;
	[tilespmem:$0x18400] =	vst v63  }
0x9c: {  	s19 =	simm.s32 $0x13400  }
0x9d: {  	[tilespmem:s19], [sflag:$0x4] =	stream.indirect_vreg.gather [hbm4b:s6+s3], $0x80, v4, vm0, $0xb8;
	[tilespmem:$0x18400] =	vst v63  }
0x9e: {  	s19 =	simm.s32 $0x13C00  }
0x9f: {  	[tilespmem:s19], [sflag:$0x4] =	stream.indirect_vreg.gather [hbm4b:s2+s3], $0x80, v3, vm0, $0xb8;
	[tilespmem:$0x18400] =	vst v63  }
0xa0: {  	s19 =	simm.s32 $0x14400  }
0xa1: {  	[tilespmem:s19], [sflag:$0x4] =	stream.indirect_vreg.gather [hbm4b:s5+s3], $0x80, v3, vm0, $0xb8;
	[tilespmem:$0x18400] =	vst v63  }
0xa2: {  	s19 =	simm.s32 $0x14C00  }
0xa3: {  	[tilespmem:s19], [sflag:$0x4] =	stream.indirect_vreg.gather [hbm4b:s6+s3], $0x80, v3, vm0, $0xb8;
	[tilespmem:$0x18400] =	vst v63  }
0xa4: {  	v3 =	vld [tilespmem:$0x190];
	_ =	sdelay $0x4  }
0xa5: {  	v55 =	vshrl.u32 v3, $0x3  }
0xa6: {  	v4 =	vmul.u32 $0x30, v55  }
0xa7: {  	v3 =	vand.u32 $0x7, v3  }
0xa8: {  	v3 =	vor.u32 v3, v4  }
0xa9: {  	v4 =	vperm.xlane v3, v0;
	_ =	sdelay $0x1  }
0xaa: {  	v4 =	vadd.s32 v1, v4;
	_ =	sdelay $0x3  }
0xab: {  	s19 =	simm.s32 $0x15400;
	v3 =	vperm.xlane v3, v2  }
0xac: {  	[tilespmem:s19], [sflag:$0x4] =	stream.indirect_vreg.gather [hbm4b:s2+s3], $0x80, v4, vm0, $0xb8;
	[tilespmem:$0x18400] =	vst v63  }
0xad: {  	v3 =	vadd.s32 v1, v3;
	s19 =	simm.s32 $0x15C00  }
0xae: {  	[tilespmem:s19], [sflag:$0x4] =	stream.indirect_vreg.gather [hbm4b:s5+s3], $0x80, v4, vm0, $0xb8;
	[tilespmem:$0x18400] =	vst v63  }
0xaf: {  	s19 =	simm.s32 $0x16400  }
0xb0: {  	[tilespmem:s19], [sflag:$0x4] =	stream.indirect_vreg.gather [hbm4b:s6+s3], $0x80, v4, vm0, $0xb8;
	[tilespmem:$0x18400] =	vst v63  }
0xb1: {  	s19 =	simm.s32 $0x16C00  }
0xb2: {  	[tilespmem:s19], [sflag:$0x4] =	stream.indirect_vreg.gather [hbm4b:s2+s3], $0x80, v3, vm0, $0xb8;
	[tilespmem:$0x18400] =	vst v63  }
0xb3: {  	s19 =	simm.s32 $0x17400  }
0xb4: {  	[tilespmem:s19], [sflag:$0x4] =	stream.indirect_vreg.gather [hbm4b:s5+s3], $0x80, v3, vm0, $0xb8;
	[tilespmem:$0x18400] =	vst v63  }
0xb5: {  	s1 =	simm.s32 $0x2;
	s19 =	simm.s32 $0x17C00  }
0xb6: {  	[tilespmem:s19], [sflag:$0x4] =	stream.indirect_vreg.gather [hbm4b:s6+s3], $0x80, v3, vm0, $0xb8;
	[tilespmem:$0x18400] =	vst v63  }
0xb7: {  	_ =	swait.ge [sflag:s1], $0x6000  }
0xb8: {  	[sflag:s1] =	ssyncset.done $0x0  }
0xb9: {  	s19 =	rddreg [dreg:$0x5];
	[sflag:s1] =	ssyncadd.s32 $0xFFFFA000  }
0xba: {  	[hbm4b:s19+s3] =	stream.linear.scatter [tilespmem:s12], [sflag:$0x6], $0x6000, $0x38;
	[tilespmem:$0x18400] =	vst v63  }
0xbb: {  	_ =	swait.ge [sflag:s4], $0x6000  }
0xbc: {  	[sflag:s4] =	ssyncset.done $0x0  }
0xbd: {  	[sflag:s4] =	ssyncadd.s32 $0xFFFFA000  }
0xbe: {  	v3 =	vld [tilespmem:$0x200];
	_ =	sdelay $0x4  }
0xbf: {  	v56 =	vshrl.u32 v3, $0x3  }
0xc0: {  	v4 =	vmul.u32 $0x30, v56  }
0xc1: {  	v3 =	vand.u32 $0x7, v3  }
0xc2: {  	v3 =	vor.u32 v3, v4  }
0xc3: {  	v4 =	vperm.xlane v3, v0;
	_ =	sdelay $0x1  }
0xc4: {  	v4 =	vadd.s32 v1, v4;
	_ =	sdelay $0x3  }
0xc5: {  	v3 =	vperm.xlane v3, v2  }
0xc6: {  	[tilespmem:s21], [sflag:$0x1] =	stream.indirect_vreg.gather [hbm4b:s2+s3], $0x80, v4, vm0, $0xb8;
	[tilespmem:$0x18400] =	vst v63  }
0xc7: {  	v3 =	vadd.s32 v1, v3  }
0xc8: {  	[tilespmem:s20], [sflag:$0x1] =	stream.indirect_vreg.gather [hbm4b:s5+s3], $0x80, v4, vm0, $0xb8;
	[tilespmem:$0x18400] =	vst v63  }
0xc9: {  	_ = 	snop  }
0xca: {  	[tilespmem:s24], [sflag:$0x1] =	stream.indirect_vreg.gather [hbm4b:s6+s3], $0x80, v4, vm0, $0xb8;
	[tilespmem:$0x18400] =	vst v63  }
0xcb: {  	_ = 	snop  }
0xcc: {  	[tilespmem:s25], [sflag:$0x1] =	stream.indirect_vreg.gather [hbm4b:s2+s3], $0x80, v3, vm0, $0xb8;
	[tilespmem:$0x18400] =	vst v63  }
0xcd: {  	_ = 	snop  }
0xce: {  	[tilespmem:s26], [sflag:$0x1] =	stream.indirect_vreg.gather [hbm4b:s5+s3], $0x80, v3, vm0, $0xb8;
	[tilespmem:$0x18400] =	vst v63  }
0xcf: {  	_ = 	snop  }
0xd0: {  	[tilespmem:s28], [sflag:$0x1] =	stream.indirect_vreg.gather [hbm4b:s6+s3], $0x80, v3, vm0, $0xb8;
	[tilespmem:$0x18400] =	vst v63  }
0xd1: {  	v3 =	vld [tilespmem:$0x210];
	_ =	sdelay $0x4  }
0xd2: {  	v57 =	vshrl.u32 v3, $0x3  }
0xd3: {  	v4 =	vmul.u32 $0x30, v57  }
0xd4: {  	v3 =	vand.u32 $0x7, v3  }
0xd5: {  	v3 =	vor.u32 v3, v4  }
0xd6: {  	v4 =	vperm.xlane v3, v0;
	_ =	sdelay $0x1  }
0xd7: {  	v4 =	vadd.s32 v1, v4;
	_ =	sdelay $0x3  }
0xd8: {  	v3 =	vperm.xlane v3, v2  }
0xd9: {  	[tilespmem:s29], [sflag:$0x1] =	stream.indirect_vreg.gather [hbm4b:s2+s3], $0x80, v4, vm0, $0xb8;
	[tilespmem:$0x18400] =	vst v63  }
0xda: {  	v3 =	vadd.s32 v1, v3  }
0xdb: {  	[tilespmem:s30], [sflag:$0x1] =	stream.indirect_vreg.gather [hbm4b:s5+s3], $0x80, v4, vm0, $0xb8;
	[tilespmem:$0x18400] =	vst v63  }
0xdc: {  	_ = 	snop  }
0xdd: {  	[tilespmem:s31], [sflag:$0x1] =	stream.indirect_vreg.gather [hbm4b:s6+s3], $0x80, v4, vm0, $0xb8;
	[tilespmem:$0x18400] =	vst v63  }
0xde: {  	_ = 	snop  }
0xdf: {  	[tilespmem:s10], [sflag:$0x1] =	stream.indirect_vreg.gather [hbm4b:s2+s3], $0x80, v3, vm0, $0xb8;
	[tilespmem:$0x18400] =	vst v63  }
0xe0: {  	_ = 	snop  }
0xe1: {  	[tilespmem:s9], [sflag:$0x1] =	stream.indirect_vreg.gather [hbm4b:s5+s3], $0x80, v3, vm0, $0xb8;
	[tilespmem:$0x18400] =	vst v63  }
0xe2: {  	s9 =	simm.s32 $0x3  }
0xe3: {  	[tilespmem:s11], [sflag:$0x1] =	stream.indirect_vreg.gather [hbm4b:s6+s3], $0x80, v3, vm0, $0xb8;
	[tilespmem:$0x18400] =	vst v63  }
0xe4: {  	_ =	swait.ge [sflag:s9], $0x6000  }
0xe5: {  	[sflag:s9] =	ssyncset.done $0x0  }
0xe6: {  	s10 =	simm.s32 $0x6;
	s11 =	rddreg [dreg:$0x6];
	[sflag:s9] =	ssyncadd.s32 $0xFFFFA000  }
0xe7: {  	[hbm4b:s11+s3] =	stream.linear.scatter [tilespmem:s18], [sflag:$0x7], $0x6000, $0x38;
	[tilespmem:$0x18400] =	vst v63  }
0xe8: {  	_ =	swait.ge [sflag:s10], $0x6000  }
0xe9: {  	[sflag:s10] =	ssyncset.done $0x0  }
0xea: {  	[sflag:s10] =	ssyncadd.s32 $0xFFFFA000  }
0xeb: {  	v3 =	vld [tilespmem:$0x280];
	_ =	sdelay $0x4  }
0xec: {  	v58 =	vshrl.u32 v3, $0x3  }
0xed: {  	v4 =	vmul.u32 $0x30, v58  }
0xee: {  	v3 =	vand.u32 $0x7, v3  }
0xef: {  	v3 =	vor.u32 v3, v4  }
0xf0: {  	v4 =	vperm.xlane v3, v0;
	_ =	sdelay $0x1  }
0xf1: {  	v4 =	vadd.s32 v1, v4;
	_ =	sdelay $0x3  }
0xf2: {  	v3 =	vperm.xlane v3, v2  }
0xf3: {  	[tilespmem:s12], [sflag:$0x2] =	stream.indirect_vreg.gather [hbm4b:s2+s3], $0x80, v4, vm0, $0xb8;
	[tilespmem:$0x18400] =	vst v63  }
0xf4: {  	s19 =	simm.s32 $0x6C00;
	v3 =	vadd.s32 v1, v3  }
0xf5: {  	[tilespmem:s19], [sflag:$0x2] =	stream.indirect_vreg.gather [hbm4b:s5+s3], $0x80, v4, vm0, $0xb8;
	[tilespmem:$0x18400] =	vst v63  }
0xf6: {  	s19 =	simm.s32 $0x7400  }
0xf7: {  	[tilespmem:s19], [sflag:$0x2] =	stream.indirect_vreg.gather [hbm4b:s6+s3], $0x80, v4, vm0, $0xb8;
	[tilespmem:$0x18400] =	vst v63  }
0xf8: {  	s19 =	simm.s32 $0x7C00  }
0xf9: {  	[tilespmem:s19], [sflag:$0x2] =	stream.indirect_vreg.gather [hbm4b:s2+s3], $0x80, v3, vm0, $0xb8;
	[tilespmem:$0x18400] =	vst v63  }
0xfa: {  	_ = 	snop  }
0xfb: {  	[tilespmem:s23], [sflag:$0x2] =	stream.indirect_vreg.gather [hbm4b:s5+s3], $0x80, v3, vm0, $0xb8;
	[tilespmem:$0x18400] =	vst v63  }
0xfc: {  	_ = 	snop  }
0xfd: {  	[tilespmem:s22], [sflag:$0x2] =	stream.indirect_vreg.gather [hbm4b:s6+s3], $0x80, v3, vm0, $0xb8;
	[tilespmem:$0x18400] =	vst v63  }
0xfe: {  	v3 =	vld [tilespmem:$0x290];
	_ =	sdelay $0x4  }
0xff: {  	v59 =	vshrl.u32 v3, $0x3  }
0x100: {  	v4 =	vmul.u32 $0x30, v59  }
0x101: {  	v3 =	vand.u32 $0x7, v3  }
0x102: {  	v3 =	vor.u32 v3, v4  }
0x103: {  	v4 =	vperm.xlane v3, v0;
	_ =	sdelay $0x1  }
0x104: {  	v4 =	vadd.s32 v1, v4;
	_ =	sdelay $0x3  }
0x105: {  	v3 =	vperm.xlane v3, v2  }
0x106: {  	[tilespmem:s13], [sflag:$0x2] =	stream.indirect_vreg.gather [hbm4b:s2+s3], $0x80, v4, vm0, $0xb8;
	[tilespmem:$0x18400] =	vst v63  }
0x107: {  	v3 =	vadd.s32 v1, v3  }
0x108: {  	[tilespmem:s14], [sflag:$0x2] =	stream.indirect_vreg.gather [hbm4b:s5+s3], $0x80, v4, vm0, $0xb8;
	[tilespmem:$0x18400] =	vst v63  }
0x109: {  	s13 =	simm.s32 $0xA400  }
0x10a: {  	[tilespmem:s13], [sflag:$0x2] =	stream.indirect_vreg.gather [hbm4b:s6+s3], $0x80, v4, vm0, $0xb8;
	[tilespmem:$0x18400] =	vst v63  }
0x10b: {  	_ = 	snop  }
0x10c: {  	[tilespmem:s15], [sflag:$0x2] =	stream.indirect_vreg.gather [hbm4b:s2+s3], $0x80, v3, vm0, $0xb8;
	[tilespmem:$0x18400] =	vst v63  }
0x10d: {  	_ = 	snop  }
0x10e: {  	[tilespmem:s16], [sflag:$0x2] =	stream.indirect_vreg.gather [hbm4b:s5+s3], $0x80, v3, vm0, $0xb8;
	[tilespmem:$0x18400] =	vst v63  }
0x10f: {  	s11 =	simm.s32 $0x4  }
0x110: {  	[tilespmem:s17], [sflag:$0x2] =	stream.indirect_vreg.gather [hbm4b:s6+s3], $0x80, v3, vm0, $0xb8;
	[tilespmem:$0x18400] =	vst v63  }
0x111: {  	_ =	swait.ge [sflag:s11], $0x6000  }
0x112: {  	[sflag:s11] =	ssyncset.done $0x0  }
0x113: {  	s13 =	simm.s32 $0x7;
	s14 =	rddreg [dreg:$0x7];
	[sflag:s11] =	ssyncadd.s32 $0xFFFFA000  }
0x114: {  	[hbm4b:s14+s3] =	stream.linear.scatter [tilespmem:s8], [sflag:$0x8], $0x6000, $0x38;
	[tilespmem:$0x18400] =	vst v63  }
0x115: {  	_ =	swait.ge [sflag:s13], $0x6000  }
0x116: {  	[sflag:s13] =	ssyncset.done $0x0  }
0x117: {  	[sflag:s13] =	ssyncadd.s32 $0xFFFFA000  }
0x118: {  	v3 =	vld [tilespmem:$0x300];
	_ =	sdelay $0x4  }
0x119: {  	v60 =	vshrl.u32 v3, $0x3  }
0x11a: {  	v4 =	vmul.u32 $0x30, v60  }
0x11b: {  	v3 =	vand.u32 $0x7, v3  }
0x11c: {  	v3 =	vor.u32 v3, v4  }
0x11d: {  	v4 =	vperm.xlane v3, v0;
	_ =	sdelay $0x1  }
0x11e: {  	v4 =	vadd.s32 v1, v4;
	_ =	sdelay $0x3  }
0x11f: {  	v3 =	vperm.xlane v3, v2  }
0x120: {  	[tilespmem:s18], [sflag:$0x3] =	stream.indirect_vreg.gather [hbm4b:s2+s3], $0x80, v4, vm0, $0xb8;
	[tilespmem:$0x18400] =	vst v63  }
0x121: {  	s19 =	simm.s32 $0xCC00;
	v3 =	vadd.s32 v1, v3  }
0x122: {  	[tilespmem:s19], [sflag:$0x3] =	stream.indirect_vreg.gather [hbm4b:s5+s3], $0x80, v4, vm0, $0xb8;
	[tilespmem:$0x18400] =	vst v63  }
0x123: {  	s19 =	simm.s32 $0xD400  }
0x124: {  	[tilespmem:s19], [sflag:$0x3] =	stream.indirect_vreg.gather [hbm4b:s6+s3], $0x80, v4, vm0, $0xb8;
	[tilespmem:$0x18400] =	vst v63  }
0x125: {  	s19 =	simm.s32 $0xDC00  }
0x126: {  	[tilespmem:s19], [sflag:$0x3] =	stream.indirect_vreg.gather [hbm4b:s2+s3], $0x80, v3, vm0, $0xb8;
	[tilespmem:$0x18400] =	vst v63  }
0x127: {  	s19 =	simm.s32 $0xE400  }
0x128: {  	[tilespmem:s19], [sflag:$0x3] =	stream.indirect_vreg.gather [hbm4b:s5+s3], $0x80, v3, vm0, $0xb8;
	[tilespmem:$0x18400] =	vst v63  }
0x129: {  	s19 =	simm.s32 $0xEC00  }
0x12a: {  	[tilespmem:s19], [sflag:$0x3] =	stream.indirect_vreg.gather [hbm4b:s6+s3], $0x80, v3, vm0, $0xb8;
	[tilespmem:$0x18400] =	vst v63  }
0x12b: {  	v3 =	vld [tilespmem:$0x310];
	_ =	sdelay $0x4  }
0x12c: {  	v61 =	vshrl.u32 v3, $0x3  }
0x12d: {  	v4 =	vmul.u32 $0x30, v61  }
0x12e: {  	v3 =	vand.u32 $0x7, v3  }
0x12f: {  	v3 =	vor.u32 v3, v4  }
0x130: {  	v4 =	vperm.xlane v3, v0;
	_ =	sdelay $0x1  }
0x131: {  	v4 =	vadd.s32 v1, v4;
	_ =	sdelay $0x3  }
0x132: {  	s19 =	simm.s32 $0xF400;
	v3 =	vperm.xlane v3, v2  }
0x133: {  	[tilespmem:s19], [sflag:$0x3] =	stream.indirect_vreg.gather [hbm4b:s2+s3], $0x80, v4, vm0, $0xb8;
	[tilespmem:$0x18400] =	vst v63  }
0x134: {  	v3 =	vadd.s32 v1, v3;
	s19 =	simm.s32 $0xFC00  }
0x135: {  	[tilespmem:s19], [sflag:$0x3] =	stream.indirect_vreg.gather [hbm4b:s5+s3], $0x80, v4, vm0, $0xb8;
	[tilespmem:$0x18400] =	vst v63  }
0x136: {  	s19 =	simm.s32 $0x10400  }
0x137: {  	[tilespmem:s19], [sflag:$0x3] =	stream.indirect_vreg.gather [hbm4b:s6+s3], $0x80, v4, vm0, $0xb8;
	[tilespmem:$0x18400] =	vst v63  }
0x138: {  	s19 =	simm.s32 $0x10C00  }
0x139: {  	[tilespmem:s19], [sflag:$0x3] =	stream.indirect_vreg.gather [hbm4b:s2+s3], $0x80, v3, vm0, $0xb8;
	[tilespmem:$0x18400] =	vst v63  }
0x13a: {  	s19 =	simm.s32 $0x11400  }
0x13b: {  	[tilespmem:s19], [sflag:$0x3] =	stream.indirect_vreg.gather [hbm4b:s5+s3], $0x80, v3, vm0, $0xb8;
	[tilespmem:$0x18400] =	vst v63  }
0x13c: {  	s19 =	simm.s32 $0x11C00  }
0x13d: {  	[tilespmem:s19], [sflag:$0x3] =	stream.indirect_vreg.gather [hbm4b:s6+s3], $0x80, v3, vm0, $0xb8;
	[tilespmem:$0x18400] =	vst v63  }
0x13e: {  	_ =	swait.ge [sflag:s0], $0x6000  }
0x13f: {  	[sflag:s0] =	ssyncset.done $0x0  }
0x140: {  	s14 =	rddreg [dreg:$0x8];
	[sflag:s0] =	ssyncadd.s32 $0xFFFFA000;
	s0 =	simm.s32 $0x8  }
0x141: {  	[hbm4b:s14+s3] =	stream.linear.scatter [tilespmem:s21], [sflag:$0x5], $0x6000, $0x38;
	[tilespmem:$0x18400] =	vst v63  }
0x142: {  	_ =	swait.ge [sflag:s0], $0x6000  }
0x143: {  	[sflag:s0] =	ssyncset.done $0x0  }
0x144: {  	[sflag:s0] =	ssyncadd.s32 $0xFFFFA000  }
0x145: {  	v3 =	vld [tilespmem:$0x380];
	_ =	sdelay $0x4  }
0x146: {  	v62 =	vshrl.u32 v3, $0x3  }
0x147: {  	v4 =	vmul.u32 $0x30, v62  }
0x148: {  	v3 =	vand.u32 $0x7, v3  }
0x149: {  	v3 =	vor.u32 v3, v4  }
0x14a: {  	v4 =	vperm.xlane v3, v0;
	_ =	sdelay $0x1  }
0x14b: {  	v4 =	vadd.s32 v1, v4;
	_ =	sdelay $0x3  }
0x14c: {  	v3 =	vperm.xlane v3, v2  }
0x14d: {  	[tilespmem:s8], [sflag:$0x4] =	stream.indirect_vreg.gather [hbm4b:s2+s3], $0x80, v4, vm0, $0xb8;
	[tilespmem:$0x18400] =	vst v63  }
0x14e: {  	s19 =	simm.s32 $0x12C00;
	v3 =	vadd.s32 v1, v3  }
0x14f: {  	[tilespmem:s19], [sflag:$0x4] =	stream.indirect_vreg.gather [hbm4b:s5+s3], $0x80, v4, vm0, $0xb8;
	[tilespmem:$0x18400] =	vst v63  }
0x150: {  	s19 =	simm.s32 $0x13400  }
0x151: {  	[tilespmem:s19], [sflag:$0x4] =	stream.indirect_vreg.gather [hbm4b:s6+s3], $0x80, v4, vm0, $0xb8;
	[tilespmem:$0x18400] =	vst v63  }
0x152: {  	s19 =	simm.s32 $0x13C00  }
0x153: {  	[tilespmem:s19], [sflag:$0x4] =	stream.indirect_vreg.gather [hbm4b:s2+s3], $0x80, v3, vm0, $0xb8;
	[tilespmem:$0x18400] =	vst v63  }
0x154: {  	s19 =	simm.s32 $0x14400  }
0x155: {  	[tilespmem:s19], [sflag:$0x4] =	stream.indirect_vreg.gather [hbm4b:s5+s3], $0x80, v3, vm0, $0xb8;
	[tilespmem:$0x18400] =	vst v63  }
0x156: {  	s19 =	simm.s32 $0x14C00  }
0x157: {  	[tilespmem:s19], [sflag:$0x4] =	stream.indirect_vreg.gather [hbm4b:s6+s3], $0x80, v3, vm0, $0xb8;
	[tilespmem:$0x18400] =	vst v63  }
0x158: {  	v3 =	vld [tilespmem:$0x390];
	_ =	sdelay $0x4  }
0x159: {  	v63 =	vshrl.u32 v3, $0x3  }
0x15a: {  	v4 =	vmul.u32 $0x30, v63  }
0x15b: {  	v3 =	vand.u32 $0x7, v3  }
0x15c: {  	v3 =	vor.u32 v3, v4  }
0x15d: {  	v4 =	vperm.xlane v3, v0;
	_ =	sdelay $0x1  }
0x15e: {  	v4 =	vadd.s32 v1, v4;
	_ =	sdelay $0x3  }
0x15f: {  	s19 =	simm.s32 $0x15400;
	v3 =	vperm.xlane v3, v2  }
0x160: {  	[tilespmem:s19], [sflag:$0x4] =	stream.indirect_vreg.gather [hbm4b:s2+s3], $0x80, v4, vm0, $0xb8;
	[tilespmem:$0x18400] =	vst v63  }
0x161: {  	v3 =	vadd.s32 v1, v3;
	s19 =	simm.s32 $0x15C00  }
0x162: {  	[tilespmem:s19], [sflag:$0x4] =	stream.indirect_vreg.gather [hbm4b:s5+s3], $0x80, v4, vm0, $0xb8;
	[tilespmem:$0x18400] =	vst v63  }
0x163: {  	s19 =	simm.s32 $0x16400  }
0x164: {  	[tilespmem:s19], [sflag:$0x4] =	stream.indirect_vreg.gather [hbm4b:s6+s3], $0x80, v4, vm0, $0xb8;
	[tilespmem:$0x18400] =	vst v63  }
0x165: {  	s19 =	simm.s32 $0x16C00  }
0x166: {  	[tilespmem:s19], [sflag:$0x4] =	stream.indirect_vreg.gather [hbm4b:s2+s3], $0x80, v3, vm0, $0xb8;
	[tilespmem:$0x18400] =	vst v63  }
0x167: {  	s19 =	simm.s32 $0x17400  }
0x168: {  	[tilespmem:s19], [sflag:$0x4] =	stream.indirect_vreg.gather [hbm4b:s5+s3], $0x80, v3, vm0, $0xb8;
	[tilespmem:$0x18400] =	vst v63  }
0x169: {  	s19 =	simm.s32 $0x17C00  }
0x16a: {  	[tilespmem:s19], [sflag:$0x4] =	stream.indirect_vreg.gather [hbm4b:s6+s3], $0x80, v3, vm0, $0xb8;
	[tilespmem:$0x18400] =	vst v63  }
0x16b: {  	_ =	swait.ge [sflag:s1], $0x6000  }
0x16c: {  	[sflag:s1] =	ssyncset.done $0x0  }
0x16d: {  	s14 =	rddreg [dreg:$0x9];
	[sflag:s1] =	ssyncadd.s32 $0xFFFFA000  }
0x16e: {  	[hbm4b:s14+s3] =	stream.linear.scatter [tilespmem:s12], [sflag:$0x6], $0x6000, $0x38;
	[tilespmem:$0x18400] =	vst v63  }
0x16f: {  	_ =	swait.ge [sflag:s9], $0x6000  }
0x170: {  	[sflag:s9] =	ssyncset.done $0x0  }
0x171: {  	s1 =	rddreg [dreg:$0xa];
	[sflag:s9] =	ssyncadd.s32 $0xFFFFA000  }
0x172: {  	[hbm4b:s1+s3] =	stream.linear.scatter [tilespmem:s18], [sflag:$0x7], $0x6000, $0x38;
	[tilespmem:$0x18400] =	vst v63  }
0x173: {  	_ =	swait.ge [sflag:s11], $0x6000  }
0x174: {  	[sflag:s11] =	ssyncset.done $0x0  }
0x175: {  	s14 =	rddreg [dreg:$0xb];
	[sflag:s11] =	ssyncadd.s32 $0xFFFFA000  }
0x176: {  	[hbm4b:s14+s3] =	stream.linear.scatter [tilespmem:s8], [sflag:$0x8], $0x6000, $0x38;
	[tilespmem:$0x18400] =	vst v63  }
0x177: {  	_ =	swait.ge [sflag:s4], $0x6000  }
0x178: {  	[sflag:s4] =	ssyncset.done $0x0  }
0x179: {  	[sflag:s4] =	ssyncadd.s32 $0xFFFFA000  }
0x17a: {  	_ =	swait.ge [sflag:s10], $0x6000  }
0x17b: {  	[sflag:s10] =	ssyncset.done $0x0  }
0x17c: {  	[sflag:s10] =	ssyncadd.s32 $0xFFFFA000  }
0x17d: {  	p0 =	sne.s32 s7, $0x1;
	_ =	swait.ge [sflag:s13], $0x6000  }
.Ltmp0:
0x17e: {  	[sflag:s13] =	ssyncset.done $0x0;
	(pc) =	sbr.rel @p0 .LBB2_1-.Ltmp0, $4  }
0x17f: {  	[sflag:s13] =	ssyncadd.s32 $0xFFFFA000  }
0x180: {  	_ =	swait.ge [sflag:s0], $0x6000  }
0x181: {  	[sflag:s0] =	ssyncset.done $0x0  }
0x182: {  	s7 =	sadd.s32 $0xFFFFFFFF, s7;
	[sflag:s0] =	ssyncadd.s32 $0xFFFFA000  }
0x183: {  	_ =	sfence.sel $0x180000  }
0x184: {  	[bflag:$0x0] =	sbarrier.arrive $0xFFFF  }
0x185: {  	_ =	strace $0x90000047  }
0x186: {  	s0 =	stileid.u32;
	[bflag:$0x2] =	sbarrier.arrive $0xFFFF  }
0x187: {  	p0 =	sne.s32 s0, $0x0;
	s0 =	rddreg [dreg:$0x3]  }
0x188: {  	s0 =	sadd.s32 @!p0 $0x100000, s0  }
0x189: {  	[sflag:s0] =	ssyncadd.tile.s32 @!p0 $0x1;
	_ =	shalt  }
.Lfunc_end2:
_tile_overlayer_lowered:
.L_overlay_start_2:
0x18a: {  	(tag) =	ssettag $0x2  }
0x18b: {  	s0 =	rddreg [dreg:$0x0];
	s2 =	stileid.u32  }
0x18c: {  	s1 =	rddreg [dreg:$0x1];
	p0 =	sne.s32 s2, $0x0  }
0x18d: {  	s3 =	rddreg [dreg:$0x2];
	[bflag:$0x3] =	sbarrier.arrive $0xFFFF;
	s2 =	simm.s32 @!p0 $0x1C09  }
0x18e: {  	[timem:s3], [sflag:s2] =	dma.local @!p0 [hbm:s0], s1  }
0x18f: {  	s0 =	simm.s32 @!p0 $0x9  }
0x190: {  	_ =	swait.ge @!p0 [sflag:s0], s1  }
0x191: {  	s1 =	ssub.s32 @!p0 $0x0, s1;
	[sflag:s0] =	ssyncset.done @!p0 $0x0  }
0x192: {  	[sflag:s0] =	ssyncadd.s32 @!p0 s1  }
0x193: {  	[bflag:$0x3] =	sbarrier.arrive $0xFFFF  }
0x194: {  	_ =	shalt  }

// kernel: kernel.13.cloned.1.call-start
scs
__scs_entry_jumppad:
0x0: {  	(pc) =	sbr.rel $0x88, $3  }
0x1: {  	(tag) =	ssettag $0x0;
	lr =	simm.s32 $0x1  }
0x2: {  	[smem:$0x3F9B] =	sst lr;
	_ =	strace $0xD0000000  }
0x3: {  	_ = 	snop  }
0x4: {  	_ = 	snop  }
0x5: {  	_ = 	snop  }
0x6: {  	_ = 	snop  }
0x7: {  	_ = 	snop  }
__scs_overlays_trampoline_lowered:
0x8: {  	[smem:$0x3FAA] =	sst s0  }
0x9: {  	[smem:$0x3FAB] =	sst s1  }
0xa: {  	[smem:$0x3FAC] =	sst s2  }
0xb: {  	[smem:$0x3FAD] =	sst s3  }
0xc: {  	[smem:$0x3FAE] =	sst s4  }
0xd: {  	[smem:$0x3FAF] =	sst s5  }
0xe: {  	[smem:$0x3FB0] =	sst s6  }
0xf: {  	[smem:$0x3FB1] =	sst s7  }
0x10: {  	[smem:$0x3FB2] =	sst s8  }
0x11: {  	[smem:$0x3FB3] =	sst s9;
	s0 =	simm.s32 @!p0 $0x0  }
0x12: {  	s1 =	sld [smem:$0x3F99];
	s0 =	simm.s32 @p0 $0x1  }
0x13: {  	[smem:$0x3FB4] =	sst s0;
	s0 =	simm.s32 @!p1 $0x0  }
0x14: {  	s2 =	sld [smem:$0x3F98];
	s0 =	simm.s32 @p1 $0x1  }
0x15: {  	[smem:$0x3FB5] =	sst s0;
	s0 =	simm.s32 @!p2 $0x0  }
0x16: {  	s3 =	sld [smem:$0x3FDB];
	s0 =	simm.s32 @p2 $0x1  }
0x17: {  	s4 =	simm.s32 $0x1BF5;
	[smem:$0x3FB7] =	sst s0  }
0x18: {  	s0 =	sld [smem:$0x3F9A];
	_ =	swait.ge [sflag:s4], $0x0  }
0x19: {  	s7 =	sld [smem:$0x3F9B]  }
0x1a: {  	s8 =	sadd.s32 $0xFFFFE003, lr  }
0x1b: {  	s9 =	sadd.s32 $0xFFFFFEF7, lr;
	s5 =	simm.s32 $0xFFFFFFFF;
	p2 =	slt.u32 s8, $0xFFFFF086  }
0x1c: {  	p1 =	slt.u32 s9, $0xF7A;
	s5 =	simm.s32 @!p2 $0x0  }
0x1d: {  	s5 =	simm.s32 @p1 $0x1;
	p0 =	seq.s32 s7, s2  }
0x1e: {  	s7 =	smul.u32 @!p0 $0xF7A, s2;
	p2 =	seq.s32 @!p0 s5, $0x0  }
0x1f: {  	s9 =	smul.u32 $0xF7A, s1;
	s8 =	simm.s32 @!p0 $0x1BF5;
	p2 =	por !p2, p0  }
0x20: {  	[sflag:s8] =	ssyncset.s32 @!p0 $0xFFFFF086;
	s6 =	sadd.s32 @!p0 s3, s7;
	s7 =	simm.s32 @!p0 $0x108  }
0x21: {  	s3 =	sadd.s32 s3, s9;
	s6 =	sadd.s32 @!p0 $0x88, s6;
	s7 =	simm.s32 @p2 $0x1082  }
0x22: {  	[simem:s7], [sflag:s8] =	dma.local @!p0 [hbm:s6], $0xF7A  }
0x23: {  	s9 =	sor.u32 $0xD0000000, s2;
	s6 =	simm.s32 $0x108;
	_ =	swait.ge @!p0 [sflag:s8], $0x0  }
0x24: {  	s3 =	sadd.s32 $0x88, s3;
	s6 =	simm.s32 @!p1 $0x1082;
	[sflag:s4] =	ssyncset.s32 $0xFFFFF086  }
0x25: {  	[simem:s6], [sflag:s4] =	dma.local [hbm:s3], $0xF7A  }
0x26: {  	[smem:$0x3F9B] =	sst s1;
	(tag) =	ssettag s2;
	_ =	strace s9  }
0x27: {  	s1 =	sld [smem:$0x3FAB]  }
0x28: {  	s2 =	sld [smem:$0x3FAC]  }
0x29: {  	s4 =	sld [smem:$0x3FAE]  }
0x2a: {  	p0 =	seq.s32 s5, $0x0;
	s5 =	sld [smem:$0x3FAF]  }
0x2b: {  	s6 =	sld [smem:$0x3FB0]  }
0x2c: {  	s7 =	sld [smem:$0x3FB1]  }
0x2d: {  	s3 =	simm.s32 $0x108;
	s8 =	sld [smem:$0x3FB2]  }
0x2e: {  	s3 =	simm.s32 @!p0 $0x1082;
	s9 =	sld [smem:$0x3FB3]  }
0x2f: {  	lr =	sadd.s32 s0, s3;
	s0 =	sld [smem:$0x3FAA]  }
0x30: {  	s3 =	sld [smem:$0x3FAD]  }
0x31: {  	[smem:$0x3FB6] =	sst s10  }
0x32: {  	s10 =	sld [smem:$0x3FB4];
	_ =	sdelay $0x3  }
0x33: {  	p0 =	seq.s32 s10, $0x1;
	s10 =	sld [smem:$0x3FB6];
	_ =	sdelay $0x3  }
0x34: {  	[smem:$0x3FB6] =	sst s10  }
0x35: {  	s10 =	sld [smem:$0x3FB5];
	_ =	sdelay $0x3  }
0x36: {  	p1 =	seq.s32 s10, $0x1;
	s10 =	sld [smem:$0x3FB6];
	_ =	sdelay $0x3  }
0x37: {  	[smem:$0x3FB6] =	sst s10  }
0x38: {  	s10 =	sld [smem:$0x3FB7]  }
0x39: {  	_ = 	snop;
	(pc) =	sbr.ind lr, $3  }
0x3a: {  	_ = 	snop  }
0x3b: {  	_ = 	snop  }
0x3c: {  	p2 =	seq.s32 s10, $0x1;
	s10 =	sld [smem:$0x3FB6]  }
0x3d: {  	_ =	shalt  }
0x3e: {  	_ =	shalt  }
0x3f: {  	_ =	shalt  }
0x40: {  	_ =	shalt  }
0x41: {  	_ =	shalt  }
0x42: {  	_ =	shalt  }
0x43: {  	_ =	shalt  }
0x44: {  	_ =	shalt  }
0x45: {  	_ =	shalt  }
0x46: {  	_ =	shalt  }
0x47: {  	_ =	shalt  }
0x48: {  	_ =	shalt  }
0x49: {  	_ =	shalt  }
0x4a: {  	_ =	shalt  }
0x4b: {  	_ =	shalt  }
0x4c: {  	_ =	shalt  }
0x4d: {  	_ =	shalt  }
0x4e: {  	_ =	shalt  }
0x4f: {  	_ =	shalt  }
0x50: {  	_ =	shalt  }
0x51: {  	_ =	shalt  }
0x52: {  	_ =	shalt  }
0x53: {  	_ =	shalt  }
0x54: {  	_ =	shalt  }
0x55: {  	_ =	shalt  }
0x56: {  	_ =	shalt  }
0x57: {  	_ =	shalt  }
0x58: {  	_ =	shalt  }
0x59: {  	_ =	shalt  }
0x5a: {  	_ =	shalt  }
0x5b: {  	_ =	shalt  }
0x5c: {  	_ =	shalt  }
0x5d: {  	_ =	shalt  }
0x5e: {  	_ =	shalt  }
0x5f: {  	_ =	shalt  }
0x60: {  	_ =	shalt  }
0x61: {  	_ =	shalt  }
0x62: {  	_ =	shalt  }
0x63: {  	_ =	shalt  }
0x64: {  	_ =	shalt  }
0x65: {  	_ =	shalt  }
0x66: {  	_ =	shalt  }
0x67: {  	_ =	shalt  }
0x68: {  	_ =	shalt  }
0x69: {  	_ =	shalt  }
0x6a: {  	_ =	shalt  }
0x6b: {  	_ =	shalt  }
0x6c: {  	_ =	shalt  }
0x6d: {  	_ =	shalt  }
0x6e: {  	_ =	shalt  }
0x6f: {  	_ =	shalt  }
0x70: {  	_ =	shalt  }
0x71: {  	_ =	shalt  }
0x72: {  	_ =	shalt  }
0x73: {  	_ =	shalt  }
0x74: {  	_ =	shalt  }
0x75: {  	_ =	shalt  }
0x76: {  	_ =	shalt  }
0x77: {  	_ =	shalt  }
0x78: {  	_ =	shalt  }
0x79: {  	_ =	shalt  }
0x7a: {  	_ =	shalt  }
0x7b: {  	_ =	shalt  }
0x7c: {  	_ =	shalt  }
0x7d: {  	_ =	shalt  }
0x7e: {  	_ =	shalt  }
0x7f: {  	_ =	shalt  }
0x80: {  	_ =	shalt  }
0x81: {  	_ =	shalt  }
0x82: {  	_ =	shalt  }
0x83: {  	_ =	shalt  }
0x84: {  	_ =	shalt  }
0x85: {  	_ =	shalt  }
0x86: {  	_ =	shalt  }
0x87: {  	_ =	shalt  }
.Lfunc_end0:
.L_simem_size_0:
called_computation.1_lowered:
.L_overlay_start_0:
0x88: {  	s2 =	sld [smem:$0x3FD9]  }
0x89: {  	s3 =	sld [smem:$0x3FFE];
	_ =	sdelay $0x1  }
0x8a: {  	s1 =	srdreg.scid  }
0x8b: {  	s0 =	sand.u32 $0x1, s1  }
0x8c: {  	s17 =	sshll.u32 s0, $0xA;
	s2 =	sadd.s32 s3, s2  }
0x8d: {  	s2 =	sadd.s32 s2, s17  }
0x8e: {  	[smem:$0x3FC2] =	sst s2  }
0x8f: {  	_ = 	snop  }
0x90: {  	s18 =	sld [smem:$0x3FC8];
	(tm) =	ssettm $0x1  }
0x91: {  	s19 =	sld [smem:$0x3FFB];
	_ =	sdelay $0x3  }
0x92: {  	_ =	strace s19  }
0x93: {  	s2 =	sld [smem:$0x3FFC];
	_ =	sdelay $0x3  }
0x94: {  	_ =	strace s2  }
0x95: {  	s2 =	sld [smem:$0x3FFD];
	_ =	sdelay $0x3  }
0x96: {  	_ =	strace s2  }
0x97: {  	_ =	strace $0x8FFFFFFF  }
0x98: {  	s20 =	sld [smem:$0x3FDB];
	_ =	sdelay $0x1  }
0x99: {  	s4 =	simm.s32 $_scs_section_size  }
0x9a: {  	s5 =	simm.s32 $_size__tile_overlayer_lowered;
	s6 =	simm.s32 $_tile_overlayer_lowered  }
0x9b: {  	s7 =	simm.s32 $0x1BFF;
	s21 =	sshll.u32 s6, $0x1;
	s4 =	sadd.s32 s4, s20  }
0x9c: {  	s22 =	simm.s32 $0x0;
	s5 =	sshll.u32 s5, $0x1;
	s6 =	sadd.s32 s21, s4  }
0x9d: {  	[timem:s22], [sflag:s7] =	dma.local [hbm:s6], s5  }
0x9e: {  	_ =	swait.ge [sflag:s7], s5  }
0x9f: {  	s5 =	ssub.s32 $0x0, s5;
	[sflag:s7] =	ssyncset.done $0x0  }
0xa0: {  	[sflag:s7] =	ssyncadd.s32 s5;
	_ =	sdelay $0x1  }
0xa1: {  	s23 =	simm.s32 $0x1B8B  }
0xa2: {  	_ =	swait.ge [sflag:s23], $0x1  }
0xa3: {  	[sflag:s23] =	ssyncset.done $0x0  }
0xa4: {  	[sflag:s23] =	ssyncadd.s32 $0xFFFFFFFF  }
0xa5: {  	s5 =	sld [smem:$0x0]  }
0xa6: {  	s6 =	sand.u32 $0xFFFFFFFE, s1  }
0xa7: {  	p0 =	sne.s32 s1, s6  }
0xa8: {  	s6 =	sshll.u32 @p0 s6, $0xE  }
0xa9: {  	s6 =	sadd.s32 @p0 $0x11B8D, s6;
	s7 =	sshll.u32 @p0 s5, $0x11  }
0xaa: {  	s6 =	sor.u32 @p0 s7, s6  }
0xab: {  	[sflag:s6] =	ssyncadd.remote.s32 @p0 $0x1;
	_ =	sdelay $0x1  }
0xac: {  	s6 =	simm.s32 @p0 $0x1B8D  }
0xad: {  	_ =	swait.eq @p0 [sflag:s6], $0x1  }
0xae: {  	[sflag:s6] =	ssyncadd.s32 @p0 $0xFFFFFFFF  }
0xaf: {  	s7 =	sshll.u32 @!p0 s1, $0xE  }
0xb0: {  	s7 =	sor.u32 @!p0 $0x4000, s7;
	s6 =	simm.s32 @!p0 $0x1B8D  }
0xb1: {  	s5 =	sshll.u32 @!p0 s5, $0x11;
	s7 =	sadd.s32 @!p0 $0x11B8D, s7;
	_ =	swait.eq @!p0 [sflag:s6], $0x1  }
0xb2: {  	s5 =	sor.u32 @!p0 s5, s7;
	[sflag:s6] =	ssyncadd.s32 @!p0 $0xFFFFFFFF  }
0xb3: {  	s25 =	simm.s32 $0x1B8E;
	s24 =	sld [smem:$0x3FFE];
	[sflag:s5] =	ssyncadd.remote.s32 @!p0 $0x1  }
0xb4: {  	s26 =	simm.s32 $execute0_lowered;
	[smem:$0x3FD2] =	sst s25  }
0xb5: {  	s6 =	sshll.u32 s26, $0x1;
	_ =	strace $0x80000049;
	[dreg:$0x1] =	wrdreg $0xFFFFFFFF  }
0xb6: {  	s28 =	simm.s32 $_size_execute0_lowered;
	s4 =	sadd.s32 s4, s6;
	[dreg:$0x0] =	wrdreg $0x0  }
0xb7: {  	s6 =	sshll.u32 s28, $0x1;
	[dreg:$0x2] =	wrdreg s4  }
0xb8: {  	[dreg:$0x3] =	wrdreg s6  }
0xb9: {  	[dreg:$0x4] =	wrdreg $0xC0  }
0xba: {  	_ =	task [dreg:s22], $0x5FFFF  }
0xbb: {  	[dreg:$0x1] =	wrdreg $0xFFFFFFFF  }
0xbc: {  	[dreg:$0x0] =	wrdreg $0x60  }
0xbd: {  	[dreg:$0x2] =	wrdreg s24  }
0xbe: {  	[dreg:$0x3] =	wrdreg s18  }
0xbf: {  	[dreg:$0x4] =	wrdreg $0xA  }
0xc0: {  	_ =	task.clear_ibuf [dreg:s22], $0x5FFFF;
	_ =	strace $0x90000049  }
0xc1: {  	s29 =	simm.s32 $0xA;
	_ =	strace $0x8000004B  }
0xc2: {  	_ =	swait.ge [sflag:s29], $0x1  }
0xc3: {  	[sflag:s29] =	ssyncadd.s32 $0xFFFFFFFF  }
0xc4: {  	_ =	strace $0x9000004B  }
0xc5: {  	_ =	sfence  }
0xc6: {  	s30 =	sld [smem:$0x0];
	_ =	sdelay $0x2  }
0xc7: {  	s31 =	sshll.u32 s1, $0xD;
	s1 =	sshrl.u32 s1, $0x2  }
0xc8: {  	s4 =	sand.u32 $0x4000, s31;
	s1 =	sadd.s32 s1, s30  }
0xc9: {  	s0 =	sor.u32 s4, s0;
	s1 =	sshll.u32 s1, $0x11  }
0xca: {  	s0 =	sor.u32 s1, s0  }
0xcb: {  	s0 =	sadd.s32 $0x8F2B, s0  }
0xcc: {  	[sflag:s0] =	ssyncadd.remote.s32 $0x1  }
0xcd: {  	_ =	sfence.sel $0xFFFF  }
0xce: {  	[dreg:$0x0] =	wrdreg $0xFFFFFFFF;
	(pc) =	sbr.abs _section_cstart, $3  }
0xcf: {  	[dreg:$0x1] =	wrdreg $0xFFFFFFFF  }
0xd0: {  	_ =	task.clear_ibuf [dreg:s22], $0x2FFFF;
	_ =	strace $0x9FFFFFFF  }
0xd1: {  	(tm) =	ssettm $0x7FFFFFFF  }
tec
execute0_lowered:
.L_overlay_start_1:
0x0: {  	(tag) =	ssettag $0x1  }
0x1: {  	s0 =	rddreg [dreg:$0x0];
	s1 =	srdreg.scid  }
0x2: {  	s3 =	stileid.u32;
	s2 =	rddreg [dreg:$0x1];
	s20 =	simm.s32 $0xC00  }
0x3: {  	s28 =	simm.s32 $0x2C00;
	s29 =	simm.s32 $0x3400;
	s30 =	simm.s32 $0x3C00  }
0x4: {  	s31 =	simm.s32 $0x4400;
	s12 =	simm.s32 $0x6400;
	s15 =	simm.s32 $0xAC00  }
0x5: {  	s16 =	simm.s32 $0xB400;
	s17 =	simm.s32 $0xBC00;
	s18 =	simm.s32 $0xC400  }
0x6: {  	s1 =	sand.u32 $0x1, s1;
	s4 =	sshll.u32 s3, $0x1;
	s3 =	simm.s32 $0x0  }
0x7: {  	s8 =	simm.s32 $0x12400;
	s4 =	sor.u32 s1, s4;
	[smem:$0x7FF] =	sst s3  }
0x8: {  	s1 =	ssub.s32 $0x2, s1;
	s5 =	sshll.u32 s4, $0x7;
	s6 =	smul.u32 $0x6000, s4  }
0x9: {  	s4 =	smul.u32 $0x30000, s4;
	_ =	strace $0x8000004A;
	s5 =	sadd.s32 s5, s0  }
0xa: {  	s24 =	sshrl.u32 s1, $0x1;
	s0 =	sadd.s32 $0xC3E00, s0;
	s5 =	sadd.s32 $0xC2E00, s5  }
0xb: {  	s1 =	ssub.s32 s1, s24;
	s6 =	sadd.s32 s0, s6;
	[dreg:$0x3] =	wrdreg s5  }
0xc: {  	s4 =	sshrl.u32 s4, $0x3;
	s21 =	sadd.s32 $0xC00, s6;
	[dreg:$0xb] =	wrdreg s6  }
0xd: {  	s22 =	sadd.s32 $0x1800, s6;
	s0 =	sadd.s32 s0, s4;
	[dreg:$0x4] =	wrdreg s21  }
0xe: {  	s24 =	simm.s32 $0x1400;
	[dreg:$0x5] =	wrdreg s22;
	s4 =	sadd.s32 $0x2400, s0  }
0xf: {  	s7 =	smax.u32 s1, $0x1;
	s23 =	sadd.s32 $0x3000, s0;
	[dreg:$0x6] =	wrdreg s4  }
0x10: {  	s5 =	sadd.s32 $0x100, s2;
	s25 =	sadd.s32 $0x3C00, s0;
	[dreg:$0x7] =	wrdreg s23  }
0x11: {  	s6 =	sadd.s32 $0x200, s2;
	s26 =	sadd.s32 $0x4800, s0;
	[dreg:$0x8] =	wrdreg s25  }
0x12: {  	v2 =	vlaneseq.u32;
	s0 =	sadd.s32 $0x5400, s0;
	s21 =	simm.s32 $0x400;
	[dreg:$0x9] =	wrdreg s26  }
0x13: {  	vm0 =	vmmov $0xffff;
	v1 =	vshrl.u32 v2, $0x3;
	s22 =	simm.s32 $0x8C00;
	[dreg:$0xa] =	wrdreg s0;
	s25 =	simm.s32 $0x1C00  }
0x14: {  	v0 =	vand.u32 $0x7, v2;
	v2 =	vor.u32 $0x8, v2;
	v1 =	vmul.u32 $0x8, v1;
	s26 =	simm.s32 $0x2400;
	s23 =	simm.s32 $0x8400;
	s4 =	simm.s32 $0x5  }
.LBB2_1:
0x15: {  	s19 =	rddreg [dreg:$0x3];
	s0 =	simm.s32 $0x9  }
0x16: {  	[tilespmem:s3], [sflag:$0x9] =	stream.linear.gather [hbm4b:s19+s3], $0x400, $0x38;
	[tilespmem:$0x18400] =	vst v63  }
0x17: {  	_ =	swait.ge [sflag:s0], $0x400  }
0x18: {  	[sflag:s0] =	ssyncset.done $0x0  }
0x19: {  	[sflag:s0] =	ssyncadd.s32 $0xFFFFFC00  }
0x1a: {  	v3 =	vld [tilespmem:$0x0];
	_ =	sdelay $0x4  }
0x1b: {  	v4 =	vshrl.u32 v3, $0x3  }
0x1c: {  	v4 =	vmul.u32 $0x30, v4  }
0x1d: {  	v3 =	vand.u32 $0x7, v3  }
0x1e: {  	v3 =	vor.u32 v3, v4  }
0x1f: {  	v4 =	vperm.xlane v3, v0;
	_ =	sdelay $0x1  }
0x20: {  	v4 =	vadd.s32 v1, v4;
	_ =	sdelay $0x3  }
0x21: {  	v3 =	vperm.xlane v3, v2  }
0x22: {  	[tilespmem:s21], [sflag:$0x1] =	stream.indirect_vreg.gather [hbm4b:s2+s3], $0x80, v4, vm0, $0xb8;
	[tilespmem:$0x18400] =	vst v63  }
0x23: {  	v3 =	vadd.s32 v1, v3  }
0x24: {  	[tilespmem:s20], [sflag:$0x1] =	stream.indirect_vreg.gather [hbm4b:s5+s3], $0x80, v4, vm0, $0xb8;
	[tilespmem:$0x18400] =	vst v63  }
0x25: {  	_ = 	snop  }
0x26: {  	[tilespmem:s24], [sflag:$0x1] =	stream.indirect_vreg.gather [hbm4b:s6+s3], $0x80, v4, vm0, $0xb8;
	[tilespmem:$0x18400] =	vst v63  }
0x27: {  	_ = 	snop  }
0x28: {  	[tilespmem:s25], [sflag:$0x1] =	stream.indirect_vreg.gather [hbm4b:s2+s3], $0x80, v3, vm0, $0xb8;
	[tilespmem:$0x18400] =	vst v63  }
0x29: {  	_ = 	snop  }
0x2a: {  	[tilespmem:s26], [sflag:$0x1] =	stream.indirect_vreg.gather [hbm4b:s5+s3], $0x80, v3, vm0, $0xb8;
	[tilespmem:$0x18400] =	vst v63  }
0x2b: {  	_ = 	snop  }
0x2c: {  	[tilespmem:s28], [sflag:$0x1] =	stream.indirect_vreg.gather [hbm4b:s6+s3], $0x80, v3, vm0, $0xb8;
	[tilespmem:$0x18400] =	vst v63  }
0x2d: {  	v3 =	vld [tilespmem:$0x10];
	_ =	sdelay $0x4  }
0x2e: {  	v49 =	vshrl.u32 v3, $0x3  }
0x2f: {  	v4 =	vmul.u32 $0x30, v49  }
0x30: {  	v3 =	vand.u32 $0x7, v3  }
0x31: {  	v3 =	vor.u32 v3, v4  }
0x32: {  	v4 =	vperm.xlane v3, v0;
	_ =	sdelay $0x1  }
0x33: {  	v4 =	vadd.s32 v1, v4;
	_ =	sdelay $0x3  }
0x34: {  	v3 =	vperm.xlane v3, v2  }
0x35: {  	[tilespmem:s29], [sflag:$0x1] =	stream.indirect_vreg.gather [hbm4b:s2+s3], $0x80, v4, vm0, $0xb8;
	[tilespmem:$0x18400] =	vst v63  }
0x36: {  	v3 =	vadd.s32 v1, v3  }
0x37: {  	[tilespmem:s30], [sflag:$0x1] =	stream.indirect_vreg.gather [hbm4b:s5+s3], $0x80, v4, vm0, $0xb8;
	[tilespmem:$0x18400] =	vst v63  }
0x38: {  	_ = 	snop  }
0x39: {  	[tilespmem:s31], [sflag:$0x1] =	stream.indirect_vreg.gather [hbm4b:s6+s3], $0x80, v4, vm0, $0xb8;
	[tilespmem:$0x18400] =	vst v63  }
0x3a: {  	s10 =	simm.s32 $0x4C00  }
0x3b: {  	[tilespmem:s10], [sflag:$0x1] =	stream.indirect_vreg.gather [hbm4b:s2+s3], $0x80, v3, vm0, $0xb8;
	[tilespmem:$0x18400] =	vst v63  }
0x3c: {  	s9 =	simm.s32 $0x5400  }
0x3d: {  	[tilespmem:s9], [sflag:$0x1] =	stream.indirect_vreg.gather [hbm4b:s5+s3], $0x80, v3, vm0, $0xb8;
	[tilespmem:$0x18400] =	vst v63  }
0x3e: {  	s11 =	simm.s32 $0x5C00  }
0x3f: {  	[tilespmem:s11], [sflag:$0x1] =	stream.indirect_vreg.gather [hbm4b:s6+s3], $0x80, v3, vm0, $0xb8;
	[tilespmem:$0x18400] =	vst v63  }
0x40: {  	v3 =	vld [tilespmem:$0x80];
	_ =	sdelay $0x4  }
0x41: {  	v50 =	vshrl.u32 v3, $0x3  }
0x42: {  	v4 =	vmul.u32 $0x30, v50  }
0x43: {  	v3 =	vand.u32 $0x7, v3  }
0x44: {  	v3 =	vor.u32 v3, v4  }
0x45: {  	v4 =	vperm.xlane v3, v0;
	_ =	sdelay $0x1  }
0x46: {  	v4 =	vadd.s32 v1, v4;
	_ =	sdelay $0x3  }
0x47: {  	v3 =	vperm.xlane v3, v2  }
0x48: {  	[tilespmem:s12], [sflag:$0x2] =	stream.indirect_vreg.gather [hbm4b:s2+s3], $0x80, v4, vm0, $0xb8;
	[tilespmem:$0x18400] =	vst v63  }
0x49: {  	s13 =	simm.s32 $0x6C00;
	v3 =	vadd.s32 v1, v3  }
0x4a: {  	[tilespmem:s13], [sflag:$0x2] =	stream.indirect_vreg.gather [hbm4b:s5+s3], $0x80, v4, vm0, $0xb8;
	[tilespmem:$0x18400] =	vst v63  }
0x4b: {  	s14 =	simm.s32 $0x7400  }
0x4c: {  	[tilespmem:s14], [sflag:$0x2] =	stream.indirect_vreg.gather [hbm4b:s6+s3], $0x80, v4, vm0, $0xb8;
	[tilespmem:$0x18400] =	vst v63  }
0x4d: {  	s19 =	simm.s32 $0x7C00  }
0x4e: {  	[tilespmem:s19], [sflag:$0x2] =	stream.indirect_vreg.gather [hbm4b:s2+s3], $0x80, v3, vm0, $0xb8;
	[tilespmem:$0x18400] =	vst v63  }
0x4f: {  	_ = 	snop  }
0x50: {  	[tilespmem:s23], [sflag:$0x2] =	stream.indirect_vreg.gather [hbm4b:s5+s3], $0x80, v3, vm0, $0xb8;
	[tilespmem:$0x18400] =	vst v63  }
0x51: {  	_ = 	snop  }
0x52: {  	[tilespmem:s22], [sflag:$0x2] =	stream.indirect_vreg.gather [hbm4b:s6+s3], $0x80, v3, vm0, $0xb8;
	[tilespmem:$0x18400] =	vst v63  }
0x53: {  	v3 =	vld [tilespmem:$0x90];
	_ =	sdelay $0x4  }
0x54: {  	v51 =	vshrl.u32 v3, $0x3  }
0x55: {  	v4 =	vmul.u32 $0x30, v51  }
0x56: {  	v3 =	vand.u32 $0x7, v3  }
0x57: {  	v3 =	vor.u32 v3, v4  }
0x58: {  	v4 =	vperm.xlane v3, v0;
	_ =	sdelay $0x1  }
0x59: {  	v4 =	vadd.s32 v1, v4;
	_ =	sdelay $0x3  }
0x5a: {  	s13 =	simm.s32 $0x9400;
	v3 =	vperm.xlane v3, v2  }
0x5b: {  	[tilespmem:s13], [sflag:$0x2] =	stream.indirect_vreg.gather [hbm4b:s2+s3], $0x80, v4, vm0, $0xb8;
	[tilespmem:$0x18400] =	vst v63  }
0x5c: {  	s14 =	simm.s32 $0x9C00;
	v3 =	vadd.s32 v1, v3  }
0x5d: {  	[tilespmem:s14], [sflag:$0x2] =	stream.indirect_vreg.gather [hbm4b:s5+s3], $0x80, v4, vm0, $0xb8;
	[tilespmem:$0x18400] =	vst v63  }
0x5e: {  	s1 =	simm.s32 $0xA400  }
0x5f: {  	[tilespmem:s1], [sflag:$0x2] =	stream.indirect_vreg.gather [hbm4b:s6+s3], $0x80, v4, vm0, $0xb8;
	[tilespmem:$0x18400] =	vst v63  }
0x60: {  	_ = 	snop  }
0x61: {  	[tilespmem:s15], [sflag:$0x2] =	stream.indirect_vreg.gather [hbm4b:s2+s3], $0x80, v3, vm0, $0xb8;
	[tilespmem:$0x18400] =	vst v63  }
0x62: {  	_ = 	snop  }
0x63: {  	[tilespmem:s16], [sflag:$0x2] =	stream.indirect_vreg.gather [hbm4b:s5+s3], $0x80, v3, vm0, $0xb8;
	[tilespmem:$0x18400] =	vst v63  }
0x64: {  	_ = 	snop  }
0x65: {  	[tilespmem:s17], [sflag:$0x2] =	stream.indirect_vreg.gather [hbm4b:s6+s3], $0x80, v3, vm0, $0xb8;
	[tilespmem:$0x18400] =	vst v63  }
0x66: {  	v3 =	vld [tilespmem:$0x100];
	_ =	sdelay $0x4  }
0x67: {  	v52 =	vshrl.u32 v3, $0x3  }
0x68: {  	v4 =	vmul.u32 $0x30, v52  }
0x69: {  	v3 =	vand.u32 $0x7, v3  }
0x6a: {  	v3 =	vor.u32 v3, v4  }
0x6b: {  	v4 =	vperm.xlane v3, v0;
	_ =	sdelay $0x1  }
0x6c: {  	v4 =	vadd.s32 v1, v4;
	_ =	sdelay $0x3  }
0x6d: {  	v3 =	vperm.xlane v3, v2  }
0x6e: {  	[tilespmem:s18], [sflag:$0x3] =	stream.indirect_vreg.gather [hbm4b:s2+s3], $0x80, v4, vm0, $0xb8;
	[tilespmem:$0x18400] =	vst v63  }
0x6f: {  	s19 =	simm.s32 $0xCC00;
	v3 =	vadd.s32 v1, v3  }
0x70: {  	[tilespmem:s19], [sflag:$0x3] =	stream.indirect_vreg.gather [hbm4b:s5+s3], $0x80, v4, vm0, $0xb8;
	[tilespmem:$0x18400] =	vst v63  }
0x71: {  	s1 =	simm.s32 $0xD400  }
0x72: {  	[tilespmem:s1], [sflag:$0x3] =	stream.indirect_vreg.gather [hbm4b:s6+s3], $0x80, v4, vm0, $0xb8;
	[tilespmem:$0x18400] =	vst v63  }
0x73: {  	s19 =	simm.s32 $0xDC00  }
0x74: {  	[tilespmem:s19], [sflag:$0x3] =	stream.indirect_vreg.gather [hbm4b:s2+s3], $0x80, v3, vm0, $0xb8;
	[tilespmem:$0x18400] =	vst v63  }
0x75: {  	s1 =	simm.s32 $0xE400  }
0x76: {  	[tilespmem:s1], [sflag:$0x3] =	stream.indirect_vreg.gather [hbm4b:s5+s3], $0x80, v3, vm0, $0xb8;
	[tilespmem:$0x18400] =	vst v63  }
0x77: {  	s19 =	simm.s32 $0xEC00  }
0x78: {  	[tilespmem:s19], [sflag:$0x3] =	stream.indirect_vreg.gather [hbm4b:s6+s3], $0x80, v3, vm0, $0xb8;
	[tilespmem:$0x18400] =	vst v63  }
0x79: {  	v3 =	vld [tilespmem:$0x110];
	_ =	sdelay $0x4  }
0x7a: {  	v53 =	vshrl.u32 v3, $0x3  }
0x7b: {  	v4 =	vmul.u32 $0x30, v53  }
0x7c: {  	v3 =	vand.u32 $0x7, v3  }
0x7d: {  	v3 =	vor.u32 v3, v4  }
0x7e: {  	v4 =	vperm.xlane v3, v0;
	_ =	sdelay $0x1  }
0x7f: {  	v4 =	vadd.s32 v1, v4;
	_ =	sdelay $0x3  }
0x80: {  	s1 =	simm.s32 $0xF400;
	v3 =	vperm.xlane v3, v2  }
0x81: {  	[tilespmem:s1], [sflag:$0x3] =	stream.indirect_vreg.gather [hbm4b:s2+s3], $0x80, v4, vm0, $0xb8;
	[tilespmem:$0x18400] =	vst v63  }
0x82: {  	s19 =	simm.s32 $0xFC00;
	v3 =	vadd.s32 v1, v3  }
0x83: {  	[tilespmem:s19], [sflag:$0x3] =	stream.indirect_vreg.gather [hbm4b:s5+s3], $0x80, v4, vm0, $0xb8;
	[tilespmem:$0x18400] =	vst v63  }
0x84: {  	s1 =	simm.s32 $0x10400  }
0x85: {  	[tilespmem:s1], [sflag:$0x3] =	stream.indirect_vreg.gather [hbm4b:s6+s3], $0x80, v4, vm0, $0xb8;
	[tilespmem:$0x18400] =	vst v63  }
0x86: {  	s19 =	simm.s32 $0x10C00  }
0x87: {  	[tilespmem:s19], [sflag:$0x3] =	stream.indirect_vreg.gather [hbm4b:s2+s3], $0x80, v3, vm0, $0xb8;
	[tilespmem:$0x18400] =	vst v63  }
0x88: {  	s1 =	simm.s32 $0x11400  }
0x89: {  	[tilespmem:s1], [sflag:$0x3] =	stream.indirect_vreg.gather [hbm4b:s5+s3], $0x80, v3, vm0, $0xb8;
	[tilespmem:$0x18400] =	vst v63  }
0x8a: {  	s0 =	simm.s32 $0x1;
	s19 =	simm.s32 $0x11C00  }
0x8b: {  	[tilespmem:s19], [sflag:$0x3] =	stream.indirect_vreg.gather [hbm4b:s6+s3], $0x80, v3, vm0, $0xb8;
	[tilespmem:$0x18400] =	vst v63  }
0x8c: {  	_ =	swait.ge [sflag:s0], $0x6000  }
0x8d: {  	[sflag:s0] =	ssyncset.done $0x0  }
0x8e: {  	s1 =	rddreg [dreg:$0xb];
	[sflag:s0] =	ssyncadd.s32 $0xFFFFA000  }
0x8f: {  	[hbm4b:s1+s3] =	stream.linear.scatter [tilespmem:s21], [sflag:$0x5], $0x6000, $0x38;
	[tilespmem:$0x18400] =	vst v63  }
0x90: {  	v3 =	vld [tilespmem:$0x180];
	_ =	sdelay $0x4  }
0x91: {  	v54 =	vshrl.u32 v3, $0x3  }
0x92: {  	v4 =	vmul.u32 $0x30, v54  }
0x93: {  	v3 =	vand.u32 $0x7, v3  }
0x94: {  	v3 =	vor.u32 v3, v4  }
0x95: {  	v4 =	vperm.xlane v3, v0;
	_ =	sdelay $0x1  }
0x96: {  	v4 =	vadd.s32 v1, v4;
	_ =	sdelay $0x3  }
0x97: {  	v3 =	vperm.xlane v3, v2  }
0x98: {  	[tilespmem:s8], [sflag:$0x4] =	stream.indirect_vreg.gather [hbm4b:s2+s3], $0x80, v4, vm0, $0xb8;
	[tilespmem:$0x18400] =	vst v63  }
0x99: {  	s1 =	simm.s32 $0x12C00;
	v3 =	vadd.s32 v1, v3  }
0x9a: {  	[tilespmem:s1], [sflag:$0x4] =	stream.indirect_vreg.gather [hbm4b:s5+s3], $0x80, v4, vm0, $0xb8;
	[tilespmem:$0x18400] =	vst v63  }
0x9b: {  	s19 =	simm.s32 $0x13400  }
0x9c: {  	[tilespmem:s19], [sflag:$0x4] =	stream.indirect_vreg.gather [hbm4b:s6+s3], $0x80, v4, vm0, $0xb8;
	[tilespmem:$0x18400] =	vst v63  }
0x9d: {  	s19 =	simm.s32 $0x13C00  }
0x9e: {  	[tilespmem:s19], [sflag:$0x4] =	stream.indirect_vreg.gather [hbm4b:s2+s3], $0x80, v3, vm0, $0xb8;
	[tilespmem:$0x18400] =	vst v63  }
0x9f: {  	s19 =	simm.s32 $0x14400  }
0xa0: {  	[tilespmem:s19], [sflag:$0x4] =	stream.indirect_vreg.gather [hbm4b:s5+s3], $0x80, v3, vm0, $0xb8;
	[tilespmem:$0x18400] =	vst v63  }
0xa1: {  	s19 =	simm.s32 $0x14C00  }
0xa2: {  	[tilespmem:s19], [sflag:$0x4] =	stream.indirect_vreg.gather [hbm4b:s6+s3], $0x80, v3, vm0, $0xb8;
	[tilespmem:$0x18400] =	vst v63  }
0xa3: {  	v3 =	vld [tilespmem:$0x190];
	_ =	sdelay $0x4  }
0xa4: {  	v55 =	vshrl.u32 v3, $0x3  }
0xa5: {  	v4 =	vmul.u32 $0x30, v55  }
0xa6: {  	v3 =	vand.u32 $0x7, v3  }
0xa7: {  	v3 =	vor.u32 v3, v4  }
0xa8: {  	v4 =	vperm.xlane v3, v0;
	_ =	sdelay $0x1  }
0xa9: {  	v4 =	vadd.s32 v1, v4;
	_ =	sdelay $0x3  }
0xaa: {  	s19 =	simm.s32 $0x15400;
	v3 =	vperm.xlane v3, v2  }
0xab: {  	[tilespmem:s19], [sflag:$0x4] =	stream.indirect_vreg.gather [hbm4b:s2+s3], $0x80, v4, vm0, $0xb8;
	[tilespmem:$0x18400] =	vst v63  }
0xac: {  	v3 =	vadd.s32 v1, v3;
	s19 =	simm.s32 $0x15C00  }
0xad: {  	[tilespmem:s19], [sflag:$0x4] =	stream.indirect_vreg.gather [hbm4b:s5+s3], $0x80, v4, vm0, $0xb8;
	[tilespmem:$0x18400] =	vst v63  }
0xae: {  	s19 =	simm.s32 $0x16400  }
0xaf: {  	[tilespmem:s19], [sflag:$0x4] =	stream.indirect_vreg.gather [hbm4b:s6+s3], $0x80, v4, vm0, $0xb8;
	[tilespmem:$0x18400] =	vst v63  }
0xb0: {  	s19 =	simm.s32 $0x16C00  }
0xb1: {  	[tilespmem:s19], [sflag:$0x4] =	stream.indirect_vreg.gather [hbm4b:s2+s3], $0x80, v3, vm0, $0xb8;
	[tilespmem:$0x18400] =	vst v63  }
0xb2: {  	s19 =	simm.s32 $0x17400  }
0xb3: {  	[tilespmem:s19], [sflag:$0x4] =	stream.indirect_vreg.gather [hbm4b:s5+s3], $0x80, v3, vm0, $0xb8;
	[tilespmem:$0x18400] =	vst v63  }
0xb4: {  	s1 =	simm.s32 $0x2;
	s19 =	simm.s32 $0x17C00  }
0xb5: {  	[tilespmem:s19], [sflag:$0x4] =	stream.indirect_vreg.gather [hbm4b:s6+s3], $0x80, v3, vm0, $0xb8;
	[tilespmem:$0x18400] =	vst v63  }
0xb6: {  	_ =	swait.ge [sflag:s1], $0x6000  }
0xb7: {  	[sflag:s1] =	ssyncset.done $0x0  }
0xb8: {  	s19 =	rddreg [dreg:$0x4];
	[sflag:s1] =	ssyncadd.s32 $0xFFFFA000  }
0xb9: {  	[hbm4b:s19+s3] =	stream.linear.scatter [tilespmem:s12], [sflag:$0x6], $0x6000, $0x38;
	[tilespmem:$0x18400] =	vst v63  }
0xba: {  	_ =	swait.ge [sflag:s4], $0x6000  }
0xbb: {  	[sflag:s4] =	ssyncset.done $0x0  }
0xbc: {  	[sflag:s4] =	ssyncadd.s32 $0xFFFFA000  }
0xbd: {  	v3 =	vld [tilespmem:$0x200];
	_ =	sdelay $0x4  }
0xbe: {  	v56 =	vshrl.u32 v3, $0x3  }
0xbf: {  	v4 =	vmul.u32 $0x30, v56  }
0xc0: {  	v3 =	vand.u32 $0x7, v3  }
0xc1: {  	v3 =	vor.u32 v3, v4  }
0xc2: {  	v4 =	vperm.xlane v3, v0;
	_ =	sdelay $0x1  }
0xc3: {  	v4 =	vadd.s32 v1, v4;
	_ =	sdelay $0x3  }
0xc4: {  	v3 =	vperm.xlane v3, v2  }
0xc5: {  	[tilespmem:s21], [sflag:$0x1] =	stream.indirect_vreg.gather [hbm4b:s2+s3], $0x80, v4, vm0, $0xb8;
	[tilespmem:$0x18400] =	vst v63  }
0xc6: {  	v3 =	vadd.s32 v1, v3  }
0xc7: {  	[tilespmem:s20], [sflag:$0x1] =	stream.indirect_vreg.gather [hbm4b:s5+s3], $0x80, v4, vm0, $0xb8;
	[tilespmem:$0x18400] =	vst v63  }
0xc8: {  	_ = 	snop  }
0xc9: {  	[tilespmem:s24], [sflag:$0x1] =	stream.indirect_vreg.gather [hbm4b:s6+s3], $0x80, v4, vm0, $0xb8;
	[tilespmem:$0x18400] =	vst v63  }
0xca: {  	_ = 	snop  }
0xcb: {  	[tilespmem:s25], [sflag:$0x1] =	stream.indirect_vreg.gather [hbm4b:s2+s3], $0x80, v3, vm0, $0xb8;
	[tilespmem:$0x18400] =	vst v63  }
0xcc: {  	_ = 	snop  }
0xcd: {  	[tilespmem:s26], [sflag:$0x1] =	stream.indirect_vreg.gather [hbm4b:s5+s3], $0x80, v3, vm0, $0xb8;
	[tilespmem:$0x18400] =	vst v63  }
0xce: {  	_ = 	snop  }
0xcf: {  	[tilespmem:s28], [sflag:$0x1] =	stream.indirect_vreg.gather [hbm4b:s6+s3], $0x80, v3, vm0, $0xb8;
	[tilespmem:$0x18400] =	vst v63  }
0xd0: {  	v3 =	vld [tilespmem:$0x210];
	_ =	sdelay $0x4  }
0xd1: {  	v57 =	vshrl.u32 v3, $0x3  }
0xd2: {  	v4 =	vmul.u32 $0x30, v57  }
0xd3: {  	v3 =	vand.u32 $0x7, v3  }
0xd4: {  	v3 =	vor.u32 v3, v4  }
0xd5: {  	v4 =	vperm.xlane v3, v0;
	_ =	sdelay $0x1  }
0xd6: {  	v4 =	vadd.s32 v1, v4;
	_ =	sdelay $0x3  }
0xd7: {  	v3 =	vperm.xlane v3, v2  }
0xd8: {  	[tilespmem:s29], [sflag:$0x1] =	stream.indirect_vreg.gather [hbm4b:s2+s3], $0x80, v4, vm0, $0xb8;
	[tilespmem:$0x18400] =	vst v63  }
0xd9: {  	v3 =	vadd.s32 v1, v3  }
0xda: {  	[tilespmem:s30], [sflag:$0x1] =	stream.indirect_vreg.gather [hbm4b:s5+s3], $0x80, v4, vm0, $0xb8;
	[tilespmem:$0x18400] =	vst v63  }
0xdb: {  	_ = 	snop  }
0xdc: {  	[tilespmem:s31], [sflag:$0x1] =	stream.indirect_vreg.gather [hbm4b:s6+s3], $0x80, v4, vm0, $0xb8;
	[tilespmem:$0x18400] =	vst v63  }
0xdd: {  	_ = 	snop  }
0xde: {  	[tilespmem:s10], [sflag:$0x1] =	stream.indirect_vreg.gather [hbm4b:s2+s3], $0x80, v3, vm0, $0xb8;
	[tilespmem:$0x18400] =	vst v63  }
0xdf: {  	_ = 	snop  }
0xe0: {  	[tilespmem:s9], [sflag:$0x1] =	stream.indirect_vreg.gather [hbm4b:s5+s3], $0x80, v3, vm0, $0xb8;
	[tilespmem:$0x18400] =	vst v63  }
0xe1: {  	s9 =	simm.s32 $0x3  }
0xe2: {  	[tilespmem:s11], [sflag:$0x1] =	stream.indirect_vreg.gather [hbm4b:s6+s3], $0x80, v3, vm0, $0xb8;
	[tilespmem:$0x18400] =	vst v63  }
0xe3: {  	_ =	swait.ge [sflag:s9], $0x6000  }
0xe4: {  	[sflag:s9] =	ssyncset.done $0x0  }
0xe5: {  	s10 =	simm.s32 $0x6;
	s11 =	rddreg [dreg:$0x5];
	[sflag:s9] =	ssyncadd.s32 $0xFFFFA000  }
0xe6: {  	[hbm4b:s11+s3] =	stream.linear.scatter [tilespmem:s18], [sflag:$0x7], $0x6000, $0x38;
	[tilespmem:$0x18400] =	vst v63  }
0xe7: {  	_ =	swait.ge [sflag:s10], $0x6000  }
0xe8: {  	[sflag:s10] =	ssyncset.done $0x0  }
0xe9: {  	[sflag:s10] =	ssyncadd.s32 $0xFFFFA000  }
0xea: {  	v3 =	vld [tilespmem:$0x280];
	_ =	sdelay $0x4  }
0xeb: {  	v58 =	vshrl.u32 v3, $0x3  }
0xec: {  	v4 =	vmul.u32 $0x30, v58  }
0xed: {  	v3 =	vand.u32 $0x7, v3  }
0xee: {  	v3 =	vor.u32 v3, v4  }
0xef: {  	v4 =	vperm.xlane v3, v0;
	_ =	sdelay $0x1  }
0xf0: {  	v4 =	vadd.s32 v1, v4;
	_ =	sdelay $0x3  }
0xf1: {  	v3 =	vperm.xlane v3, v2  }
0xf2: {  	[tilespmem:s12], [sflag:$0x2] =	stream.indirect_vreg.gather [hbm4b:s2+s3], $0x80, v4, vm0, $0xb8;
	[tilespmem:$0x18400] =	vst v63  }
0xf3: {  	s19 =	simm.s32 $0x6C00;
	v3 =	vadd.s32 v1, v3  }
0xf4: {  	[tilespmem:s19], [sflag:$0x2] =	stream.indirect_vreg.gather [hbm4b:s5+s3], $0x80, v4, vm0, $0xb8;
	[tilespmem:$0x18400] =	vst v63  }
0xf5: {  	s19 =	simm.s32 $0x7400  }
0xf6: {  	[tilespmem:s19], [sflag:$0x2] =	stream.indirect_vreg.gather [hbm4b:s6+s3], $0x80, v4, vm0, $0xb8;
	[tilespmem:$0x18400] =	vst v63  }
0xf7: {  	s19 =	simm.s32 $0x7C00  }
0xf8: {  	[tilespmem:s19], [sflag:$0x2] =	stream.indirect_vreg.gather [hbm4b:s2+s3], $0x80, v3, vm0, $0xb8;
	[tilespmem:$0x18400] =	vst v63  }
0xf9: {  	_ = 	snop  }
0xfa: {  	[tilespmem:s23], [sflag:$0x2] =	stream.indirect_vreg.gather [hbm4b:s5+s3], $0x80, v3, vm0, $0xb8;
	[tilespmem:$0x18400] =	vst v63  }
0xfb: {  	_ = 	snop  }
0xfc: {  	[tilespmem:s22], [sflag:$0x2] =	stream.indirect_vreg.gather [hbm4b:s6+s3], $0x80, v3, vm0, $0xb8;
	[tilespmem:$0x18400] =	vst v63  }
0xfd: {  	v3 =	vld [tilespmem:$0x290];
	_ =	sdelay $0x4  }
0xfe: {  	v59 =	vshrl.u32 v3, $0x3  }
0xff: {  	v4 =	vmul.u32 $0x30, v59  }
0x100: {  	v3 =	vand.u32 $0x7, v3  }
0x101: {  	v3 =	vor.u32 v3, v4  }
0x102: {  	v4 =	vperm.xlane v3, v0;
	_ =	sdelay $0x1  }
0x103: {  	v4 =	vadd.s32 v1, v4;
	_ =	sdelay $0x3  }
0x104: {  	v3 =	vperm.xlane v3, v2  }
0x105: {  	[tilespmem:s13], [sflag:$0x2] =	stream.indirect_vreg.gather [hbm4b:s2+s3], $0x80, v4, vm0, $0xb8;
	[tilespmem:$0x18400] =	vst v63  }
0x106: {  	v3 =	vadd.s32 v1, v3  }
0x107: {  	[tilespmem:s14], [sflag:$0x2] =	stream.indirect_vreg.gather [hbm4b:s5+s3], $0x80, v4, vm0, $0xb8;
	[tilespmem:$0x18400] =	vst v63  }
0x108: {  	s13 =	simm.s32 $0xA400  }
0x109: {  	[tilespmem:s13], [sflag:$0x2] =	stream.indirect_vreg.gather [hbm4b:s6+s3], $0x80, v4, vm0, $0xb8;
	[tilespmem:$0x18400] =	vst v63  }
0x10a: {  	_ = 	snop  }
0x10b: {  	[tilespmem:s15], [sflag:$0x2] =	stream.indirect_vreg.gather [hbm4b:s2+s3], $0x80, v3, vm0, $0xb8;
	[tilespmem:$0x18400] =	vst v63  }
0x10c: {  	_ = 	snop  }
0x10d: {  	[tilespmem:s16], [sflag:$0x2] =	stream.indirect_vreg.gather [hbm4b:s5+s3], $0x80, v3, vm0, $0xb8;
	[tilespmem:$0x18400] =	vst v63  }
0x10e: {  	s11 =	simm.s32 $0x4  }
0x10f: {  	[tilespmem:s17], [sflag:$0x2] =	stream.indirect_vreg.gather [hbm4b:s6+s3], $0x80, v3, vm0, $0xb8;
	[tilespmem:$0x18400] =	vst v63  }
0x110: {  	_ =	swait.ge [sflag:s11], $0x6000  }
0x111: {  	[sflag:s11] =	ssyncset.done $0x0  }
0x112: {  	s13 =	simm.s32 $0x7;
	s14 =	rddreg [dreg:$0x6];
	[sflag:s11] =	ssyncadd.s32 $0xFFFFA000  }
0x113: {  	[hbm4b:s14+s3] =	stream.linear.scatter [tilespmem:s8], [sflag:$0x8], $0x6000, $0x38;
	[tilespmem:$0x18400] =	vst v63  }
0x114: {  	_ =	swait.ge [sflag:s13], $0x6000  }
0x115: {  	[sflag:s13] =	ssyncset.done $0x0  }
0x116: {  	[sflag:s13] =	ssyncadd.s32 $0xFFFFA000  }
0x117: {  	v3 =	vld [tilespmem:$0x300];
	_ =	sdelay $0x4  }
0x118: {  	v60 =	vshrl.u32 v3, $0x3  }
0x119: {  	v4 =	vmul.u32 $0x30, v60  }
0x11a: {  	v3 =	vand.u32 $0x7, v3  }
0x11b: {  	v3 =	vor.u32 v3, v4  }
0x11c: {  	v4 =	vperm.xlane v3, v0;
	_ =	sdelay $0x1  }
0x11d: {  	v4 =	vadd.s32 v1, v4;
	_ =	sdelay $0x3  }
0x11e: {  	v3 =	vperm.xlane v3, v2  }
0x11f: {  	[tilespmem:s18], [sflag:$0x3] =	stream.indirect_vreg.gather [hbm4b:s2+s3], $0x80, v4, vm0, $0xb8;
	[tilespmem:$0x18400] =	vst v63  }
0x120: {  	s19 =	simm.s32 $0xCC00;
	v3 =	vadd.s32 v1, v3  }
0x121: {  	[tilespmem:s19], [sflag:$0x3] =	stream.indirect_vreg.gather [hbm4b:s5+s3], $0x80, v4, vm0, $0xb8;
	[tilespmem:$0x18400] =	vst v63  }
0x122: {  	s19 =	simm.s32 $0xD400  }
0x123: {  	[tilespmem:s19], [sflag:$0x3] =	stream.indirect_vreg.gather [hbm4b:s6+s3], $0x80, v4, vm0, $0xb8;
	[tilespmem:$0x18400] =	vst v63  }
0x124: {  	s19 =	simm.s32 $0xDC00  }
0x125: {  	[tilespmem:s19], [sflag:$0x3] =	stream.indirect_vreg.gather [hbm4b:s2+s3], $0x80, v3, vm0, $0xb8;
	[tilespmem:$0x18400] =	vst v63  }
0x126: {  	s19 =	simm.s32 $0xE400  }
0x127: {  	[tilespmem:s19], [sflag:$0x3] =	stream.indirect_vreg.gather [hbm4b:s5+s3], $0x80, v3, vm0, $0xb8;
	[tilespmem:$0x18400] =	vst v63  }
0x128: {  	s19 =	simm.s32 $0xEC00  }
0x129: {  	[tilespmem:s19], [sflag:$0x3] =	stream.indirect_vreg.gather [hbm4b:s6+s3], $0x80, v3, vm0, $0xb8;
	[tilespmem:$0x18400] =	vst v63  }
0x12a: {  	v3 =	vld [tilespmem:$0x310];
	_ =	sdelay $0x4  }
0x12b: {  	v61 =	vshrl.u32 v3, $0x3  }
0x12c: {  	v4 =	vmul.u32 $0x30, v61  }
0x12d: {  	v3 =	vand.u32 $0x7, v3  }
0x12e: {  	v3 =	vor.u32 v3, v4  }
0x12f: {  	v4 =	vperm.xlane v3, v0;
	_ =	sdelay $0x1  }
0x130: {  	v4 =	vadd.s32 v1, v4;
	_ =	sdelay $0x3  }
0x131: {  	s19 =	simm.s32 $0xF400;
	v3 =	vperm.xlane v3, v2  }
0x132: {  	[tilespmem:s19], [sflag:$0x3] =	stream.indirect_vreg.gather [hbm4b:s2+s3], $0x80, v4, vm0, $0xb8;
	[tilespmem:$0x18400] =	vst v63  }
0x133: {  	v3 =	vadd.s32 v1, v3;
	s19 =	simm.s32 $0xFC00  }
0x134: {  	[tilespmem:s19], [sflag:$0x3] =	stream.indirect_vreg.gather [hbm4b:s5+s3], $0x80, v4, vm0, $0xb8;
	[tilespmem:$0x18400] =	vst v63  }
0x135: {  	s19 =	simm.s32 $0x10400  }
0x136: {  	[tilespmem:s19], [sflag:$0x3] =	stream.indirect_vreg.gather [hbm4b:s6+s3], $0x80, v4, vm0, $0xb8;
	[tilespmem:$0x18400] =	vst v63  }
0x137: {  	s19 =	simm.s32 $0x10C00  }
0x138: {  	[tilespmem:s19], [sflag:$0x3] =	stream.indirect_vreg.gather [hbm4b:s2+s3], $0x80, v3, vm0, $0xb8;
	[tilespmem:$0x18400] =	vst v63  }
0x139: {  	s19 =	simm.s32 $0x11400  }
0x13a: {  	[tilespmem:s19], [sflag:$0x3] =	stream.indirect_vreg.gather [hbm4b:s5+s3], $0x80, v3, vm0, $0xb8;
	[tilespmem:$0x18400] =	vst v63  }
0x13b: {  	s19 =	simm.s32 $0x11C00  }
0x13c: {  	[tilespmem:s19], [sflag:$0x3] =	stream.indirect_vreg.gather [hbm4b:s6+s3], $0x80, v3, vm0, $0xb8;
	[tilespmem:$0x18400] =	vst v63  }
0x13d: {  	_ =	swait.ge [sflag:s0], $0x6000  }
0x13e: {  	[sflag:s0] =	ssyncset.done $0x0  }
0x13f: {  	s14 =	rddreg [dreg:$0x7];
	[sflag:s0] =	ssyncadd.s32 $0xFFFFA000;
	s0 =	simm.s32 $0x8  }
0x140: {  	[hbm4b:s14+s3] =	stream.linear.scatter [tilespmem:s21], [sflag:$0x5], $0x6000, $0x38;
	[tilespmem:$0x18400] =	vst v63  }
0x141: {  	_ =	swait.ge [sflag:s0], $0x6000  }
0x142: {  	[sflag:s0] =	ssyncset.done $0x0  }
0x143: {  	[sflag:s0] =	ssyncadd.s32 $0xFFFFA000  }
0x144: {  	v3 =	vld [tilespmem:$0x380];
	_ =	sdelay $0x4  }
0x145: {  	v62 =	vshrl.u32 v3, $0x3  }
0x146: {  	v4 =	vmul.u32 $0x30, v62  }
0x147: {  	v3 =	vand.u32 $0x7, v3  }
0x148: {  	v3 =	vor.u32 v3, v4  }
0x149: {  	v4 =	vperm.xlane v3, v0;
	_ =	sdelay $0x1  }
0x14a: {  	v4 =	vadd.s32 v1, v4;
	_ =	sdelay $0x3  }
0x14b: {  	v3 =	vperm.xlane v3, v2  }
0x14c: {  	[tilespmem:s8], [sflag:$0x4] =	stream.indirect_vreg.gather [hbm4b:s2+s3], $0x80, v4, vm0, $0xb8;
	[tilespmem:$0x18400] =	vst v63  }
0x14d: {  	s19 =	simm.s32 $0x12C00;
	v3 =	vadd.s32 v1, v3  }
0x14e: {  	[tilespmem:s19], [sflag:$0x4] =	stream.indirect_vreg.gather [hbm4b:s5+s3], $0x80, v4, vm0, $0xb8;
	[tilespmem:$0x18400] =	vst v63  }
0x14f: {  	s19 =	simm.s32 $0x13400  }
0x150: {  	[tilespmem:s19], [sflag:$0x4] =	stream.indirect_vreg.gather [hbm4b:s6+s3], $0x80, v4, vm0, $0xb8;
	[tilespmem:$0x18400] =	vst v63  }
0x151: {  	s19 =	simm.s32 $0x13C00  }
0x152: {  	[tilespmem:s19], [sflag:$0x4] =	stream.indirect_vreg.gather [hbm4b:s2+s3], $0x80, v3, vm0, $0xb8;
	[tilespmem:$0x18400] =	vst v63  }
0x153: {  	s19 =	simm.s32 $0x14400  }
0x154: {  	[tilespmem:s19], [sflag:$0x4] =	stream.indirect_vreg.gather [hbm4b:s5+s3], $0x80, v3, vm0, $0xb8;
	[tilespmem:$0x18400] =	vst v63  }
0x155: {  	s19 =	simm.s32 $0x14C00  }
0x156: {  	[tilespmem:s19], [sflag:$0x4] =	stream.indirect_vreg.gather [hbm4b:s6+s3], $0x80, v3, vm0, $0xb8;
	[tilespmem:$0x18400] =	vst v63  }
0x157: {  	v3 =	vld [tilespmem:$0x390];
	_ =	sdelay $0x4  }
0x158: {  	v63 =	vshrl.u32 v3, $0x3  }
0x159: {  	v4 =	vmul.u32 $0x30, v63  }
0x15a: {  	v3 =	vand.u32 $0x7, v3  }
0x15b: {  	v3 =	vor.u32 v3, v4  }
0x15c: {  	v4 =	vperm.xlane v3, v0;
	_ =	sdelay $0x1  }
0x15d: {  	v4 =	vadd.s32 v1, v4;
	_ =	sdelay $0x3  }
0x15e: {  	s19 =	simm.s32 $0x15400;
	v3 =	vperm.xlane v3, v2  }
0x15f: {  	[tilespmem:s19], [sflag:$0x4] =	stream.indirect_vreg.gather [hbm4b:s2+s3], $0x80, v4, vm0, $0xb8;
	[tilespmem:$0x18400] =	vst v63  }
0x160: {  	v3 =	vadd.s32 v1, v3;
	s19 =	simm.s32 $0x15C00  }
0x161: {  	[tilespmem:s19], [sflag:$0x4] =	stream.indirect_vreg.gather [hbm4b:s5+s3], $0x80, v4, vm0, $0xb8;
	[tilespmem:$0x18400] =	vst v63  }
0x162: {  	s19 =	simm.s32 $0x16400  }
0x163: {  	[tilespmem:s19], [sflag:$0x4] =	stream.indirect_vreg.gather [hbm4b:s6+s3], $0x80, v4, vm0, $0xb8;
	[tilespmem:$0x18400] =	vst v63  }
0x164: {  	s19 =	simm.s32 $0x16C00  }
0x165: {  	[tilespmem:s19], [sflag:$0x4] =	stream.indirect_vreg.gather [hbm4b:s2+s3], $0x80, v3, vm0, $0xb8;
	[tilespmem:$0x18400] =	vst v63  }
0x166: {  	s19 =	simm.s32 $0x17400  }
0x167: {  	[tilespmem:s19], [sflag:$0x4] =	stream.indirect_vreg.gather [hbm4b:s5+s3], $0x80, v3, vm0, $0xb8;
	[tilespmem:$0x18400] =	vst v63  }
0x168: {  	s19 =	simm.s32 $0x17C00  }
0x169: {  	[tilespmem:s19], [sflag:$0x4] =	stream.indirect_vreg.gather [hbm4b:s6+s3], $0x80, v3, vm0, $0xb8;
	[tilespmem:$0x18400] =	vst v63  }
0x16a: {  	_ =	swait.ge [sflag:s1], $0x6000  }
0x16b: {  	[sflag:s1] =	ssyncset.done $0x0  }
0x16c: {  	s14 =	rddreg [dreg:$0x8];
	[sflag:s1] =	ssyncadd.s32 $0xFFFFA000  }
0x16d: {  	[hbm4b:s14+s3] =	stream.linear.scatter [tilespmem:s12], [sflag:$0x6], $0x6000, $0x38;
	[tilespmem:$0x18400] =	vst v63  }
0x16e: {  	_ =	swait.ge [sflag:s9], $0x6000  }
0x16f: {  	[sflag:s9] =	ssyncset.done $0x0  }
0x170: {  	s1 =	rddreg [dreg:$0x9];
	[sflag:s9] =	ssyncadd.s32 $0xFFFFA000  }
0x171: {  	[hbm4b:s1+s3] =	stream.linear.scatter [tilespmem:s18], [sflag:$0x7], $0x6000, $0x38;
	[tilespmem:$0x18400] =	vst v63  }
0x172: {  	_ =	swait.ge [sflag:s11], $0x6000  }
0x173: {  	[sflag:s11] =	ssyncset.done $0x0  }
0x174: {  	s14 =	rddreg [dreg:$0xa];
	[sflag:s11] =	ssyncadd.s32 $0xFFFFA000  }
0x175: {  	[hbm4b:s14+s3] =	stream.linear.scatter [tilespmem:s8], [sflag:$0x8], $0x6000, $0x38;
	[tilespmem:$0x18400] =	vst v63  }
0x176: {  	_ =	swait.ge [sflag:s4], $0x6000  }
0x177: {  	[sflag:s4] =	ssyncset.done $0x0  }
0x178: {  	[sflag:s4] =	ssyncadd.s32 $0xFFFFA000  }
0x179: {  	_ =	swait.ge [sflag:s10], $0x6000  }
0x17a: {  	[sflag:s10] =	ssyncset.done $0x0  }
0x17b: {  	[sflag:s10] =	ssyncadd.s32 $0xFFFFA000  }
0x17c: {  	p0 =	sne.s32 s7, $0x1;
	_ =	swait.ge [sflag:s13], $0x6000  }
.Ltmp0:
0x17d: {  	[sflag:s13] =	ssyncset.done $0x0;
	(pc) =	sbr.rel @p0 .LBB2_1-.Ltmp0, $4  }
0x17e: {  	[sflag:s13] =	ssyncadd.s32 $0xFFFFA000  }
0x17f: {  	_ =	swait.ge [sflag:s0], $0x6000  }
0x180: {  	[sflag:s0] =	ssyncset.done $0x0  }
0x181: {  	s7 =	sadd.s32 $0xFFFFFFFF, s7;
	[sflag:s0] =	ssyncadd.s32 $0xFFFFA000  }
0x182: {  	_ =	sfence.sel $0x180000  }
0x183: {  	[bflag:$0x0] =	sbarrier.arrive $0xFFFF  }
0x184: {  	_ =	strace $0x9000004A  }
0x185: {  	s0 =	stileid.u32;
	[bflag:$0x2] =	sbarrier.arrive $0xFFFF  }
0x186: {  	p0 =	sne.s32 s0, $0x0;
	s0 =	rddreg [dreg:$0x2]  }
0x187: {  	s0 =	sadd.s32 @!p0 $0x100000, s0  }
0x188: {  	[sflag:s0] =	ssyncadd.tile.s32 @!p0 $0x1;
	_ =	shalt  }
.Lfunc_end2:
_tile_overlayer_lowered:
.L_overlay_start_2:
0x189: {  	(tag) =	ssettag $0x2  }
0x18a: {  	s0 =	rddreg [dreg:$0x0];
	s2 =	stileid.u32  }
0x18b: {  	s1 =	rddreg [dreg:$0x1];
	p0 =	sne.s32 s2, $0x0  }
0x18c: {  	s3 =	rddreg [dreg:$0x2];
	[bflag:$0x3] =	sbarrier.arrive $0xFFFF;
	s2 =	simm.s32 @!p0 $0x1C09  }
0x18d: {  	[timem:s3], [sflag:s2] =	dma.local @!p0 [hbm:s0], s1  }
0x18e: {  	s0 =	simm.s32 @!p0 $0x9  }
0x18f: {  	_ =	swait.ge @!p0 [sflag:s0], s1  }
0x190: {  	s1 =	ssub.s32 @!p0 $0x0, s1;
	[sflag:s0] =	ssyncset.done @!p0 $0x0  }
0x191: {  	[sflag:s0] =	ssyncadd.s32 @!p0 s1  }
0x192: {  	[bflag:$0x3] =	sbarrier.arrive $0xFFFF  }
0x193: {  	_ =	shalt  }

// kernel: kernel.16.cloned.1.call-start
scs
__scs_entry_jumppad:
0x0: {  	(pc) =	sbr.rel $0x88, $3  }
0x1: {  	(tag) =	ssettag $0x0;
	lr =	simm.s32 $0x1  }
0x2: {  	[smem:$0x3F9B] =	sst lr;
	_ =	strace $0xD0000000  }
0x3: {  	_ = 	snop  }
0x4: {  	_ = 	snop  }
0x5: {  	_ = 	snop  }
0x6: {  	_ = 	snop  }
0x7: {  	_ = 	snop  }
__scs_overlays_trampoline_lowered:
0x8: {  	[smem:$0x3FAA] =	sst s0  }
0x9: {  	[smem:$0x3FAB] =	sst s1  }
0xa: {  	[smem:$0x3FAC] =	sst s2  }
0xb: {  	[smem:$0x3FAD] =	sst s3  }
0xc: {  	[smem:$0x3FAE] =	sst s4  }
0xd: {  	[smem:$0x3FAF] =	sst s5  }
0xe: {  	[smem:$0x3FB0] =	sst s6  }
0xf: {  	[smem:$0x3FB1] =	sst s7  }
0x10: {  	[smem:$0x3FB2] =	sst s8  }
0x11: {  	[smem:$0x3FB3] =	sst s9;
	s0 =	simm.s32 @!p0 $0x0  }
0x12: {  	s1 =	sld [smem:$0x3F99];
	s0 =	simm.s32 @p0 $0x1  }
0x13: {  	[smem:$0x3FB4] =	sst s0;
	s0 =	simm.s32 @!p1 $0x0  }
0x14: {  	s2 =	sld [smem:$0x3F98];
	s0 =	simm.s32 @p1 $0x1  }
0x15: {  	[smem:$0x3FB5] =	sst s0;
	s0 =	simm.s32 @!p2 $0x0  }
0x16: {  	s3 =	sld [smem:$0x3FDB];
	s0 =	simm.s32 @p2 $0x1  }
0x17: {  	s4 =	simm.s32 $0x1BF5;
	[smem:$0x3FB7] =	sst s0  }
0x18: {  	s0 =	sld [smem:$0x3F9A];
	_ =	swait.ge [sflag:s4], $0x0  }
0x19: {  	s7 =	sld [smem:$0x3F9B]  }
0x1a: {  	s8 =	sadd.s32 $0xFFFFE003, lr  }
0x1b: {  	s9 =	sadd.s32 $0xFFFFFEF7, lr;
	s5 =	simm.s32 $0xFFFFFFFF;
	p2 =	slt.u32 s8, $0xFFFFF086  }
0x1c: {  	p1 =	slt.u32 s9, $0xF7A;
	s5 =	simm.s32 @!p2 $0x0  }
0x1d: {  	s5 =	simm.s32 @p1 $0x1;
	p0 =	seq.s32 s7, s2  }
0x1e: {  	s7 =	smul.u32 @!p0 $0xF7A, s2;
	p2 =	seq.s32 @!p0 s5, $0x0  }
0x1f: {  	s9 =	smul.u32 $0xF7A, s1;
	s8 =	simm.s32 @!p0 $0x1BF5;
	p2 =	por !p2, p0  }
0x20: {  	[sflag:s8] =	ssyncset.s32 @!p0 $0xFFFFF086;
	s6 =	sadd.s32 @!p0 s3, s7;
	s7 =	simm.s32 @!p0 $0x108  }
0x21: {  	s3 =	sadd.s32 s3, s9;
	s6 =	sadd.s32 @!p0 $0x88, s6;
	s7 =	simm.s32 @p2 $0x1082  }
0x22: {  	[simem:s7], [sflag:s8] =	dma.local @!p0 [hbm:s6], $0xF7A  }
0x23: {  	s9 =	sor.u32 $0xD0000000, s2;
	s6 =	simm.s32 $0x108;
	_ =	swait.ge @!p0 [sflag:s8], $0x0  }
0x24: {  	s3 =	sadd.s32 $0x88, s3;
	s6 =	simm.s32 @!p1 $0x1082;
	[sflag:s4] =	ssyncset.s32 $0xFFFFF086  }
0x25: {  	[simem:s6], [sflag:s4] =	dma.local [hbm:s3], $0xF7A  }
0x26: {  	[smem:$0x3F9B] =	sst s1;
	(tag) =	ssettag s2;
	_ =	strace s9  }
0x27: {  	s1 =	sld [smem:$0x3FAB]  }
0x28: {  	s2 =	sld [smem:$0x3FAC]  }
0x29: {  	s4 =	sld [smem:$0x3FAE]  }
0x2a: {  	p0 =	seq.s32 s5, $0x0;
	s5 =	sld [smem:$0x3FAF]  }
0x2b: {  	s6 =	sld [smem:$0x3FB0]  }
0x2c: {  	s7 =	sld [smem:$0x3FB1]  }
0x2d: {  	s3 =	simm.s32 $0x108;
	s8 =	sld [smem:$0x3FB2]  }
0x2e: {  	s3 =	simm.s32 @!p0 $0x1082;
	s9 =	sld [smem:$0x3FB3]  }
0x2f: {  	lr =	sadd.s32 s0, s3;
	s0 =	sld [smem:$0x3FAA]  }
0x30: {  	s3 =	sld [smem:$0x3FAD]  }
0x31: {  	[smem:$0x3FB6] =	sst s10  }
0x32: {  	s10 =	sld [smem:$0x3FB4];
	_ =	sdelay $0x3  }
0x33: {  	p0 =	seq.s32 s10, $0x1;
	s10 =	sld [smem:$0x3FB6];
	_ =	sdelay $0x3  }
0x34: {  	[smem:$0x3FB6] =	sst s10  }
0x35: {  	s10 =	sld [smem:$0x3FB5];
	_ =	sdelay $0x3  }
0x36: {  	p1 =	seq.s32 s10, $0x1;
	s10 =	sld [smem:$0x3FB6];
	_ =	sdelay $0x3  }
0x37: {  	[smem:$0x3FB6] =	sst s10  }
0x38: {  	s10 =	sld [smem:$0x3FB7]  }
0x39: {  	_ = 	snop;
	(pc) =	sbr.ind lr, $3  }
0x3a: {  	_ = 	snop  }
0x3b: {  	_ = 	snop  }
0x3c: {  	p2 =	seq.s32 s10, $0x1;
	s10 =	sld [smem:$0x3FB6]  }
0x3d: {  	_ =	shalt  }
0x3e: {  	_ =	shalt  }
0x3f: {  	_ =	shalt  }
0x40: {  	_ =	shalt  }
0x41: {  	_ =	shalt  }
0x42: {  	_ =	shalt  }
0x43: {  	_ =	shalt  }
0x44: {  	_ =	shalt  }
0x45: {  	_ =	shalt  }
0x46: {  	_ =	shalt  }
0x47: {  	_ =	shalt  }
0x48: {  	_ =	shalt  }
0x49: {  	_ =	shalt  }
0x4a: {  	_ =	shalt  }
0x4b: {  	_ =	shalt  }
0x4c: {  	_ =	shalt  }
0x4d: {  	_ =	shalt  }
0x4e: {  	_ =	shalt  }
0x4f: {  	_ =	shalt  }
0x50: {  	_ =	shalt  }
0x51: {  	_ =	shalt  }
0x52: {  	_ =	shalt  }
0x53: {  	_ =	shalt  }
0x54: {  	_ =	shalt  }
0x55: {  	_ =	shalt  }
0x56: {  	_ =	shalt  }
0x57: {  	_ =	shalt  }
0x58: {  	_ =	shalt  }
0x59: {  	_ =	shalt  }
0x5a: {  	_ =	shalt  }
0x5b: {  	_ =	shalt  }
0x5c: {  	_ =	shalt  }
0x5d: {  	_ =	shalt  }
0x5e: {  	_ =	shalt  }
0x5f: {  	_ =	shalt  }
0x60: {  	_ =	shalt  }
0x61: {  	_ =	shalt  }
0x62: {  	_ =	shalt  }
0x63: {  	_ =	shalt  }
0x64: {  	_ =	shalt  }
0x65: {  	_ =	shalt  }
0x66: {  	_ =	shalt  }
0x67: {  	_ =	shalt  }
0x68: {  	_ =	shalt  }
0x69: {  	_ =	shalt  }
0x6a: {  	_ =	shalt  }
0x6b: {  	_ =	shalt  }
0x6c: {  	_ =	shalt  }
0x6d: {  	_ =	shalt  }
0x6e: {  	_ =	shalt  }
0x6f: {  	_ =	shalt  }
0x70: {  	_ =	shalt  }
0x71: {  	_ =	shalt  }
0x72: {  	_ =	shalt  }
0x73: {  	_ =	shalt  }
0x74: {  	_ =	shalt  }
0x75: {  	_ =	shalt  }
0x76: {  	_ =	shalt  }
0x77: {  	_ =	shalt  }
0x78: {  	_ =	shalt  }
0x79: {  	_ =	shalt  }
0x7a: {  	_ =	shalt  }
0x7b: {  	_ =	shalt  }
0x7c: {  	_ =	shalt  }
0x7d: {  	_ =	shalt  }
0x7e: {  	_ =	shalt  }
0x7f: {  	_ =	shalt  }
0x80: {  	_ =	shalt  }
0x81: {  	_ =	shalt  }
0x82: {  	_ =	shalt  }
0x83: {  	_ =	shalt  }
0x84: {  	_ =	shalt  }
0x85: {  	_ =	shalt  }
0x86: {  	_ =	shalt  }
0x87: {  	_ =	shalt  }
.Lfunc_end0:
.L_simem_size_0:
called_computation.2_lowered:
.L_overlay_start_0:
0x88: {  	s2 =	sld [smem:$0x3FD9]  }
0x89: {  	s3 =	sld [smem:$0x3FFE];
	_ =	sdelay $0x1  }
0x8a: {  	s1 =	srdreg.scid  }
0x8b: {  	s0 =	sand.u32 $0x1, s1  }
0x8c: {  	s17 =	sshll.u32 s0, $0xA;
	s2 =	sadd.s32 s3, s2  }
0x8d: {  	s2 =	sadd.s32 s2, s17  }
0x8e: {  	[smem:$0x3FC2] =	sst s2  }
0x8f: {  	_ = 	snop  }
0x90: {  	s18 =	sld [smem:$0x3FC8];
	(tm) =	ssettm $0x1  }
0x91: {  	s19 =	sld [smem:$0x3FFB];
	_ =	sdelay $0x3  }
0x92: {  	_ =	strace s19  }
0x93: {  	s2 =	sld [smem:$0x3FFC];
	_ =	sdelay $0x3  }
0x94: {  	_ =	strace s2  }
0x95: {  	s2 =	sld [smem:$0x3FFD];
	_ =	sdelay $0x3  }
0x96: {  	_ =	strace s2  }
0x97: {  	_ =	strace $0x8FFFFFFF  }
0x98: {  	s20 =	sld [smem:$0x3FDB];
	_ =	sdelay $0x1  }
0x99: {  	s4 =	simm.s32 $_scs_section_size  }
0x9a: {  	s5 =	simm.s32 $_size__tile_overlayer_lowered;
	s6 =	simm.s32 $_tile_overlayer_lowered  }
0x9b: {  	s7 =	simm.s32 $0x1BFF;
	s21 =	sshll.u32 s6, $0x1;
	s4 =	sadd.s32 s4, s20  }
0x9c: {  	s22 =	simm.s32 $0x0;
	s5 =	sshll.u32 s5, $0x1;
	s6 =	sadd.s32 s21, s4  }
0x9d: {  	[timem:s22], [sflag:s7] =	dma.local [hbm:s6], s5  }
0x9e: {  	_ =	swait.ge [sflag:s7], s5  }
0x9f: {  	s5 =	ssub.s32 $0x0, s5;
	[sflag:s7] =	ssyncset.done $0x0  }
0xa0: {  	[sflag:s7] =	ssyncadd.s32 s5;
	_ =	sdelay $0x1  }
0xa1: {  	s23 =	simm.s32 $0x1B8B  }
0xa2: {  	_ =	swait.ge [sflag:s23], $0x1  }
0xa3: {  	[sflag:s23] =	ssyncset.done $0x0  }
0xa4: {  	[sflag:s23] =	ssyncadd.s32 $0xFFFFFFFF  }
0xa5: {  	s5 =	sld [smem:$0x0]  }
0xa6: {  	s6 =	sand.u32 $0xFFFFFFFE, s1  }
0xa7: {  	p0 =	sne.s32 s1, s6  }
0xa8: {  	s6 =	sshll.u32 @p0 s6, $0xE  }
0xa9: {  	s6 =	sadd.s32 @p0 $0x11B8D, s6;
	s7 =	sshll.u32 @p0 s5, $0x11  }
0xaa: {  	s6 =	sor.u32 @p0 s7, s6  }
0xab: {  	[sflag:s6] =	ssyncadd.remote.s32 @p0 $0x1;
	_ =	sdelay $0x1  }
0xac: {  	s6 =	simm.s32 @p0 $0x1B8D  }
0xad: {  	_ =	swait.eq @p0 [sflag:s6], $0x1  }
0xae: {  	[sflag:s6] =	ssyncadd.s32 @p0 $0xFFFFFFFF  }
0xaf: {  	s7 =	sshll.u32 @!p0 s1, $0xE  }
0xb0: {  	s7 =	sor.u32 @!p0 $0x4000, s7;
	s6 =	simm.s32 @!p0 $0x1B8D  }
0xb1: {  	s5 =	sshll.u32 @!p0 s5, $0x11;
	s7 =	sadd.s32 @!p0 $0x11B8D, s7;
	_ =	swait.eq @!p0 [sflag:s6], $0x1  }
0xb2: {  	s5 =	sor.u32 @!p0 s5, s7;
	[sflag:s6] =	ssyncadd.s32 @!p0 $0xFFFFFFFF  }
0xb3: {  	s25 =	simm.s32 $0x1B8E;
	s24 =	sld [smem:$0x3FFE];
	[sflag:s5] =	ssyncadd.remote.s32 @!p0 $0x1  }
0xb4: {  	s26 =	simm.s32 $execute0_lowered;
	[smem:$0x3FD2] =	sst s25  }
0xb5: {  	s6 =	sshll.u32 s26, $0x1;
	_ =	strace $0x8000004C;
	[dreg:$0x1] =	wrdreg $0xFFFFFFFF  }
0xb6: {  	s28 =	simm.s32 $_size_execute0_lowered;
	s4 =	sadd.s32 s4, s6;
	[dreg:$0x0] =	wrdreg $0x0  }
0xb7: {  	s6 =	sshll.u32 s28, $0x1;
	[dreg:$0x2] =	wrdreg s4  }
0xb8: {  	[dreg:$0x3] =	wrdreg s6  }
0xb9: {  	[dreg:$0x4] =	wrdreg $0xC0  }
0xba: {  	_ =	task [dreg:s22], $0x5FFFF  }
0xbb: {  	[dreg:$0x1] =	wrdreg $0xFFFFFFFF  }
0xbc: {  	[dreg:$0x0] =	wrdreg $0x60  }
0xbd: {  	[dreg:$0x2] =	wrdreg s24  }
0xbe: {  	[dreg:$0x3] =	wrdreg s18  }
0xbf: {  	[dreg:$0x4] =	wrdreg $0xB  }
0xc0: {  	_ =	task.clear_ibuf [dreg:s22], $0x5FFFF;
	_ =	strace $0x9000004C  }
0xc1: {  	s29 =	simm.s32 $0xB;
	_ =	strace $0x8000004E  }
0xc2: {  	_ =	swait.ge [sflag:s29], $0x1  }
0xc3: {  	[sflag:s29] =	ssyncadd.s32 $0xFFFFFFFF  }
0xc4: {  	_ =	strace $0x9000004E  }
0xc5: {  	_ =	sfence  }
0xc6: {  	s30 =	sld [smem:$0x0];
	_ =	sdelay $0x2  }
0xc7: {  	s31 =	sshll.u32 s1, $0xD;
	s1 =	sshrl.u32 s1, $0x2  }
0xc8: {  	s4 =	sand.u32 $0x4000, s31;
	s1 =	sadd.s32 s1, s30  }
0xc9: {  	s0 =	sor.u32 s4, s0;
	s1 =	sshll.u32 s1, $0x11  }
0xca: {  	s0 =	sor.u32 s1, s0  }
0xcb: {  	s0 =	sadd.s32 $0x8F2B, s0  }
0xcc: {  	[sflag:s0] =	ssyncadd.remote.s32 $0x1  }
0xcd: {  	_ =	sfence.sel $0xFFFF  }
0xce: {  	[dreg:$0x0] =	wrdreg $0xFFFFFFFF;
	(pc) =	sbr.abs _section_cstart, $3  }
0xcf: {  	[dreg:$0x1] =	wrdreg $0xFFFFFFFF  }
0xd0: {  	_ =	task.clear_ibuf [dreg:s22], $0x2FFFF;
	_ =	strace $0x9FFFFFFF  }
0xd1: {  	(tm) =	ssettm $0x7FFFFFFF  }
tec
execute0_lowered:
.L_overlay_start_1:
0x0: {  	(tag) =	ssettag $0x1  }
0x1: {  	s0 =	rddreg [dreg:$0x0];
	s1 =	srdreg.scid  }
0x2: {  	s3 =	stileid.u32;
	s2 =	rddreg [dreg:$0x1];
	s20 =	simm.s32 $0xC00  }
0x3: {  	s28 =	simm.s32 $0x2C00;
	s29 =	simm.s32 $0x3400;
	s30 =	simm.s32 $0x3C00  }
0x4: {  	s31 =	simm.s32 $0x4400;
	s12 =	simm.s32 $0x6400;
	s15 =	simm.s32 $0xAC00  }
0x5: {  	s16 =	simm.s32 $0xB400;
	s17 =	simm.s32 $0xBC00;
	s18 =	simm.s32 $0xC400  }
0x6: {  	s1 =	sand.u32 $0x1, s1;
	s4 =	sshll.u32 s3, $0x1;
	s3 =	simm.s32 $0x0  }
0x7: {  	s8 =	simm.s32 $0x12400;
	s4 =	sor.u32 s1, s4;
	[smem:$0x7FF] =	sst s3  }
0x8: {  	s1 =	ssub.s32 $0x2, s1;
	s5 =	sshll.u32 s4, $0x7;
	s6 =	smul.u32 $0x6000, s4  }
0x9: {  	s4 =	smul.u32 $0x30000, s4;
	_ =	strace $0x8000004D;
	s5 =	sadd.s32 s5, s0  }
0xa: {  	s24 =	sshrl.u32 s1, $0x1;
	s0 =	sadd.s32 $0x184E00, s0;
	s5 =	sadd.s32 $0x183E00, s5  }
0xb: {  	s1 =	ssub.s32 s1, s24;
	s6 =	sadd.s32 s0, s6;
	[dreg:$0x3] =	wrdreg s5  }
0xc: {  	s4 =	sshrl.u32 s4, $0x3;
	s21 =	sadd.s32 $0xC00, s6;
	[dreg:$0xb] =	wrdreg s6  }
0xd: {  	s22 =	sadd.s32 $0x1800, s6;
	s0 =	sadd.s32 s0, s4;
	[dreg:$0x4] =	wrdreg s21  }
0xe: {  	s24 =	simm.s32 $0x1400;
	[dreg:$0x5] =	wrdreg s22;
	s4 =	sadd.s32 $0x2400, s0  }
0xf: {  	s7 =	smax.u32 s1, $0x1;
	s23 =	sadd.s32 $0x3000, s0;
	[dreg:$0x6] =	wrdreg s4  }
0x10: {  	s5 =	sadd.s32 $0x100, s2;
	s25 =	sadd.s32 $0x3C00, s0;
	[dreg:$0x7] =	wrdreg s23  }
0x11: {  	s6 =	sadd.s32 $0x200, s2;
	s26 =	sadd.s32 $0x4800, s0;
	[dreg:$0x8] =	wrdreg s25  }
0x12: {  	v2 =	vlaneseq.u32;
	s0 =	sadd.s32 $0x5400, s0;
	s21 =	simm.s32 $0x400;
	[dreg:$0x9] =	wrdreg s26  }
0x13: {  	vm0 =	vmmov $0xffff;
	v1 =	vshrl.u32 v2, $0x3;
	s22 =	simm.s32 $0x8C00;
	[dreg:$0xa] =	wrdreg s0;
	s25 =	simm.s32 $0x1C00  }
0x14: {  	v0 =	vand.u32 $0x7, v2;
	v2 =	vor.u32 $0x8, v2;
	v1 =	vmul.u32 $0x8, v1;
	s26 =	simm.s32 $0x2400;
	s23 =	simm.s32 $0x8400;
	s4 =	simm.s32 $0x5  }
.LBB2_1:
0x15: {  	s19 =	rddreg [dreg:$0x3];
	s0 =	simm.s32 $0x9  }
0x16: {  	[tilespmem:s3], [sflag:$0x9] =	stream.linear.gather [hbm4b:s19+s3], $0x400, $0x38;
	[tilespmem:$0x18400] =	vst v63  }
0x17: {  	_ =	swait.ge [sflag:s0], $0x400  }
0x18: {  	[sflag:s0] =	ssyncset.done $0x0  }
0x19: {  	[sflag:s0] =	ssyncadd.s32 $0xFFFFFC00  }
0x1a: {  	v3 =	vld [tilespmem:$0x0];
	_ =	sdelay $0x4  }
0x1b: {  	v4 =	vshrl.u32 v3, $0x3  }
0x1c: {  	v4 =	vmul.u32 $0x30, v4  }
0x1d: {  	v3 =	vand.u32 $0x7, v3  }
0x1e: {  	v3 =	vor.u32 v3, v4  }
0x1f: {  	v4 =	vperm.xlane v3, v0;
	_ =	sdelay $0x1  }
0x20: {  	v4 =	vadd.s32 v1, v4;
	_ =	sdelay $0x3  }
0x21: {  	v3 =	vperm.xlane v3, v2  }
0x22: {  	[tilespmem:s21], [sflag:$0x1] =	stream.indirect_vreg.gather [hbm4b:s2+s3], $0x80, v4, vm0, $0xb8;
	[tilespmem:$0x18400] =	vst v63  }
0x23: {  	v3 =	vadd.s32 v1, v3  }
0x24: {  	[tilespmem:s20], [sflag:$0x1] =	stream.indirect_vreg.gather [hbm4b:s5+s3], $0x80, v4, vm0, $0xb8;
	[tilespmem:$0x18400] =	vst v63  }
0x25: {  	_ = 	snop  }
0x26: {  	[tilespmem:s24], [sflag:$0x1] =	stream.indirect_vreg.gather [hbm4b:s6+s3], $0x80, v4, vm0, $0xb8;
	[tilespmem:$0x18400] =	vst v63  }
0x27: {  	_ = 	snop  }
0x28: {  	[tilespmem:s25], [sflag:$0x1] =	stream.indirect_vreg.gather [hbm4b:s2+s3], $0x80, v3, vm0, $0xb8;
	[tilespmem:$0x18400] =	vst v63  }
0x29: {  	_ = 	snop  }
0x2a: {  	[tilespmem:s26], [sflag:$0x1] =	stream.indirect_vreg.gather [hbm4b:s5+s3], $0x80, v3, vm0, $0xb8;
	[tilespmem:$0x18400] =	vst v63  }
0x2b: {  	_ = 	snop  }
0x2c: {  	[tilespmem:s28], [sflag:$0x1] =	stream.indirect_vreg.gather [hbm4b:s6+s3], $0x80, v3, vm0, $0xb8;
	[tilespmem:$0x18400] =	vst v63  }
0x2d: {  	v3 =	vld [tilespmem:$0x10];
	_ =	sdelay $0x4  }
0x2e: {  	v49 =	vshrl.u32 v3, $0x3  }
0x2f: {  	v4 =	vmul.u32 $0x30, v49  }
0x30: {  	v3 =	vand.u32 $0x7, v3  }
0x31: {  	v3 =	vor.u32 v3, v4  }
0x32: {  	v4 =	vperm.xlane v3, v0;
	_ =	sdelay $0x1  }
0x33: {  	v4 =	vadd.s32 v1, v4;
	_ =	sdelay $0x3  }
0x34: {  	v3 =	vperm.xlane v3, v2  }
0x35: {  	[tilespmem:s29], [sflag:$0x1] =	stream.indirect_vreg.gather [hbm4b:s2+s3], $0x80, v4, vm0, $0xb8;
	[tilespmem:$0x18400] =	vst v63  }
0x36: {  	v3 =	vadd.s32 v1, v3  }
0x37: {  	[tilespmem:s30], [sflag:$0x1] =	stream.indirect_vreg.gather [hbm4b:s5+s3], $0x80, v4, vm0, $0xb8;
	[tilespmem:$0x18400] =	vst v63  }
0x38: {  	_ = 	snop  }
0x39: {  	[tilespmem:s31], [sflag:$0x1] =	stream.indirect_vreg.gather [hbm4b:s6+s3], $0x80, v4, vm0, $0xb8;
	[tilespmem:$0x18400] =	vst v63  }
0x3a: {  	s10 =	simm.s32 $0x4C00  }
0x3b: {  	[tilespmem:s10], [sflag:$0x1] =	stream.indirect_vreg.gather [hbm4b:s2+s3], $0x80, v3, vm0, $0xb8;
	[tilespmem:$0x18400] =	vst v63  }
0x3c: {  	s9 =	simm.s32 $0x5400  }
0x3d: {  	[tilespmem:s9], [sflag:$0x1] =	stream.indirect_vreg.gather [hbm4b:s5+s3], $0x80, v3, vm0, $0xb8;
	[tilespmem:$0x18400] =	vst v63  }
0x3e: {  	s11 =	simm.s32 $0x5C00  }
0x3f: {  	[tilespmem:s11], [sflag:$0x1] =	stream.indirect_vreg.gather [hbm4b:s6+s3], $0x80, v3, vm0, $0xb8;
	[tilespmem:$0x18400] =	vst v63  }
0x40: {  	v3 =	vld [tilespmem:$0x80];
	_ =	sdelay $0x4  }
0x41: {  	v50 =	vshrl.u32 v3, $0x3  }
0x42: {  	v4 =	vmul.u32 $0x30, v50  }
0x43: {  	v3 =	vand.u32 $0x7, v3  }
0x44: {  	v3 =	vor.u32 v3, v4  }
0x45: {  	v4 =	vperm.xlane v3, v0;
	_ =	sdelay $0x1  }
0x46: {  	v4 =	vadd.s32 v1, v4;
	_ =	sdelay $0x3  }
0x47: {  	v3 =	vperm.xlane v3, v2  }
0x48: {  	[tilespmem:s12], [sflag:$0x2] =	stream.indirect_vreg.gather [hbm4b:s2+s3], $0x80, v4, vm0, $0xb8;
	[tilespmem:$0x18400] =	vst v63  }
0x49: {  	s13 =	simm.s32 $0x6C00;
	v3 =	vadd.s32 v1, v3  }
0x4a: {  	[tilespmem:s13], [sflag:$0x2] =	stream.indirect_vreg.gather [hbm4b:s5+s3], $0x80, v4, vm0, $0xb8;
	[tilespmem:$0x18400] =	vst v63  }
0x4b: {  	s14 =	simm.s32 $0x7400  }
0x4c: {  	[tilespmem:s14], [sflag:$0x2] =	stream.indirect_vreg.gather [hbm4b:s6+s3], $0x80, v4, vm0, $0xb8;
	[tilespmem:$0x18400] =	vst v63  }
0x4d: {  	s19 =	simm.s32 $0x7C00  }
0x4e: {  	[tilespmem:s19], [sflag:$0x2] =	stream.indirect_vreg.gather [hbm4b:s2+s3], $0x80, v3, vm0, $0xb8;
	[tilespmem:$0x18400] =	vst v63  }
0x4f: {  	_ = 	snop  }
0x50: {  	[tilespmem:s23], [sflag:$0x2] =	stream.indirect_vreg.gather [hbm4b:s5+s3], $0x80, v3, vm0, $0xb8;
	[tilespmem:$0x18400] =	vst v63  }
0x51: {  	_ = 	snop  }
0x52: {  	[tilespmem:s22], [sflag:$0x2] =	stream.indirect_vreg.gather [hbm4b:s6+s3], $0x80, v3, vm0, $0xb8;
	[tilespmem:$0x18400] =	vst v63  }
0x53: {  	v3 =	vld [tilespmem:$0x90];
	_ =	sdelay $0x4  }
0x54: {  	v51 =	vshrl.u32 v3, $0x3  }
0x55: {  	v4 =	vmul.u32 $0x30, v51  }
0x56: {  	v3 =	vand.u32 $0x7, v3  }
0x57: {  	v3 =	vor.u32 v3, v4  }
0x58: {  	v4 =	vperm.xlane v3, v0;
	_ =	sdelay $0x1  }
0x59: {  	v4 =	vadd.s32 v1, v4;
	_ =	sdelay $0x3  }
0x5a: {  	s13 =	simm.s32 $0x9400;
	v3 =	vperm.xlane v3, v2  }
0x5b: {  	[tilespmem:s13], [sflag:$0x2] =	stream.indirect_vreg.gather [hbm4b:s2+s3], $0x80, v4, vm0, $0xb8;
	[tilespmem:$0x18400] =	vst v63  }
0x5c: {  	s14 =	simm.s32 $0x9C00;
	v3 =	vadd.s32 v1, v3  }
0x5d: {  	[tilespmem:s14], [sflag:$0x2] =	stream.indirect_vreg.gather [hbm4b:s5+s3], $0x80, v4, vm0, $0xb8;
	[tilespmem:$0x18400] =	vst v63  }
0x5e: {  	s1 =	simm.s32 $0xA400  }
0x5f: {  	[tilespmem:s1], [sflag:$0x2] =	stream.indirect_vreg.gather [hbm4b:s6+s3], $0x80, v4, vm0, $0xb8;
	[tilespmem:$0x18400] =	vst v63  }
0x60: {  	_ = 	snop  }
0x61: {  	[tilespmem:s15], [sflag:$0x2] =	stream.indirect_vreg.gather [hbm4b:s2+s3], $0x80, v3, vm0, $0xb8;
	[tilespmem:$0x18400] =	vst v63  }
0x62: {  	_ = 	snop  }
0x63: {  	[tilespmem:s16], [sflag:$0x2] =	stream.indirect_vreg.gather [hbm4b:s5+s3], $0x80, v3, vm0, $0xb8;
	[tilespmem:$0x18400] =	vst v63  }
0x64: {  	_ = 	snop  }
0x65: {  	[tilespmem:s17], [sflag:$0x2] =	stream.indirect_vreg.gather [hbm4b:s6+s3], $0x80, v3, vm0, $0xb8;
	[tilespmem:$0x18400] =	vst v63  }
0x66: {  	v3 =	vld [tilespmem:$0x100];
	_ =	sdelay $0x4  }
0x67: {  	v52 =	vshrl.u32 v3, $0x3  }
0x68: {  	v4 =	vmul.u32 $0x30, v52  }
0x69: {  	v3 =	vand.u32 $0x7, v3  }
0x6a: {  	v3 =	vor.u32 v3, v4  }
0x6b: {  	v4 =	vperm.xlane v3, v0;
	_ =	sdelay $0x1  }
0x6c: {  	v4 =	vadd.s32 v1, v4;
	_ =	sdelay $0x3  }
0x6d: {  	v3 =	vperm.xlane v3, v2  }
0x6e: {  	[tilespmem:s18], [sflag:$0x3] =	stream.indirect_vreg.gather [hbm4b:s2+s3], $0x80, v4, vm0, $0xb8;
	[tilespmem:$0x18400] =	vst v63  }
0x6f: {  	s19 =	simm.s32 $0xCC00;
	v3 =	vadd.s32 v1, v3  }
0x70: {  	[tilespmem:s19], [sflag:$0x3] =	stream.indirect_vreg.gather [hbm4b:s5+s3], $0x80, v4, vm0, $0xb8;
	[tilespmem:$0x18400] =	vst v63  }
0x71: {  	s1 =	simm.s32 $0xD400  }
0x72: {  	[tilespmem:s1], [sflag:$0x3] =	stream.indirect_vreg.gather [hbm4b:s6+s3], $0x80, v4, vm0, $0xb8;
	[tilespmem:$0x18400] =	vst v63  }
0x73: {  	s19 =	simm.s32 $0xDC00  }
0x74: {  	[tilespmem:s19], [sflag:$0x3] =	stream.indirect_vreg.gather [hbm4b:s2+s3], $0x80, v3, vm0, $0xb8;
	[tilespmem:$0x18400] =	vst v63  }
0x75: {  	s1 =	simm.s32 $0xE400  }
0x76: {  	[tilespmem:s1], [sflag:$0x3] =	stream.indirect_vreg.gather [hbm4b:s5+s3], $0x80, v3, vm0, $0xb8;
	[tilespmem:$0x18400] =	vst v63  }
0x77: {  	s19 =	simm.s32 $0xEC00  }
0x78: {  	[tilespmem:s19], [sflag:$0x3] =	stream.indirect_vreg.gather [hbm4b:s6+s3], $0x80, v3, vm0, $0xb8;
	[tilespmem:$0x18400] =	vst v63  }
0x79: {  	v3 =	vld [tilespmem:$0x110];
	_ =	sdelay $0x4  }
0x7a: {  	v53 =	vshrl.u32 v3, $0x3  }
0x7b: {  	v4 =	vmul.u32 $0x30, v53  }
0x7c: {  	v3 =	vand.u32 $0x7, v3  }
0x7d: {  	v3 =	vor.u32 v3, v4  }
0x7e: {  	v4 =	vperm.xlane v3, v0;
	_ =	sdelay $0x1  }
0x7f: {  	v4 =	vadd.s32 v1, v4;
	_ =	sdelay $0x3  }
0x80: {  	s1 =	simm.s32 $0xF400;
	v3 =	vperm.xlane v3, v2  }
0x81: {  	[tilespmem:s1], [sflag:$0x3] =	stream.indirect_vreg.gather [hbm4b:s2+s3], $0x80, v4, vm0, $0xb8;
	[tilespmem:$0x18400] =	vst v63  }
0x82: {  	s19 =	simm.s32 $0xFC00;
	v3 =	vadd.s32 v1, v3  }
0x83: {  	[tilespmem:s19], [sflag:$0x3] =	stream.indirect_vreg.gather [hbm4b:s5+s3], $0x80, v4, vm0, $0xb8;
	[tilespmem:$0x18400] =	vst v63  }
0x84: {  	s1 =	simm.s32 $0x10400  }
0x85: {  	[tilespmem:s1], [sflag:$0x3] =	stream.indirect_vreg.gather [hbm4b:s6+s3], $0x80, v4, vm0, $0xb8;
	[tilespmem:$0x18400] =	vst v63  }
0x86: {  	s19 =	simm.s32 $0x10C00  }
0x87: {  	[tilespmem:s19], [sflag:$0x3] =	stream.indirect_vreg.gather [hbm4b:s2+s3], $0x80, v3, vm0, $0xb8;
	[tilespmem:$0x18400] =	vst v63  }
0x88: {  	s1 =	simm.s32 $0x11400  }
0x89: {  	[tilespmem:s1], [sflag:$0x3] =	stream.indirect_vreg.gather [hbm4b:s5+s3], $0x80, v3, vm0, $0xb8;
	[tilespmem:$0x18400] =	vst v63  }
0x8a: {  	s0 =	simm.s32 $0x1;
	s19 =	simm.s32 $0x11C00  }
0x8b: {  	[tilespmem:s19], [sflag:$0x3] =	stream.indirect_vreg.gather [hbm4b:s6+s3], $0x80, v3, vm0, $0xb8;
	[tilespmem:$0x18400] =	vst v63  }
0x8c: {  	_ =	swait.ge [sflag:s0], $0x6000  }
0x8d: {  	[sflag:s0] =	ssyncset.done $0x0  }
0x8e: {  	s1 =	rddreg [dreg:$0xb];
	[sflag:s0] =	ssyncadd.s32 $0xFFFFA000  }
0x8f: {  	[hbm4b:s1+s3] =	stream.linear.scatter [tilespmem:s21], [sflag:$0x5], $0x6000, $0x38;
	[tilespmem:$0x18400] =	vst v63  }
0x90: {  	v3 =	vld [tilespmem:$0x180];
	_ =	sdelay $0x4  }
0x91: {  	v54 =	vshrl.u32 v3, $0x3  }
0x92: {  	v4 =	vmul.u32 $0x30, v54  }
0x93: {  	v3 =	vand.u32 $0x7, v3  }
0x94: {  	v3 =	vor.u32 v3, v4  }
0x95: {  	v4 =	vperm.xlane v3, v0;
	_ =	sdelay $0x1  }
0x96: {  	v4 =	vadd.s32 v1, v4;
	_ =	sdelay $0x3  }
0x97: {  	v3 =	vperm.xlane v3, v2  }
0x98: {  	[tilespmem:s8], [sflag:$0x4] =	stream.indirect_vreg.gather [hbm4b:s2+s3], $0x80, v4, vm0, $0xb8;
	[tilespmem:$0x18400] =	vst v63  }
0x99: {  	s1 =	simm.s32 $0x12C00;
	v3 =	vadd.s32 v1, v3  }
0x9a: {  	[tilespmem:s1], [sflag:$0x4] =	stream.indirect_vreg.gather [hbm4b:s5+s3], $0x80, v4, vm0, $0xb8;
	[tilespmem:$0x18400] =	vst v63  }
0x9b: {  	s19 =	simm.s32 $0x13400  }
0x9c: {  	[tilespmem:s19], [sflag:$0x4] =	stream.indirect_vreg.gather [hbm4b:s6+s3], $0x80, v4, vm0, $0xb8;
	[tilespmem:$0x18400] =	vst v63  }
0x9d: {  	s19 =	simm.s32 $0x13C00  }
0x9e: {  	[tilespmem:s19], [sflag:$0x4] =	stream.indirect_vreg.gather [hbm4b:s2+s3], $0x80, v3, vm0, $0xb8;
	[tilespmem:$0x18400] =	vst v63  }
0x9f: {  	s19 =	simm.s32 $0x14400  }
0xa0: {  	[tilespmem:s19], [sflag:$0x4] =	stream.indirect_vreg.gather [hbm4b:s5+s3], $0x80, v3, vm0, $0xb8;
	[tilespmem:$0x18400] =	vst v63  }
0xa1: {  	s19 =	simm.s32 $0x14C00  }
0xa2: {  	[tilespmem:s19], [sflag:$0x4] =	stream.indirect_vreg.gather [hbm4b:s6+s3], $0x80, v3, vm0, $0xb8;
	[tilespmem:$0x18400] =	vst v63  }
0xa3: {  	v3 =	vld [tilespmem:$0x190];
	_ =	sdelay $0x4  }
0xa4: {  	v55 =	vshrl.u32 v3, $0x3  }
0xa5: {  	v4 =	vmul.u32 $0x30, v55  }
0xa6: {  	v3 =	vand.u32 $0x7, v3  }
0xa7: {  	v3 =	vor.u32 v3, v4  }
0xa8: {  	v4 =	vperm.xlane v3, v0;
	_ =	sdelay $0x1  }
0xa9: {  	v4 =	vadd.s32 v1, v4;
	_ =	sdelay $0x3  }
0xaa: {  	s19 =	simm.s32 $0x15400;
	v3 =	vperm.xlane v3, v2  }
0xab: {  	[tilespmem:s19], [sflag:$0x4] =	stream.indirect_vreg.gather [hbm4b:s2+s3], $0x80, v4, vm0, $0xb8;
	[tilespmem:$0x18400] =	vst v63  }
0xac: {  	v3 =	vadd.s32 v1, v3;
	s19 =	simm.s32 $0x15C00  }
0xad: {  	[tilespmem:s19], [sflag:$0x4] =	stream.indirect_vreg.gather [hbm4b:s5+s3], $0x80, v4, vm0, $0xb8;
	[tilespmem:$0x18400] =	vst v63  }
0xae: {  	s19 =	simm.s32 $0x16400  }
0xaf: {  	[tilespmem:s19], [sflag:$0x4] =	stream.indirect_vreg.gather [hbm4b:s6+s3], $0x80, v4, vm0, $0xb8;
	[tilespmem:$0x18400] =	vst v63  }
0xb0: {  	s19 =	simm.s32 $0x16C00  }
0xb1: {  	[tilespmem:s19], [sflag:$0x4] =	stream.indirect_vreg.gather [hbm4b:s2+s3], $0x80, v3, vm0, $0xb8;
	[tilespmem:$0x18400] =	vst v63  }
0xb2: {  	s19 =	simm.s32 $0x17400  }
0xb3: {  	[tilespmem:s19], [sflag:$0x4] =	stream.indirect_vreg.gather [hbm4b:s5+s3], $0x80, v3, vm0, $0xb8;
	[tilespmem:$0x18400] =	vst v63  }
0xb4: {  	s1 =	simm.s32 $0x2;
	s19 =	simm.s32 $0x17C00  }
0xb5: {  	[tilespmem:s19], [sflag:$0x4] =	stream.indirect_vreg.gather [hbm4b:s6+s3], $0x80, v3, vm0, $0xb8;
	[tilespmem:$0x18400] =	vst v63  }
0xb6: {  	_ =	swait.ge [sflag:s1], $0x6000  }
0xb7: {  	[sflag:s1] =	ssyncset.done $0x0  }
0xb8: {  	s19 =	rddreg [dreg:$0x4];
	[sflag:s1] =	ssyncadd.s32 $0xFFFFA000  }
0xb9: {  	[hbm4b:s19+s3] =	stream.linear.scatter [tilespmem:s12], [sflag:$0x6], $0x6000, $0x38;
	[tilespmem:$0x18400] =	vst v63  }
0xba: {  	_ =	swait.ge [sflag:s4], $0x6000  }
0xbb: {  	[sflag:s4] =	ssyncset.done $0x0  }
0xbc: {  	[sflag:s4] =	ssyncadd.s32 $0xFFFFA000  }
0xbd: {  	v3 =	vld [tilespmem:$0x200];
	_ =	sdelay $0x4  }
0xbe: {  	v56 =	vshrl.u32 v3, $0x3  }
0xbf: {  	v4 =	vmul.u32 $0x30, v56  }
0xc0: {  	v3 =	vand.u32 $0x7, v3  }
0xc1: {  	v3 =	vor.u32 v3, v4  }
0xc2: {  	v4 =	vperm.xlane v3, v0;
	_ =	sdelay $0x1  }
0xc3: {  	v4 =	vadd.s32 v1, v4;
	_ =	sdelay $0x3  }
0xc4: {  	v3 =	vperm.xlane v3, v2  }
0xc5: {  	[tilespmem:s21], [sflag:$0x1] =	stream.indirect_vreg.gather [hbm4b:s2+s3], $0x80, v4, vm0, $0xb8;
	[tilespmem:$0x18400] =	vst v63  }
0xc6: {  	v3 =	vadd.s32 v1, v3  }
0xc7: {  	[tilespmem:s20], [sflag:$0x1] =	stream.indirect_vreg.gather [hbm4b:s5+s3], $0x80, v4, vm0, $0xb8;
	[tilespmem:$0x18400] =	vst v63  }
0xc8: {  	_ = 	snop  }
0xc9: {  	[tilespmem:s24], [sflag:$0x1] =	stream.indirect_vreg.gather [hbm4b:s6+s3], $0x80, v4, vm0, $0xb8;
	[tilespmem:$0x18400] =	vst v63  }
0xca: {  	_ = 	snop  }
0xcb: {  	[tilespmem:s25], [sflag:$0x1] =	stream.indirect_vreg.gather [hbm4b:s2+s3], $0x80, v3, vm0, $0xb8;
	[tilespmem:$0x18400] =	vst v63  }
0xcc: {  	_ = 	snop  }
0xcd: {  	[tilespmem:s26], [sflag:$0x1] =	stream.indirect_vreg.gather [hbm4b:s5+s3], $0x80, v3, vm0, $0xb8;
	[tilespmem:$0x18400] =	vst v63  }
0xce: {  	_ = 	snop  }
0xcf: {  	[tilespmem:s28], [sflag:$0x1] =	stream.indirect_vreg.gather [hbm4b:s6+s3], $0x80, v3, vm0, $0xb8;
	[tilespmem:$0x18400] =	vst v63  }
0xd0: {  	v3 =	vld [tilespmem:$0x210];
	_ =	sdelay $0x4  }
0xd1: {  	v57 =	vshrl.u32 v3, $0x3  }
0xd2: {  	v4 =	vmul.u32 $0x30, v57  }
0xd3: {  	v3 =	vand.u32 $0x7, v3  }
0xd4: {  	v3 =	vor.u32 v3, v4  }
0xd5: {  	v4 =	vperm.xlane v3, v0;
	_ =	sdelay $0x1  }
0xd6: {  	v4 =	vadd.s32 v1, v4;
	_ =	sdelay $0x3  }
0xd7: {  	v3 =	vperm.xlane v3, v2  }
0xd8: {  	[tilespmem:s29], [sflag:$0x1] =	stream.indirect_vreg.gather [hbm4b:s2+s3], $0x80, v4, vm0, $0xb8;
	[tilespmem:$0x18400] =	vst v63  }
0xd9: {  	v3 =	vadd.s32 v1, v3  }
0xda: {  	[tilespmem:s30], [sflag:$0x1] =	stream.indirect_vreg.gather [hbm4b:s5+s3], $0x80, v4, vm0, $0xb8;
	[tilespmem:$0x18400] =	vst v63  }
0xdb: {  	_ = 	snop  }
0xdc: {  	[tilespmem:s31], [sflag:$0x1] =	stream.indirect_vreg.gather [hbm4b:s6+s3], $0x80, v4, vm0, $0xb8;
	[tilespmem:$0x18400] =	vst v63  }
0xdd: {  	_ = 	snop  }
0xde: {  	[tilespmem:s10], [sflag:$0x1] =	stream.indirect_vreg.gather [hbm4b:s2+s3], $0x80, v3, vm0, $0xb8;
	[tilespmem:$0x18400] =	vst v63  }
0xdf: {  	_ = 	snop  }
0xe0: {  	[tilespmem:s9], [sflag:$0x1] =	stream.indirect_vreg.gather [hbm4b:s5+s3], $0x80, v3, vm0, $0xb8;
	[tilespmem:$0x18400] =	vst v63  }
0xe1: {  	s9 =	simm.s32 $0x3  }
0xe2: {  	[tilespmem:s11], [sflag:$0x1] =	stream.indirect_vreg.gather [hbm4b:s6+s3], $0x80, v3, vm0, $0xb8;
	[tilespmem:$0x18400] =	vst v63  }
0xe3: {  	_ =	swait.ge [sflag:s9], $0x6000  }
0xe4: {  	[sflag:s9] =	ssyncset.done $0x0  }
0xe5: {  	s10 =	simm.s32 $0x6;
	s11 =	rddreg [dreg:$0x5];
	[sflag:s9] =	ssyncadd.s32 $0xFFFFA000  }
0xe6: {  	[hbm4b:s11+s3] =	stream.linear.scatter [tilespmem:s18], [sflag:$0x7], $0x6000, $0x38;
	[tilespmem:$0x18400] =	vst v63  }
0xe7: {  	_ =	swait.ge [sflag:s10], $0x6000  }
0xe8: {  	[sflag:s10] =	ssyncset.done $0x0  }
0xe9: {  	[sflag:s10] =	ssyncadd.s32 $0xFFFFA000  }
0xea: {  	v3 =	vld [tilespmem:$0x280];
	_ =	sdelay $0x4  }
0xeb: {  	v58 =	vshrl.u32 v3, $0x3  }
0xec: {  	v4 =	vmul.u32 $0x30, v58  }
0xed: {  	v3 =	vand.u32 $0x7, v3  }
0xee: {  	v3 =	vor.u32 v3, v4  }
0xef: {  	v4 =	vperm.xlane v3, v0;
	_ =	sdelay $0x1  }
0xf0: {  	v4 =	vadd.s32 v1, v4;
	_ =	sdelay $0x3  }
0xf1: {  	v3 =	vperm.xlane v3, v2  }
0xf2: {  	[tilespmem:s12], [sflag:$0x2] =	stream.indirect_vreg.gather [hbm4b:s2+s3], $0x80, v4, vm0, $0xb8;
	[tilespmem:$0x18400] =	vst v63  }
0xf3: {  	s19 =	simm.s32 $0x6C00;
	v3 =	vadd.s32 v1, v3  }
0xf4: {  	[tilespmem:s19], [sflag:$0x2] =	stream.indirect_vreg.gather [hbm4b:s5+s3], $0x80, v4, vm0, $0xb8;
	[tilespmem:$0x18400] =	vst v63  }
0xf5: {  	s19 =	simm.s32 $0x7400  }
0xf6: {  	[tilespmem:s19], [sflag:$0x2] =	stream.indirect_vreg.gather [hbm4b:s6+s3], $0x80, v4, vm0, $0xb8;
	[tilespmem:$0x18400] =	vst v63  }
0xf7: {  	s19 =	simm.s32 $0x7C00  }
0xf8: {  	[tilespmem:s19], [sflag:$0x2] =	stream.indirect_vreg.gather [hbm4b:s2+s3], $0x80, v3, vm0, $0xb8;
	[tilespmem:$0x18400] =	vst v63  }
0xf9: {  	_ = 	snop  }
0xfa: {  	[tilespmem:s23], [sflag:$0x2] =	stream.indirect_vreg.gather [hbm4b:s5+s3], $0x80, v3, vm0, $0xb8;
	[tilespmem:$0x18400] =	vst v63  }
0xfb: {  	_ = 	snop  }
0xfc: {  	[tilespmem:s22], [sflag:$0x2] =	stream.indirect_vreg.gather [hbm4b:s6+s3], $0x80, v3, vm0, $0xb8;
	[tilespmem:$0x18400] =	vst v63  }
0xfd: {  	v3 =	vld [tilespmem:$0x290];
	_ =	sdelay $0x4  }
0xfe: {  	v59 =	vshrl.u32 v3, $0x3  }
0xff: {  	v4 =	vmul.u32 $0x30, v59  }
0x100: {  	v3 =	vand.u32 $0x7, v3  }
0x101: {  	v3 =	vor.u32 v3, v4  }
0x102: {  	v4 =	vperm.xlane v3, v0;
	_ =	sdelay $0x1  }
0x103: {  	v4 =	vadd.s32 v1, v4;
	_ =	sdelay $0x3  }
0x104: {  	v3 =	vperm.xlane v3, v2  }
0x105: {  	[tilespmem:s13], [sflag:$0x2] =	stream.indirect_vreg.gather [hbm4b:s2+s3], $0x80, v4, vm0, $0xb8;
	[tilespmem:$0x18400] =	vst v63  }
0x106: {  	v3 =	vadd.s32 v1, v3  }
0x107: {  	[tilespmem:s14], [sflag:$0x2] =	stream.indirect_vreg.gather [hbm4b:s5+s3], $0x80, v4, vm0, $0xb8;
	[tilespmem:$0x18400] =	vst v63  }
0x108: {  	s13 =	simm.s32 $0xA400  }
0x109: {  	[tilespmem:s13], [sflag:$0x2] =	stream.indirect_vreg.gather [hbm4b:s6+s3], $0x80, v4, vm0, $0xb8;
	[tilespmem:$0x18400] =	vst v63  }
0x10a: {  	_ = 	snop  }
0x10b: {  	[tilespmem:s15], [sflag:$0x2] =	stream.indirect_vreg.gather [hbm4b:s2+s3], $0x80, v3, vm0, $0xb8;
	[tilespmem:$0x18400] =	vst v63  }
0x10c: {  	_ = 	snop  }
0x10d: {  	[tilespmem:s16], [sflag:$0x2] =	stream.indirect_vreg.gather [hbm4b:s5+s3], $0x80, v3, vm0, $0xb8;
	[tilespmem:$0x18400] =	vst v63  }
0x10e: {  	s11 =	simm.s32 $0x4  }
0x10f: {  	[tilespmem:s17], [sflag:$0x2] =	stream.indirect_vreg.gather [hbm4b:s6+s3], $0x80, v3, vm0, $0xb8;
	[tilespmem:$0x18400] =	vst v63  }
0x110: {  	_ =	swait.ge [sflag:s11], $0x6000  }
0x111: {  	[sflag:s11] =	ssyncset.done $0x0  }
0x112: {  	s13 =	simm.s32 $0x7;
	s14 =	rddreg [dreg:$0x6];
	[sflag:s11] =	ssyncadd.s32 $0xFFFFA000  }
0x113: {  	[hbm4b:s14+s3] =	stream.linear.scatter [tilespmem:s8], [sflag:$0x8], $0x6000, $0x38;
	[tilespmem:$0x18400] =	vst v63  }
0x114: {  	_ =	swait.ge [sflag:s13], $0x6000  }
0x115: {  	[sflag:s13] =	ssyncset.done $0x0  }
0x116: {  	[sflag:s13] =	ssyncadd.s32 $0xFFFFA000  }
0x117: {  	v3 =	vld [tilespmem:$0x300];
	_ =	sdelay $0x4  }
0x118: {  	v60 =	vshrl.u32 v3, $0x3  }
0x119: {  	v4 =	vmul.u32 $0x30, v60  }
0x11a: {  	v3 =	vand.u32 $0x7, v3  }
0x11b: {  	v3 =	vor.u32 v3, v4  }
0x11c: {  	v4 =	vperm.xlane v3, v0;
	_ =	sdelay $0x1  }
0x11d: {  	v4 =	vadd.s32 v1, v4;
	_ =	sdelay $0x3  }
0x11e: {  	v3 =	vperm.xlane v3, v2  }
0x11f: {  	[tilespmem:s18], [sflag:$0x3] =	stream.indirect_vreg.gather [hbm4b:s2+s3], $0x80, v4, vm0, $0xb8;
	[tilespmem:$0x18400] =	vst v63  }
0x120: {  	s19 =	simm.s32 $0xCC00;
	v3 =	vadd.s32 v1, v3  }
0x121: {  	[tilespmem:s19], [sflag:$0x3] =	stream.indirect_vreg.gather [hbm4b:s5+s3], $0x80, v4, vm0, $0xb8;
	[tilespmem:$0x18400] =	vst v63  }
0x122: {  	s19 =	simm.s32 $0xD400  }
0x123: {  	[tilespmem:s19], [sflag:$0x3] =	stream.indirect_vreg.gather [hbm4b:s6+s3], $0x80, v4, vm0, $0xb8;
	[tilespmem:$0x18400] =	vst v63  }
0x124: {  	s19 =	simm.s32 $0xDC00  }
0x125: {  	[tilespmem:s19], [sflag:$0x3] =	stream.indirect_vreg.gather [hbm4b:s2+s3], $0x80, v3, vm0, $0xb8;
	[tilespmem:$0x18400] =	vst v63  }
0x126: {  	s19 =	simm.s32 $0xE400  }
0x127: {  	[tilespmem:s19], [sflag:$0x3] =	stream.indirect_vreg.gather [hbm4b:s5+s3], $0x80, v3, vm0, $0xb8;
	[tilespmem:$0x18400] =	vst v63  }
0x128: {  	s19 =	simm.s32 $0xEC00  }
0x129: {  	[tilespmem:s19], [sflag:$0x3] =	stream.indirect_vreg.gather [hbm4b:s6+s3], $0x80, v3, vm0, $0xb8;
	[tilespmem:$0x18400] =	vst v63  }
0x12a: {  	v3 =	vld [tilespmem:$0x310];
	_ =	sdelay $0x4  }
0x12b: {  	v61 =	vshrl.u32 v3, $0x3  }
0x12c: {  	v4 =	vmul.u32 $0x30, v61  }
0x12d: {  	v3 =	vand.u32 $0x7, v3  }
0x12e: {  	v3 =	vor.u32 v3, v4  }
0x12f: {  	v4 =	vperm.xlane v3, v0;
	_ =	sdelay $0x1  }
0x130: {  	v4 =	vadd.s32 v1, v4;
	_ =	sdelay $0x3  }
0x131: {  	s19 =	simm.s32 $0xF400;
	v3 =	vperm.xlane v3, v2  }
0x132: {  	[tilespmem:s19], [sflag:$0x3] =	stream.indirect_vreg.gather [hbm4b:s2+s3], $0x80, v4, vm0, $0xb8;
	[tilespmem:$0x18400] =	vst v63  }
0x133: {  	v3 =	vadd.s32 v1, v3;
	s19 =	simm.s32 $0xFC00  }
0x134: {  	[tilespmem:s19], [sflag:$0x3] =	stream.indirect_vreg.gather [hbm4b:s5+s3], $0x80, v4, vm0, $0xb8;
	[tilespmem:$0x18400] =	vst v63  }
0x135: {  	s19 =	simm.s32 $0x10400  }
0x136: {  	[tilespmem:s19], [sflag:$0x3] =	stream.indirect_vreg.gather [hbm4b:s6+s3], $0x80, v4, vm0, $0xb8;
	[tilespmem:$0x18400] =	vst v63  }
0x137: {  	s19 =	simm.s32 $0x10C00  }
0x138: {  	[tilespmem:s19], [sflag:$0x3] =	stream.indirect_vreg.gather [hbm4b:s2+s3], $0x80, v3, vm0, $0xb8;
	[tilespmem:$0x18400] =	vst v63  }
0x139: {  	s19 =	simm.s32 $0x11400  }
0x13a: {  	[tilespmem:s19], [sflag:$0x3] =	stream.indirect_vreg.gather [hbm4b:s5+s3], $0x80, v3, vm0, $0xb8;
	[tilespmem:$0x18400] =	vst v63  }
0x13b: {  	s19 =	simm.s32 $0x11C00  }
0x13c: {  	[tilespmem:s19], [sflag:$0x3] =	stream.indirect_vreg.gather [hbm4b:s6+s3], $0x80, v3, vm0, $0xb8;
	[tilespmem:$0x18400] =	vst v63  }
0x13d: {  	_ =	swait.ge [sflag:s0], $0x6000  }
0x13e: {  	[sflag:s0] =	ssyncset.done $0x0  }
0x13f: {  	s14 =	rddreg [dreg:$0x7];
	[sflag:s0] =	ssyncadd.s32 $0xFFFFA000;
	s0 =	simm.s32 $0x8  }
0x140: {  	[hbm4b:s14+s3] =	stream.linear.scatter [tilespmem:s21], [sflag:$0x5], $0x6000, $0x38;
	[tilespmem:$0x18400] =	vst v63  }
0x141: {  	_ =	swait.ge [sflag:s0], $0x6000  }
0x142: {  	[sflag:s0] =	ssyncset.done $0x0  }
0x143: {  	[sflag:s0] =	ssyncadd.s32 $0xFFFFA000  }
0x144: {  	v3 =	vld [tilespmem:$0x380];
	_ =	sdelay $0x4  }
0x145: {  	v62 =	vshrl.u32 v3, $0x3  }
0x146: {  	v4 =	vmul.u32 $0x30, v62  }
0x147: {  	v3 =	vand.u32 $0x7, v3  }
0x148: {  	v3 =	vor.u32 v3, v4  }
0x149: {  	v4 =	vperm.xlane v3, v0;
	_ =	sdelay $0x1  }
0x14a: {  	v4 =	vadd.s32 v1, v4;
	_ =	sdelay $0x3  }
0x14b: {  	v3 =	vperm.xlane v3, v2  }
0x14c: {  	[tilespmem:s8], [sflag:$0x4] =	stream.indirect_vreg.gather [hbm4b:s2+s3], $0x80, v4, vm0, $0xb8;
	[tilespmem:$0x18400] =	vst v63  }
0x14d: {  	s19 =	simm.s32 $0x12C00;
	v3 =	vadd.s32 v1, v3  }
0x14e: {  	[tilespmem:s19], [sflag:$0x4] =	stream.indirect_vreg.gather [hbm4b:s5+s3], $0x80, v4, vm0, $0xb8;
	[tilespmem:$0x18400] =	vst v63  }
0x14f: {  	s19 =	simm.s32 $0x13400  }
0x150: {  	[tilespmem:s19], [sflag:$0x4] =	stream.indirect_vreg.gather [hbm4b:s6+s3], $0x80, v4, vm0, $0xb8;
	[tilespmem:$0x18400] =	vst v63  }
0x151: {  	s19 =	simm.s32 $0x13C00  }
0x152: {  	[tilespmem:s19], [sflag:$0x4] =	stream.indirect_vreg.gather [hbm4b:s2+s3], $0x80, v3, vm0, $0xb8;
	[tilespmem:$0x18400] =	vst v63  }
0x153: {  	s19 =	simm.s32 $0x14400  }
0x154: {  	[tilespmem:s19], [sflag:$0x4] =	stream.indirect_vreg.gather [hbm4b:s5+s3], $0x80, v3, vm0, $0xb8;
	[tilespmem:$0x18400] =	vst v63  }
0x155: {  	s19 =	simm.s32 $0x14C00  }
0x156: {  	[tilespmem:s19], [sflag:$0x4] =	stream.indirect_vreg.gather [hbm4b:s6+s3], $0x80, v3, vm0, $0xb8;
	[tilespmem:$0x18400] =	vst v63  }
0x157: {  	v3 =	vld [tilespmem:$0x390];
	_ =	sdelay $0x4  }
0x158: {  	v63 =	vshrl.u32 v3, $0x3  }
0x159: {  	v4 =	vmul.u32 $0x30, v63  }
0x15a: {  	v3 =	vand.u32 $0x7, v3  }
0x15b: {  	v3 =	vor.u32 v3, v4  }
0x15c: {  	v4 =	vperm.xlane v3, v0;
	_ =	sdelay $0x1  }
0x15d: {  	v4 =	vadd.s32 v1, v4;
	_ =	sdelay $0x3  }
0x15e: {  	s19 =	simm.s32 $0x15400;
	v3 =	vperm.xlane v3, v2  }
0x15f: {  	[tilespmem:s19], [sflag:$0x4] =	stream.indirect_vreg.gather [hbm4b:s2+s3], $0x80, v4, vm0, $0xb8;
	[tilespmem:$0x18400] =	vst v63  }
0x160: {  	v3 =	vadd.s32 v1, v3;
	s19 =	simm.s32 $0x15C00  }
0x161: {  	[tilespmem:s19], [sflag:$0x4] =	stream.indirect_vreg.gather [hbm4b:s5+s3], $0x80, v4, vm0, $0xb8;
	[tilespmem:$0x18400] =	vst v63  }
0x162: {  	s19 =	simm.s32 $0x16400  }
0x163: {  	[tilespmem:s19], [sflag:$0x4] =	stream.indirect_vreg.gather [hbm4b:s6+s3], $0x80, v4, vm0, $0xb8;
	[tilespmem:$0x18400] =	vst v63  }
0x164: {  	s19 =	simm.s32 $0x16C00  }
0x165: {  	[tilespmem:s19], [sflag:$0x4] =	stream.indirect_vreg.gather [hbm4b:s2+s3], $0x80, v3, vm0, $0xb8;
	[tilespmem:$0x18400] =	vst v63  }
0x166: {  	s19 =	simm.s32 $0x17400  }
0x167: {  	[tilespmem:s19], [sflag:$0x4] =	stream.indirect_vreg.gather [hbm4b:s5+s3], $0x80, v3, vm0, $0xb8;
	[tilespmem:$0x18400] =	vst v63  }
0x168: {  	s19 =	simm.s32 $0x17C00  }
0x169: {  	[tilespmem:s19], [sflag:$0x4] =	stream.indirect_vreg.gather [hbm4b:s6+s3], $0x80, v3, vm0, $0xb8;
	[tilespmem:$0x18400] =	vst v63  }
0x16a: {  	_ =	swait.ge [sflag:s1], $0x6000  }
0x16b: {  	[sflag:s1] =	ssyncset.done $0x0  }
0x16c: {  	s14 =	rddreg [dreg:$0x8];
	[sflag:s1] =	ssyncadd.s32 $0xFFFFA000  }
0x16d: {  	[hbm4b:s14+s3] =	stream.linear.scatter [tilespmem:s12], [sflag:$0x6], $0x6000, $0x38;
	[tilespmem:$0x18400] =	vst v63  }
0x16e: {  	_ =	swait.ge [sflag:s9], $0x6000  }
0x16f: {  	[sflag:s9] =	ssyncset.done $0x0  }
0x170: {  	s1 =	rddreg [dreg:$0x9];
	[sflag:s9] =	ssyncadd.s32 $0xFFFFA000  }
0x171: {  	[hbm4b:s1+s3] =	stream.linear.scatter [tilespmem:s18], [sflag:$0x7], $0x6000, $0x38;
	[tilespmem:$0x18400] =	vst v63  }
0x172: {  	_ =	swait.ge [sflag:s11], $0x6000  }
0x173: {  	[sflag:s11] =	ssyncset.done $0x0  }
0x174: {  	s14 =	rddreg [dreg:$0xa];
	[sflag:s11] =	ssyncadd.s32 $0xFFFFA000  }
0x175: {  	[hbm4b:s14+s3] =	stream.linear.scatter [tilespmem:s8], [sflag:$0x8], $0x6000, $0x38;
	[tilespmem:$0x18400] =	vst v63  }
0x176: {  	_ =	swait.ge [sflag:s4], $0x6000  }
0x177: {  	[sflag:s4] =	ssyncset.done $0x0  }
0x178: {  	[sflag:s4] =	ssyncadd.s32 $0xFFFFA000  }
0x179: {  	_ =	swait.ge [sflag:s10], $0x6000  }
0x17a: {  	[sflag:s10] =	ssyncset.done $0x0  }
0x17b: {  	[sflag:s10] =	ssyncadd.s32 $0xFFFFA000  }
0x17c: {  	p0 =	sne.s32 s7, $0x1;
	_ =	swait.ge [sflag:s13], $0x6000  }
.Ltmp0:
0x17d: {  	[sflag:s13] =	ssyncset.done $0x0;
	(pc) =	sbr.rel @p0 .LBB2_1-.Ltmp0, $4  }
0x17e: {  	[sflag:s13] =	ssyncadd.s32 $0xFFFFA000  }
0x17f: {  	_ =	swait.ge [sflag:s0], $0x6000  }
0x180: {  	[sflag:s0] =	ssyncset.done $0x0  }
0x181: {  	s7 =	sadd.s32 $0xFFFFFFFF, s7;
	[sflag:s0] =	ssyncadd.s32 $0xFFFFA000  }
0x182: {  	_ =	sfence.sel $0x180000  }
0x183: {  	[bflag:$0x0] =	sbarrier.arrive $0xFFFF  }
0x184: {  	_ =	strace $0x9000004D  }
0x185: {  	s0 =	stileid.u32;
	[bflag:$0x2] =	sbarrier.arrive $0xFFFF  }
0x186: {  	p0 =	sne.s32 s0, $0x0;
	s0 =	rddreg [dreg:$0x2]  }
0x187: {  	s0 =	sadd.s32 @!p0 $0x100000, s0  }
0x188: {  	[sflag:s0] =	ssyncadd.tile.s32 @!p0 $0x1;
	_ =	shalt  }
.Lfunc_end2:
_tile_overlayer_lowered:
.L_overlay_start_2:
0x189: {  	(tag) =	ssettag $0x2  }
0x18a: {  	s0 =	rddreg [dreg:$0x0];
	s2 =	stileid.u32  }
0x18b: {  	s1 =	rddreg [dreg:$0x1];
	p0 =	sne.s32 s2, $0x0  }
0x18c: {  	s3 =	rddreg [dreg:$0x2];
	[bflag:$0x3] =	sbarrier.arrive $0xFFFF;
	s2 =	simm.s32 @!p0 $0x1C09  }
0x18d: {  	[timem:s3], [sflag:s2] =	dma.local @!p0 [hbm:s0], s1  }
0x18e: {  	s0 =	simm.s32 @!p0 $0x9  }
0x18f: {  	_ =	swait.ge @!p0 [sflag:s0], s1  }
0x190: {  	s1 =	ssub.s32 @!p0 $0x0, s1;
	[sflag:s0] =	ssyncset.done @!p0 $0x0  }
0x191: {  	[sflag:s0] =	ssyncadd.s32 @!p0 s1  }
0x192: {  	[bflag:$0x3] =	sbarrier.arrive $0xFFFF  }
0x193: {  	_ =	shalt  }

// kernel: kernel.19.cloned.1.call-start
scs
__scs_entry_jumppad:
0x0: {  	(pc) =	sbr.rel $0x88, $3  }
0x1: {  	(tag) =	ssettag $0x0;
	lr =	simm.s32 $0x1  }
0x2: {  	[smem:$0x3F9B] =	sst lr;
	_ =	strace $0xD0000000  }
0x3: {  	_ = 	snop  }
0x4: {  	_ = 	snop  }
0x5: {  	_ = 	snop  }
0x6: {  	_ = 	snop  }
0x7: {  	_ = 	snop  }
__scs_overlays_trampoline_lowered:
0x8: {  	[smem:$0x3FAA] =	sst s0  }
0x9: {  	[smem:$0x3FAB] =	sst s1  }
0xa: {  	[smem:$0x3FAC] =	sst s2  }
0xb: {  	[smem:$0x3FAD] =	sst s3  }
0xc: {  	[smem:$0x3FAE] =	sst s4  }
0xd: {  	[smem:$0x3FAF] =	sst s5  }
0xe: {  	[smem:$0x3FB0] =	sst s6  }
0xf: {  	[smem:$0x3FB1] =	sst s7  }
0x10: {  	[smem:$0x3FB2] =	sst s8  }
0x11: {  	[smem:$0x3FB3] =	sst s9;
	s0 =	simm.s32 @!p0 $0x0  }
0x12: {  	s1 =	sld [smem:$0x3F99];
	s0 =	simm.s32 @p0 $0x1  }
0x13: {  	[smem:$0x3FB4] =	sst s0;
	s0 =	simm.s32 @!p1 $0x0  }
0x14: {  	s2 =	sld [smem:$0x3F98];
	s0 =	simm.s32 @p1 $0x1  }
0x15: {  	[smem:$0x3FB5] =	sst s0;
	s0 =	simm.s32 @!p2 $0x0  }
0x16: {  	s3 =	sld [smem:$0x3FDB];
	s0 =	simm.s32 @p2 $0x1  }
0x17: {  	s4 =	simm.s32 $0x1BF5;
	[smem:$0x3FB7] =	sst s0  }
0x18: {  	s0 =	sld [smem:$0x3F9A];
	_ =	swait.ge [sflag:s4], $0x0  }
0x19: {  	s7 =	sld [smem:$0x3F9B]  }
0x1a: {  	s8 =	sadd.s32 $0xFFFFE003, lr  }
0x1b: {  	s9 =	sadd.s32 $0xFFFFFEF7, lr;
	s5 =	simm.s32 $0xFFFFFFFF;
	p2 =	slt.u32 s8, $0xFFFFF086  }
0x1c: {  	p1 =	slt.u32 s9, $0xF7A;
	s5 =	simm.s32 @!p2 $0x0  }
0x1d: {  	s5 =	simm.s32 @p1 $0x1;
	p0 =	seq.s32 s7, s2  }
0x1e: {  	s7 =	smul.u32 @!p0 $0xF7A, s2;
	p2 =	seq.s32 @!p0 s5, $0x0  }
0x1f: {  	s9 =	smul.u32 $0xF7A, s1;
	s8 =	simm.s32 @!p0 $0x1BF5;
	p2 =	por !p2, p0  }
0x20: {  	[sflag:s8] =	ssyncset.s32 @!p0 $0xFFFFF086;
	s6 =	sadd.s32 @!p0 s3, s7;
	s7 =	simm.s32 @!p0 $0x108  }
0x21: {  	s3 =	sadd.s32 s3, s9;
	s6 =	sadd.s32 @!p0 $0x88, s6;
	s7 =	simm.s32 @p2 $0x1082  }
0x22: {  	[simem:s7], [sflag:s8] =	dma.local @!p0 [hbm:s6], $0xF7A  }
0x23: {  	s9 =	sor.u32 $0xD0000000, s2;
	s6 =	simm.s32 $0x108;
	_ =	swait.ge @!p0 [sflag:s8], $0x0  }
0x24: {  	s3 =	sadd.s32 $0x88, s3;
	s6 =	simm.s32 @!p1 $0x1082;
	[sflag:s4] =	ssyncset.s32 $0xFFFFF086  }
0x25: {  	[simem:s6], [sflag:s4] =	dma.local [hbm:s3], $0xF7A  }
0x26: {  	[smem:$0x3F9B] =	sst s1;
	(tag) =	ssettag s2;
	_ =	strace s9  }
0x27: {  	s1 =	sld [smem:$0x3FAB]  }
0x28: {  	s2 =	sld [smem:$0x3FAC]  }
0x29: {  	s4 =	sld [smem:$0x3FAE]  }
0x2a: {  	p0 =	seq.s32 s5, $0x0;
	s5 =	sld [smem:$0x3FAF]  }
0x2b: {  	s6 =	sld [smem:$0x3FB0]  }
0x2c: {  	s7 =	sld [smem:$0x3FB1]  }
0x2d: {  	s3 =	simm.s32 $0x108;
	s8 =	sld [smem:$0x3FB2]  }
0x2e: {  	s3 =	simm.s32 @!p0 $0x1082;
	s9 =	sld [smem:$0x3FB3]  }
0x2f: {  	lr =	sadd.s32 s0, s3;
	s0 =	sld [smem:$0x3FAA]  }
0x30: {  	s3 =	sld [smem:$0x3FAD]  }
0x31: {  	[smem:$0x3FB6] =	sst s10  }
0x32: {  	s10 =	sld [smem:$0x3FB4];
	_ =	sdelay $0x3  }
0x33: {  	p0 =	seq.s32 s10, $0x1;
	s10 =	sld [smem:$0x3FB6];
	_ =	sdelay $0x3  }
0x34: {  	[smem:$0x3FB6] =	sst s10  }
0x35: {  	s10 =	sld [smem:$0x3FB5];
	_ =	sdelay $0x3  }
0x36: {  	p1 =	seq.s32 s10, $0x1;
	s10 =	sld [smem:$0x3FB6];
	_ =	sdelay $0x3  }
0x37: {  	[smem:$0x3FB6] =	sst s10  }
0x38: {  	s10 =	sld [smem:$0x3FB7]  }
0x39: {  	_ = 	snop;
	(pc) =	sbr.ind lr, $3  }
0x3a: {  	_ = 	snop  }
0x3b: {  	_ = 	snop  }
0x3c: {  	p2 =	seq.s32 s10, $0x1;
	s10 =	sld [smem:$0x3FB6]  }
0x3d: {  	_ =	shalt  }
0x3e: {  	_ =	shalt  }
0x3f: {  	_ =	shalt  }
0x40: {  	_ =	shalt  }
0x41: {  	_ =	shalt  }
0x42: {  	_ =	shalt  }
0x43: {  	_ =	shalt  }
0x44: {  	_ =	shalt  }
0x45: {  	_ =	shalt  }
0x46: {  	_ =	shalt  }
0x47: {  	_ =	shalt  }
0x48: {  	_ =	shalt  }
0x49: {  	_ =	shalt  }
0x4a: {  	_ =	shalt  }
0x4b: {  	_ =	shalt  }
0x4c: {  	_ =	shalt  }
0x4d: {  	_ =	shalt  }
0x4e: {  	_ =	shalt  }
0x4f: {  	_ =	shalt  }
0x50: {  	_ =	shalt  }
0x51: {  	_ =	shalt  }
0x52: {  	_ =	shalt  }
0x53: {  	_ =	shalt  }
0x54: {  	_ =	shalt  }
0x55: {  	_ =	shalt  }
0x56: {  	_ =	shalt  }
0x57: {  	_ =	shalt  }
0x58: {  	_ =	shalt  }
0x59: {  	_ =	shalt  }
0x5a: {  	_ =	shalt  }
0x5b: {  	_ =	shalt  }
0x5c: {  	_ =	shalt  }
0x5d: {  	_ =	shalt  }
0x5e: {  	_ =	shalt  }
0x5f: {  	_ =	shalt  }
0x60: {  	_ =	shalt  }
0x61: {  	_ =	shalt  }
0x62: {  	_ =	shalt  }
0x63: {  	_ =	shalt  }
0x64: {  	_ =	shalt  }
0x65: {  	_ =	shalt  }
0x66: {  	_ =	shalt  }
0x67: {  	_ =	shalt  }
0x68: {  	_ =	shalt  }
0x69: {  	_ =	shalt  }
0x6a: {  	_ =	shalt  }
0x6b: {  	_ =	shalt  }
0x6c: {  	_ =	shalt  }
0x6d: {  	_ =	shalt  }
0x6e: {  	_ =	shalt  }
0x6f: {  	_ =	shalt  }
0x70: {  	_ =	shalt  }
0x71: {  	_ =	shalt  }
0x72: {  	_ =	shalt  }
0x73: {  	_ =	shalt  }
0x74: {  	_ =	shalt  }
0x75: {  	_ =	shalt  }
0x76: {  	_ =	shalt  }
0x77: {  	_ =	shalt  }
0x78: {  	_ =	shalt  }
0x79: {  	_ =	shalt  }
0x7a: {  	_ =	shalt  }
0x7b: {  	_ =	shalt  }
0x7c: {  	_ =	shalt  }
0x7d: {  	_ =	shalt  }
0x7e: {  	_ =	shalt  }
0x7f: {  	_ =	shalt  }
0x80: {  	_ =	shalt  }
0x81: {  	_ =	shalt  }
0x82: {  	_ =	shalt  }
0x83: {  	_ =	shalt  }
0x84: {  	_ =	shalt  }
0x85: {  	_ =	shalt  }
0x86: {  	_ =	shalt  }
0x87: {  	_ =	shalt  }
.Lfunc_end0:
.L_simem_size_0:
called_computation.3_lowered:
.L_overlay_start_0:
0x88: {  	s2 =	sld [smem:$0x3FD9]  }
0x89: {  	s3 =	sld [smem:$0x3FFE];
	_ =	sdelay $0x1  }
0x8a: {  	s1 =	srdreg.scid  }
0x8b: {  	s0 =	sand.u32 $0x1, s1  }
0x8c: {  	s17 =	sshll.u32 s0, $0xA;
	s2 =	sadd.s32 s3, s2  }
0x8d: {  	s2 =	sadd.s32 s2, s17  }
0x8e: {  	[smem:$0x3FC2] =	sst s2  }
0x8f: {  	_ = 	snop  }
0x90: {  	s18 =	sld [smem:$0x3FC8];
	(tm) =	ssettm $0x1  }
0x91: {  	s19 =	sld [smem:$0x3FFB];
	_ =	sdelay $0x3  }
0x92: {  	_ =	strace s19  }
0x93: {  	s2 =	sld [smem:$0x3FFC];
	_ =	sdelay $0x3  }
0x94: {  	_ =	strace s2  }
0x95: {  	s2 =	sld [smem:$0x3FFD];
	_ =	sdelay $0x3  }
0x96: {  	_ =	strace s2  }
0x97: {  	_ =	strace $0x8FFFFFFF  }
0x98: {  	s20 =	sld [smem:$0x3FDB];
	_ =	sdelay $0x1  }
0x99: {  	s4 =	simm.s32 $_scs_section_size  }
0x9a: {  	s5 =	simm.s32 $_size__tile_overlayer_lowered;
	s6 =	simm.s32 $_tile_overlayer_lowered  }
0x9b: {  	s7 =	simm.s32 $0x1BFF;
	s21 =	sshll.u32 s6, $0x1;
	s4 =	sadd.s32 s4, s20  }
0x9c: {  	s22 =	simm.s32 $0x0;
	s5 =	sshll.u32 s5, $0x1;
	s6 =	sadd.s32 s21, s4  }
0x9d: {  	[timem:s22], [sflag:s7] =	dma.local [hbm:s6], s5  }
0x9e: {  	_ =	swait.ge [sflag:s7], s5  }
0x9f: {  	s5 =	ssub.s32 $0x0, s5;
	[sflag:s7] =	ssyncset.done $0x0  }
0xa0: {  	[sflag:s7] =	ssyncadd.s32 s5;
	_ =	sdelay $0x1  }
0xa1: {  	s23 =	simm.s32 $0x1B8B  }
0xa2: {  	_ =	swait.ge [sflag:s23], $0x1  }
0xa3: {  	[sflag:s23] =	ssyncset.done $0x0  }
0xa4: {  	[sflag:s23] =	ssyncadd.s32 $0xFFFFFFFF  }
0xa5: {  	s5 =	sld [smem:$0x0]  }
0xa6: {  	s6 =	sand.u32 $0xFFFFFFFE, s1  }
0xa7: {  	p0 =	sne.s32 s1, s6  }
0xa8: {  	s6 =	sshll.u32 @p0 s6, $0xE  }
0xa9: {  	s6 =	sadd.s32 @p0 $0x11B8D, s6;
	s7 =	sshll.u32 @p0 s5, $0x11  }
0xaa: {  	s6 =	sor.u32 @p0 s7, s6  }
0xab: {  	[sflag:s6] =	ssyncadd.remote.s32 @p0 $0x1;
	_ =	sdelay $0x1  }
0xac: {  	s6 =	simm.s32 @p0 $0x1B8D  }
0xad: {  	_ =	swait.eq @p0 [sflag:s6], $0x1  }
0xae: {  	[sflag:s6] =	ssyncadd.s32 @p0 $0xFFFFFFFF  }
0xaf: {  	s7 =	sshll.u32 @!p0 s1, $0xE  }
0xb0: {  	s7 =	sor.u32 @!p0 $0x4000, s7;
	s6 =	simm.s32 @!p0 $0x1B8D  }
0xb1: {  	s5 =	sshll.u32 @!p0 s5, $0x11;
	s7 =	sadd.s32 @!p0 $0x11B8D, s7;
	_ =	swait.eq @!p0 [sflag:s6], $0x1  }
0xb2: {  	s5 =	sor.u32 @!p0 s5, s7;
	[sflag:s6] =	ssyncadd.s32 @!p0 $0xFFFFFFFF  }
0xb3: {  	s25 =	simm.s32 $0x1B8E;
	s24 =	sld [smem:$0x3FFE];
	[sflag:s5] =	ssyncadd.remote.s32 @!p0 $0x1  }
0xb4: {  	s26 =	simm.s32 $execute0_lowered;
	[smem:$0x3FD2] =	sst s25  }
0xb5: {  	s6 =	sshll.u32 s26, $0x1;
	_ =	strace $0x8000004F;
	[dreg:$0x1] =	wrdreg $0xFFFFFFFF  }
0xb6: {  	s28 =	simm.s32 $_size_execute0_lowered;
	s4 =	sadd.s32 s4, s6;
	[dreg:$0x0] =	wrdreg $0x0  }
0xb7: {  	s6 =	sshll.u32 s28, $0x1;
	[dreg:$0x2] =	wrdreg s4  }
0xb8: {  	[dreg:$0x3] =	wrdreg s6  }
0xb9: {  	[dreg:$0x4] =	wrdreg $0xC0  }
0xba: {  	_ =	task [dreg:s22], $0x5FFFF  }
0xbb: {  	[dreg:$0x1] =	wrdreg $0xFFFFFFFF  }
0xbc: {  	[dreg:$0x0] =	wrdreg $0x60  }
0xbd: {  	[dreg:$0x2] =	wrdreg s24  }
0xbe: {  	[dreg:$0x3] =	wrdreg s18  }
0xbf: {  	[dreg:$0x4] =	wrdreg $0xC  }
0xc0: {  	_ =	task.clear_ibuf [dreg:s22], $0x5FFFF;
	_ =	strace $0x9000004F  }
0xc1: {  	s29 =	simm.s32 $0xC;
	_ =	strace $0x80000051  }
0xc2: {  	_ =	swait.ge [sflag:s29], $0x1  }
0xc3: {  	[sflag:s29] =	ssyncadd.s32 $0xFFFFFFFF  }
0xc4: {  	_ =	strace $0x90000051  }
0xc5: {  	_ =	sfence  }
0xc6: {  	s30 =	sld [smem:$0x0];
	_ =	sdelay $0x2  }
0xc7: {  	s31 =	sshll.u32 s1, $0xD;
	s1 =	sshrl.u32 s1, $0x2  }
0xc8: {  	s4 =	sand.u32 $0x4000, s31;
	s1 =	sadd.s32 s1, s30  }
0xc9: {  	s0 =	sor.u32 s4, s0;
	s1 =	sshll.u32 s1, $0x11  }
0xca: {  	s0 =	sor.u32 s1, s0  }
0xcb: {  	s0 =	sadd.s32 $0x8F2B, s0  }
0xcc: {  	[sflag:s0] =	ssyncadd.remote.s32 $0x1  }
0xcd: {  	_ =	sfence.sel $0xFFFF  }
0xce: {  	[dreg:$0x0] =	wrdreg $0xFFFFFFFF;
	(pc) =	sbr.abs _section_cstart, $3  }
0xcf: {  	[dreg:$0x1] =	wrdreg $0xFFFFFFFF  }
0xd0: {  	_ =	task.clear_ibuf [dreg:s22], $0x2FFFF;
	_ =	strace $0x9FFFFFFF  }
0xd1: {  	(tm) =	ssettm $0x7FFFFFFF  }
tec
execute0_lowered:
.L_overlay_start_1:
0x0: {  	(tag) =	ssettag $0x1  }
0x1: {  	s0 =	rddreg [dreg:$0x0];
	s1 =	srdreg.scid  }
0x2: {  	s3 =	stileid.u32;
	s2 =	rddreg [dreg:$0x1];
	s20 =	simm.s32 $0xC00  }
0x3: {  	s28 =	simm.s32 $0x2C00;
	s29 =	simm.s32 $0x3400;
	s30 =	simm.s32 $0x3C00  }
0x4: {  	s31 =	simm.s32 $0x4400;
	s12 =	simm.s32 $0x6400;
	s15 =	simm.s32 $0xAC00  }
0x5: {  	s16 =	simm.s32 $0xB400;
	s17 =	simm.s32 $0xBC00;
	s18 =	simm.s32 $0xC400  }
0x6: {  	s1 =	sand.u32 $0x1, s1;
	s4 =	sshll.u32 s3, $0x1;
	s3 =	simm.s32 $0x0  }
0x7: {  	s8 =	simm.s32 $0x12400;
	s4 =	sor.u32 s1, s4;
	[smem:$0x7FF] =	sst s3  }
0x8: {  	s1 =	ssub.s32 $0x2, s1;
	s5 =	sshll.u32 s4, $0x7;
	s6 =	smul.u32 $0x6000, s4  }
0x9: {  	s4 =	smul.u32 $0x30000, s4;
	_ =	strace $0x80000050;
	s5 =	sadd.s32 s5, s0  }
0xa: {  	s24 =	sshrl.u32 s1, $0x1;
	s0 =	sadd.s32 $0x245E00, s0;
	s5 =	sadd.s32 $0x244E00, s5  }
0xb: {  	s1 =	ssub.s32 s1, s24;
	s6 =	sadd.s32 s0, s6;
	[dreg:$0x3] =	wrdreg s5  }
0xc: {  	s4 =	sshrl.u32 s4, $0x3;
	s21 =	sadd.s32 $0xC00, s6;
	[dreg:$0xb] =	wrdreg s6  }
0xd: {  	s22 =	sadd.s32 $0x1800, s6;
	s0 =	sadd.s32 s0, s4;
	[dreg:$0x4] =	wrdreg s21  }
0xe: {  	s24 =	simm.s32 $0x1400;
	[dreg:$0x5] =	wrdreg s22;
	s4 =	sadd.s32 $0x2400, s0  }
0xf: {  	s7 =	smax.u32 s1, $0x1;
	s23 =	sadd.s32 $0x3000, s0;
	[dreg:$0x6] =	wrdreg s4  }
0x10: {  	s5 =	sadd.s32 $0x100, s2;
	s25 =	sadd.s32 $0x3C00, s0;
	[dreg:$0x7] =	wrdreg s23  }
0x11: {  	s6 =	sadd.s32 $0x200, s2;
	s26 =	sadd.s32 $0x4800, s0;
	[dreg:$0x8] =	wrdreg s25  }
0x12: {  	v2 =	vlaneseq.u32;
	s0 =	sadd.s32 $0x5400, s0;
	s21 =	simm.s32 $0x400;
	[dreg:$0x9] =	wrdreg s26  }
0x13: {  	vm0 =	vmmov $0xffff;
	v1 =	vshrl.u32 v2, $0x3;
	s22 =	simm.s32 $0x8C00;
	[dreg:$0xa] =	wrdreg s0;
	s25 =	simm.s32 $0x1C00  }
0x14: {  	v0 =	vand.u32 $0x7, v2;
	v2 =	vor.u32 $0x8, v2;
	v1 =	vmul.u32 $0x8, v1;
	s26 =	simm.s32 $0x2400;
	s23 =	simm.s32 $0x8400;
	s4 =	simm.s32 $0x5  }
.LBB2_1:
0x15: {  	s19 =	rddreg [dreg:$0x3];
	s0 =	simm.s32 $0x9  }
0x16: {  	[tilespmem:s3], [sflag:$0x9] =	stream.linear.gather [hbm4b:s19+s3], $0x400, $0x38;
	[tilespmem:$0x18400] =	vst v63  }
0x17: {  	_ =	swait.ge [sflag:s0], $0x400  }
0x18: {  	[sflag:s0] =	ssyncset.done $0x0  }
0x19: {  	[sflag:s0] =	ssyncadd.s32 $0xFFFFFC00  }
0x1a: {  	v3 =	vld [tilespmem:$0x0];
	_ =	sdelay $0x4  }
0x1b: {  	v4 =	vshrl.u32 v3, $0x3  }
0x1c: {  	v4 =	vmul.u32 $0x30, v4  }
0x1d: {  	v3 =	vand.u32 $0x7, v3  }
0x1e: {  	v3 =	vor.u32 v3, v4  }
0x1f: {  	v4 =	vperm.xlane v3, v0;
	_ =	sdelay $0x1  }
0x20: {  	v4 =	vadd.s32 v1, v4;
	_ =	sdelay $0x3  }
0x21: {  	v3 =	vperm.xlane v3, v2  }
0x22: {  	[tilespmem:s21], [sflag:$0x1] =	stream.indirect_vreg.gather [hbm4b:s2+s3], $0x80, v4, vm0, $0xb8;
	[tilespmem:$0x18400] =	vst v63  }
0x23: {  	v3 =	vadd.s32 v1, v3  }
0x24: {  	[tilespmem:s20], [sflag:$0x1] =	stream.indirect_vreg.gather [hbm4b:s5+s3], $0x80, v4, vm0, $0xb8;
	[tilespmem:$0x18400] =	vst v63  }
0x25: {  	_ = 	snop  }
0x26: {  	[tilespmem:s24], [sflag:$0x1] =	stream.indirect_vreg.gather [hbm4b:s6+s3], $0x80, v4, vm0, $0xb8;
	[tilespmem:$0x18400] =	vst v63  }
0x27: {  	_ = 	snop  }
0x28: {  	[tilespmem:s25], [sflag:$0x1] =	stream.indirect_vreg.gather [hbm4b:s2+s3], $0x80, v3, vm0, $0xb8;
	[tilespmem:$0x18400] =	vst v63  }
0x29: {  	_ = 	snop  }
0x2a: {  	[tilespmem:s26], [sflag:$0x1] =	stream.indirect_vreg.gather [hbm4b:s5+s3], $0x80, v3, vm0, $0xb8;
	[tilespmem:$0x18400] =	vst v63  }
0x2b: {  	_ = 	snop  }
0x2c: {  	[tilespmem:s28], [sflag:$0x1] =	stream.indirect_vreg.gather [hbm4b:s6+s3], $0x80, v3, vm0, $0xb8;
	[tilespmem:$0x18400] =	vst v63  }
0x2d: {  	v3 =	vld [tilespmem:$0x10];
	_ =	sdelay $0x4  }
0x2e: {  	v49 =	vshrl.u32 v3, $0x3  }
0x2f: {  	v4 =	vmul.u32 $0x30, v49  }
0x30: {  	v3 =	vand.u32 $0x7, v3  }
0x31: {  	v3 =	vor.u32 v3, v4  }
0x32: {  	v4 =	vperm.xlane v3, v0;
	_ =	sdelay $0x1  }
0x33: {  	v4 =	vadd.s32 v1, v4;
	_ =	sdelay $0x3  }
0x34: {  	v3 =	vperm.xlane v3, v2  }
0x35: {  	[tilespmem:s29], [sflag:$0x1] =	stream.indirect_vreg.gather [hbm4b:s2+s3], $0x80, v4, vm0, $0xb8;
	[tilespmem:$0x18400] =	vst v63  }
0x36: {  	v3 =	vadd.s32 v1, v3  }
0x37: {  	[tilespmem:s30], [sflag:$0x1] =	stream.indirect_vreg.gather [hbm4b:s5+s3], $0x80, v4, vm0, $0xb8;
	[tilespmem:$0x18400] =	vst v63  }
0x38: {  	_ = 	snop  }
0x39: {  	[tilespmem:s31], [sflag:$0x1] =	stream.indirect_vreg.gather [hbm4b:s6+s3], $0x80, v4, vm0, $0xb8;
	[tilespmem:$0x18400] =	vst v63  }
0x3a: {  	s10 =	simm.s32 $0x4C00  }
0x3b: {  	[tilespmem:s10], [sflag:$0x1] =	stream.indirect_vreg.gather [hbm4b:s2+s3], $0x80, v3, vm0, $0xb8;
	[tilespmem:$0x18400] =	vst v63  }
0x3c: {  	s9 =	simm.s32 $0x5400  }
0x3d: {  	[tilespmem:s9], [sflag:$0x1] =	stream.indirect_vreg.gather [hbm4b:s5+s3], $0x80, v3, vm0, $0xb8;
	[tilespmem:$0x18400] =	vst v63  }
0x3e: {  	s11 =	simm.s32 $0x5C00  }
0x3f: {  	[tilespmem:s11], [sflag:$0x1] =	stream.indirect_vreg.gather [hbm4b:s6+s3], $0x80, v3, vm0, $0xb8;
	[tilespmem:$0x18400] =	vst v63  }
0x40: {  	v3 =	vld [tilespmem:$0x80];
	_ =	sdelay $0x4  }
0x41: {  	v50 =	vshrl.u32 v3, $0x3  }
0x42: {  	v4 =	vmul.u32 $0x30, v50  }
0x43: {  	v3 =	vand.u32 $0x7, v3  }
0x44: {  	v3 =	vor.u32 v3, v4  }
0x45: {  	v4 =	vperm.xlane v3, v0;
	_ =	sdelay $0x1  }
0x46: {  	v4 =	vadd.s32 v1, v4;
	_ =	sdelay $0x3  }
0x47: {  	v3 =	vperm.xlane v3, v2  }
0x48: {  	[tilespmem:s12], [sflag:$0x2] =	stream.indirect_vreg.gather [hbm4b:s2+s3], $0x80, v4, vm0, $0xb8;
	[tilespmem:$0x18400] =	vst v63  }
0x49: {  	s13 =	simm.s32 $0x6C00;
	v3 =	vadd.s32 v1, v3  }
0x4a: {  	[tilespmem:s13], [sflag:$0x2] =	stream.indirect_vreg.gather [hbm4b:s5+s3], $0x80, v4, vm0, $0xb8;
	[tilespmem:$0x18400] =	vst v63  }
0x4b: {  	s14 =	simm.s32 $0x7400  }
0x4c: {  	[tilespmem:s14], [sflag:$0x2] =	stream.indirect_vreg.gather [hbm4b:s6+s3], $0x80, v4, vm0, $0xb8;
	[tilespmem:$0x18400] =	vst v63  }
0x4d: {  	s19 =	simm.s32 $0x7C00  }
0x4e: {  	[tilespmem:s19], [sflag:$0x2] =	stream.indirect_vreg.gather [hbm4b:s2+s3], $0x80, v3, vm0, $0xb8;
	[tilespmem:$0x18400] =	vst v63  }
0x4f: {  	_ = 	snop  }
0x50: {  	[tilespmem:s23], [sflag:$0x2] =	stream.indirect_vreg.gather [hbm4b:s5+s3], $0x80, v3, vm0, $0xb8;
	[tilespmem:$0x18400] =	vst v63  }
0x51: {  	_ = 	snop  }
0x52: {  	[tilespmem:s22], [sflag:$0x2] =	stream.indirect_vreg.gather [hbm4b:s6+s3], $0x80, v3, vm0, $0xb8;
	[tilespmem:$0x18400] =	vst v63  }
0x53: {  	v3 =	vld [tilespmem:$0x90];
	_ =	sdelay $0x4  }
0x54: {  	v51 =	vshrl.u32 v3, $0x3  }
0x55: {  	v4 =	vmul.u32 $0x30, v51  }
0x56: {  	v3 =	vand.u32 $0x7, v3  }
0x57: {  	v3 =	vor.u32 v3, v4  }
0x58: {  	v4 =	vperm.xlane v3, v0;
	_ =	sdelay $0x1  }
0x59: {  	v4 =	vadd.s32 v1, v4;
	_ =	sdelay $0x3  }
0x5a: {  	s13 =	simm.s32 $0x9400;
	v3 =	vperm.xlane v3, v2  }
0x5b: {  	[tilespmem:s13], [sflag:$0x2] =	stream.indirect_vreg.gather [hbm4b:s2+s3], $0x80, v4, vm0, $0xb8;
	[tilespmem:$0x18400] =	vst v63  }
0x5c: {  	s14 =	simm.s32 $0x9C00;
	v3 =	vadd.s32 v1, v3  }
0x5d: {  	[tilespmem:s14], [sflag:$0x2] =	stream.indirect_vreg.gather [hbm4b:s5+s3], $0x80, v4, vm0, $0xb8;
	[tilespmem:$0x18400] =	vst v63  }
0x5e: {  	s1 =	simm.s32 $0xA400  }
0x5f: {  	[tilespmem:s1], [sflag:$0x2] =	stream.indirect_vreg.gather [hbm4b:s6+s3], $0x80, v4, vm0, $0xb8;
	[tilespmem:$0x18400] =	vst v63  }
0x60: {  	_ = 	snop  }
0x61: {  	[tilespmem:s15], [sflag:$0x2] =	stream.indirect_vreg.gather [hbm4b:s2+s3], $0x80, v3, vm0, $0xb8;
	[tilespmem:$0x18400] =	vst v63  }
0x62: {  	_ = 	snop  }
0x63: {  	[tilespmem:s16], [sflag:$0x2] =	stream.indirect_vreg.gather [hbm4b:s5+s3], $0x80, v3, vm0, $0xb8;
	[tilespmem:$0x18400] =	vst v63  }
0x64: {  	_ = 	snop  }
0x65: {  	[tilespmem:s17], [sflag:$0x2] =	stream.indirect_vreg.gather [hbm4b:s6+s3], $0x80, v3, vm0, $0xb8;
	[tilespmem:$0x18400] =	vst v63  }
0x66: {  	v3 =	vld [tilespmem:$0x100];
	_ =	sdelay $0x4  }
0x67: {  	v52 =	vshrl.u32 v3, $0x3  }
0x68: {  	v4 =	vmul.u32 $0x30, v52  }
0x69: {  	v3 =	vand.u32 $0x7, v3  }
0x6a: {  	v3 =	vor.u32 v3, v4  }
0x6b: {  	v4 =	vperm.xlane v3, v0;
	_ =	sdelay $0x1  }
0x6c: {  	v4 =	vadd.s32 v1, v4;
	_ =	sdelay $0x3  }
0x6d: {  	v3 =	vperm.xlane v3, v2  }
0x6e: {  	[tilespmem:s18], [sflag:$0x3] =	stream.indirect_vreg.gather [hbm4b:s2+s3], $0x80, v4, vm0, $0xb8;
	[tilespmem:$0x18400] =	vst v63  }
0x6f: {  	s19 =	simm.s32 $0xCC00;
	v3 =	vadd.s32 v1, v3  }
0x70: {  	[tilespmem:s19], [sflag:$0x3] =	stream.indirect_vreg.gather [hbm4b:s5+s3], $0x80, v4, vm0, $0xb8;
	[tilespmem:$0x18400] =	vst v63  }
0x71: {  	s1 =	simm.s32 $0xD400  }
0x72: {  	[tilespmem:s1], [sflag:$0x3] =	stream.indirect_vreg.gather [hbm4b:s6+s3], $0x80, v4, vm0, $0xb8;
	[tilespmem:$0x18400] =	vst v63  }
0x73: {  	s19 =	simm.s32 $0xDC00  }
0x74: {  	[tilespmem:s19], [sflag:$0x3] =	stream.indirect_vreg.gather [hbm4b:s2+s3], $0x80, v3, vm0, $0xb8;
	[tilespmem:$0x18400] =	vst v63  }
0x75: {  	s1 =	simm.s32 $0xE400  }
0x76: {  	[tilespmem:s1], [sflag:$0x3] =	stream.indirect_vreg.gather [hbm4b:s5+s3], $0x80, v3, vm0, $0xb8;
	[tilespmem:$0x18400] =	vst v63  }
0x77: {  	s19 =	simm.s32 $0xEC00  }
0x78: {  	[tilespmem:s19], [sflag:$0x3] =	stream.indirect_vreg.gather [hbm4b:s6+s3], $0x80, v3, vm0, $0xb8;
	[tilespmem:$0x18400] =	vst v63  }
0x79: {  	v3 =	vld [tilespmem:$0x110];
	_ =	sdelay $0x4  }
0x7a: {  	v53 =	vshrl.u32 v3, $0x3  }
0x7b: {  	v4 =	vmul.u32 $0x30, v53  }
0x7c: {  	v3 =	vand.u32 $0x7, v3  }
0x7d: {  	v3 =	vor.u32 v3, v4  }
0x7e: {  	v4 =	vperm.xlane v3, v0;
	_ =	sdelay $0x1  }
0x7f: {  	v4 =	vadd.s32 v1, v4;
	_ =	sdelay $0x3  }
0x80: {  	s1 =	simm.s32 $0xF400;
	v3 =	vperm.xlane v3, v2  }
0x81: {  	[tilespmem:s1], [sflag:$0x3] =	stream.indirect_vreg.gather [hbm4b:s2+s3], $0x80, v4, vm0, $0xb8;
	[tilespmem:$0x18400] =	vst v63  }
0x82: {  	s19 =	simm.s32 $0xFC00;
	v3 =	vadd.s32 v1, v3  }
0x83: {  	[tilespmem:s19], [sflag:$0x3] =	stream.indirect_vreg.gather [hbm4b:s5+s3], $0x80, v4, vm0, $0xb8;
	[tilespmem:$0x18400] =	vst v63  }
0x84: {  	s1 =	simm.s32 $0x10400  }
0x85: {  	[tilespmem:s1], [sflag:$0x3] =	stream.indirect_vreg.gather [hbm4b:s6+s3], $0x80, v4, vm0, $0xb8;
	[tilespmem:$0x18400] =	vst v63  }
0x86: {  	s19 =	simm.s32 $0x10C00  }
0x87: {  	[tilespmem:s19], [sflag:$0x3] =	stream.indirect_vreg.gather [hbm4b:s2+s3], $0x80, v3, vm0, $0xb8;
	[tilespmem:$0x18400] =	vst v63  }
0x88: {  	s1 =	simm.s32 $0x11400  }
0x89: {  	[tilespmem:s1], [sflag:$0x3] =	stream.indirect_vreg.gather [hbm4b:s5+s3], $0x80, v3, vm0, $0xb8;
	[tilespmem:$0x18400] =	vst v63  }
0x8a: {  	s0 =	simm.s32 $0x1;
	s19 =	simm.s32 $0x11C00  }
0x8b: {  	[tilespmem:s19], [sflag:$0x3] =	stream.indirect_vreg.gather [hbm4b:s6+s3], $0x80, v3, vm0, $0xb8;
	[tilespmem:$0x18400] =	vst v63  }
0x8c: {  	_ =	swait.ge [sflag:s0], $0x6000  }
0x8d: {  	[sflag:s0] =	ssyncset.done $0x0  }
0x8e: {  	s1 =	rddreg [dreg:$0xb];
	[sflag:s0] =	ssyncadd.s32 $0xFFFFA000  }
0x8f: {  	[hbm4b:s1+s3] =	stream.linear.scatter [tilespmem:s21], [sflag:$0x5], $0x6000, $0x38;
	[tilespmem:$0x18400] =	vst v63  }
0x90: {  	v3 =	vld [tilespmem:$0x180];
	_ =	sdelay $0x4  }
0x91: {  	v54 =	vshrl.u32 v3, $0x3  }
0x92: {  	v4 =	vmul.u32 $0x30, v54  }
0x93: {  	v3 =	vand.u32 $0x7, v3  }
0x94: {  	v3 =	vor.u32 v3, v4  }
0x95: {  	v4 =	vperm.xlane v3, v0;
	_ =	sdelay $0x1  }
0x96: {  	v4 =	vadd.s32 v1, v4;
	_ =	sdelay $0x3  }
0x97: {  	v3 =	vperm.xlane v3, v2  }
0x98: {  	[tilespmem:s8], [sflag:$0x4] =	stream.indirect_vreg.gather [hbm4b:s2+s3], $0x80, v4, vm0, $0xb8;
	[tilespmem:$0x18400] =	vst v63  }
0x99: {  	s1 =	simm.s32 $0x12C00;
	v3 =	vadd.s32 v1, v3  }
0x9a: {  	[tilespmem:s1], [sflag:$0x4] =	stream.indirect_vreg.gather [hbm4b:s5+s3], $0x80, v4, vm0, $0xb8;
	[tilespmem:$0x18400] =	vst v63  }
0x9b: {  	s19 =	simm.s32 $0x13400  }
0x9c: {  	[tilespmem:s19], [sflag:$0x4] =	stream.indirect_vreg.gather [hbm4b:s6+s3], $0x80, v4, vm0, $0xb8;
	[tilespmem:$0x18400] =	vst v63  }
0x9d: {  	s19 =	simm.s32 $0x13C00  }
0x9e: {  	[tilespmem:s19], [sflag:$0x4] =	stream.indirect_vreg.gather [hbm4b:s2+s3], $0x80, v3, vm0, $0xb8;
	[tilespmem:$0x18400] =	vst v63  }
0x9f: {  	s19 =	simm.s32 $0x14400  }
0xa0: {  	[tilespmem:s19], [sflag:$0x4] =	stream.indirect_vreg.gather [hbm4b:s5+s3], $0x80, v3, vm0, $0xb8;
	[tilespmem:$0x18400] =	vst v63  }
0xa1: {  	s19 =	simm.s32 $0x14C00  }
0xa2: {  	[tilespmem:s19], [sflag:$0x4] =	stream.indirect_vreg.gather [hbm4b:s6+s3], $0x80, v3, vm0, $0xb8;
	[tilespmem:$0x18400] =	vst v63  }
0xa3: {  	v3 =	vld [tilespmem:$0x190];
	_ =	sdelay $0x4  }
0xa4: {  	v55 =	vshrl.u32 v3, $0x3  }
0xa5: {  	v4 =	vmul.u32 $0x30, v55  }
0xa6: {  	v3 =	vand.u32 $0x7, v3  }
0xa7: {  	v3 =	vor.u32 v3, v4  }
0xa8: {  	v4 =	vperm.xlane v3, v0;
	_ =	sdelay $0x1  }
0xa9: {  	v4 =	vadd.s32 v1, v4;
	_ =	sdelay $0x3  }
0xaa: {  	s19 =	simm.s32 $0x15400;
	v3 =	vperm.xlane v3, v2  }
0xab: {  	[tilespmem:s19], [sflag:$0x4] =	stream.indirect_vreg.gather [hbm4b:s2+s3], $0x80, v4, vm0, $0xb8;
	[tilespmem:$0x18400] =	vst v63  }
0xac: {  	v3 =	vadd.s32 v1, v3;
	s19 =	simm.s32 $0x15C00  }
0xad: {  	[tilespmem:s19], [sflag:$0x4] =	stream.indirect_vreg.gather [hbm4b:s5+s3], $0x80, v4, vm0, $0xb8;
	[tilespmem:$0x18400] =	vst v63  }
0xae: {  	s19 =	simm.s32 $0x16400  }
0xaf: {  	[tilespmem:s19], [sflag:$0x4] =	stream.indirect_vreg.gather [hbm4b:s6+s3], $0x80, v4, vm0, $0xb8;
	[tilespmem:$0x18400] =	vst v63  }
0xb0: {  	s19 =	simm.s32 $0x16C00  }
0xb1: {  	[tilespmem:s19], [sflag:$0x4] =	stream.indirect_vreg.gather [hbm4b:s2+s3], $0x80, v3, vm0, $0xb8;
	[tilespmem:$0x18400] =	vst v63  }
0xb2: {  	s19 =	simm.s32 $0x17400  }
0xb3: {  	[tilespmem:s19], [sflag:$0x4] =	stream.indirect_vreg.gather [hbm4b:s5+s3], $0x80, v3, vm0, $0xb8;
	[tilespmem:$0x18400] =	vst v63  }
0xb4: {  	s1 =	simm.s32 $0x2;
	s19 =	simm.s32 $0x17C00  }
0xb5: {  	[tilespmem:s19], [sflag:$0x4] =	stream.indirect_vreg.gather [hbm4b:s6+s3], $0x80, v3, vm0, $0xb8;
	[tilespmem:$0x18400] =	vst v63  }
0xb6: {  	_ =	swait.ge [sflag:s1], $0x6000  }
0xb7: {  	[sflag:s1] =	ssyncset.done $0x0  }
0xb8: {  	s19 =	rddreg [dreg:$0x4];
	[sflag:s1] =	ssyncadd.s32 $0xFFFFA000  }
0xb9: {  	[hbm4b:s19+s3] =	stream.linear.scatter [tilespmem:s12], [sflag:$0x6], $0x6000, $0x38;
	[tilespmem:$0x18400] =	vst v63  }
0xba: {  	_ =	swait.ge [sflag:s4], $0x6000  }
0xbb: {  	[sflag:s4] =	ssyncset.done $0x0  }
0xbc: {  	[sflag:s4] =	ssyncadd.s32 $0xFFFFA000  }
0xbd: {  	v3 =	vld [tilespmem:$0x200];
	_ =	sdelay $0x4  }
0xbe: {  	v56 =	vshrl.u32 v3, $0x3  }
0xbf: {  	v4 =	vmul.u32 $0x30, v56  }
0xc0: {  	v3 =	vand.u32 $0x7, v3  }
0xc1: {  	v3 =	vor.u32 v3, v4  }
0xc2: {  	v4 =	vperm.xlane v3, v0;
	_ =	sdelay $0x1  }
0xc3: {  	v4 =	vadd.s32 v1, v4;
	_ =	sdelay $0x3  }
0xc4: {  	v3 =	vperm.xlane v3, v2  }
0xc5: {  	[tilespmem:s21], [sflag:$0x1] =	stream.indirect_vreg.gather [hbm4b:s2+s3], $0x80, v4, vm0, $0xb8;
	[tilespmem:$0x18400] =	vst v63  }
0xc6: {  	v3 =	vadd.s32 v1, v3  }
0xc7: {  	[tilespmem:s20], [sflag:$0x1] =	stream.indirect_vreg.gather [hbm4b:s5+s3], $0x80, v4, vm0, $0xb8;
	[tilespmem:$0x18400] =	vst v63  }
0xc8: {  	_ = 	snop  }
0xc9: {  	[tilespmem:s24], [sflag:$0x1] =	stream.indirect_vreg.gather [hbm4b:s6+s3], $0x80, v4, vm0, $0xb8;
	[tilespmem:$0x18400] =	vst v63  }
0xca: {  	_ = 	snop  }
0xcb: {  	[tilespmem:s25], [sflag:$0x1] =	stream.indirect_vreg.gather [hbm4b:s2+s3], $0x80, v3, vm0, $0xb8;
	[tilespmem:$0x18400] =	vst v63  }
0xcc: {  	_ = 	snop  }
0xcd: {  	[tilespmem:s26], [sflag:$0x1] =	stream.indirect_vreg.gather [hbm4b:s5+s3], $0x80, v3, vm0, $0xb8;
	[tilespmem:$0x18400] =	vst v63  }
0xce: {  	_ = 	snop  }
0xcf: {  	[tilespmem:s28], [sflag:$0x1] =	stream.indirect_vreg.gather [hbm4b:s6+s3], $0x80, v3, vm0, $0xb8;
	[tilespmem:$0x18400] =	vst v63  }
0xd0: {  	v3 =	vld [tilespmem:$0x210];
	_ =	sdelay $0x4  }
0xd1: {  	v57 =	vshrl.u32 v3, $0x3  }
0xd2: {  	v4 =	vmul.u32 $0x30, v57  }
0xd3: {  	v3 =	vand.u32 $0x7, v3  }
0xd4: {  	v3 =	vor.u32 v3, v4  }
0xd5: {  	v4 =	vperm.xlane v3, v0;
	_ =	sdelay $0x1  }
0xd6: {  	v4 =	vadd.s32 v1, v4;
	_ =	sdelay $0x3  }
0xd7: {  	v3 =	vperm.xlane v3, v2  }
0xd8: {  	[tilespmem:s29], [sflag:$0x1] =	stream.indirect_vreg.gather [hbm4b:s2+s3], $0x80, v4, vm0, $0xb8;
	[tilespmem:$0x18400] =	vst v63  }
0xd9: {  	v3 =	vadd.s32 v1, v3  }
0xda: {  	[tilespmem:s30], [sflag:$0x1] =	stream.indirect_vreg.gather [hbm4b:s5+s3], $0x80, v4, vm0, $0xb8;
	[tilespmem:$0x18400] =	vst v63  }
0xdb: {  	_ = 	snop  }
0xdc: {  	[tilespmem:s31], [sflag:$0x1] =	stream.indirect_vreg.gather [hbm4b:s6+s3], $0x80, v4, vm0, $0xb8;
	[tilespmem:$0x18400] =	vst v63  }
0xdd: {  	_ = 	snop  }
0xde: {  	[tilespmem:s10], [sflag:$0x1] =	stream.indirect_vreg.gather [hbm4b:s2+s3], $0x80, v3, vm0, $0xb8;
	[tilespmem:$0x18400] =	vst v63  }
0xdf: {  	_ = 	snop  }
0xe0: {  	[tilespmem:s9], [sflag:$0x1] =	stream.indirect_vreg.gather [hbm4b:s5+s3], $0x80, v3, vm0, $0xb8;
	[tilespmem:$0x18400] =	vst v63  }
0xe1: {  	s9 =	simm.s32 $0x3  }
0xe2: {  	[tilespmem:s11], [sflag:$0x1] =	stream.indirect_vreg.gather [hbm4b:s6+s3], $0x80, v3, vm0, $0xb8;
	[tilespmem:$0x18400] =	vst v63  }
0xe3: {  	_ =	swait.ge [sflag:s9], $0x6000  }
0xe4: {  	[sflag:s9] =	ssyncset.done $0x0  }
0xe5: {  	s10 =	simm.s32 $0x6;
	s11 =	rddreg [dreg:$0x5];
	[sflag:s9] =	ssyncadd.s32 $0xFFFFA000  }
0xe6: {  	[hbm4b:s11+s3] =	stream.linear.scatter [tilespmem:s18], [sflag:$0x7], $0x6000, $0x38;
	[tilespmem:$0x18400] =	vst v63  }
0xe7: {  	_ =	swait.ge [sflag:s10], $0x6000  }
0xe8: {  	[sflag:s10] =	ssyncset.done $0x0  }
0xe9: {  	[sflag:s10] =	ssyncadd.s32 $0xFFFFA000  }
0xea: {  	v3 =	vld [tilespmem:$0x280];
	_ =	sdelay $0x4  }
0xeb: {  	v58 =	vshrl.u32 v3, $0x3  }
0xec: {  	v4 =	vmul.u32 $0x30, v58  }
0xed: {  	v3 =	vand.u32 $0x7, v3  }
0xee: {  	v3 =	vor.u32 v3, v4  }
0xef: {  	v4 =	vperm.xlane v3, v0;
	_ =	sdelay $0x1  }
0xf0: {  	v4 =	vadd.s32 v1, v4;
	_ =	sdelay $0x3  }
0xf1: {  	v3 =	vperm.xlane v3, v2  }
0xf2: {  	[tilespmem:s12], [sflag:$0x2] =	stream.indirect_vreg.gather [hbm4b:s2+s3], $0x80, v4, vm0, $0xb8;
	[tilespmem:$0x18400] =	vst v63  }
0xf3: {  	s19 =	simm.s32 $0x6C00;
	v3 =	vadd.s32 v1, v3  }
0xf4: {  	[tilespmem:s19], [sflag:$0x2] =	stream.indirect_vreg.gather [hbm4b:s5+s3], $0x80, v4, vm0, $0xb8;
	[tilespmem:$0x18400] =	vst v63  }
0xf5: {  	s19 =	simm.s32 $0x7400  }
0xf6: {  	[tilespmem:s19], [sflag:$0x2] =	stream.indirect_vreg.gather [hbm4b:s6+s3], $0x80, v4, vm0, $0xb8;
	[tilespmem:$0x18400] =	vst v63  }
0xf7: {  	s19 =	simm.s32 $0x7C00  }
0xf8: {  	[tilespmem:s19], [sflag:$0x2] =	stream.indirect_vreg.gather [hbm4b:s2+s3], $0x80, v3, vm0, $0xb8;
	[tilespmem:$0x18400] =	vst v63  }
0xf9: {  	_ = 	snop  }
0xfa: {  	[tilespmem:s23], [sflag:$0x2] =	stream.indirect_vreg.gather [hbm4b:s5+s3], $0x80, v3, vm0, $0xb8;
	[tilespmem:$0x18400] =	vst v63  }
0xfb: {  	_ = 	snop  }
0xfc: {  	[tilespmem:s22], [sflag:$0x2] =	stream.indirect_vreg.gather [hbm4b:s6+s3], $0x80, v3, vm0, $0xb8;
	[tilespmem:$0x18400] =	vst v63  }
0xfd: {  	v3 =	vld [tilespmem:$0x290];
	_ =	sdelay $0x4  }
0xfe: {  	v59 =	vshrl.u32 v3, $0x3  }
0xff: {  	v4 =	vmul.u32 $0x30, v59  }
0x100: {  	v3 =	vand.u32 $0x7, v3  }
0x101: {  	v3 =	vor.u32 v3, v4  }
0x102: {  	v4 =	vperm.xlane v3, v0;
	_ =	sdelay $0x1  }
0x103: {  	v4 =	vadd.s32 v1, v4;
	_ =	sdelay $0x3  }
0x104: {  	v3 =	vperm.xlane v3, v2  }
0x105: {  	[tilespmem:s13], [sflag:$0x2] =	stream.indirect_vreg.gather [hbm4b:s2+s3], $0x80, v4, vm0, $0xb8;
	[tilespmem:$0x18400] =	vst v63  }
0x106: {  	v3 =	vadd.s32 v1, v3  }
0x107: {  	[tilespmem:s14], [sflag:$0x2] =	stream.indirect_vreg.gather [hbm4b:s5+s3], $0x80, v4, vm0, $0xb8;
	[tilespmem:$0x18400] =	vst v63  }
0x108: {  	s13 =	simm.s32 $0xA400  }
0x109: {  	[tilespmem:s13], [sflag:$0x2] =	stream.indirect_vreg.gather [hbm4b:s6+s3], $0x80, v4, vm0, $0xb8;
	[tilespmem:$0x18400] =	vst v63  }
0x10a: {  	_ = 	snop  }
0x10b: {  	[tilespmem:s15], [sflag:$0x2] =	stream.indirect_vreg.gather [hbm4b:s2+s3], $0x80, v3, vm0, $0xb8;
	[tilespmem:$0x18400] =	vst v63  }
0x10c: {  	_ = 	snop  }
0x10d: {  	[tilespmem:s16], [sflag:$0x2] =	stream.indirect_vreg.gather [hbm4b:s5+s3], $0x80, v3, vm0, $0xb8;
	[tilespmem:$0x18400] =	vst v63  }
0x10e: {  	s11 =	simm.s32 $0x4  }
0x10f: {  	[tilespmem:s17], [sflag:$0x2] =	stream.indirect_vreg.gather [hbm4b:s6+s3], $0x80, v3, vm0, $0xb8;
	[tilespmem:$0x18400] =	vst v63  }
0x110: {  	_ =	swait.ge [sflag:s11], $0x6000  }
0x111: {  	[sflag:s11] =	ssyncset.done $0x0  }
0x112: {  	s13 =	simm.s32 $0x7;
	s14 =	rddreg [dreg:$0x6];
	[sflag:s11] =	ssyncadd.s32 $0xFFFFA000  }
0x113: {  	[hbm4b:s14+s3] =	stream.linear.scatter [tilespmem:s8], [sflag:$0x8], $0x6000, $0x38;
	[tilespmem:$0x18400] =	vst v63  }
0x114: {  	_ =	swait.ge [sflag:s13], $0x6000  }
0x115: {  	[sflag:s13] =	ssyncset.done $0x0  }
0x116: {  	[sflag:s13] =	ssyncadd.s32 $0xFFFFA000  }
0x117: {  	v3 =	vld [tilespmem:$0x300];
	_ =	sdelay $0x4  }
0x118: {  	v60 =	vshrl.u32 v3, $0x3  }
0x119: {  	v4 =	vmul.u32 $0x30, v60  }
0x11a: {  	v3 =	vand.u32 $0x7, v3  }
0x11b: {  	v3 =	vor.u32 v3, v4  }
0x11c: {  	v4 =	vperm.xlane v3, v0;
	_ =	sdelay $0x1  }
0x11d: {  	v4 =	vadd.s32 v1, v4;
	_ =	sdelay $0x3  }
0x11e: {  	v3 =	vperm.xlane v3, v2  }
0x11f: {  	[tilespmem:s18], [sflag:$0x3] =	stream.indirect_vreg.gather [hbm4b:s2+s3], $0x80, v4, vm0, $0xb8;
	[tilespmem:$0x18400] =	vst v63  }
0x120: {  	s19 =	simm.s32 $0xCC00;
	v3 =	vadd.s32 v1, v3  }
0x121: {  	[tilespmem:s19], [sflag:$0x3] =	stream.indirect_vreg.gather [hbm4b:s5+s3], $0x80, v4, vm0, $0xb8;
	[tilespmem:$0x18400] =	vst v63  }
0x122: {  	s19 =	simm.s32 $0xD400  }
0x123: {  	[tilespmem:s19], [sflag:$0x3] =	stream.indirect_vreg.gather [hbm4b:s6+s3], $0x80, v4, vm0, $0xb8;
	[tilespmem:$0x18400] =	vst v63  }
0x124: {  	s19 =	simm.s32 $0xDC00  }
0x125: {  	[tilespmem:s19], [sflag:$0x3] =	stream.indirect_vreg.gather [hbm4b:s2+s3], $0x80, v3, vm0, $0xb8;
	[tilespmem:$0x18400] =	vst v63  }
0x126: {  	s19 =	simm.s32 $0xE400  }
0x127: {  	[tilespmem:s19], [sflag:$0x3] =	stream.indirect_vreg.gather [hbm4b:s5+s3], $0x80, v3, vm0, $0xb8;
	[tilespmem:$0x18400] =	vst v63  }
0x128: {  	s19 =	simm.s32 $0xEC00  }
0x129: {  	[tilespmem:s19], [sflag:$0x3] =	stream.indirect_vreg.gather [hbm4b:s6+s3], $0x80, v3, vm0, $0xb8;
	[tilespmem:$0x18400] =	vst v63  }
0x12a: {  	v3 =	vld [tilespmem:$0x310];
	_ =	sdelay $0x4  }
0x12b: {  	v61 =	vshrl.u32 v3, $0x3  }
0x12c: {  	v4 =	vmul.u32 $0x30, v61  }
0x12d: {  	v3 =	vand.u32 $0x7, v3  }
0x12e: {  	v3 =	vor.u32 v3, v4  }
0x12f: {  	v4 =	vperm.xlane v3, v0;
	_ =	sdelay $0x1  }
0x130: {  	v4 =	vadd.s32 v1, v4;
	_ =	sdelay $0x3  }
0x131: {  	s19 =	simm.s32 $0xF400;
	v3 =	vperm.xlane v3, v2  }
0x132: {  	[tilespmem:s19], [sflag:$0x3] =	stream.indirect_vreg.gather [hbm4b:s2+s3], $0x80, v4, vm0, $0xb8;
	[tilespmem:$0x18400] =	vst v63  }
0x133: {  	v3 =	vadd.s32 v1, v3;
	s19 =	simm.s32 $0xFC00  }
0x134: {  	[tilespmem:s19], [sflag:$0x3] =	stream.indirect_vreg.gather [hbm4b:s5+s3], $0x80, v4, vm0, $0xb8;
	[tilespmem:$0x18400] =	vst v63  }
0x135: {  	s19 =	simm.s32 $0x10400  }
0x136: {  	[tilespmem:s19], [sflag:$0x3] =	stream.indirect_vreg.gather [hbm4b:s6+s3], $0x80, v4, vm0, $0xb8;
	[tilespmem:$0x18400] =	vst v63  }
0x137: {  	s19 =	simm.s32 $0x10C00  }
0x138: {  	[tilespmem:s19], [sflag:$0x3] =	stream.indirect_vreg.gather [hbm4b:s2+s3], $0x80, v3, vm0, $0xb8;
	[tilespmem:$0x18400] =	vst v63  }
0x139: {  	s19 =	simm.s32 $0x11400  }
0x13a: {  	[tilespmem:s19], [sflag:$0x3] =	stream.indirect_vreg.gather [hbm4b:s5+s3], $0x80, v3, vm0, $0xb8;
	[tilespmem:$0x18400] =	vst v63  }
0x13b: {  	s19 =	simm.s32 $0x11C00  }
0x13c: {  	[tilespmem:s19], [sflag:$0x3] =	stream.indirect_vreg.gather [hbm4b:s6+s3], $0x80, v3, vm0, $0xb8;
	[tilespmem:$0x18400] =	vst v63  }
0x13d: {  	_ =	swait.ge [sflag:s0], $0x6000  }
0x13e: {  	[sflag:s0] =	ssyncset.done $0x0  }
0x13f: {  	s14 =	rddreg [dreg:$0x7];
	[sflag:s0] =	ssyncadd.s32 $0xFFFFA000;
	s0 =	simm.s32 $0x8  }
0x140: {  	[hbm4b:s14+s3] =	stream.linear.scatter [tilespmem:s21], [sflag:$0x5], $0x6000, $0x38;
	[tilespmem:$0x18400] =	vst v63  }
0x141: {  	_ =	swait.ge [sflag:s0], $0x6000  }
0x142: {  	[sflag:s0] =	ssyncset.done $0x0  }
0x143: {  	[sflag:s0] =	ssyncadd.s32 $0xFFFFA000  }
0x144: {  	v3 =	vld [tilespmem:$0x380];
	_ =	sdelay $0x4  }
0x145: {  	v62 =	vshrl.u32 v3, $0x3  }
0x146: {  	v4 =	vmul.u32 $0x30, v62  }
0x147: {  	v3 =	vand.u32 $0x7, v3  }
0x148: {  	v3 =	vor.u32 v3, v4  }
0x149: {  	v4 =	vperm.xlane v3, v0;
	_ =	sdelay $0x1  }
0x14a: {  	v4 =	vadd.s32 v1, v4;
	_ =	sdelay $0x3  }
0x14b: {  	v3 =	vperm.xlane v3, v2  }
0x14c: {  	[tilespmem:s8], [sflag:$0x4] =	stream.indirect_vreg.gather [hbm4b:s2+s3], $0x80, v4, vm0, $0xb8;
	[tilespmem:$0x18400] =	vst v63  }
0x14d: {  	s19 =	simm.s32 $0x12C00;
	v3 =	vadd.s32 v1, v3  }
0x14e: {  	[tilespmem:s19], [sflag:$0x4] =	stream.indirect_vreg.gather [hbm4b:s5+s3], $0x80, v4, vm0, $0xb8;
	[tilespmem:$0x18400] =	vst v63  }
0x14f: {  	s19 =	simm.s32 $0x13400  }
0x150: {  	[tilespmem:s19], [sflag:$0x4] =	stream.indirect_vreg.gather [hbm4b:s6+s3], $0x80, v4, vm0, $0xb8;
	[tilespmem:$0x18400] =	vst v63  }
0x151: {  	s19 =	simm.s32 $0x13C00  }
0x152: {  	[tilespmem:s19], [sflag:$0x4] =	stream.indirect_vreg.gather [hbm4b:s2+s3], $0x80, v3, vm0, $0xb8;
	[tilespmem:$0x18400] =	vst v63  }
0x153: {  	s19 =	simm.s32 $0x14400  }
0x154: {  	[tilespmem:s19], [sflag:$0x4] =	stream.indirect_vreg.gather [hbm4b:s5+s3], $0x80, v3, vm0, $0xb8;
	[tilespmem:$0x18400] =	vst v63  }
0x155: {  	s19 =	simm.s32 $0x14C00  }
0x156: {  	[tilespmem:s19], [sflag:$0x4] =	stream.indirect_vreg.gather [hbm4b:s6+s3], $0x80, v3, vm0, $0xb8;
	[tilespmem:$0x18400] =	vst v63  }
0x157: {  	v3 =	vld [tilespmem:$0x390];
	_ =	sdelay $0x4  }
0x158: {  	v63 =	vshrl.u32 v3, $0x3  }
0x159: {  	v4 =	vmul.u32 $0x30, v63  }
0x15a: {  	v3 =	vand.u32 $0x7, v3  }
0x15b: {  	v3 =	vor.u32 v3, v4  }
0x15c: {  	v4 =	vperm.xlane v3, v0;
	_ =	sdelay $0x1  }
0x15d: {  	v4 =	vadd.s32 v1, v4;
	_ =	sdelay $0x3  }
0x15e: {  	s19 =	simm.s32 $0x15400;
	v3 =	vperm.xlane v3, v2  }
0x15f: {  	[tilespmem:s19], [sflag:$0x4] =	stream.indirect_vreg.gather [hbm4b:s2+s3], $0x80, v4, vm0, $0xb8;
	[tilespmem:$0x18400] =	vst v63  }
0x160: {  	v3 =	vadd.s32 v1, v3;
	s19 =	simm.s32 $0x15C00  }
0x161: {  	[tilespmem:s19], [sflag:$0x4] =	stream.indirect_vreg.gather [hbm4b:s5+s3], $0x80, v4, vm0, $0xb8;
	[tilespmem:$0x18400] =	vst v63  }
0x162: {  	s19 =	simm.s32 $0x16400  }
0x163: {  	[tilespmem:s19], [sflag:$0x4] =	stream.indirect_vreg.gather [hbm4b:s6+s3], $0x80, v4, vm0, $0xb8;
	[tilespmem:$0x18400] =	vst v63  }
0x164: {  	s19 =	simm.s32 $0x16C00  }
0x165: {  	[tilespmem:s19], [sflag:$0x4] =	stream.indirect_vreg.gather [hbm4b:s2+s3], $0x80, v3, vm0, $0xb8;
	[tilespmem:$0x18400] =	vst v63  }
0x166: {  	s19 =	simm.s32 $0x17400  }
0x167: {  	[tilespmem:s19], [sflag:$0x4] =	stream.indirect_vreg.gather [hbm4b:s5+s3], $0x80, v3, vm0, $0xb8;
	[tilespmem:$0x18400] =	vst v63  }
0x168: {  	s19 =	simm.s32 $0x17C00  }
0x169: {  	[tilespmem:s19], [sflag:$0x4] =	stream.indirect_vreg.gather [hbm4b:s6+s3], $0x80, v3, vm0, $0xb8;
	[tilespmem:$0x18400] =	vst v63  }
0x16a: {  	_ =	swait.ge [sflag:s1], $0x6000  }
0x16b: {  	[sflag:s1] =	ssyncset.done $0x0  }
0x16c: {  	s14 =	rddreg [dreg:$0x8];
	[sflag:s1] =	ssyncadd.s32 $0xFFFFA000  }
0x16d: {  	[hbm4b:s14+s3] =	stream.linear.scatter [tilespmem:s12], [sflag:$0x6], $0x6000, $0x38;
	[tilespmem:$0x18400] =	vst v63  }
0x16e: {  	_ =	swait.ge [sflag:s9], $0x6000  }
0x16f: {  	[sflag:s9] =	ssyncset.done $0x0  }
0x170: {  	s1 =	rddreg [dreg:$0x9];
	[sflag:s9] =	ssyncadd.s32 $0xFFFFA000  }
0x171: {  	[hbm4b:s1+s3] =	stream.linear.scatter [tilespmem:s18], [sflag:$0x7], $0x6000, $0x38;
	[tilespmem:$0x18400] =	vst v63  }
0x172: {  	_ =	swait.ge [sflag:s11], $0x6000  }
0x173: {  	[sflag:s11] =	ssyncset.done $0x0  }
0x174: {  	s14 =	rddreg [dreg:$0xa];
	[sflag:s11] =	ssyncadd.s32 $0xFFFFA000  }
0x175: {  	[hbm4b:s14+s3] =	stream.linear.scatter [tilespmem:s8], [sflag:$0x8], $0x6000, $0x38;
	[tilespmem:$0x18400] =	vst v63  }
0x176: {  	_ =	swait.ge [sflag:s4], $0x6000  }
0x177: {  	[sflag:s4] =	ssyncset.done $0x0  }
0x178: {  	[sflag:s4] =	ssyncadd.s32 $0xFFFFA000  }
0x179: {  	_ =	swait.ge [sflag:s10], $0x6000  }
0x17a: {  	[sflag:s10] =	ssyncset.done $0x0  }
0x17b: {  	[sflag:s10] =	ssyncadd.s32 $0xFFFFA000  }
0x17c: {  	p0 =	sne.s32 s7, $0x1;
	_ =	swait.ge [sflag:s13], $0x6000  }
.Ltmp0:
0x17d: {  	[sflag:s13] =	ssyncset.done $0x0;
	(pc) =	sbr.rel @p0 .LBB2_1-.Ltmp0, $4  }
0x17e: {  	[sflag:s13] =	ssyncadd.s32 $0xFFFFA000  }
0x17f: {  	_ =	swait.ge [sflag:s0], $0x6000  }
0x180: {  	[sflag:s0] =	ssyncset.done $0x0  }
0x181: {  	s7 =	sadd.s32 $0xFFFFFFFF, s7;
	[sflag:s0] =	ssyncadd.s32 $0xFFFFA000  }
0x182: {  	_ =	sfence.sel $0x180000  }
0x183: {  	[bflag:$0x0] =	sbarrier.arrive $0xFFFF  }
0x184: {  	_ =	strace $0x90000050  }
0x185: {  	s0 =	stileid.u32;
	[bflag:$0x2] =	sbarrier.arrive $0xFFFF  }
0x186: {  	p0 =	sne.s32 s0, $0x0;
	s0 =	rddreg [dreg:$0x2]  }
0x187: {  	s0 =	sadd.s32 @!p0 $0x100000, s0  }
0x188: {  	[sflag:s0] =	ssyncadd.tile.s32 @!p0 $0x1;
	_ =	shalt  }
.Lfunc_end2:
_tile_overlayer_lowered:
.L_overlay_start_2:
0x189: {  	(tag) =	ssettag $0x2  }
0x18a: {  	s0 =	rddreg [dreg:$0x0];
	s2 =	stileid.u32  }
0x18b: {  	s1 =	rddreg [dreg:$0x1];
	p0 =	sne.s32 s2, $0x0  }
0x18c: {  	s3 =	rddreg [dreg:$0x2];
	[bflag:$0x3] =	sbarrier.arrive $0xFFFF;
	s2 =	simm.s32 @!p0 $0x1C09  }
0x18d: {  	[timem:s3], [sflag:s2] =	dma.local @!p0 [hbm:s0], s1  }
0x18e: {  	s0 =	simm.s32 @!p0 $0x9  }
0x18f: {  	_ =	swait.ge @!p0 [sflag:s0], s1  }
0x190: {  	s1 =	ssub.s32 @!p0 $0x0, s1;
	[sflag:s0] =	ssyncset.done @!p0 $0x0  }
0x191: {  	[sflag:s0] =	ssyncadd.s32 @!p0 s1  }
0x192: {  	[bflag:$0x3] =	sbarrier.arrive $0xFFFF  }
0x193: {  	_ =	shalt  }

</sc_bundles>
